<compile_context>
chip_gen: v7x
topology: tpu7x:2x2x1
jax: 0.10.2.dev20260603
libtpu: 0.0.44.dev20260713+nightly
codegen_flags: <defaults>
</compile_context>

<pallas_src>
import functools

import jax
import jax.numpy as jnp
from jax import lax
from jax.experimental import pallas as pl
from jax.experimental.pallas import tpu as pltpu, tpu_sc as plsc

_SC_PARAMS = pltpu.CompilerParams(use_tc_tiling_on_sc=False,
                                  needs_layout_passes=False)
_NW = 32
_LANES = 16


def _wid():
    return lax.axis_index("s") * 2 + lax.axis_index("c")


def _mesh():
    return plsc.VectorSubcoreMesh(core_axis_name="c", subcore_axis_name="s")


def _node_body(x_ref, whu_ref, whw_ref, wih_ref, bih_ref,
               xu_ref, xw_ref, gx_ref):
    x = x_ref[...]
    cdims = (((1,), (1,)), ((), ()))
    xu_ref[...] = lax.dot_general(x, whu_ref[...], cdims,
                                  preferred_element_type=jnp.float32)
    xw_ref[...] = lax.dot_general(x, whw_ref[...], cdims,
                                  preferred_element_type=jnp.float32)
    gx_ref[...] = lax.dot_general(x, wih_ref[...], cdims,
                                  preferred_element_type=jnp.float32) + bih_ref[...]


def _stage_a(x, W_hu, W_hw, W_ih, b_ih):
    n, d = x.shape
    bn = 2000
    grid = (n // bn,)
    return pl.pallas_call(
        _node_body,
        grid=grid,
        in_specs=[
            pl.BlockSpec((bn, d), lambda i: (i, 0)),
            pl.BlockSpec((d, d), lambda i: (0, 0)),
            pl.BlockSpec((d, d), lambda i: (0, 0)),
            pl.BlockSpec((3 * d, d), lambda i: (0, 0)),
            pl.BlockSpec((1, 3 * d), lambda i: (0, 0)),
        ],
        out_specs=[
            pl.BlockSpec((bn, d), lambda i: (i, 0)),
            pl.BlockSpec((bn, d), lambda i: (i, 0)),
            pl.BlockSpec((bn, 3 * d), lambda i: (i, 0)),
        ],
        out_shape=[
            jax.ShapeDtypeStruct((n, d), jnp.float32),
            jax.ShapeDtypeStruct((n, d), jnp.float32),
            jax.ShapeDtypeStruct((n, 3 * d), jnp.float32),
        ],
    )(x, W_hu, W_hw, W_ih, b_ih.reshape(1, 3 * d))


def _epart_body(ea_ref, we_ref, out_ref):
    out_ref[...] = lax.dot_general(ea_ref[...], we_ref[...],
                                   (((1,), (1,)), ((), ())),
                                   preferred_element_type=jnp.float32)


def _stage_a2(edge_attr, W_e):
    e, de = edge_attr.shape
    d = W_e.shape[0]
    be = 10000
    return pl.pallas_call(
        _epart_body,
        grid=(e // be,),
        in_specs=[
            pl.BlockSpec((be, de), lambda i: (i, 0)),
            pl.BlockSpec((d, de), lambda i: (0, 0)),
        ],
        out_specs=pl.BlockSpec((be, d), lambda i: (i, 0)),
        out_shape=jax.ShapeDtypeStruct((e, d), jnp.float32),
    )(edge_attr, W_e)


def _stage_b(e_part, xu, xw, src, tgt):
    E, d = e_part.shape
    epw = E // _NW
    CB = 80
    nch = epw // CB

    @functools.partial(
        pl.kernel,
        out_type=[
            jax.ShapeDtypeStruct((E, d), jnp.float32),
            jax.ShapeDtypeStruct((E, _LANES), jnp.int32),
            jax.ShapeDtypeStruct((E, _LANES), jnp.int32),
        ],
        mesh=_mesh(),
        compiler_params=_SC_PARAMS,
        scratch_types=[
            pltpu.VMEM((CB,), jnp.int32),
            pltpu.VMEM((CB,), jnp.int32),
            pltpu.VMEM((CB, d), jnp.float32),
            pltpu.VMEM((CB, d), jnp.float32),
            pltpu.VMEM((CB, d), jnp.float32),
            pltpu.VMEM((CB, _LANES), jnp.int32),
            pltpu.VMEM((CB, _LANES), jnp.int32),
            pltpu.SemaphoreType.DMA,
            pltpu.SemaphoreType.DMA,
        ],
    )
    def k(ep_hbm, xu_hbm, xw_hbm, src_hbm, tgt_hbm,
          msg_hbm, srep_hbm, trep_hbm,
          sidx, tidx, ebuf, abuf, bbuf, sbro, tbro, sem1, sem2):
        base = _wid() * epw

        def chunk(i, carry):
            e0 = base + i * CB
            pltpu.sync_copy(src_hbm.at[pl.ds(e0, CB)], sidx)
            pltpu.sync_copy(tgt_hbm.at[pl.ds(e0, CB)], tidx)
            cpA = pltpu.async_copy(xu_hbm.at[sidx], abuf, sem1)
            cpB = pltpu.async_copy(xw_hbm.at[tidx], bbuf, sem2)
            pltpu.sync_copy(ep_hbm.at[pl.ds(e0, CB), :], ebuf)

            def bro(q, c):
                sv = sidx[pl.ds(q * _LANES, _LANES)]
                tv = tidx[pl.ds(q * _LANES, _LANES)]
                for j in range(_LANES):
                    r = q * _LANES + j
                    sbro[r, :] = jnp.full((_LANES,), sv[j], dtype=jnp.int32)
                    tbro[r, :] = jnp.full((_LANES,), tv[j], dtype=jnp.int32)
                return c

            lax.fori_loop(0, CB // _LANES, bro, 0)
            pltpu.sync_copy(sbro, srep_hbm.at[pl.ds(e0, CB), :])
            pltpu.sync_copy(tbro, trep_hbm.at[pl.ds(e0, CB), :])
            cpA.wait()
            cpB.wait()

            def row(r, c):
                for cc in range(d // _LANES):
                    sl = pl.ds(cc * _LANES, _LANES)
                    v = ebuf[r, sl] + abuf[r, sl] + bbuf[r, sl]
                    ebuf[r, sl] = jnp.maximum(v, 0.01 * v)
                return c

            lax.fori_loop(0, CB, row, 0)
            pltpu.sync_copy(ebuf, msg_hbm.at[pl.ds(e0, CB), :])
            return carry

        lax.fori_loop(0, nch, chunk, 0)

    return k(e_part, xu, xw, src, tgt)


def _logits_body(m_ref, wa_ref, out_ref, gmax_ref):
    i = pl.program_id(0)
    lb = lax.dot_general(m_ref[...], wa_ref[...], (((1,), (1,)), ((), ())),
                         preferred_element_type=jnp.float32)
    out_ref[...] = lb
    bm = jnp.full((8, 128), jnp.max(lb), dtype=jnp.float32)

    @pl.when(i == 0)
    def _():
        gmax_ref[...] = jnp.full((8, 128), -jnp.inf, dtype=jnp.float32)

    gmax_ref[...] = jnp.maximum(gmax_ref[...], bm)


def _stage_c(messages, W_attn):
    E, d = messages.shape
    hd = W_attn.shape[0]
    be = 2000
    return pl.pallas_call(
        _logits_body,
        grid=(E // be,),
        in_specs=[
            pl.BlockSpec((be, d), lambda i: (i, 0)),
            pl.BlockSpec((hd, d), lambda i: (0, 0)),
        ],
        out_specs=[
            pl.BlockSpec((be, hd), lambda i: (i, 0)),
            pl.BlockSpec((8, 128), lambda i: (0, 0)),
        ],
        out_shape=[
            jax.ShapeDtypeStruct((E, hd), jnp.float32),
            jax.ShapeDtypeStruct((8, 128), jnp.float32),
        ],
    )(messages, W_attn)


def _expw_body(l_ref, gm_ref, w_ref):
    w_ref[...] = jnp.exp(l_ref[...] - gm_ref[0, 0])


def _stage_w(logits, gmax):
    E, hd = logits.shape
    be = 2000
    return pl.pallas_call(
        _expw_body,
        grid=(E // be,),
        in_specs=[
            pl.BlockSpec((be, hd), lambda i: (i, 0)),
            pl.BlockSpec((8, 128), lambda i: (0, 0)),
        ],
        out_specs=pl.BlockSpec((be, hd), lambda i: (i, 0)),
        out_shape=jax.ShapeDtypeStruct((E, hd), jnp.float32),
    )(logits, gmax)


def _stage_d(lp3, srep, gv, n_nodes):
    ng, E = lp3.shape[0], lp3.shape[1]
    half = n_nodes // 2
    CD = 1000
    nch = E // CD

    @functools.partial(
        pl.kernel,
        out_type=jax.ShapeDtypeStruct((ng, n_nodes, _LANES), jnp.float32),
        mesh=_mesh(),
        compiler_params=_SC_PARAMS,
        scratch_types=[
            pltpu.VMEM((CD, _LANES), jnp.int32),
            pltpu.VMEM((CD, _LANES), jnp.float32),
            pltpu.VMEM((half, _LANES), jnp.float32),
            pltpu.VMEM((_LANES,), jnp.float32),
        ],
    )
    def k(lp_hbm, srep_hbm, gv_hbm, out_hbm, sbro, lbuf, acc, gvb):
        g = _wid()
        pltpu.sync_copy(gv_hbm, gvb)
        gvec = gvb[...]
        cols = lax.iota(jnp.int32, _LANES)
        half_u = jnp.full((_LANES,), half, dtype=jnp.uint32)
        for r in range(2):
            lo_v = jnp.full((_LANES,), r * half, dtype=jnp.int32)

            def zero(i, c):
                for u in range(8):
                    acc[i * 8 + u, :] = jnp.zeros((_LANES,), jnp.float32)
                return c

            lax.fori_loop(0, half // 8, zero, 0)

            def chunk(i, carry):
                e0 = i * CD
                pltpu.sync_copy(srep_hbm.at[pl.ds(e0, CD), :], sbro)
                pltpu.sync_copy(lp_hbm.at[g, pl.ds(e0, CD), :], lbuf)

                def edge(q, c):
                    for u in range(8):
                        row = q * 8 + u
                        rows = sbro[row, :] - lo_v
                        msk = lax.bitcast_convert_type(rows, jnp.uint32) < half_u
                        w = lbuf[row, :]
                        plsc.addupdate_scatter(acc, [rows, cols], w, mask=msk)
                    return c

                lax.fori_loop(0, CD // 8, edge, 0)
                return carry

            lax.fori_loop(0, nch, chunk, 0)

            def inv(i, c):
                acc[i, :] = 1.0 / jnp.maximum(acc[i, :], 1e-38)
                return c

            lax.fori_loop(0, half, inv, 0)
            pltpu.sync_copy(acc, out_hbm.at[g, pl.ds(r * half, half), :])

    return k(lp3, srep, gv)


def _stage_e(lp3, mp3, src, trep, ssum_flat, gv, n_nodes):
    ng, E = lp3.shape[0], lp3.shape[1]
    nmg = mp3.shape[0]
    half = n_nodes // 2
    CE = 512
    NSUB = CE // 128
    nch = E // CE

    @functools.partial(
        pl.kernel,
        out_type=jax.ShapeDtypeStruct((ng, n_nodes, _LANES), jnp.float32),
        mesh=_mesh(),
        compiler_params=_SC_PARAMS,
        scratch_types=[
            pltpu.VMEM((CE,), jnp.int32),
            pltpu.VMEM((CE, _LANES), jnp.int32),
            pltpu.VMEM((NSUB, 128), jnp.int32),
            pltpu.VMEM((CE, _LANES), jnp.float32),
            pltpu.VMEM((CE, _LANES), jnp.float32),
            pltpu.VMEM((CE, _LANES), jnp.float32),
            pltpu.VMEM((half, _LANES), jnp.float32),
            pltpu.VMEM((_LANES,), jnp.float32),
            pltpu.SemaphoreType.DMA,
        ],
    )
    def k(lp_hbm, mp_hbm, src_hbm, trep_hbm, ss_hbm, gv_hbm, out_hbm,
          sidx, tbro, gidx, lbuf, mbuf, sbuf, acc, gvb, sem):
        g = _wid()
        mg = lax.rem(g, nmg)
        pltpu.sync_copy(gv_hbm, gvb)
        gvec = gvb[...]
        cols = lax.iota(jnp.int32, _LANES)
        goff = jnp.full((_LANES,), g * n_nodes, dtype=jnp.int32)
        half_u = jnp.full((_LANES,), half, dtype=jnp.uint32)
        for r in range(2):
            lo_v = jnp.full((_LANES,), r * half, dtype=jnp.int32)

            def zero(i, c):
                for u in range(8):
                    acc[i * 8 + u, :] = jnp.zeros((_LANES,), jnp.float32)
                return c

            lax.fori_loop(0, half // 8, zero, 0)

            def chunk(i, carry):
                e0 = i * CE
                pltpu.sync_copy(src_hbm.at[pl.ds(e0, CE)], sidx)
                pltpu.sync_copy(trep_hbm.at[pl.ds(e0, CE), :], tbro)

                def mkidx(q, c):
                    iv = sidx[pl.ds(q * _LANES, _LANES)] + goff
                    qq = q // 8
                    gidx[qq, pl.ds((q - qq * 8) * _LANES, _LANES)] = iv
                    return c

                lax.fori_loop(0, CE // _LANES, mkidx, 0)
                cps = [pltpu.async_copy(ss_hbm.at[gidx.at[s]],
                                        sbuf.at[pl.ds(s * 128, 128), :], sem)
                       for s in range(NSUB)]
                pltpu.sync_copy(lp_hbm.at[g, pl.ds(e0, CE), :], lbuf)
                pltpu.sync_copy(mp_hbm.at[mg, pl.ds(e0, CE), :], mbuf)
                for cp in cps:
                    cp.wait()

                def edge(q, c):
                    for u in range(8):
                        row = q * 8 + u
                        rows = tbro[row, :] - lo_v
                        msk = lax.bitcast_convert_type(rows, jnp.uint32) < half_u
                        val = lbuf[row, :] * sbuf[row, :] * mbuf[row, :]
                        plsc.addupdate_scatter(acc, [rows, cols], val, mask=msk)
                    return c

                lax.fori_loop(0, CE // 8, edge, 0)
                return carry

            lax.fori_loop(0, nch, chunk, 0)
            pltpu.sync_copy(acc, out_hbm.at[g, pl.ds(r * half, half), :])

    return k(lp3, mp3, src, trep, ssum_flat, gv)


def _gru_body(agg_ref, x_ref, gx_ref, whh_ref, bhh_ref, h_ref):
    d = x_ref.shape[1]
    agg = agg_ref[...]
    a = 0.25 * (agg[:, :d] + agg[:, d:2 * d] + agg[:, 2 * d:3 * d]
                + agg[:, 3 * d:])
    gh = lax.dot_general(a, whh_ref[...], (((1,), (1,)), ((), ())),
                         preferred_element_type=jnp.float32) + bhh_ref[...]
    gx = gx_ref[...]
    rg = jax.nn.sigmoid(gx[:, :d] + gh[:, :d])
    z = jax.nn.sigmoid(gx[:, d:2 * d] + gh[:, d:2 * d])
    nn = jnp.tanh(gx[:, 2 * d:] + rg * gh[:, 2 * d:])
    h_ref[...] = (1.0 - z) * nn + z * a


def _stage_f(agg, x, gx, W_hh, b_hh):
    n, d = x.shape
    bn = 2000
    return pl.pallas_call(
        _gru_body,
        grid=(n // bn,),
        in_specs=[
            pl.BlockSpec((bn, 4 * d), lambda i: (i, 0)),
            pl.BlockSpec((bn, d), lambda i: (i, 0)),
            pl.BlockSpec((bn, 3 * d), lambda i: (i, 0)),
            pl.BlockSpec((3 * d, d), lambda i: (0, 0)),
            pl.BlockSpec((1, 3 * d), lambda i: (0, 0)),
        ],
        out_specs=pl.BlockSpec((bn, d), lambda i: (i, 0)),
        out_shape=jax.ShapeDtypeStruct((n, d), jnp.float32),
    )(agg, x, gx, W_hh, b_hh.reshape(1, 3 * d))


def kernel(x, edge_index, edge_attr, batch, W_e, W_hu, W_hw, W_attn,
           W_ih, W_hh, b_ih, b_hh):
    n, d = x.shape
    E = edge_attr.shape[0]
    hd = W_attn.shape[0]
    src = edge_index[0]
    tgt = edge_index[1]

    xu, xw, gx = _stage_a(x, W_hu, W_hw, W_ih, b_ih)
    e_part = _stage_a2(edge_attr, W_e)
    messages, srep, trep = _stage_b(e_part, xu, xw, src, tgt)
    logits, gmax = _stage_c(messages, W_attn)
    gv = jnp.full((_LANES,), jnp.max(gmax), dtype=jnp.float32)

    wexp = _stage_w(logits, gmax)
    lt = wexp.reshape(E, hd // _LANES, _LANES).transpose(1, 0, 2)
    mt = messages.reshape(E, d // _LANES, _LANES).transpose(1, 0, 2)
    rsum_l = _stage_d(lt, srep, gv, n)
    agg_l = _stage_e(lt, mt, src, trep, rsum_l.reshape(-1, _LANES), gv, n)
    agg = agg_l.transpose(1, 0, 2).reshape(n, hd)
    h = _stage_f(agg, x, gx, W_hh, b_hh)
    return (h, messages)

# --- scband reference (transcript-rebuilt; emitter-appended) ---
"""Pipeline reference for scband-gnn-layer-34832184770734 (READ-ONLY COPY).

The authoritative reference and input builder live on the scoring server;
editing this copy changes nothing except your own understanding.
"""

import jax, jax.numpy as jnp
import numpy as np

N = 10000
E = 320000
D = 128
DE = 16
H = 4
NG = 16


def setup_inputs(seed: int = 0) -> dict:
    key = jax.random.key(seed)
    ks = jax.random.split(key, 12)
    x = jax.random.normal(ks[0], (N, D), dtype=jnp.float32)
    edge_index = jax.random.randint(ks[1], (2, E), 0, N, dtype=jnp.int32)
    edge_attr = jax.random.normal(ks[2], (E, DE), dtype=jnp.float32)
    batch = jnp.sort(jax.random.randint(ks[3], (N,), 0, NG, dtype=jnp.int32))

    def lin(k, o, i):
        s = 1.0 / np.sqrt(i)
        return jax.random.uniform(k, (o, i), jnp.float32, -s, s)

    W_e = lin(ks[4], D, DE)
    W_hu = lin(ks[5], D, D)
    W_hw = lin(ks[6], D, D)
    W_attn = lin(ks[7], D * H, D)
    W_ih = lin(ks[8], 3 * D, D)
    W_hh = lin(ks[9], 3 * D, D)
    s = 1.0 / np.sqrt(D)
    b_ih = jax.random.uniform(ks[10], (3 * D,), jnp.float32, -s, s)
    b_hh = jax.random.uniform(ks[11], (3 * D,), jnp.float32, -s, s)
    return {"x": x, "edge_index": edge_index, "edge_attr": edge_attr, "batch": batch,
            "W_e": W_e, "W_hu": W_hu, "W_hw": W_hw, "W_attn": W_attn,
            "W_ih": W_ih, "W_hh": W_hh, "b_ih": b_ih, "b_hh": b_hh}


def reference(x, edge_index, edge_attr, batch, W_e, W_hu, W_hw, W_attn, W_ih, W_hh, b_ih, b_hh):
    n = x.shape[0]
    src = edge_index[0]
    tgt = edge_index[1]
    # MessagePassingLayer + LeakyReLU
    messages = jax.nn.leaky_relu(
        edge_attr @ W_e.T + x[src] @ W_hu.T + x[tgt] @ W_hw.T, negative_slope=0.01)
    # AttentionMechanism: per-head softmax over edges grouped by SOURCE node
    logits = (messages @ W_attn.T).reshape(messages.shape[0], H, D)
    mx = jax.ops.segment_max(logits, src, num_segments=n)
    w = jnp.exp(logits - mx[src])
    ssum = jax.ops.segment_sum(w, src, num_segments=n)
    attn = w / ssum[src]  # [E, H, D]
    # message_aggregation: scatter-add by target node, then mean over heads (concat=False)
    weighted = attn * messages[:, None, :]
    agg = jax.ops.segment_sum(weighted, tgt, num_segments=n)  # [N, H, D]
    agg = jnp.mean(agg, axis=1)  # [N, D]
    # GRUCell(input=x, hidden=agg); to_dense_batch + per-graph loop + cat is
    # equivalent to elementwise GRUCell over all nodes since batch is sorted.
    gx = x @ W_ih.T + b_ih
    gh = agg @ W_hh.T + b_hh
    r = jax.nn.sigmoid(gx[:, :D] + gh[:, :D])
    z = jax.nn.sigmoid(gx[:, D:2 * D] + gh[:, D:2 * D])
    nn_ = jnp.tanh(gx[:, 2 * D:] + r * gh[:, 2 * D:])
    h = (1.0 - z) * nn_ + z * agg
    return (h, messages)

if __name__ == "__main__":
    import jax
    _d = setup_inputs()
    print(jax.jit(kernel)(*tuple(_d.values())))

</pallas_src>

<mosaic_0001>
#map = affine_map<(d0, d1) -> (0, 0)>
#map1 = affine_map<(d0, d1) -> (0)>
module attributes {stable_mosaic.version = 14 : i64} {
  func.func @k(%arg0: i32, %arg1: i32, %arg2: memref<320000x128xf32, #tpu.memory_space<hbm>>, %arg3: memref<10000x128xf32, #tpu.memory_space<hbm>>, %arg4: memref<10000x128xf32, #tpu.memory_space<hbm>>, %arg5: memref<320000xi32, #tpu.memory_space<hbm>>, %arg6: memref<320000xi32, #tpu.memory_space<hbm>>, %arg7: memref<320000x128xf32, #tpu.memory_space<hbm>>, %arg8: memref<320000x16xi32, #tpu.memory_space<hbm>>, %arg9: memref<320000x16xi32, #tpu.memory_space<hbm>>, %arg10: memref<80xi32, #tpu.memory_space<vmem>>, %arg11: memref<80xi32, #tpu.memory_space<vmem>>, %arg12: memref<80x128xf32, #tpu.memory_space<vmem>>, %arg13: memref<80x128xf32, #tpu.memory_space<vmem>>, %arg14: memref<80x128xf32, #tpu.memory_space<vmem>>, %arg15: memref<80x16xi32, #tpu.memory_space<vmem>>, %arg16: memref<80x16xi32, #tpu.memory_space<vmem>>, %arg17: memref<!tpu.dma_semaphore, #tpu.memory_space<semaphore_mem>>, %arg18: memref<!tpu.dma_semaphore, #tpu.memory_space<semaphore_mem>>) attributes {dimension_semantics = [#tpu.dimension_semantics<core_parallel>, #tpu.dimension_semantics<subcore_parallel>], iteration_bounds = array<i64: 2, 16>, scalar_prefetch = 0 : i64, scratch_operands = 9 : i64, tpu.core_type = #tpu.core_type<sc_vector_subcore>, window_params = [{transform_indices = #map}, {transform_indices = #map}, {transform_indices = #map}, {transform_indices = #map1}, {transform_indices = #map1}, {transform_indices = #map}, {transform_indices = #map}, {transform_indices = #map}]} {
    %mul3A = arith.constant 2 : i32
    %mul3A_0 = arith.muli %arg1, %mul3A : i32
    %add3A = arith.addi %mul3A_0, %arg0 : i32
    %mul3A_1 = arith.constant 10000 : i32
    %mul3A_2 = arith.muli %add3A, %mul3A_1 : i32
    %scan3A = arith.constant 0 : i32
    %scan3A_3 = arith.constant 0 : i32
    %scan3A_4 = arith.constant 125 : i32
    %scan3A_5 = arith.addi %scan3A_3, %scan3A_4 : i32
    %scan3A_6 = arith.constant 1 : i32
    scf.for %scan3A_8 = %scan3A_3 to %scan3A_5 step %scan3A_6  : i32 {
      %mul3A_9 = arith.constant 80 : i32
      %mul3A_10 = arith.muli %scan3A_8, %mul3A_9 : i32
      %add3A_11 = arith.addi %mul3A_2, %mul3A_10 : i32
      "tpu.region"() ({
        %run_scoped3A = tpu.sem_alloc : memref<!tpu.dma_semaphore, #tpu.memory_space<semaphore_mem>>
        %dma_start3A_34 = tpu.memref_slice %arg5[%add3A_11] : memref<320000xi32, #tpu.memory_space<hbm>> -> memref<80xi32, #tpu.memory_space<hbm>>
        %dma_start3A_35 = tpu.memref_slice %arg5[%add3A_11] : memref<320000xi32, #tpu.memory_space<hbm>> -> memref<80xi32, #tpu.memory_space<hbm>>
        tpu.enqueue_dma source(%dma_start3A_35 : memref<80xi32, #tpu.memory_space<hbm>>) target(%arg10 : memref<80xi32, #tpu.memory_space<vmem>>) target_semaphore(%run_scoped3A : memref<!tpu.dma_semaphore, #tpu.memory_space<semaphore_mem>>)
        %dma_wait3A_36 = tpu.memref_slice %arg5[%add3A_11] : memref<320000xi32, #tpu.memory_space<hbm>> -> memref<80xi32, #tpu.memory_space<hbm>>
        %dma_wait3A_37 = tpu.memref_slice %arg5[%add3A_11] : memref<320000xi32, #tpu.memory_space<hbm>> -> memref<80xi32, #tpu.memory_space<hbm>>
        tpu.wait_dma2 semaphore(%run_scoped3A : memref<!tpu.dma_semaphore, #tpu.memory_space<semaphore_mem>>) src(%dma_wait3A_37 : memref<80xi32, #tpu.memory_space<hbm>>) dst(%arg10 : memref<80xi32, #tpu.memory_space<vmem>>)
        tpu.yield
      }) : () -> ()
      "tpu.region"() ({
        %run_scoped3A = tpu.sem_alloc : memref<!tpu.dma_semaphore, #tpu.memory_space<semaphore_mem>>
        %dma_start3A_34 = tpu.memref_slice %arg6[%add3A_11] : memref<320000xi32, #tpu.memory_space<hbm>> -> memref<80xi32, #tpu.memory_space<hbm>>
        %dma_start3A_35 = tpu.memref_slice %arg6[%add3A_11] : memref<320000xi32, #tpu.memory_space<hbm>> -> memref<80xi32, #tpu.memory_space<hbm>>
        tpu.enqueue_dma source(%dma_start3A_35 : memref<80xi32, #tpu.memory_space<hbm>>) target(%arg11 : memref<80xi32, #tpu.memory_space<vmem>>) target_semaphore(%run_scoped3A : memref<!tpu.dma_semaphore, #tpu.memory_space<semaphore_mem>>)
        %dma_wait3A_36 = tpu.memref_slice %arg6[%add3A_11] : memref<320000xi32, #tpu.memory_space<hbm>> -> memref<80xi32, #tpu.memory_space<hbm>>
        %dma_wait3A_37 = tpu.memref_slice %arg6[%add3A_11] : memref<320000xi32, #tpu.memory_space<hbm>> -> memref<80xi32, #tpu.memory_space<hbm>>
        tpu.wait_dma2 semaphore(%run_scoped3A : memref<!tpu.dma_semaphore, #tpu.memory_space<semaphore_mem>>) src(%dma_wait3A_37 : memref<80xi32, #tpu.memory_space<hbm>>) dst(%arg11 : memref<80xi32, #tpu.memory_space<vmem>>)
        tpu.yield
      }) : () -> ()
      %dma_start3A = arith.constant 0 : i32
      %dma_start3A_12 = arith.constant 0 : i32
      %dma_start3A_13 = tpu.memref_slice %arg3[%dma_start3A, %dma_start3A_12] : memref<10000x128xf32, #tpu.memory_space<hbm>> -> memref<10000x128xf32, #tpu.memory_space<hbm>>
      tpu.enqueue_indirect_dma source(%dma_start3A_13 : memref<10000x128xf32, #tpu.memory_space<hbm>>) target(%arg13 : memref<80x128xf32, #tpu.memory_space<vmem>>) offsets(%arg10 : memref<80xi32, #tpu.memory_space<vmem>>) semaphore(%arg17 : memref<!tpu.dma_semaphore, #tpu.memory_space<semaphore_mem>>)
      %dma_start3A_14 = arith.constant 0 : i32
      %dma_start3A_15 = arith.constant 0 : i32
      %dma_start3A_16 = tpu.memref_slice %arg4[%dma_start3A_14, %dma_start3A_15] : memref<10000x128xf32, #tpu.memory_space<hbm>> -> memref<10000x128xf32, #tpu.memory_space<hbm>>
      tpu.enqueue_indirect_dma source(%dma_start3A_16 : memref<10000x128xf32, #tpu.memory_space<hbm>>) target(%arg14 : memref<80x128xf32, #tpu.memory_space<vmem>>) offsets(%arg11 : memref<80xi32, #tpu.memory_space<vmem>>) semaphore(%arg18 : memref<!tpu.dma_semaphore, #tpu.memory_space<semaphore_mem>>)
      "tpu.region"() ({
        %run_scoped3A = tpu.sem_alloc : memref<!tpu.dma_semaphore, #tpu.memory_space<semaphore_mem>>
        %dma_start3A_34 = arith.constant 0 : i32
        %dma_start3A_35 = tpu.memref_slice %arg2[%add3A_11, %dma_start3A_34] : memref<320000x128xf32, #tpu.memory_space<hbm>> -> memref<80x128xf32, #tpu.memory_space<hbm>>
        %dma_start3A_36 = arith.constant 0 : i32
        %dma_start3A_37 = tpu.memref_slice %arg2[%add3A_11, %dma_start3A_36] : memref<320000x128xf32, #tpu.memory_space<hbm>> -> memref<80x128xf32, #tpu.memory_space<hbm>>
        tpu.enqueue_dma source(%dma_start3A_37 : memref<80x128xf32, #tpu.memory_space<hbm>>) target(%arg12 : memref<80x128xf32, #tpu.memory_space<vmem>>) target_semaphore(%run_scoped3A : memref<!tpu.dma_semaphore, #tpu.memory_space<semaphore_mem>>)
        %dma_wait3A_38 = arith.constant 0 : i32
        %dma_wait3A_39 = tpu.memref_slice %arg2[%add3A_11, %dma_wait3A_38] : memref<320000x128xf32, #tpu.memory_space<hbm>> -> memref<80x128xf32, #tpu.memory_space<hbm>>
        %dma_wait3A_40 = arith.constant 0 : i32
        %dma_wait3A_41 = tpu.memref_slice %arg2[%add3A_11, %dma_wait3A_40] : memref<320000x128xf32, #tpu.memory_space<hbm>> -> memref<80x128xf32, #tpu.memory_space<hbm>>
        tpu.wait_dma2 semaphore(%run_scoped3A : memref<!tpu.dma_semaphore, #tpu.memory_space<semaphore_mem>>) src(%dma_wait3A_41 : memref<80x128xf32, #tpu.memory_space<hbm>>) dst(%arg12 : memref<80x128xf32, #tpu.memory_space<vmem>>)
        tpu.yield
      }) : () -> ()
      %scan3A_17 = arith.constant 0 : i32
      %scan3A_18 = arith.constant 0 : i32
      %scan3A_19 = arith.constant 5 : i32
      %scan3A_20 = arith.addi %scan3A_18, %scan3A_19 : i32
      %scan3A_21 = arith.constant 1 : i32
      scf.for %scan3A_34 = %scan3A_18 to %scan3A_20 step %scan3A_21  : i32 {
        %mul3A_35 = arith.constant 16 : i32
        %mul3A_36 = arith.muli %scan3A_34, %mul3A_35 : i32
        %get3A = arith.index_cast %mul3A_36 : i32 to index
        %get3A_37 = tpu.vector_load %arg10[%get3A] {strides = array<i32>} : memref<80xi32, #tpu.memory_space<vmem>>, vector<16xi32>,
        %mul3A_38 = arith.constant 16 : i32
        %mul3A_39 = arith.muli %scan3A_34, %mul3A_38 : i32
        %get3A_40 = arith.index_cast %mul3A_39 : i32 to index
        %get3A_41 = tpu.vector_load %arg11[%get3A_40] {strides = array<i32>} : memref<80xi32, #tpu.memory_space<vmem>>, vector<16xi32>,
        %mul3A_42 = arith.constant 16 : i32
        %mul3A_43 = arith.muli %scan3A_34, %mul3A_42 : i32
        %add3A_44 = arith.constant 0 : i32
        %add3A_45 = arith.addi %mul3A_43, %add3A_44 : i32
        %slice3A = vector.extract_strided_slice %get3A_37 {offsets = [0], sizes = [1], strides = [1]} : vector<16xi32> to vector<1xi32>
        %squeeze3A = vector.extract %slice3A[0] : i32 from vector<1xi32>
        %broadcast_in_dim3A = vector.broadcast %squeeze3A : i32 to vector<16xi32>
        %swap3A = arith.index_cast %add3A_45 : i32 to index
        %swap3A_46 = arith.constant 0 : index
        %swap3A_47 = tpu.vector_load %arg15[%swap3A, %swap3A_46] {strides = array<i32>} : memref<80x16xi32, #tpu.memory_space<vmem>>, vector<16xi32>,
        tpu.vector_store %arg15[%swap3A, %swap3A_46], %broadcast_in_dim3A {strides = array<i32>} : memref<80x16xi32, #tpu.memory_space<vmem>>, vector<16xi32>,
        %slice3A_48 = vector.extract_strided_slice %get3A_41 {offsets = [0], sizes = [1], strides = [1]} : vector<16xi32> to vector<1xi32>
        %squeeze3A_49 = vector.extract %slice3A_48[0] : i32 from vector<1xi32>
        %broadcast_in_dim3A_50 = vector.broadcast %squeeze3A_49 : i32 to vector<16xi32>
        %swap3A_51 = arith.index_cast %add3A_45 : i32 to index
        %swap3A_52 = arith.constant 0 : index
        %swap3A_53 = tpu.vector_load %arg16[%swap3A_51, %swap3A_52] {strides = array<i32>} : memref<80x16xi32, #tpu.memory_space<vmem>>, vector<16xi32>,
        tpu.vector_store %arg16[%swap3A_51, %swap3A_52], %broadcast_in_dim3A_50 {strides = array<i32>} : memref<80x16xi32, #tpu.memory_space<vmem>>, vector<16xi32>,
        %mul3A_54 = arith.constant 16 : i32
        %mul3A_55 = arith.muli %scan3A_34, %mul3A_54 : i32
        %add3A_56 = arith.constant 1 : i32
        %add3A_57 = arith.addi %mul3A_55, %add3A_56 : i32
        %slice3A_58 = vector.extract_strided_slice %get3A_37 {offsets = [1], sizes = [1], strides = [1]} : vector<16xi32> to vector<1xi32>
        %squeeze3A_59 = vector.extract %slice3A_58[0] : i32 from vector<1xi32>
        %broadcast_in_dim3A_60 = vector.broadcast %squeeze3A_59 : i32 to vector<16xi32>
        %swap3A_61 = arith.index_cast %add3A_57 : i32 to index
        %swap3A_62 = arith.constant 0 : index
        %swap3A_63 = tpu.vector_load %arg15[%swap3A_61, %swap3A_62] {strides = array<i32>} : memref<80x16xi32, #tpu.memory_space<vmem>>, vector<16xi32>,
        tpu.vector_store %arg15[%swap3A_61, %swap3A_62], %broadcast_in_dim3A_60 {strides = array<i32>} : memref<80x16xi32, #tpu.memory_space<vmem>>, vector<16xi32>,
        %slice3A_64 = vector.extract_strided_slice %get3A_41 {offsets = [1], sizes = [1], strides = [1]} : vector<16xi32> to vector<1xi32>
        %squeeze3A_65 = vector.extract %slice3A_64[0] : i32 from vector<1xi32>
        %broadcast_in_dim3A_66 = vector.broadcast %squeeze3A_65 : i32 to vector<16xi32>
        %swap3A_67 = arith.index_cast %add3A_57 : i32 to index
        %swap3A_68 = arith.constant 0 : index
        %swap3A_69 = tpu.vector_load %arg16[%swap3A_67, %swap3A_68] {strides = array<i32>} : memref<80x16xi32, #tpu.memory_space<vmem>>, vector<16xi32>,
        tpu.vector_store %arg16[%swap3A_67, %swap3A_68], %broadcast_in_dim3A_66 {strides = array<i32>} : memref<80x16xi32, #tpu.memory_space<vmem>>, vector<16xi32>,
        %mul3A_70 = arith.constant 16 : i32
        %mul3A_71 = arith.muli %scan3A_34, %mul3A_70 : i32
        %add3A_72 = arith.constant 2 : i32
        %add3A_73 = arith.addi %mul3A_71, %add3A_72 : i32
        %slice3A_74 = vector.extract_strided_slice %get3A_37 {offsets = [2], sizes = [1], strides = [1]} : vector<16xi32> to vector<1xi32>
        %squeeze3A_75 = vector.extract %slice3A_74[0] : i32 from vector<1xi32>
        %broadcast_in_dim3A_76 = vector.broadcast %squeeze3A_75 : i32 to vector<16xi32>
        %swap3A_77 = arith.index_cast %add3A_73 : i32 to index
        %swap3A_78 = arith.constant 0 : index
        %swap3A_79 = tpu.vector_load %arg15[%swap3A_77, %swap3A_78] {strides = array<i32>} : memref<80x16xi32, #tpu.memory_space<vmem>>, vector<16xi32>,
        tpu.vector_store %arg15[%swap3A_77, %swap3A_78], %broadcast_in_dim3A_76 {strides = array<i32>} : memref<80x16xi32, #tpu.memory_space<vmem>>, vector<16xi32>,
        %slice3A_80 = vector.extract_strided_slice %get3A_41 {offsets = [2], sizes = [1], strides = [1]} : vector<16xi32> to vector<1xi32>
        %squeeze3A_81 = vector.extract %slice3A_80[0] : i32 from vector<1xi32>
        %broadcast_in_dim3A_82 = vector.broadcast %squeeze3A_81 : i32 to vector<16xi32>
        %swap3A_83 = arith.index_cast %add3A_73 : i32 to index
        %swap3A_84 = arith.constant 0 : index
        %swap3A_85 = tpu.vector_load %arg16[%swap3A_83, %swap3A_84] {strides = array<i32>} : memref<80x16xi32, #tpu.memory_space<vmem>>, vector<16xi32>,
        tpu.vector_store %arg16[%swap3A_83, %swap3A_84], %broadcast_in_dim3A_82 {strides = array<i32>} : memref<80x16xi32, #tpu.memory_space<vmem>>, vector<16xi32>,
        %mul3A_86 = arith.constant 16 : i32
        %mul3A_87 = arith.muli %scan3A_34, %mul3A_86 : i32
        %add3A_88 = arith.constant 3 : i32
        %add3A_89 = arith.addi %mul3A_87, %add3A_88 : i32
        %slice3A_90 = vector.extract_strided_slice %get3A_37 {offsets = [3], sizes = [1], strides = [1]} : vector<16xi32> to vector<1xi32>
        %squeeze3A_91 = vector.extract %slice3A_90[0] : i32 from vector<1xi32>
        %broadcast_in_dim3A_92 = vector.broadcast %squeeze3A_91 : i32 to vector<16xi32>
        %swap3A_93 = arith.index_cast %add3A_89 : i32 to index
        %swap3A_94 = arith.constant 0 : index
        %swap3A_95 = tpu.vector_load %arg15[%swap3A_93, %swap3A_94] {strides = array<i32>} : memref<80x16xi32, #tpu.memory_space<vmem>>, vector<16xi32>,
        tpu.vector_store %arg15[%swap3A_93, %swap3A_94], %broadcast_in_dim3A_92 {strides = array<i32>} : memref<80x16xi32, #tpu.memory_space<vmem>>, vector<16xi32>,
        %slice3A_96 = vector.extract_strided_slice %get3A_41 {offsets = [3], sizes = [1], strides = [1]} : vector<16xi32> to vector<1xi32>
        %squeeze3A_97 = vector.extract %slice3A_96[0] : i32 from vector<1xi32>
        %broadcast_in_dim3A_98 = vector.broadcast %squeeze3A_97 : i32 to vector<16xi32>
        %swap3A_99 = arith.index_cast %add3A_89 : i32 to index
        %swap3A_100 = arith.constant 0 : index
        %swap3A_101 = tpu.vector_load %arg16[%swap3A_99, %swap3A_100] {strides = array<i32>} : memref<80x16xi32, #tpu.memory_space<vmem>>, vector<16xi32>,
        tpu.vector_store %arg16[%swap3A_99, %swap3A_100], %broadcast_in_dim3A_98 {strides = array<i32>} : memref<80x16xi32, #tpu.memory_space<vmem>>, vector<16xi32>,
        %mul3A_102 = arith.constant 16 : i32
        %mul3A_103 = arith.muli %scan3A_34, %mul3A_102 : i32
        %add3A_104 = arith.constant 4 : i32
        %add3A_105 = arith.addi %mul3A_103, %add3A_104 : i32
        %slice3A_106 = vector.extract_strided_slice %get3A_37 {offsets = [4], sizes = [1], strides = [1]} : vector<16xi32> to vector<1xi32>
        %squeeze3A_107 = vector.extract %slice3A_106[0] : i32 from vector<1xi32>
        %broadcast_in_dim3A_108 = vector.broadcast %squeeze3A_107 : i32 to vector<16xi32>
        %swap3A_109 = arith.index_cast %add3A_105 : i32 to index
        %swap3A_110 = arith.constant 0 : index
        %swap3A_111 = tpu.vector_load %arg15[%swap3A_109, %swap3A_110] {strides = array<i32>} : memref<80x16xi32, #tpu.memory_space<vmem>>, vector<16xi32>,
        tpu.vector_store %arg15[%swap3A_109, %swap3A_110], %broadcast_in_dim3A_108 {strides = array<i32>} : memref<80x16xi32, #tpu.memory_space<vmem>>, vector<16xi32>,
        %slice3A_112 = vector.extract_strided_slice %get3A_41 {offsets = [4], sizes = [1], strides = [1]} : vector<16xi32> to vector<1xi32>
        %squeeze3A_113 = vector.extract %slice3A_112[0] : i32 from vector<1xi32>
        %broadcast_in_dim3A_114 = vector.broadcast %squeeze3A_113 : i32 to vector<16xi32>
        %swap3A_115 = arith.index_cast %add3A_105 : i32 to index
        %swap3A_116 = arith.constant 0 : index
        %swap3A_117 = tpu.vector_load %arg16[%swap3A_115, %swap3A_116] {strides = array<i32>} : memref<80x16xi32, #tpu.memory_space<vmem>>, vector<16xi32>,
        tpu.vector_store %arg16[%swap3A_115, %swap3A_116], %broadcast_in_dim3A_114 {strides = array<i32>} : memref<80x16xi32, #tpu.memory_space<vmem>>, vector<16xi32>,
        %mul3A_118 = arith.constant 16 : i32
        %mul3A_119 = arith.muli %scan3A_34, %mul3A_118 : i32
        %add3A_120 = arith.constant 5 : i32
        %add3A_121 = arith.addi %mul3A_119, %add3A_120 : i32
        %slice3A_122 = vector.extract_strided_slice %get3A_37 {offsets = [5], sizes = [1], strides = [1]} : vector<16xi32> to vector<1xi32>
        %squeeze3A_123 = vector.extract %slice3A_122[0] : i32 from vector<1xi32>
        %broadcast_in_dim3A_124 = vector.broadcast %squeeze3A_123 : i32 to vector<16xi32>
        %swap3A_125 = arith.index_cast %add3A_121 : i32 to index
        %swap3A_126 = arith.constant 0 : index
        %swap3A_127 = tpu.vector_load %arg15[%swap3A_125, %swap3A_126] {strides = array<i32>} : memref<80x16xi32, #tpu.memory_space<vmem>>, vector<16xi32>,
        tpu.vector_store %arg15[%swap3A_125, %swap3A_126], %broadcast_in_dim3A_124 {strides = array<i32>} : memref<80x16xi32, #tpu.memory_space<vmem>>, vector<16xi32>,
        %slice3A_128 = vector.extract_strided_slice %get3A_41 {offsets = [5], sizes = [1], strides = [1]} : vector<16xi32> to vector<1xi32>
        %squeeze3A_129 = vector.extract %slice3A_128[0] : i32 from vector<1xi32>
        %broadcast_in_dim3A_130 = vector.broadcast %squeeze3A_129 : i32 to vector<16xi32>
        %swap3A_131 = arith.index_cast %add3A_121 : i32 to index
        %swap3A_132 = arith.constant 0 : index
        %swap3A_133 = tpu.vector_load %arg16[%swap3A_131, %swap3A_132] {strides = array<i32>} : memref<80x16xi32, #tpu.memory_space<vmem>>, vector<16xi32>,
        tpu.vector_store %arg16[%swap3A_131, %swap3A_132], %broadcast_in_dim3A_130 {strides = array<i32>} : memref<80x16xi32, #tpu.memory_space<vmem>>, vector<16xi32>,
        %mul3A_134 = arith.constant 16 : i32
        %mul3A_135 = arith.muli %scan3A_34, %mul3A_134 : i32
        %add3A_136 = arith.constant 6 : i32
        %add3A_137 = arith.addi %mul3A_135, %add3A_136 : i32
        %slice3A_138 = vector.extract_strided_slice %get3A_37 {offsets = [6], sizes = [1], strides = [1]} : vector<16xi32> to vector<1xi32>
        %squeeze3A_139 = vector.extract %slice3A_138[0] : i32 from vector<1xi32>
        %broadcast_in_dim3A_140 = vector.broadcast %squeeze3A_139 : i32 to vector<16xi32>
        %swap3A_141 = arith.index_cast %add3A_137 : i32 to index
        %swap3A_142 = arith.constant 0 : index
        %swap3A_143 = tpu.vector_load %arg15[%swap3A_141, %swap3A_142] {strides = array<i32>} : memref<80x16xi32, #tpu.memory_space<vmem>>, vector<16xi32>,
        tpu.vector_store %arg15[%swap3A_141, %swap3A_142], %broadcast_in_dim3A_140 {strides = array<i32>} : memref<80x16xi32, #tpu.memory_space<vmem>>, vector<16xi32>,
        %slice3A_144 = vector.extract_strided_slice %get3A_41 {offsets = [6], sizes = [1], strides = [1]} : vector<16xi32> to vector<1xi32>
        %squeeze3A_145 = vector.extract %slice3A_144[0] : i32 from vector<1xi32>
        %broadcast_in_dim3A_146 = vector.broadcast %squeeze3A_145 : i32 to vector<16xi32>
        %swap3A_147 = arith.index_cast %add3A_137 : i32 to index
        %swap3A_148 = arith.constant 0 : index
        %swap3A_149 = tpu.vector_load %arg16[%swap3A_147, %swap3A_148] {strides = array<i32>} : memref<80x16xi32, #tpu.memory_space<vmem>>, vector<16xi32>,
        tpu.vector_store %arg16[%swap3A_147, %swap3A_148], %broadcast_in_dim3A_146 {strides = array<i32>} : memref<80x16xi32, #tpu.memory_space<vmem>>, vector<16xi32>,
        %mul3A_150 = arith.constant 16 : i32
        %mul3A_151 = arith.muli %scan3A_34, %mul3A_150 : i32
        %add3A_152 = arith.constant 7 : i32
        %add3A_153 = arith.addi %mul3A_151, %add3A_152 : i32
        %slice3A_154 = vector.extract_strided_slice %get3A_37 {offsets = [7], sizes = [1], strides = [1]} : vector<16xi32> to vector<1xi32>
        %squeeze3A_155 = vector.extract %slice3A_154[0] : i32 from vector<1xi32>
        %broadcast_in_dim3A_156 = vector.broadcast %squeeze3A_155 : i32 to vector<16xi32>
        %swap3A_157 = arith.index_cast %add3A_153 : i32 to index
        %swap3A_158 = arith.constant 0 : index
        %swap3A_159 = tpu.vector_load %arg15[%swap3A_157, %swap3A_158] {strides = array<i32>} : memref<80x16xi32, #tpu.memory_space<vmem>>, vector<16xi32>,
        tpu.vector_store %arg15[%swap3A_157, %swap3A_158], %broadcast_in_dim3A_156 {strides = array<i32>} : memref<80x16xi32, #tpu.memory_space<vmem>>, vector<16xi32>,
        %slice3A_160 = vector.extract_strided_slice %get3A_41 {offsets = [7], sizes = [1], strides = [1]} : vector<16xi32> to vector<1xi32>
        %squeeze3A_161 = vector.extract %slice3A_160[0] : i32 from vector<1xi32>
        %broadcast_in_dim3A_162 = vector.broadcast %squeeze3A_161 : i32 to vector<16xi32>
        %swap3A_163 = arith.index_cast %add3A_153 : i32 to index
        %swap3A_164 = arith.constant 0 : index
        %swap3A_165 = tpu.vector_load %arg16[%swap3A_163, %swap3A_164] {strides = array<i32>} : memref<80x16xi32, #tpu.memory_space<vmem>>, vector<16xi32>,
        tpu.vector_store %arg16[%swap3A_163, %swap3A_164], %broadcast_in_dim3A_162 {strides = array<i32>} : memref<80x16xi32, #tpu.memory_space<vmem>>, vector<16xi32>,
        %mul3A_166 = arith.constant 16 : i32
        %mul3A_167 = arith.muli %scan3A_34, %mul3A_166 : i32
        %add3A_168 = arith.constant 8 : i32
        %add3A_169 = arith.addi %mul3A_167, %add3A_168 : i32
        %slice3A_170 = vector.extract_strided_slice %get3A_37 {offsets = [8], sizes = [1], strides = [1]} : vector<16xi32> to vector<1xi32>
        %squeeze3A_171 = vector.extract %slice3A_170[0] : i32 from vector<1xi32>
        %broadcast_in_dim3A_172 = vector.broadcast %squeeze3A_171 : i32 to vector<16xi32>
        %swap3A_173 = arith.index_cast %add3A_169 : i32 to index
        %swap3A_174 = arith.constant 0 : index
        %swap3A_175 = tpu.vector_load %arg15[%swap3A_173, %swap3A_174] {strides = array<i32>} : memref<80x16xi32, #tpu.memory_space<vmem>>, vector<16xi32>,
        tpu.vector_store %arg15[%swap3A_173, %swap3A_174], %broadcast_in_dim3A_172 {strides = array<i32>} : memref<80x16xi32, #tpu.memory_space<vmem>>, vector<16xi32>,
        %slice3A_176 = vector.extract_strided_slice %get3A_41 {offsets = [8], sizes = [1], strides = [1]} : vector<16xi32> to vector<1xi32>
        %squeeze3A_177 = vector.extract %slice3A_176[0] : i32 from vector<1xi32>
        %broadcast_in_dim3A_178 = vector.broadcast %squeeze3A_177 : i32 to vector<16xi32>
        %swap3A_179 = arith.index_cast %add3A_169 : i32 to index
        %swap3A_180 = arith.constant 0 : index
        %swap3A_181 = tpu.vector_load %arg16[%swap3A_179, %swap3A_180] {strides = array<i32>} : memref<80x16xi32, #tpu.memory_space<vmem>>, vector<16xi32>,
        tpu.vector_store %arg16[%swap3A_179, %swap3A_180], %broadcast_in_dim3A_178 {strides = array<i32>} : memref<80x16xi32, #tpu.memory_space<vmem>>, vector<16xi32>,
        %mul3A_182 = arith.constant 16 : i32
        %mul3A_183 = arith.muli %scan3A_34, %mul3A_182 : i32
        %add3A_184 = arith.constant 9 : i32
        %add3A_185 = arith.addi %mul3A_183, %add3A_184 : i32
        %slice3A_186 = vector.extract_strided_slice %get3A_37 {offsets = [9], sizes = [1], strides = [1]} : vector<16xi32> to vector<1xi32>
        %squeeze3A_187 = vector.extract %slice3A_186[0] : i32 from vector<1xi32>
        %broadcast_in_dim3A_188 = vector.broadcast %squeeze3A_187 : i32 to vector<16xi32>
        %swap3A_189 = arith.index_cast %add3A_185 : i32 to index
        %swap3A_190 = arith.constant 0 : index
        %swap3A_191 = tpu.vector_load %arg15[%swap3A_189, %swap3A_190] {strides = array<i32>} : memref<80x16xi32, #tpu.memory_space<vmem>>, vector<16xi32>,
        tpu.vector_store %arg15[%swap3A_189, %swap3A_190], %broadcast_in_dim3A_188 {strides = array<i32>} : memref<80x16xi32, #tpu.memory_space<vmem>>, vector<16xi32>,
        %slice3A_192 = vector.extract_strided_slice %get3A_41 {offsets = [9], sizes = [1], strides = [1]} : vector<16xi32> to vector<1xi32>
        %squeeze3A_193 = vector.extract %slice3A_192[0] : i32 from vector<1xi32>
        %broadcast_in_dim3A_194 = vector.broadcast %squeeze3A_193 : i32 to vector<16xi32>
        %swap3A_195 = arith.index_cast %add3A_185 : i32 to index
        %swap3A_196 = arith.constant 0 : index
        %swap3A_197 = tpu.vector_load %arg16[%swap3A_195, %swap3A_196] {strides = array<i32>} : memref<80x16xi32, #tpu.memory_space<vmem>>, vector<16xi32>,
        tpu.vector_store %arg16[%swap3A_195, %swap3A_196], %broadcast_in_dim3A_194 {strides = array<i32>} : memref<80x16xi32, #tpu.memory_space<vmem>>, vector<16xi32>,
        %mul3A_198 = arith.constant 16 : i32
        %mul3A_199 = arith.muli %scan3A_34, %mul3A_198 : i32
        %add3A_200 = arith.constant 10 : i32
        %add3A_201 = arith.addi %mul3A_199, %add3A_200 : i32
        %slice3A_202 = vector.extract_strided_slice %get3A_37 {offsets = [10], sizes = [1], strides = [1]} : vector<16xi32> to vector<1xi32>
        %squeeze3A_203 = vector.extract %slice3A_202[0] : i32 from vector<1xi32>
        %broadcast_in_dim3A_204 = vector.broadcast %squeeze3A_203 : i32 to vector<16xi32>
        %swap3A_205 = arith.index_cast %add3A_201 : i32 to index
        %swap3A_206 = arith.constant 0 : index
        %swap3A_207 = tpu.vector_load %arg15[%swap3A_205, %swap3A_206] {strides = array<i32>} : memref<80x16xi32, #tpu.memory_space<vmem>>, vector<16xi32>,
        tpu.vector_store %arg15[%swap3A_205, %swap3A_206], %broadcast_in_dim3A_204 {strides = array<i32>} : memref<80x16xi32, #tpu.memory_space<vmem>>, vector<16xi32>,
        %slice3A_208 = vector.extract_strided_slice %get3A_41 {offsets = [10], sizes = [1], strides = [1]} : vector<16xi32> to vector<1xi32>
        %squeeze3A_209 = vector.extract %slice3A_208[0] : i32 from vector<1xi32>
        %broadcast_in_dim3A_210 = vector.broadcast %squeeze3A_209 : i32 to vector<16xi32>
        %swap3A_211 = arith.index_cast %add3A_201 : i32 to index
        %swap3A_212 = arith.constant 0 : index
        %swap3A_213 = tpu.vector_load %arg16[%swap3A_211, %swap3A_212] {strides = array<i32>} : memref<80x16xi32, #tpu.memory_space<vmem>>, vector<16xi32>,
        tpu.vector_store %arg16[%swap3A_211, %swap3A_212], %broadcast_in_dim3A_210 {strides = array<i32>} : memref<80x16xi32, #tpu.memory_space<vmem>>, vector<16xi32>,
        %mul3A_214 = arith.constant 16 : i32
        %mul3A_215 = arith.muli %scan3A_34, %mul3A_214 : i32
        %add3A_216 = arith.constant 11 : i32
        %add3A_217 = arith.addi %mul3A_215, %add3A_216 : i32
        %slice3A_218 = vector.extract_strided_slice %get3A_37 {offsets = [11], sizes = [1], strides = [1]} : vector<16xi32> to vector<1xi32>
        %squeeze3A_219 = vector.extract %slice3A_218[0] : i32 from vector<1xi32>
        %broadcast_in_dim3A_220 = vector.broadcast %squeeze3A_219 : i32 to vector<16xi32>
        %swap3A_221 = arith.index_cast %add3A_217 : i32 to index
        %swap3A_222 = arith.constant 0 : index
        %swap3A_223 = tpu.vector_load %arg15[%swap3A_221, %swap3A_222] {strides = array<i32>} : memref<80x16xi32, #tpu.memory_space<vmem>>, vector<16xi32>,
        tpu.vector_store %arg15[%swap3A_221, %swap3A_222], %broadcast_in_dim3A_220 {strides = array<i32>} : memref<80x16xi32, #tpu.memory_space<vmem>>, vector<16xi32>,
        %slice3A_224 = vector.extract_strided_slice %get3A_41 {offsets = [11], sizes = [1], strides = [1]} : vector<16xi32> to vector<1xi32>
        %squeeze3A_225 = vector.extract %slice3A_224[0] : i32 from vector<1xi32>
        %broadcast_in_dim3A_226 = vector.broadcast %squeeze3A_225 : i32 to vector<16xi32>
        %swap3A_227 = arith.index_cast %add3A_217 : i32 to index
        %swap3A_228 = arith.constant 0 : index
        %swap3A_229 = tpu.vector_load %arg16[%swap3A_227, %swap3A_228] {strides = array<i32>} : memref<80x16xi32, #tpu.memory_space<vmem>>, vector<16xi32>,
        tpu.vector_store %arg16[%swap3A_227, %swap3A_228], %broadcast_in_dim3A_226 {strides = array<i32>} : memref<80x16xi32, #tpu.memory_space<vmem>>, vector<16xi32>,
        %mul3A_230 = arith.constant 16 : i32
        %mul3A_231 = arith.muli %scan3A_34, %mul3A_230 : i32
        %add3A_232 = arith.constant 12 : i32
        %add3A_233 = arith.addi %mul3A_231, %add3A_232 : i32
        %slice3A_234 = vector.extract_strided_slice %get3A_37 {offsets = [12], sizes = [1], strides = [1]} : vector<16xi32> to vector<1xi32>
        %squeeze3A_235 = vector.extract %slice3A_234[0] : i32 from vector<1xi32>
        %broadcast_in_dim3A_236 = vector.broadcast %squeeze3A_235 : i32 to vector<16xi32>
        %swap3A_237 = arith.index_cast %add3A_233 : i32 to index
        %swap3A_238 = arith.constant 0 : index
        %swap3A_239 = tpu.vector_load %arg15[%swap3A_237, %swap3A_238] {strides = array<i32>} : memref<80x16xi32, #tpu.memory_space<vmem>>, vector<16xi32>,
        tpu.vector_store %arg15[%swap3A_237, %swap3A_238], %broadcast_in_dim3A_236 {strides = array<i32>} : memref<80x16xi32, #tpu.memory_space<vmem>>, vector<16xi32>,
        %slice3A_240 = vector.extract_strided_slice %get3A_41 {offsets = [12], sizes = [1], strides = [1]} : vector<16xi32> to vector<1xi32>
        %squeeze3A_241 = vector.extract %slice3A_240[0] : i32 from vector<1xi32>
        %broadcast_in_dim3A_242 = vector.broadcast %squeeze3A_241 : i32 to vector<16xi32>
        %swap3A_243 = arith.index_cast %add3A_233 : i32 to index
        %swap3A_244 = arith.constant 0 : index
        %swap3A_245 = tpu.vector_load %arg16[%swap3A_243, %swap3A_244] {strides = array<i32>} : memref<80x16xi32, #tpu.memory_space<vmem>>, vector<16xi32>,
        tpu.vector_store %arg16[%swap3A_243, %swap3A_244], %broadcast_in_dim3A_242 {strides = array<i32>} : memref<80x16xi32, #tpu.memory_space<vmem>>, vector<16xi32>,
        %mul3A_246 = arith.constant 16 : i32
        %mul3A_247 = arith.muli %scan3A_34, %mul3A_246 : i32
        %add3A_248 = arith.constant 13 : i32
        %add3A_249 = arith.addi %mul3A_247, %add3A_248 : i32
        %slice3A_250 = vector.extract_strided_slice %get3A_37 {offsets = [13], sizes = [1], strides = [1]} : vector<16xi32> to vector<1xi32>
        %squeeze3A_251 = vector.extract %slice3A_250[0] : i32 from vector<1xi32>
        %broadcast_in_dim3A_252 = vector.broadcast %squeeze3A_251 : i32 to vector<16xi32>
        %swap3A_253 = arith.index_cast %add3A_249 : i32 to index
        %swap3A_254 = arith.constant 0 : index
        %swap3A_255 = tpu.vector_load %arg15[%swap3A_253, %swap3A_254] {strides = array<i32>} : memref<80x16xi32, #tpu.memory_space<vmem>>, vector<16xi32>,
        tpu.vector_store %arg15[%swap3A_253, %swap3A_254], %broadcast_in_dim3A_252 {strides = array<i32>} : memref<80x16xi32, #tpu.memory_space<vmem>>, vector<16xi32>,
        %slice3A_256 = vector.extract_strided_slice %get3A_41 {offsets = [13], sizes = [1], strides = [1]} : vector<16xi32> to vector<1xi32>
        %squeeze3A_257 = vector.extract %slice3A_256[0] : i32 from vector<1xi32>
        %broadcast_in_dim3A_258 = vector.broadcast %squeeze3A_257 : i32 to vector<16xi32>
        %swap3A_259 = arith.index_cast %add3A_249 : i32 to index
        %swap3A_260 = arith.constant 0 : index
        %swap3A_261 = tpu.vector_load %arg16[%swap3A_259, %swap3A_260] {strides = array<i32>} : memref<80x16xi32, #tpu.memory_space<vmem>>, vector<16xi32>,
        tpu.vector_store %arg16[%swap3A_259, %swap3A_260], %broadcast_in_dim3A_258 {strides = array<i32>} : memref<80x16xi32, #tpu.memory_space<vmem>>, vector<16xi32>,
        %mul3A_262 = arith.constant 16 : i32
        %mul3A_263 = arith.muli %scan3A_34, %mul3A_262 : i32
        %add3A_264 = arith.constant 14 : i32
        %add3A_265 = arith.addi %mul3A_263, %add3A_264 : i32
        %slice3A_266 = vector.extract_strided_slice %get3A_37 {offsets = [14], sizes = [1], strides = [1]} : vector<16xi32> to vector<1xi32>
        %squeeze3A_267 = vector.extract %slice3A_266[0] : i32 from vector<1xi32>
        %broadcast_in_dim3A_268 = vector.broadcast %squeeze3A_267 : i32 to vector<16xi32>
        %swap3A_269 = arith.index_cast %add3A_265 : i32 to index
        %swap3A_270 = arith.constant 0 : index
        %swap3A_271 = tpu.vector_load %arg15[%swap3A_269, %swap3A_270] {strides = array<i32>} : memref<80x16xi32, #tpu.memory_space<vmem>>, vector<16xi32>,
        tpu.vector_store %arg15[%swap3A_269, %swap3A_270], %broadcast_in_dim3A_268 {strides = array<i32>} : memref<80x16xi32, #tpu.memory_space<vmem>>, vector<16xi32>,
        %slice3A_272 = vector.extract_strided_slice %get3A_41 {offsets = [14], sizes = [1], strides = [1]} : vector<16xi32> to vector<1xi32>
        %squeeze3A_273 = vector.extract %slice3A_272[0] : i32 from vector<1xi32>
        %broadcast_in_dim3A_274 = vector.broadcast %squeeze3A_273 : i32 to vector<16xi32>
        %swap3A_275 = arith.index_cast %add3A_265 : i32 to index
        %swap3A_276 = arith.constant 0 : index
        %swap3A_277 = tpu.vector_load %arg16[%swap3A_275, %swap3A_276] {strides = array<i32>} : memref<80x16xi32, #tpu.memory_space<vmem>>, vector<16xi32>,
        tpu.vector_store %arg16[%swap3A_275, %swap3A_276], %broadcast_in_dim3A_274 {strides = array<i32>} : memref<80x16xi32, #tpu.memory_space<vmem>>, vector<16xi32>,
        %mul3A_278 = arith.constant 16 : i32
        %mul3A_279 = arith.muli %scan3A_34, %mul3A_278 : i32
        %add3A_280 = arith.constant 15 : i32
        %add3A_281 = arith.addi %mul3A_279, %add3A_280 : i32
        %slice3A_282 = vector.extract_strided_slice %get3A_37 {offsets = [15], sizes = [1], strides = [1]} : vector<16xi32> to vector<1xi32>
        %squeeze3A_283 = vector.extract %slice3A_282[0] : i32 from vector<1xi32>
        %broadcast_in_dim3A_284 = vector.broadcast %squeeze3A_283 : i32 to vector<16xi32>
        %swap3A_285 = arith.index_cast %add3A_281 : i32 to index
        %swap3A_286 = arith.constant 0 : index
        %swap3A_287 = tpu.vector_load %arg15[%swap3A_285, %swap3A_286] {strides = array<i32>} : memref<80x16xi32, #tpu.memory_space<vmem>>, vector<16xi32>,
        tpu.vector_store %arg15[%swap3A_285, %swap3A_286], %broadcast_in_dim3A_284 {strides = array<i32>} : memref<80x16xi32, #tpu.memory_space<vmem>>, vector<16xi32>,
        %slice3A_288 = vector.extract_strided_slice %get3A_41 {offsets = [15], sizes = [1], strides = [1]} : vector<16xi32> to vector<1xi32>
        %squeeze3A_289 = vector.extract %slice3A_288[0] : i32 from vector<1xi32>
        %broadcast_in_dim3A_290 = vector.broadcast %squeeze3A_289 : i32 to vector<16xi32>
        %swap3A_291 = arith.index_cast %add3A_281 : i32 to index
        %swap3A_292 = arith.constant 0 : index
        %swap3A_293 = tpu.vector_load %arg16[%swap3A_291, %swap3A_292] {strides = array<i32>} : memref<80x16xi32, #tpu.memory_space<vmem>>, vector<16xi32>,
        tpu.vector_store %arg16[%swap3A_291, %swap3A_292], %broadcast_in_dim3A_290 {strides = array<i32>} : memref<80x16xi32, #tpu.memory_space<vmem>>, vector<16xi32>,
      }
      %scan3A_22 = arith.constant 5 : i32
      "tpu.region"() ({
        %run_scoped3A = tpu.sem_alloc : memref<!tpu.dma_semaphore, #tpu.memory_space<semaphore_mem>>
        %dma_start3A_34 = arith.constant 0 : i32
        %dma_start3A_35 = tpu.memref_slice %arg8[%add3A_11, %dma_start3A_34] : memref<320000x16xi32, #tpu.memory_space<hbm>> -> memref<80x16xi32, #tpu.memory_space<hbm>>
        %dma_start3A_36 = arith.constant 0 : i32
        %dma_start3A_37 = tpu.memref_slice %arg8[%add3A_11, %dma_start3A_36] : memref<320000x16xi32, #tpu.memory_space<hbm>> -> memref<80x16xi32, #tpu.memory_space<hbm>>
        tpu.enqueue_dma source(%arg15 : memref<80x16xi32, #tpu.memory_space<vmem>>) target(%dma_start3A_37 : memref<80x16xi32, #tpu.memory_space<hbm>>) target_semaphore(%run_scoped3A : memref<!tpu.dma_semaphore, #tpu.memory_space<semaphore_mem>>)
        %dma_wait3A_38 = arith.constant 0 : i32
        %dma_wait3A_39 = tpu.memref_slice %arg8[%add3A_11, %dma_wait3A_38] : memref<320000x16xi32, #tpu.memory_space<hbm>> -> memref<80x16xi32, #tpu.memory_space<hbm>>
        %dma_wait3A_40 = arith.constant 0 : i32
        %dma_wait3A_41 = tpu.memref_slice %arg8[%add3A_11, %dma_wait3A_40] : memref<320000x16xi32, #tpu.memory_space<hbm>> -> memref<80x16xi32, #tpu.memory_space<hbm>>
        tpu.wait_dma2 semaphore(%run_scoped3A : memref<!tpu.dma_semaphore, #tpu.memory_space<semaphore_mem>>) src(%arg15 : memref<80x16xi32, #tpu.memory_space<vmem>>) dst(%dma_wait3A_41 : memref<80x16xi32, #tpu.memory_space<hbm>>)
        tpu.yield
      }) : () -> ()
      "tpu.region"() ({
        %run_scoped3A = tpu.sem_alloc : memref<!tpu.dma_semaphore, #tpu.memory_space<semaphore_mem>>
        %dma_start3A_34 = arith.constant 0 : i32
        %dma_start3A_35 = tpu.memref_slice %arg9[%add3A_11, %dma_start3A_34] : memref<320000x16xi32, #tpu.memory_space<hbm>> -> memref<80x16xi32, #tpu.memory_space<hbm>>
        %dma_start3A_36 = arith.constant 0 : i32
        %dma_start3A_37 = tpu.memref_slice %arg9[%add3A_11, %dma_start3A_36] : memref<320000x16xi32, #tpu.memory_space<hbm>> -> memref<80x16xi32, #tpu.memory_space<hbm>>
        tpu.enqueue_dma source(%arg16 : memref<80x16xi32, #tpu.memory_space<vmem>>) target(%dma_start3A_37 : memref<80x16xi32, #tpu.memory_space<hbm>>) target_semaphore(%run_scoped3A : memref<!tpu.dma_semaphore, #tpu.memory_space<semaphore_mem>>)
        %dma_wait3A_38 = arith.constant 0 : i32
        %dma_wait3A_39 = tpu.memref_slice %arg9[%add3A_11, %dma_wait3A_38] : memref<320000x16xi32, #tpu.memory_space<hbm>> -> memref<80x16xi32, #tpu.memory_space<hbm>>
        %dma_wait3A_40 = arith.constant 0 : i32
        %dma_wait3A_41 = tpu.memref_slice %arg9[%add3A_11, %dma_wait3A_40] : memref<320000x16xi32, #tpu.memory_space<hbm>> -> memref<80x16xi32, #tpu.memory_space<hbm>>
        tpu.wait_dma2 semaphore(%run_scoped3A : memref<!tpu.dma_semaphore, #tpu.memory_space<semaphore_mem>>) src(%arg16 : memref<80x16xi32, #tpu.memory_space<vmem>>) dst(%dma_wait3A_41 : memref<80x16xi32, #tpu.memory_space<hbm>>)
        tpu.yield
      }) : () -> ()
      %dma_wait3A = arith.constant 0 : i32
      %dma_wait3A_23 = arith.constant 0 : i32
      %dma_wait3A_24 = tpu.memref_slice %arg3[%dma_wait3A, %dma_wait3A_23] : memref<10000x128xf32, #tpu.memory_space<hbm>> -> memref<10000x128xf32, #tpu.memory_space<hbm>>
      tpu.wait_indirect_dma semaphore(%arg17 : memref<!tpu.dma_semaphore, #tpu.memory_space<semaphore_mem>>) src(%dma_wait3A_24 : memref<10000x128xf32, #tpu.memory_space<hbm>>) dst(%arg13 : memref<80x128xf32, #tpu.memory_space<vmem>>)
      %dma_wait3A_25 = arith.constant 0 : i32
      %dma_wait3A_26 = arith.constant 0 : i32
      %dma_wait3A_27 = tpu.memref_slice %arg4[%dma_wait3A_25, %dma_wait3A_26] : memref<10000x128xf32, #tpu.memory_space<hbm>> -> memref<10000x128xf32, #tpu.memory_space<hbm>>
      tpu.wait_indirect_dma semaphore(%arg18 : memref<!tpu.dma_semaphore, #tpu.memory_space<semaphore_mem>>) src(%dma_wait3A_27 : memref<10000x128xf32, #tpu.memory_space<hbm>>) dst(%arg14 : memref<80x128xf32, #tpu.memory_space<vmem>>)
      %scan3A_28 = arith.constant 0 : i32
      %scan3A_29 = arith.constant 0 : i32
      %scan3A_30 = arith.constant 80 : i32
      %scan3A_31 = arith.addi %scan3A_29, %scan3A_30 : i32
      %scan3A_32 = arith.constant 1 : i32
      scf.for %scan3A_34 = %scan3A_29 to %scan3A_31 step %scan3A_32  : i32 {
        %get3A = arith.index_cast %scan3A_34 : i32 to index
        %get3A_35 = arith.constant 0 : index
        %get3A_36 = tpu.vector_load %arg12[%get3A, %get3A_35] {strides = array<i32>} : memref<80x128xf32, #tpu.memory_space<vmem>>, vector<16xf32>,
        %get3A_37 = arith.index_cast %scan3A_34 : i32 to index
        %get3A_38 = arith.constant 0 : index
        %get3A_39 = tpu.vector_load %arg13[%get3A_37, %get3A_38] {strides = array<i32>} : memref<80x128xf32, #tpu.memory_space<vmem>>, vector<16xf32>,
        %add3A_40 = arith.addf %get3A_36, %get3A_39 : vector<16xf32>
        %get3A_41 = arith.index_cast %scan3A_34 : i32 to index
        %get3A_42 = arith.constant 0 : index
        %get3A_43 = tpu.vector_load %arg14[%get3A_41, %get3A_42] {strides = array<i32>} : memref<80x128xf32, #tpu.memory_space<vmem>>, vector<16xf32>,
        %add3A_44 = arith.addf %add3A_40, %get3A_43 : vector<16xf32>
        %mul3A_45 = arith.constant 0.00999999977 : f32
        %mul3A_46 = vector.broadcast %mul3A_45 : f32 to vector<16xf32>
        %mul3A_47 = arith.mulf %mul3A_46, %add3A_44 : vector<16xf32>
        %max3A = arith.maximumf %add3A_44, %mul3A_47 : vector<16xf32>
        %swap3A = arith.index_cast %scan3A_34 : i32 to index
        %swap3A_48 = arith.constant 0 : index
        %swap3A_49 = tpu.vector_load %arg12[%swap3A, %swap3A_48] {strides = array<i32>} : memref<80x128xf32, #tpu.memory_space<vmem>>, vector<16xf32>,
        tpu.vector_store %arg12[%swap3A, %swap3A_48], %max3A {strides = array<i32>} : memref<80x128xf32, #tpu.memory_space<vmem>>, vector<16xf32>,
        %get3A_50 = arith.index_cast %scan3A_34 : i32 to index
        %get3A_51 = arith.constant 16 : index
        %get3A_52 = tpu.vector_load %arg12[%get3A_50, %get3A_51] {strides = array<i32>} : memref<80x128xf32, #tpu.memory_space<vmem>>, vector<16xf32>,
        %get3A_53 = arith.index_cast %scan3A_34 : i32 to index
        %get3A_54 = arith.constant 16 : index
        %get3A_55 = tpu.vector_load %arg13[%get3A_53, %get3A_54] {strides = array<i32>} : memref<80x128xf32, #tpu.memory_space<vmem>>, vector<16xf32>,
        %add3A_56 = arith.addf %get3A_52, %get3A_55 : vector<16xf32>
        %get3A_57 = arith.index_cast %scan3A_34 : i32 to index
        %get3A_58 = arith.constant 16 : index
        %get3A_59 = tpu.vector_load %arg14[%get3A_57, %get3A_58] {strides = array<i32>} : memref<80x128xf32, #tpu.memory_space<vmem>>, vector<16xf32>,
        %add3A_60 = arith.addf %add3A_56, %get3A_59 : vector<16xf32>
        %mul3A_61 = arith.constant 0.00999999977 : f32
        %mul3A_62 = vector.broadcast %mul3A_61 : f32 to vector<16xf32>
        %mul3A_63 = arith.mulf %mul3A_62, %add3A_60 : vector<16xf32>
        %max3A_64 = arith.maximumf %add3A_60, %mul3A_63 : vector<16xf32>
        %swap3A_65 = arith.index_cast %scan3A_34 : i32 to index
        %swap3A_66 = arith.constant 16 : index
        %swap3A_67 = tpu.vector_load %arg12[%swap3A_65, %swap3A_66] {strides = array<i32>} : memref<80x128xf32, #tpu.memory_space<vmem>>, vector<16xf32>,
        tpu.vector_store %arg12[%swap3A_65, %swap3A_66], %max3A_64 {strides = array<i32>} : memref<80x128xf32, #tpu.memory_space<vmem>>, vector<16xf32>,
        %get3A_68 = arith.index_cast %scan3A_34 : i32 to index
        %get3A_69 = arith.constant 32 : index
        %get3A_70 = tpu.vector_load %arg12[%get3A_68, %get3A_69] {strides = array<i32>} : memref<80x128xf32, #tpu.memory_space<vmem>>, vector<16xf32>,
        %get3A_71 = arith.index_cast %scan3A_34 : i32 to index
        %get3A_72 = arith.constant 32 : index
        %get3A_73 = tpu.vector_load %arg13[%get3A_71, %get3A_72] {strides = array<i32>} : memref<80x128xf32, #tpu.memory_space<vmem>>, vector<16xf32>,
        %add3A_74 = arith.addf %get3A_70, %get3A_73 : vector<16xf32>
        %get3A_75 = arith.index_cast %scan3A_34 : i32 to index
        %get3A_76 = arith.constant 32 : index
        %get3A_77 = tpu.vector_load %arg14[%get3A_75, %get3A_76] {strides = array<i32>} : memref<80x128xf32, #tpu.memory_space<vmem>>, vector<16xf32>,
        %add3A_78 = arith.addf %add3A_74, %get3A_77 : vector<16xf32>
        %mul3A_79 = arith.constant 0.00999999977 : f32
        %mul3A_80 = vector.broadcast %mul3A_79 : f32 to vector<16xf32>
        %mul3A_81 = arith.mulf %mul3A_80, %add3A_78 : vector<16xf32>
        %max3A_82 = arith.maximumf %add3A_78, %mul3A_81 : vector<16xf32>
        %swap3A_83 = arith.index_cast %scan3A_34 : i32 to index
        %swap3A_84 = arith.constant 32 : index
        %swap3A_85 = tpu.vector_load %arg12[%swap3A_83, %swap3A_84] {strides = array<i32>} : memref<80x128xf32, #tpu.memory_space<vmem>>, vector<16xf32>,
        tpu.vector_store %arg12[%swap3A_83, %swap3A_84], %max3A_82 {strides = array<i32>} : memref<80x128xf32, #tpu.memory_space<vmem>>, vector<16xf32>,
        %get3A_86 = arith.index_cast %scan3A_34 : i32 to index
        %get3A_87 = arith.constant 48 : index
        %get3A_88 = tpu.vector_load %arg12[%get3A_86, %get3A_87] {strides = array<i32>} : memref<80x128xf32, #tpu.memory_space<vmem>>, vector<16xf32>,
        %get3A_89 = arith.index_cast %scan3A_34 : i32 to index
        %get3A_90 = arith.constant 48 : index
        %get3A_91 = tpu.vector_load %arg13[%get3A_89, %get3A_90] {strides = array<i32>} : memref<80x128xf32, #tpu.memory_space<vmem>>, vector<16xf32>,
        %add3A_92 = arith.addf %get3A_88, %get3A_91 : vector<16xf32>
        %get3A_93 = arith.index_cast %scan3A_34 : i32 to index
        %get3A_94 = arith.constant 48 : index
        %get3A_95 = tpu.vector_load %arg14[%get3A_93, %get3A_94] {strides = array<i32>} : memref<80x128xf32, #tpu.memory_space<vmem>>, vector<16xf32>,
        %add3A_96 = arith.addf %add3A_92, %get3A_95 : vector<16xf32>
        %mul3A_97 = arith.constant 0.00999999977 : f32
        %mul3A_98 = vector.broadcast %mul3A_97 : f32 to vector<16xf32>
        %mul3A_99 = arith.mulf %mul3A_98, %add3A_96 : vector<16xf32>
        %max3A_100 = arith.maximumf %add3A_96, %mul3A_99 : vector<16xf32>
        %swap3A_101 = arith.index_cast %scan3A_34 : i32 to index
        %swap3A_102 = arith.constant 48 : index
        %swap3A_103 = tpu.vector_load %arg12[%swap3A_101, %swap3A_102] {strides = array<i32>} : memref<80x128xf32, #tpu.memory_space<vmem>>, vector<16xf32>,
        tpu.vector_store %arg12[%swap3A_101, %swap3A_102], %max3A_100 {strides = array<i32>} : memref<80x128xf32, #tpu.memory_space<vmem>>, vector<16xf32>,
        %get3A_104 = arith.index_cast %scan3A_34 : i32 to index
        %get3A_105 = arith.constant 64 : index
        %get3A_106 = tpu.vector_load %arg12[%get3A_104, %get3A_105] {strides = array<i32>} : memref<80x128xf32, #tpu.memory_space<vmem>>, vector<16xf32>,
        %get3A_107 = arith.index_cast %scan3A_34 : i32 to index
        %get3A_108 = arith.constant 64 : index
        %get3A_109 = tpu.vector_load %arg13[%get3A_107, %get3A_108] {strides = array<i32>} : memref<80x128xf32, #tpu.memory_space<vmem>>, vector<16xf32>,
        %add3A_110 = arith.addf %get3A_106, %get3A_109 : vector<16xf32>
        %get3A_111 = arith.index_cast %scan3A_34 : i32 to index
        %get3A_112 = arith.constant 64 : index
        %get3A_113 = tpu.vector_load %arg14[%get3A_111, %get3A_112] {strides = array<i32>} : memref<80x128xf32, #tpu.memory_space<vmem>>, vector<16xf32>,
        %add3A_114 = arith.addf %add3A_110, %get3A_113 : vector<16xf32>
        %mul3A_115 = arith.constant 0.00999999977 : f32
        %mul3A_116 = vector.broadcast %mul3A_115 : f32 to vector<16xf32>
        %mul3A_117 = arith.mulf %mul3A_116, %add3A_114 : vector<16xf32>
        %max3A_118 = arith.maximumf %add3A_114, %mul3A_117 : vector<16xf32>
        %swap3A_119 = arith.index_cast %scan3A_34 : i32 to index
        %swap3A_120 = arith.constant 64 : index
        %swap3A_121 = tpu.vector_load %arg12[%swap3A_119, %swap3A_120] {strides = array<i32>} : memref<80x128xf32, #tpu.memory_space<vmem>>, vector<16xf32>,
        tpu.vector_store %arg12[%swap3A_119, %swap3A_120], %max3A_118 {strides = array<i32>} : memref<80x128xf32, #tpu.memory_space<vmem>>, vector<16xf32>,
        %get3A_122 = arith.index_cast %scan3A_34 : i32 to index
        %get3A_123 = arith.constant 80 : index
        %get3A_124 = tpu.vector_load %arg12[%get3A_122, %get3A_123] {strides = array<i32>} : memref<80x128xf32, #tpu.memory_space<vmem>>, vector<16xf32>,
        %get3A_125 = arith.index_cast %scan3A_34 : i32 to index
        %get3A_126 = arith.constant 80 : index
        %get3A_127 = tpu.vector_load %arg13[%get3A_125, %get3A_126] {strides = array<i32>} : memref<80x128xf32, #tpu.memory_space<vmem>>, vector<16xf32>,
        %add3A_128 = arith.addf %get3A_124, %get3A_127 : vector<16xf32>
        %get3A_129 = arith.index_cast %scan3A_34 : i32 to index
        %get3A_130 = arith.constant 80 : index
        %get3A_131 = tpu.vector_load %arg14[%get3A_129, %get3A_130] {strides = array<i32>} : memref<80x128xf32, #tpu.memory_space<vmem>>, vector<16xf32>,
        %add3A_132 = arith.addf %add3A_128, %get3A_131 : vector<16xf32>
        %mul3A_133 = arith.constant 0.00999999977 : f32
        %mul3A_134 = vector.broadcast %mul3A_133 : f32 to vector<16xf32>
        %mul3A_135 = arith.mulf %mul3A_134, %add3A_132 : vector<16xf32>
        %max3A_136 = arith.maximumf %add3A_132, %mul3A_135 : vector<16xf32>
        %swap3A_137 = arith.index_cast %scan3A_34 : i32 to index
        %swap3A_138 = arith.constant 80 : index
        %swap3A_139 = tpu.vector_load %arg12[%swap3A_137, %swap3A_138] {strides = array<i32>} : memref<80x128xf32, #tpu.memory_space<vmem>>, vector<16xf32>,
        tpu.vector_store %arg12[%swap3A_137, %swap3A_138], %max3A_136 {strides = array<i32>} : memref<80x128xf32, #tpu.memory_space<vmem>>, vector<16xf32>,
        %get3A_140 = arith.index_cast %scan3A_34 : i32 to index
        %get3A_141 = arith.constant 96 : index
        %get3A_142 = tpu.vector_load %arg12[%get3A_140, %get3A_141] {strides = array<i32>} : memref<80x128xf32, #tpu.memory_space<vmem>>, vector<16xf32>,
        %get3A_143 = arith.index_cast %scan3A_34 : i32 to index
        %get3A_144 = arith.constant 96 : index
        %get3A_145 = tpu.vector_load %arg13[%get3A_143, %get3A_144] {strides = array<i32>} : memref<80x128xf32, #tpu.memory_space<vmem>>, vector<16xf32>,
        %add3A_146 = arith.addf %get3A_142, %get3A_145 : vector<16xf32>
        %get3A_147 = arith.index_cast %scan3A_34 : i32 to index
        %get3A_148 = arith.constant 96 : index
        %get3A_149 = tpu.vector_load %arg14[%get3A_147, %get3A_148] {strides = array<i32>} : memref<80x128xf32, #tpu.memory_space<vmem>>, vector<16xf32>,
        %add3A_150 = arith.addf %add3A_146, %get3A_149 : vector<16xf32>
        %mul3A_151 = arith.constant 0.00999999977 : f32
        %mul3A_152 = vector.broadcast %mul3A_151 : f32 to vector<16xf32>
        %mul3A_153 = arith.mulf %mul3A_152, %add3A_150 : vector<16xf32>
        %max3A_154 = arith.maximumf %add3A_150, %mul3A_153 : vector<16xf32>
        %swap3A_155 = arith.index_cast %scan3A_34 : i32 to index
        %swap3A_156 = arith.constant 96 : index
        %swap3A_157 = tpu.vector_load %arg12[%swap3A_155, %swap3A_156] {strides = array<i32>} : memref<80x128xf32, #tpu.memory_space<vmem>>, vector<16xf32>,
        tpu.vector_store %arg12[%swap3A_155, %swap3A_156], %max3A_154 {strides = array<i32>} : memref<80x128xf32, #tpu.memory_space<vmem>>, vector<16xf32>,
        %get3A_158 = arith.index_cast %scan3A_34 : i32 to index
        %get3A_159 = arith.constant 112 : index
        %get3A_160 = tpu.vector_load %arg12[%get3A_158, %get3A_159] {strides = array<i32>} : memref<80x128xf32, #tpu.memory_space<vmem>>, vector<16xf32>,
        %get3A_161 = arith.index_cast %scan3A_34 : i32 to index
        %get3A_162 = arith.constant 112 : index
        %get3A_163 = tpu.vector_load %arg13[%get3A_161, %get3A_162] {strides = array<i32>} : memref<80x128xf32, #tpu.memory_space<vmem>>, vector<16xf32>,
        %add3A_164 = arith.addf %get3A_160, %get3A_163 : vector<16xf32>
        %get3A_165 = arith.index_cast %scan3A_34 : i32 to index
        %get3A_166 = arith.constant 112 : index
        %get3A_167 = tpu.vector_load %arg14[%get3A_165, %get3A_166] {strides = array<i32>} : memref<80x128xf32, #tpu.memory_space<vmem>>, vector<16xf32>,
        %add3A_168 = arith.addf %add3A_164, %get3A_167 : vector<16xf32>
        %mul3A_169 = arith.constant 0.00999999977 : f32
        %mul3A_170 = vector.broadcast %mul3A_169 : f32 to vector<16xf32>
        %mul3A_171 = arith.mulf %mul3A_170, %add3A_168 : vector<16xf32>
        %max3A_172 = arith.maximumf %add3A_168, %mul3A_171 : vector<16xf32>
        %swap3A_173 = arith.index_cast %scan3A_34 : i32 to index
        %swap3A_174 = arith.constant 112 : index
        %swap3A_175 = tpu.vector_load %arg12[%swap3A_173, %swap3A_174] {strides = array<i32>} : memref<80x128xf32, #tpu.memory_space<vmem>>, vector<16xf32>,
        tpu.vector_store %arg12[%swap3A_173, %swap3A_174], %max3A_172 {strides = array<i32>} : memref<80x128xf32, #tpu.memory_space<vmem>>, vector<16xf32>,
      }
      %scan3A_33 = arith.constant 80 : i32
      "tpu.region"() ({
        %run_scoped3A = tpu.sem_alloc : memref<!tpu.dma_semaphore, #tpu.memory_space<semaphore_mem>>
        %dma_start3A_34 = arith.constant 0 : i32
        %dma_start3A_35 = tpu.memref_slice %arg7[%add3A_11, %dma_start3A_34] : memref<320000x128xf32, #tpu.memory_space<hbm>> -> memref<80x128xf32, #tpu.memory_space<hbm>>
        %dma_start3A_36 = arith.constant 0 : i32
        %dma_start3A_37 = tpu.memref_slice %arg7[%add3A_11, %dma_start3A_36] : memref<320000x128xf32, #tpu.memory_space<hbm>> -> memref<80x128xf32, #tpu.memory_space<hbm>>
        tpu.enqueue_dma source(%arg12 : memref<80x128xf32, #tpu.memory_space<vmem>>) target(%dma_start3A_37 : memref<80x128xf32, #tpu.memory_space<hbm>>) target_semaphore(%run_scoped3A : memref<!tpu.dma_semaphore, #tpu.memory_space<semaphore_mem>>)
        %dma_wait3A_38 = arith.constant 0 : i32
        %dma_wait3A_39 = tpu.memref_slice %arg7[%add3A_11, %dma_wait3A_38] : memref<320000x128xf32, #tpu.memory_space<hbm>> -> memref<80x128xf32, #tpu.memory_space<hbm>>
        %dma_wait3A_40 = arith.constant 0 : i32
        %dma_wait3A_41 = tpu.memref_slice %arg7[%add3A_11, %dma_wait3A_40] : memref<320000x128xf32, #tpu.memory_space<hbm>> -> memref<80x128xf32, #tpu.memory_space<hbm>>
        tpu.wait_dma2 semaphore(%run_scoped3A : memref<!tpu.dma_semaphore, #tpu.memory_space<semaphore_mem>>) src(%arg12 : memref<80x128xf32, #tpu.memory_space<vmem>>) dst(%dma_wait3A_41 : memref<80x128xf32, #tpu.memory_space<hbm>>)
        tpu.yield
      }) : () -> ()
    }
    %scan3A_7 = arith.constant 125 : i32
    return
  }
}

#map = affine_map<(d0, d1) -> (0, 0, 0)>
#map1 = affine_map<(d0, d1) -> (0, 0)>
#map2 = affine_map<(d0, d1) -> (0)>
module attributes {stable_mosaic.version = 14 : i64} {
  func.func @k(%arg0: i32, %arg1: i32, %arg2: memref<32x320000x16xf32, #tpu.memory_space<hbm>>, %arg3: memref<320000x16xi32, #tpu.memory_space<hbm>>, %arg4: memref<16xf32, #tpu.memory_space<hbm>>, %arg5: memref<32x10000x16xf32, #tpu.memory_space<hbm>>, %arg6: memref<1000x16xi32, #tpu.memory_space<vmem>>, %arg7: memref<1000x16xf32, #tpu.memory_space<vmem>>, %arg8: memref<5000x16xf32, #tpu.memory_space<vmem>>, %arg9: memref<16xf32, #tpu.memory_space<vmem>>) attributes {dimension_semantics = [#tpu.dimension_semantics<core_parallel>, #tpu.dimension_semantics<subcore_parallel>], iteration_bounds = array<i64: 2, 16>, scalar_prefetch = 0 : i64, scratch_operands = 4 : i64, tpu.core_type = #tpu.core_type<sc_vector_subcore>, window_params = [{transform_indices = #map}, {transform_indices = #map1}, {transform_indices = #map2}, {transform_indices = #map}]} {
    %mul3A = arith.constant 2 : i32
    %mul3A_0 = arith.muli %arg1, %mul3A : i32
    %add3A = arith.addi %mul3A_0, %arg0 : i32
    "tpu.region"() ({
      %run_scoped3A = tpu.sem_alloc : memref<!tpu.dma_semaphore, #tpu.memory_space<semaphore_mem>>
      tpu.enqueue_dma source(%arg4 : memref<16xf32, #tpu.memory_space<hbm>>) target(%arg9 : memref<16xf32, #tpu.memory_space<vmem>>) target_semaphore(%run_scoped3A : memref<!tpu.dma_semaphore, #tpu.memory_space<semaphore_mem>>)
      tpu.wait_dma2 semaphore(%run_scoped3A : memref<!tpu.dma_semaphore, #tpu.memory_space<semaphore_mem>>) src(%arg4 : memref<16xf32, #tpu.memory_space<hbm>>) dst(%arg9 : memref<16xf32, #tpu.memory_space<vmem>>)
      tpu.yield
    }) : () -> ()
    %get3A = arith.constant 0 : index
    %get3A_1 = tpu.vector_load %arg9[%get3A] {strides = array<i32>} : memref<16xf32, #tpu.memory_space<vmem>>, vector<16xf32>,
    %iota3A = tpu.iota {dimensions = array<i32: 0>} : vector<16xi32>
    %broadcast_in_dim3A = arith.constant 5000 : i32
    %broadcast_in_dim3A_2 = vector.broadcast %broadcast_in_dim3A : i32 to vector<16xi32>
    %broadcast_in_dim3A_3 = arith.constant 0 : i32
    %broadcast_in_dim3A_4 = vector.broadcast %broadcast_in_dim3A_3 : i32 to vector<16xi32>
    %scan3A = arith.constant 0 : i32
    %scan3A_5 = arith.constant 0 : i32
    %scan3A_6 = arith.constant 625 : i32
    %scan3A_7 = arith.addi %scan3A_5, %scan3A_6 : i32
    %scan3A_8 = arith.constant 1 : i32
    scf.for %scan3A_42 = %scan3A_5 to %scan3A_7 step %scan3A_8  : i32 {
      %broadcast_in_dim3A_43 = arith.constant 0.000000e+00 : f32
      %broadcast_in_dim3A_44 = vector.broadcast %broadcast_in_dim3A_43 : f32 to vector<16xf32>
      %mul3A_45 = arith.constant 8 : i32
      %mul3A_46 = arith.muli %scan3A_42, %mul3A_45 : i32
      %add3A_47 = arith.constant 0 : i32
      %add3A_48 = arith.addi %mul3A_46, %add3A_47 : i32
      %swap3A = arith.index_cast %add3A_48 : i32 to index
      %swap3A_49 = arith.constant 0 : index
      %swap3A_50 = tpu.vector_load %arg8[%swap3A, %swap3A_49] {strides = array<i32>} : memref<5000x16xf32, #tpu.memory_space<vmem>>, vector<16xf32>,
      tpu.vector_store %arg8[%swap3A, %swap3A_49], %broadcast_in_dim3A_44 {strides = array<i32>} : memref<5000x16xf32, #tpu.memory_space<vmem>>, vector<16xf32>,
      %broadcast_in_dim3A_51 = arith.constant 0.000000e+00 : f32
      %broadcast_in_dim3A_52 = vector.broadcast %broadcast_in_dim3A_51 : f32 to vector<16xf32>
      %mul3A_53 = arith.constant 8 : i32
      %mul3A_54 = arith.muli %scan3A_42, %mul3A_53 : i32
      %add3A_55 = arith.constant 1 : i32
      %add3A_56 = arith.addi %mul3A_54, %add3A_55 : i32
      %swap3A_57 = arith.index_cast %add3A_56 : i32 to index
      %swap3A_58 = arith.constant 0 : index
      %swap3A_59 = tpu.vector_load %arg8[%swap3A_57, %swap3A_58] {strides = array<i32>} : memref<5000x16xf32, #tpu.memory_space<vmem>>, vector<16xf32>,
      tpu.vector_store %arg8[%swap3A_57, %swap3A_58], %broadcast_in_dim3A_52 {strides = array<i32>} : memref<5000x16xf32, #tpu.memory_space<vmem>>, vector<16xf32>,
      %broadcast_in_dim3A_60 = arith.constant 0.000000e+00 : f32
      %broadcast_in_dim3A_61 = vector.broadcast %broadcast_in_dim3A_60 : f32 to vector<16xf32>
      %mul3A_62 = arith.constant 8 : i32
      %mul3A_63 = arith.muli %scan3A_42, %mul3A_62 : i32
      %add3A_64 = arith.constant 2 : i32
      %add3A_65 = arith.addi %mul3A_63, %add3A_64 : i32
      %swap3A_66 = arith.index_cast %add3A_65 : i32 to index
      %swap3A_67 = arith.constant 0 : index
      %swap3A_68 = tpu.vector_load %arg8[%swap3A_66, %swap3A_67] {strides = array<i32>} : memref<5000x16xf32, #tpu.memory_space<vmem>>, vector<16xf32>,
      tpu.vector_store %arg8[%swap3A_66, %swap3A_67], %broadcast_in_dim3A_61 {strides = array<i32>} : memref<5000x16xf32, #tpu.memory_space<vmem>>, vector<16xf32>,
      %broadcast_in_dim3A_69 = arith.constant 0.000000e+00 : f32
      %broadcast_in_dim3A_70 = vector.broadcast %broadcast_in_dim3A_69 : f32 to vector<16xf32>
      %mul3A_71 = arith.constant 8 : i32
      %mul3A_72 = arith.muli %scan3A_42, %mul3A_71 : i32
      %add3A_73 = arith.constant 3 : i32
      %add3A_74 = arith.addi %mul3A_72, %add3A_73 : i32
      %swap3A_75 = arith.index_cast %add3A_74 : i32 to index
      %swap3A_76 = arith.constant 0 : index
      %swap3A_77 = tpu.vector_load %arg8[%swap3A_75, %swap3A_76] {strides = array<i32>} : memref<5000x16xf32, #tpu.memory_space<vmem>>, vector<16xf32>,
      tpu.vector_store %arg8[%swap3A_75, %swap3A_76], %broadcast_in_dim3A_70 {strides = array<i32>} : memref<5000x16xf32, #tpu.memory_space<vmem>>, vector<16xf32>,
      %broadcast_in_dim3A_78 = arith.constant 0.000000e+00 : f32
      %broadcast_in_dim3A_79 = vector.broadcast %broadcast_in_dim3A_78 : f32 to vector<16xf32>
      %mul3A_80 = arith.constant 8 : i32
      %mul3A_81 = arith.muli %scan3A_42, %mul3A_80 : i32
      %add3A_82 = arith.constant 4 : i32
      %add3A_83 = arith.addi %mul3A_81, %add3A_82 : i32
      %swap3A_84 = arith.index_cast %add3A_83 : i32 to index
      %swap3A_85 = arith.constant 0 : index
      %swap3A_86 = tpu.vector_load %arg8[%swap3A_84, %swap3A_85] {strides = array<i32>} : memref<5000x16xf32, #tpu.memory_space<vmem>>, vector<16xf32>,
      tpu.vector_store %arg8[%swap3A_84, %swap3A_85], %broadcast_in_dim3A_79 {strides = array<i32>} : memref<5000x16xf32, #tpu.memory_space<vmem>>, vector<16xf32>,
      %broadcast_in_dim3A_87 = arith.constant 0.000000e+00 : f32
      %broadcast_in_dim3A_88 = vector.broadcast %broadcast_in_dim3A_87 : f32 to vector<16xf32>
      %mul3A_89 = arith.constant 8 : i32
      %mul3A_90 = arith.muli %scan3A_42, %mul3A_89 : i32
      %add3A_91 = arith.constant 5 : i32
      %add3A_92 = arith.addi %mul3A_90, %add3A_91 : i32
      %swap3A_93 = arith.index_cast %add3A_92 : i32 to index
      %swap3A_94 = arith.constant 0 : index
      %swap3A_95 = tpu.vector_load %arg8[%swap3A_93, %swap3A_94] {strides = array<i32>} : memref<5000x16xf32, #tpu.memory_space<vmem>>, vector<16xf32>,
      tpu.vector_store %arg8[%swap3A_93, %swap3A_94], %broadcast_in_dim3A_88 {strides = array<i32>} : memref<5000x16xf32, #tpu.memory_space<vmem>>, vector<16xf32>,
      %broadcast_in_dim3A_96 = arith.constant 0.000000e+00 : f32
      %broadcast_in_dim3A_97 = vector.broadcast %broadcast_in_dim3A_96 : f32 to vector<16xf32>
      %mul3A_98 = arith.constant 8 : i32
      %mul3A_99 = arith.muli %scan3A_42, %mul3A_98 : i32
      %add3A_100 = arith.constant 6 : i32
      %add3A_101 = arith.addi %mul3A_99, %add3A_100 : i32
      %swap3A_102 = arith.index_cast %add3A_101 : i32 to index
      %swap3A_103 = arith.constant 0 : index
      %swap3A_104 = tpu.vector_load %arg8[%swap3A_102, %swap3A_103] {strides = array<i32>} : memref<5000x16xf32, #tpu.memory_space<vmem>>, vector<16xf32>,
      tpu.vector_store %arg8[%swap3A_102, %swap3A_103], %broadcast_in_dim3A_97 {strides = array<i32>} : memref<5000x16xf32, #tpu.memory_space<vmem>>, vector<16xf32>,
      %broadcast_in_dim3A_105 = arith.constant 0.000000e+00 : f32
      %broadcast_in_dim3A_106 = vector.broadcast %broadcast_in_dim3A_105 : f32 to vector<16xf32>
      %mul3A_107 = arith.constant 8 : i32
      %mul3A_108 = arith.muli %scan3A_42, %mul3A_107 : i32
      %add3A_109 = arith.constant 7 : i32
      %add3A_110 = arith.addi %mul3A_108, %add3A_109 : i32
      %swap3A_111 = arith.index_cast %add3A_110 : i32 to index
      %swap3A_112 = arith.constant 0 : index
      %swap3A_113 = tpu.vector_load %arg8[%swap3A_111, %swap3A_112] {strides = array<i32>} : memref<5000x16xf32, #tpu.memory_space<vmem>>, vector<16xf32>,
      tpu.vector_store %arg8[%swap3A_111, %swap3A_112], %broadcast_in_dim3A_106 {strides = array<i32>} : memref<5000x16xf32, #tpu.memory_space<vmem>>, vector<16xf32>,
    }
    %scan3A_9 = arith.constant 625 : i32
    %scan3A_10 = arith.constant 0 : i32
    %scan3A_11 = arith.constant 0 : i32
    %scan3A_12 = arith.constant 320 : i32
    %scan3A_13 = arith.addi %scan3A_11, %scan3A_12 : i32
    %scan3A_14 = arith.constant 1 : i32
    scf.for %scan3A_42 = %scan3A_11 to %scan3A_13 step %scan3A_14  : i32 {
      %mul3A_43 = arith.constant 1000 : i32
      %mul3A_44 = arith.muli %scan3A_42, %mul3A_43 : i32
      "tpu.region"() ({
        %run_scoped3A = tpu.sem_alloc : memref<!tpu.dma_semaphore, #tpu.memory_space<semaphore_mem>>
        %dma_start3A = arith.constant 0 : i32
        %dma_start3A_51 = tpu.memref_slice %arg3[%mul3A_44, %dma_start3A] : memref<320000x16xi32, #tpu.memory_space<hbm>> -> memref<1000x16xi32, #tpu.memory_space<hbm>>
        %dma_start3A_52 = arith.constant 0 : i32
        %dma_start3A_53 = tpu.memref_slice %arg3[%mul3A_44, %dma_start3A_52] : memref<320000x16xi32, #tpu.memory_space<hbm>> -> memref<1000x16xi32, #tpu.memory_space<hbm>>
        tpu.enqueue_dma source(%dma_start3A_53 : memref<1000x16xi32, #tpu.memory_space<hbm>>) target(%arg6 : memref<1000x16xi32, #tpu.memory_space<vmem>>) target_semaphore(%run_scoped3A : memref<!tpu.dma_semaphore, #tpu.memory_space<semaphore_mem>>)
        %dma_wait3A = arith.constant 0 : i32
        %dma_wait3A_54 = tpu.memref_slice %arg3[%mul3A_44, %dma_wait3A] : memref<320000x16xi32, #tpu.memory_space<hbm>> -> memref<1000x16xi32, #tpu.memory_space<hbm>>
        %dma_wait3A_55 = arith.constant 0 : i32
        %dma_wait3A_56 = tpu.memref_slice %arg3[%mul3A_44, %dma_wait3A_55] : memref<320000x16xi32, #tpu.memory_space<hbm>> -> memref<1000x16xi32, #tpu.memory_space<hbm>>
        tpu.wait_dma2 semaphore(%run_scoped3A : memref<!tpu.dma_semaphore, #tpu.memory_space<semaphore_mem>>) src(%dma_wait3A_56 : memref<1000x16xi32, #tpu.memory_space<hbm>>) dst(%arg6 : memref<1000x16xi32, #tpu.memory_space<vmem>>)
        tpu.yield
      }) : () -> ()
      "tpu.region"() ({
        %run_scoped3A = tpu.sem_alloc : memref<!tpu.dma_semaphore, #tpu.memory_space<semaphore_mem>>
        %dma_start3A = arith.constant 0 : i32
        %dma_start3A_51 = tpu.memref_slice %arg2[%add3A, %mul3A_44, %dma_start3A] : memref<32x320000x16xf32, #tpu.memory_space<hbm>> -> memref<1x1000x16xf32, #tpu.memory_space<hbm>>
        %dma_start3A_52 = tpu.memref_squeeze %dma_start3A_51 : memref<1x1000x16xf32, #tpu.memory_space<hbm>> -> memref<1000x16xf32, #tpu.memory_space<hbm>>
        %dma_start3A_53 = arith.constant 0 : i32
        %dma_start3A_54 = tpu.memref_slice %arg2[%add3A, %mul3A_44, %dma_start3A_53] : memref<32x320000x16xf32, #tpu.memory_space<hbm>> -> memref<1x1000x16xf32, #tpu.memory_space<hbm>>
        %dma_start3A_55 = tpu.memref_squeeze %dma_start3A_54 : memref<1x1000x16xf32, #tpu.memory_space<hbm>> -> memref<1000x16xf32, #tpu.memory_space<hbm>>
        tpu.enqueue_dma source(%dma_start3A_55 : memref<1000x16xf32, #tpu.memory_space<hbm>>) target(%arg7 : memref<1000x16xf32, #tpu.memory_space<vmem>>) target_semaphore(%run_scoped3A : memref<!tpu.dma_semaphore, #tpu.memory_space<semaphore_mem>>)
        %dma_wait3A = arith.constant 0 : i32
        %dma_wait3A_56 = tpu.memref_slice %arg2[%add3A, %mul3A_44, %dma_wait3A] : memref<32x320000x16xf32, #tpu.memory_space<hbm>> -> memref<1x1000x16xf32, #tpu.memory_space<hbm>>
        %dma_wait3A_57 = tpu.memref_squeeze %dma_wait3A_56 : memref<1x1000x16xf32, #tpu.memory_space<hbm>> -> memref<1000x16xf32, #tpu.memory_space<hbm>>
        %dma_wait3A_58 = arith.constant 0 : i32
        %dma_wait3A_59 = tpu.memref_slice %arg2[%add3A, %mul3A_44, %dma_wait3A_58] : memref<32x320000x16xf32, #tpu.memory_space<hbm>> -> memref<1x1000x16xf32, #tpu.memory_space<hbm>>
        %dma_wait3A_60 = tpu.memref_squeeze %dma_wait3A_59 : memref<1x1000x16xf32, #tpu.memory_space<hbm>> -> memref<1000x16xf32, #tpu.memory_space<hbm>>
        tpu.wait_dma2 semaphore(%run_scoped3A : memref<!tpu.dma_semaphore, #tpu.memory_space<semaphore_mem>>) src(%dma_wait3A_60 : memref<1000x16xf32, #tpu.memory_space<hbm>>) dst(%arg7 : memref<1000x16xf32, #tpu.memory_space<vmem>>)
        tpu.yield
      }) : () -> ()
      %scan3A_45 = arith.constant 0 : i32
      %scan3A_46 = arith.constant 0 : i32
      %scan3A_47 = arith.constant 125 : i32
      %scan3A_48 = arith.addi %scan3A_46, %scan3A_47 : i32
      %scan3A_49 = arith.constant 1 : i32
      scf.for %scan3A_51 = %scan3A_46 to %scan3A_48 step %scan3A_49  : i32 {
        %mul3A_52 = arith.constant 8 : i32
        %mul3A_53 = arith.muli %scan3A_51, %mul3A_52 : i32
        %add3A_54 = arith.constant 0 : i32
        %add3A_55 = arith.addi %mul3A_53, %add3A_54 : i32
        %get3A_56 = arith.index_cast %add3A_55 : i32 to index
        %get3A_57 = arith.constant 0 : index
        %get3A_58 = tpu.vector_load %arg6[%get3A_56, %get3A_57] {strides = array<i32>} : memref<1000x16xi32, #tpu.memory_space<vmem>>, vector<16xi32>,
        %sub3A = arith.subi %get3A_58, %broadcast_in_dim3A_4 : vector<16xi32>
        %bitcast_convert_type3A = tpu.bitcast %sub3A : vector<16xi32> -> vector<16xi32>
        %lt3A = arith.cmpi ult, %bitcast_convert_type3A, %broadcast_in_dim3A_2 : vector<16xi32>
        %get3A_59 = arith.index_cast %add3A_55 : i32 to index
        %get3A_60 = arith.constant 0 : index
        %get3A_61 = tpu.vector_load %arg7[%get3A_59, %get3A_60] {strides = array<i32>} : memref<1000x16xf32, #tpu.memory_space<vmem>>, vector<16xf32>,
        tpu.vector_store_idx %arg8[%sub3A, %iota3A], %get3A_61 masked %lt3A {add = true} : memref<5000x16xf32, #tpu.memory_space<vmem>>[vector<16xi32>, vector<16xi32>], vector<16xf32>, vector<16xi1>
        %mul3A_62 = arith.constant 8 : i32
        %mul3A_63 = arith.muli %scan3A_51, %mul3A_62 : i32
        %add3A_64 = arith.constant 1 : i32
        %add3A_65 = arith.addi %mul3A_63, %add3A_64 : i32
        %get3A_66 = arith.index_cast %add3A_65 : i32 to index
        %get3A_67 = arith.constant 0 : index
        %get3A_68 = tpu.vector_load %arg6[%get3A_66, %get3A_67] {strides = array<i32>} : memref<1000x16xi32, #tpu.memory_space<vmem>>, vector<16xi32>,
        %sub3A_69 = arith.subi %get3A_68, %broadcast_in_dim3A_4 : vector<16xi32>
        %bitcast_convert_type3A_70 = tpu.bitcast %sub3A_69 : vector<16xi32> -> vector<16xi32>
        %lt3A_71 = arith.cmpi ult, %bitcast_convert_type3A_70, %broadcast_in_dim3A_2 : vector<16xi32>
        %get3A_72 = arith.index_cast %add3A_65 : i32 to index
        %get3A_73 = arith.constant 0 : index
        %get3A_74 = tpu.vector_load %arg7[%get3A_72, %get3A_73] {strides = array<i32>} : memref<1000x16xf32, #tpu.memory_space<vmem>>, vector<16xf32>,
        tpu.vector_store_idx %arg8[%sub3A_69, %iota3A], %get3A_74 masked %lt3A_71 {add = true} : memref<5000x16xf32, #tpu.memory_space<vmem>>[vector<16xi32>, vector<16xi32>], vector<16xf32>, vector<16xi1>
        %mul3A_75 = arith.constant 8 : i32
        %mul3A_76 = arith.muli %scan3A_51, %mul3A_75 : i32
        %add3A_77 = arith.constant 2 : i32
        %add3A_78 = arith.addi %mul3A_76, %add3A_77 : i32
        %get3A_79 = arith.index_cast %add3A_78 : i32 to index
        %get3A_80 = arith.constant 0 : index
        %get3A_81 = tpu.vector_load %arg6[%get3A_79, %get3A_80] {strides = array<i32>} : memref<1000x16xi32, #tpu.memory_space<vmem>>, vector<16xi32>,
        %sub3A_82 = arith.subi %get3A_81, %broadcast_in_dim3A_4 : vector<16xi32>
        %bitcast_convert_type3A_83 = tpu.bitcast %sub3A_82 : vector<16xi32> -> vector<16xi32>
        %lt3A_84 = arith.cmpi ult, %bitcast_convert_type3A_83, %broadcast_in_dim3A_2 : vector<16xi32>
        %get3A_85 = arith.index_cast %add3A_78 : i32 to index
        %get3A_86 = arith.constant 0 : index
        %get3A_87 = tpu.vector_load %arg7[%get3A_85, %get3A_86] {strides = array<i32>} : memref<1000x16xf32, #tpu.memory_space<vmem>>, vector<16xf32>,
        tpu.vector_store_idx %arg8[%sub3A_82, %iota3A], %get3A_87 masked %lt3A_84 {add = true} : memref<5000x16xf32, #tpu.memory_space<vmem>>[vector<16xi32>, vector<16xi32>], vector<16xf32>, vector<16xi1>
        %mul3A_88 = arith.constant 8 : i32
        %mul3A_89 = arith.muli %scan3A_51, %mul3A_88 : i32
        %add3A_90 = arith.constant 3 : i32
        %add3A_91 = arith.addi %mul3A_89, %add3A_90 : i32
        %get3A_92 = arith.index_cast %add3A_91 : i32 to index
        %get3A_93 = arith.constant 0 : index
        %get3A_94 = tpu.vector_load %arg6[%get3A_92, %get3A_93] {strides = array<i32>} : memref<1000x16xi32, #tpu.memory_space<vmem>>, vector<16xi32>,
        %sub3A_95 = arith.subi %get3A_94, %broadcast_in_dim3A_4 : vector<16xi32>
        %bitcast_convert_type3A_96 = tpu.bitcast %sub3A_95 : vector<16xi32> -> vector<16xi32>
        %lt3A_97 = arith.cmpi ult, %bitcast_convert_type3A_96, %broadcast_in_dim3A_2 : vector<16xi32>
        %get3A_98 = arith.index_cast %add3A_91 : i32 to index
        %get3A_99 = arith.constant 0 : index
        %get3A_100 = tpu.vector_load %arg7[%get3A_98, %get3A_99] {strides = array<i32>} : memref<1000x16xf32, #tpu.memory_space<vmem>>, vector<16xf32>,
        tpu.vector_store_idx %arg8[%sub3A_95, %iota3A], %get3A_100 masked %lt3A_97 {add = true} : memref<5000x16xf32, #tpu.memory_space<vmem>>[vector<16xi32>, vector<16xi32>], vector<16xf32>, vector<16xi1>
        %mul3A_101 = arith.constant 8 : i32
        %mul3A_102 = arith.muli %scan3A_51, %mul3A_101 : i32
        %add3A_103 = arith.constant 4 : i32
        %add3A_104 = arith.addi %mul3A_102, %add3A_103 : i32
        %get3A_105 = arith.index_cast %add3A_104 : i32 to index
        %get3A_106 = arith.constant 0 : index
        %get3A_107 = tpu.vector_load %arg6[%get3A_105, %get3A_106] {strides = array<i32>} : memref<1000x16xi32, #tpu.memory_space<vmem>>, vector<16xi32>,
        %sub3A_108 = arith.subi %get3A_107, %broadcast_in_dim3A_4 : vector<16xi32>
        %bitcast_convert_type3A_109 = tpu.bitcast %sub3A_108 : vector<16xi32> -> vector<16xi32>
        %lt3A_110 = arith.cmpi ult, %bitcast_convert_type3A_109, %broadcast_in_dim3A_2 : vector<16xi32>
        %get3A_111 = arith.index_cast %add3A_104 : i32 to index
        %get3A_112 = arith.constant 0 : index
        %get3A_113 = tpu.vector_load %arg7[%get3A_111, %get3A_112] {strides = array<i32>} : memref<1000x16xf32, #tpu.memory_space<vmem>>, vector<16xf32>,
        tpu.vector_store_idx %arg8[%sub3A_108, %iota3A], %get3A_113 masked %lt3A_110 {add = true} : memref<5000x16xf32, #tpu.memory_space<vmem>>[vector<16xi32>, vector<16xi32>], vector<16xf32>, vector<16xi1>
        %mul3A_114 = arith.constant 8 : i32
        %mul3A_115 = arith.muli %scan3A_51, %mul3A_114 : i32
        %add3A_116 = arith.constant 5 : i32
        %add3A_117 = arith.addi %mul3A_115, %add3A_116 : i32
        %get3A_118 = arith.index_cast %add3A_117 : i32 to index
        %get3A_119 = arith.constant 0 : index
        %get3A_120 = tpu.vector_load %arg6[%get3A_118, %get3A_119] {strides = array<i32>} : memref<1000x16xi32, #tpu.memory_space<vmem>>, vector<16xi32>,
        %sub3A_121 = arith.subi %get3A_120, %broadcast_in_dim3A_4 : vector<16xi32>
        %bitcast_convert_type3A_122 = tpu.bitcast %sub3A_121 : vector<16xi32> -> vector<16xi32>
        %lt3A_123 = arith.cmpi ult, %bitcast_convert_type3A_122, %broadcast_in_dim3A_2 : vector<16xi32>
        %get3A_124 = arith.index_cast %add3A_117 : i32 to index
        %get3A_125 = arith.constant 0 : index
        %get3A_126 = tpu.vector_load %arg7[%get3A_124, %get3A_125] {strides = array<i32>} : memref<1000x16xf32, #tpu.memory_space<vmem>>, vector<16xf32>,
        tpu.vector_store_idx %arg8[%sub3A_121, %iota3A], %get3A_126 masked %lt3A_123 {add = true} : memref<5000x16xf32, #tpu.memory_space<vmem>>[vector<16xi32>, vector<16xi32>], vector<16xf32>, vector<16xi1>
        %mul3A_127 = arith.constant 8 : i32
        %mul3A_128 = arith.muli %scan3A_51, %mul3A_127 : i32
        %add3A_129 = arith.constant 6 : i32
        %add3A_130 = arith.addi %mul3A_128, %add3A_129 : i32
        %get3A_131 = arith.index_cast %add3A_130 : i32 to index
        %get3A_132 = arith.constant 0 : index
        %get3A_133 = tpu.vector_load %arg6[%get3A_131, %get3A_132] {strides = array<i32>} : memref<1000x16xi32, #tpu.memory_space<vmem>>, vector<16xi32>,
        %sub3A_134 = arith.subi %get3A_133, %broadcast_in_dim3A_4 : vector<16xi32>
        %bitcast_convert_type3A_135 = tpu.bitcast %sub3A_134 : vector<16xi32> -> vector<16xi32>
        %lt3A_136 = arith.cmpi ult, %bitcast_convert_type3A_135, %broadcast_in_dim3A_2 : vector<16xi32>
        %get3A_137 = arith.index_cast %add3A_130 : i32 to index
        %get3A_138 = arith.constant 0 : index
        %get3A_139 = tpu.vector_load %arg7[%get3A_137, %get3A_138] {strides = array<i32>} : memref<1000x16xf32, #tpu.memory_space<vmem>>, vector<16xf32>,
        tpu.vector_store_idx %arg8[%sub3A_134, %iota3A], %get3A_139 masked %lt3A_136 {add = true} : memref<5000x16xf32, #tpu.memory_space<vmem>>[vector<16xi32>, vector<16xi32>], vector<16xf32>, vector<16xi1>
        %mul3A_140 = arith.constant 8 : i32
        %mul3A_141 = arith.muli %scan3A_51, %mul3A_140 : i32
        %add3A_142 = arith.constant 7 : i32
        %add3A_143 = arith.addi %mul3A_141, %add3A_142 : i32
        %get3A_144 = arith.index_cast %add3A_143 : i32 to index
        %get3A_145 = arith.constant 0 : index
        %get3A_146 = tpu.vector_load %arg6[%get3A_144, %get3A_145] {strides = array<i32>} : memref<1000x16xi32, #tpu.memory_space<vmem>>, vector<16xi32>,
        %sub3A_147 = arith.subi %get3A_146, %broadcast_in_dim3A_4 : vector<16xi32>
        %bitcast_convert_type3A_148 = tpu.bitcast %sub3A_147 : vector<16xi32> -> vector<16xi32>
        %lt3A_149 = arith.cmpi ult, %bitcast_convert_type3A_148, %broadcast_in_dim3A_2 : vector<16xi32>
        %get3A_150 = arith.index_cast %add3A_143 : i32 to index
        %get3A_151 = arith.constant 0 : index
        %get3A_152 = tpu.vector_load %arg7[%get3A_150, %get3A_151] {strides = array<i32>} : memref<1000x16xf32, #tpu.memory_space<vmem>>, vector<16xf32>,
        tpu.vector_store_idx %arg8[%sub3A_147, %iota3A], %get3A_152 masked %lt3A_149 {add = true} : memref<5000x16xf32, #tpu.memory_space<vmem>>[vector<16xi32>, vector<16xi32>], vector<16xf32>, vector<16xi1>
      }
      %scan3A_50 = arith.constant 125 : i32
    }
    %scan3A_15 = arith.constant 320 : i32
    %scan3A_16 = arith.constant 0 : i32
    %scan3A_17 = arith.constant 0 : i32
    %scan3A_18 = arith.constant 5000 : i32
    %scan3A_19 = arith.addi %scan3A_17, %scan3A_18 : i32
    %scan3A_20 = arith.constant 1 : i32
    scf.for %scan3A_42 = %scan3A_17 to %scan3A_19 step %scan3A_20  : i32 {
      %get3A_43 = arith.index_cast %scan3A_42 : i32 to index
      %get3A_44 = arith.constant 0 : index
      %get3A_45 = tpu.vector_load %arg8[%get3A_43, %get3A_44] {strides = array<i32>} : memref<5000x16xf32, #tpu.memory_space<vmem>>, vector<16xf32>,
      %max3A = arith.constant 9.99999935E-39 : f32
      %max3A_46 = vector.broadcast %max3A : f32 to vector<16xf32>
      %max3A_47 = arith.maximumf %get3A_45, %max3A_46 : vector<16xf32>
      %div3A = arith.constant 1.000000e+00 : f32
      %div3A_48 = vector.broadcast %div3A : f32 to vector<16xf32>
      %div3A_49 = arith.divf %div3A_48, %max3A_47 : vector<16xf32>
      %swap3A = arith.index_cast %scan3A_42 : i32 to index
      %swap3A_50 = arith.constant 0 : index
      %swap3A_51 = tpu.vector_load %arg8[%swap3A, %swap3A_50] {strides = array<i32>} : memref<5000x16xf32, #tpu.memory_space<vmem>>, vector<16xf32>,
      tpu.vector_store %arg8[%swap3A, %swap3A_50], %div3A_49 {strides = array<i32>} : memref<5000x16xf32, #tpu.memory_space<vmem>>, vector<16xf32>,
    }
    %scan3A_21 = arith.constant 5000 : i32
    "tpu.region"() ({
      %run_scoped3A = tpu.sem_alloc : memref<!tpu.dma_semaphore, #tpu.memory_space<semaphore_mem>>
      %dma_start3A = arith.constant 0 : i32
      %dma_start3A_42 = arith.constant 0 : i32
      %dma_start3A_43 = tpu.memref_slice %arg5[%add3A, %dma_start3A, %dma_start3A_42] : memref<32x10000x16xf32, #tpu.memory_space<hbm>> -> memref<1x5000x16xf32, #tpu.memory_space<hbm>>
      %dma_start3A_44 = tpu.memref_squeeze %dma_start3A_43 : memref<1x5000x16xf32, #tpu.memory_space<hbm>> -> memref<5000x16xf32, #tpu.memory_space<hbm>>
      %dma_start3A_45 = arith.constant 0 : i32
      %dma_start3A_46 = arith.constant 0 : i32
      %dma_start3A_47 = tpu.memref_slice %arg5[%add3A, %dma_start3A_45, %dma_start3A_46] : memref<32x10000x16xf32, #tpu.memory_space<hbm>> -> memref<1x5000x16xf32, #tpu.memory_space<hbm>>
      %dma_start3A_48 = tpu.memref_squeeze %dma_start3A_47 : memref<1x5000x16xf32, #tpu.memory_space<hbm>> -> memref<5000x16xf32, #tpu.memory_space<hbm>>
      tpu.enqueue_dma source(%arg8 : memref<5000x16xf32, #tpu.memory_space<vmem>>) target(%dma_start3A_48 : memref<5000x16xf32, #tpu.memory_space<hbm>>) target_semaphore(%run_scoped3A : memref<!tpu.dma_semaphore, #tpu.memory_space<semaphore_mem>>)
      %dma_wait3A = arith.constant 0 : i32
      %dma_wait3A_49 = arith.constant 0 : i32
      %dma_wait3A_50 = tpu.memref_slice %arg5[%add3A, %dma_wait3A, %dma_wait3A_49] : memref<32x10000x16xf32, #tpu.memory_space<hbm>> -> memref<1x5000x16xf32, #tpu.memory_space<hbm>>
      %dma_wait3A_51 = tpu.memref_squeeze %dma_wait3A_50 : memref<1x5000x16xf32, #tpu.memory_space<hbm>> -> memref<5000x16xf32, #tpu.memory_space<hbm>>
      %dma_wait3A_52 = arith.constant 0 : i32
      %dma_wait3A_53 = arith.constant 0 : i32
      %dma_wait3A_54 = tpu.memref_slice %arg5[%add3A, %dma_wait3A_52, %dma_wait3A_53] : memref<32x10000x16xf32, #tpu.memory_space<hbm>> -> memref<1x5000x16xf32, #tpu.memory_space<hbm>>
      %dma_wait3A_55 = tpu.memref_squeeze %dma_wait3A_54 : memref<1x5000x16xf32, #tpu.memory_space<hbm>> -> memref<5000x16xf32, #tpu.memory_space<hbm>>
      tpu.wait_dma2 semaphore(%run_scoped3A : memref<!tpu.dma_semaphore, #tpu.memory_space<semaphore_mem>>) src(%arg8 : memref<5000x16xf32, #tpu.memory_space<vmem>>) dst(%dma_wait3A_55 : memref<5000x16xf32, #tpu.memory_space<hbm>>)
      tpu.yield
    }) : () -> ()
    %broadcast_in_dim3A_22 = arith.constant 5000 : i32
    %broadcast_in_dim3A_23 = vector.broadcast %broadcast_in_dim3A_22 : i32 to vector<16xi32>
    %scan3A_24 = arith.constant 0 : i32
    %scan3A_25 = arith.constant 0 : i32
    %scan3A_26 = arith.constant 625 : i32
    %scan3A_27 = arith.addi %scan3A_25, %scan3A_26 : i32
    %scan3A_28 = arith.constant 1 : i32
    scf.for %scan3A_42 = %scan3A_25 to %scan3A_27 step %scan3A_28  : i32 {
      %broadcast_in_dim3A_43 = arith.constant 0.000000e+00 : f32
      %broadcast_in_dim3A_44 = vector.broadcast %broadcast_in_dim3A_43 : f32 to vector<16xf32>
      %mul3A_45 = arith.constant 8 : i32
      %mul3A_46 = arith.muli %scan3A_42, %mul3A_45 : i32
      %add3A_47 = arith.constant 0 : i32
      %add3A_48 = arith.addi %mul3A_46, %add3A_47 : i32
      %swap3A = arith.index_cast %add3A_48 : i32 to index
      %swap3A_49 = arith.constant 0 : index
      %swap3A_50 = tpu.vector_load %arg8[%swap3A, %swap3A_49] {strides = array<i32>} : memref<5000x16xf32, #tpu.memory_space<vmem>>, vector<16xf32>,
      tpu.vector_store %arg8[%swap3A, %swap3A_49], %broadcast_in_dim3A_44 {strides = array<i32>} : memref<5000x16xf32, #tpu.memory_space<vmem>>, vector<16xf32>,
      %broadcast_in_dim3A_51 = arith.constant 0.000000e+00 : f32
      %broadcast_in_dim3A_52 = vector.broadcast %broadcast_in_dim3A_51 : f32 to vector<16xf32>
      %mul3A_53 = arith.constant 8 : i32
      %mul3A_54 = arith.muli %scan3A_42, %mul3A_53 : i32
      %add3A_55 = arith.constant 1 : i32
      %add3A_56 = arith.addi %mul3A_54, %add3A_55 : i32
      %swap3A_57 = arith.index_cast %add3A_56 : i32 to index
      %swap3A_58 = arith.constant 0 : index
      %swap3A_59 = tpu.vector_load %arg8[%swap3A_57, %swap3A_58] {strides = array<i32>} : memref<5000x16xf32, #tpu.memory_space<vmem>>, vector<16xf32>,
      tpu.vector_store %arg8[%swap3A_57, %swap3A_58], %broadcast_in_dim3A_52 {strides = array<i32>} : memref<5000x16xf32, #tpu.memory_space<vmem>>, vector<16xf32>,
      %broadcast_in_dim3A_60 = arith.constant 0.000000e+00 : f32
      %broadcast_in_dim3A_61 = vector.broadcast %broadcast_in_dim3A_60 : f32 to vector<16xf32>
      %mul3A_62 = arith.constant 8 : i32
      %mul3A_63 = arith.muli %scan3A_42, %mul3A_62 : i32
      %add3A_64 = arith.constant 2 : i32
      %add3A_65 = arith.addi %mul3A_63, %add3A_64 : i32
      %swap3A_66 = arith.index_cast %add3A_65 : i32 to index
      %swap3A_67 = arith.constant 0 : index
      %swap3A_68 = tpu.vector_load %arg8[%swap3A_66, %swap3A_67] {strides = array<i32>} : memref<5000x16xf32, #tpu.memory_space<vmem>>, vector<16xf32>,
      tpu.vector_store %arg8[%swap3A_66, %swap3A_67], %broadcast_in_dim3A_61 {strides = array<i32>} : memref<5000x16xf32, #tpu.memory_space<vmem>>, vector<16xf32>,
      %broadcast_in_dim3A_69 = arith.constant 0.000000e+00 : f32
      %broadcast_in_dim3A_70 = vector.broadcast %broadcast_in_dim3A_69 : f32 to vector<16xf32>
      %mul3A_71 = arith.constant 8 : i32
      %mul3A_72 = arith.muli %scan3A_42, %mul3A_71 : i32
      %add3A_73 = arith.constant 3 : i32
      %add3A_74 = arith.addi %mul3A_72, %add3A_73 : i32
      %swap3A_75 = arith.index_cast %add3A_74 : i32 to index
      %swap3A_76 = arith.constant 0 : index
      %swap3A_77 = tpu.vector_load %arg8[%swap3A_75, %swap3A_76] {strides = array<i32>} : memref<5000x16xf32, #tpu.memory_space<vmem>>, vector<16xf32>,
      tpu.vector_store %arg8[%swap3A_75, %swap3A_76], %broadcast_in_dim3A_70 {strides = array<i32>} : memref<5000x16xf32, #tpu.memory_space<vmem>>, vector<16xf32>,
      %broadcast_in_dim3A_78 = arith.constant 0.000000e+00 : f32
      %broadcast_in_dim3A_79 = vector.broadcast %broadcast_in_dim3A_78 : f32 to vector<16xf32>
      %mul3A_80 = arith.constant 8 : i32
      %mul3A_81 = arith.muli %scan3A_42, %mul3A_80 : i32
      %add3A_82 = arith.constant 4 : i32
      %add3A_83 = arith.addi %mul3A_81, %add3A_82 : i32
      %swap3A_84 = arith.index_cast %add3A_83 : i32 to index
      %swap3A_85 = arith.constant 0 : index
      %swap3A_86 = tpu.vector_load %arg8[%swap3A_84, %swap3A_85] {strides = array<i32>} : memref<5000x16xf32, #tpu.memory_space<vmem>>, vector<16xf32>,
      tpu.vector_store %arg8[%swap3A_84, %swap3A_85], %broadcast_in_dim3A_79 {strides = array<i32>} : memref<5000x16xf32, #tpu.memory_space<vmem>>, vector<16xf32>,
      %broadcast_in_dim3A_87 = arith.constant 0.000000e+00 : f32
      %broadcast_in_dim3A_88 = vector.broadcast %broadcast_in_dim3A_87 : f32 to vector<16xf32>
      %mul3A_89 = arith.constant 8 : i32
      %mul3A_90 = arith.muli %scan3A_42, %mul3A_89 : i32
      %add3A_91 = arith.constant 5 : i32
      %add3A_92 = arith.addi %mul3A_90, %add3A_91 : i32
      %swap3A_93 = arith.index_cast %add3A_92 : i32 to index
      %swap3A_94 = arith.constant 0 : index
      %swap3A_95 = tpu.vector_load %arg8[%swap3A_93, %swap3A_94] {strides = array<i32>} : memref<5000x16xf32, #tpu.memory_space<vmem>>, vector<16xf32>,
      tpu.vector_store %arg8[%swap3A_93, %swap3A_94], %broadcast_in_dim3A_88 {strides = array<i32>} : memref<5000x16xf32, #tpu.memory_space<vmem>>, vector<16xf32>,
      %broadcast_in_dim3A_96 = arith.constant 0.000000e+00 : f32
      %broadcast_in_dim3A_97 = vector.broadcast %broadcast_in_dim3A_96 : f32 to vector<16xf32>
      %mul3A_98 = arith.constant 8 : i32
      %mul3A_99 = arith.muli %scan3A_42, %mul3A_98 : i32
      %add3A_100 = arith.constant 6 : i32
      %add3A_101 = arith.addi %mul3A_99, %add3A_100 : i32
      %swap3A_102 = arith.index_cast %add3A_101 : i32 to index
      %swap3A_103 = arith.constant 0 : index
      %swap3A_104 = tpu.vector_load %arg8[%swap3A_102, %swap3A_103] {strides = array<i32>} : memref<5000x16xf32, #tpu.memory_space<vmem>>, vector<16xf32>,
      tpu.vector_store %arg8[%swap3A_102, %swap3A_103], %broadcast_in_dim3A_97 {strides = array<i32>} : memref<5000x16xf32, #tpu.memory_space<vmem>>, vector<16xf32>,
      %broadcast_in_dim3A_105 = arith.constant 0.000000e+00 : f32
      %broadcast_in_dim3A_106 = vector.broadcast %broadcast_in_dim3A_105 : f32 to vector<16xf32>
      %mul3A_107 = arith.constant 8 : i32
      %mul3A_108 = arith.muli %scan3A_42, %mul3A_107 : i32
      %add3A_109 = arith.constant 7 : i32
      %add3A_110 = arith.addi %mul3A_108, %add3A_109 : i32
      %swap3A_111 = arith.index_cast %add3A_110 : i32 to index
      %swap3A_112 = arith.constant 0 : index
      %swap3A_113 = tpu.vector_load %arg8[%swap3A_111, %swap3A_112] {strides = array<i32>} : memref<5000x16xf32, #tpu.memory_space<vmem>>, vector<16xf32>,
      tpu.vector_store %arg8[%swap3A_111, %swap3A_112], %broadcast_in_dim3A_106 {strides = array<i32>} : memref<5000x16xf32, #tpu.memory_space<vmem>>, vector<16xf32>,
    }
    %scan3A_29 = arith.constant 625 : i32
    %scan3A_30 = arith.constant 0 : i32
    %scan3A_31 = arith.constant 0 : i32
    %scan3A_32 = arith.constant 320 : i32
    %scan3A_33 = arith.addi %scan3A_31, %scan3A_32 : i32
    %scan3A_34 = arith.constant 1 : i32
    scf.for %scan3A_42 = %scan3A_31 to %scan3A_33 step %scan3A_34  : i32 {
      %mul3A_43 = arith.constant 1000 : i32
      %mul3A_44 = arith.muli %scan3A_42, %mul3A_43 : i32
      "tpu.region"() ({
        %run_scoped3A = tpu.sem_alloc : memref<!tpu.dma_semaphore, #tpu.memory_space<semaphore_mem>>
        %dma_start3A = arith.constant 0 : i32
        %dma_start3A_51 = tpu.memref_slice %arg3[%mul3A_44, %dma_start3A] : memref<320000x16xi32, #tpu.memory_space<hbm>> -> memref<1000x16xi32, #tpu.memory_space<hbm>>
        %dma_start3A_52 = arith.constant 0 : i32
        %dma_start3A_53 = tpu.memref_slice %arg3[%mul3A_44, %dma_start3A_52] : memref<320000x16xi32, #tpu.memory_space<hbm>> -> memref<1000x16xi32, #tpu.memory_space<hbm>>
        tpu.enqueue_dma source(%dma_start3A_53 : memref<1000x16xi32, #tpu.memory_space<hbm>>) target(%arg6 : memref<1000x16xi32, #tpu.memory_space<vmem>>) target_semaphore(%run_scoped3A : memref<!tpu.dma_semaphore, #tpu.memory_space<semaphore_mem>>)
        %dma_wait3A = arith.constant 0 : i32
        %dma_wait3A_54 = tpu.memref_slice %arg3[%mul3A_44, %dma_wait3A] : memref<320000x16xi32, #tpu.memory_space<hbm>> -> memref<1000x16xi32, #tpu.memory_space<hbm>>
        %dma_wait3A_55 = arith.constant 0 : i32
        %dma_wait3A_56 = tpu.memref_slice %arg3[%mul3A_44, %dma_wait3A_55] : memref<320000x16xi32, #tpu.memory_space<hbm>> -> memref<1000x16xi32, #tpu.memory_space<hbm>>
        tpu.wait_dma2 semaphore(%run_scoped3A : memref<!tpu.dma_semaphore, #tpu.memory_space<semaphore_mem>>) src(%dma_wait3A_56 : memref<1000x16xi32, #tpu.memory_space<hbm>>) dst(%arg6 : memref<1000x16xi32, #tpu.memory_space<vmem>>)
        tpu.yield
      }) : () -> ()
      "tpu.region"() ({
        %run_scoped3A = tpu.sem_alloc : memref<!tpu.dma_semaphore, #tpu.memory_space<semaphore_mem>>
        %dma_start3A = arith.constant 0 : i32
        %dma_start3A_51 = tpu.memref_slice %arg2[%add3A, %mul3A_44, %dma_start3A] : memref<32x320000x16xf32, #tpu.memory_space<hbm>> -> memref<1x1000x16xf32, #tpu.memory_space<hbm>>
        %dma_start3A_52 = tpu.memref_squeeze %dma_start3A_51 : memref<1x1000x16xf32, #tpu.memory_space<hbm>> -> memref<1000x16xf32, #tpu.memory_space<hbm>>
        %dma_start3A_53 = arith.constant 0 : i32
        %dma_start3A_54 = tpu.memref_slice %arg2[%add3A, %mul3A_44, %dma_start3A_53] : memref<32x320000x16xf32, #tpu.memory_space<hbm>> -> memref<1x1000x16xf32, #tpu.memory_space<hbm>>
        %dma_start3A_55 = tpu.memref_squeeze %dma_start3A_54 : memref<1x1000x16xf32, #tpu.memory_space<hbm>> -> memref<1000x16xf32, #tpu.memory_space<hbm>>
        tpu.enqueue_dma source(%dma_start3A_55 : memref<1000x16xf32, #tpu.memory_space<hbm>>) target(%arg7 : memref<1000x16xf32, #tpu.memory_space<vmem>>) target_semaphore(%run_scoped3A : memref<!tpu.dma_semaphore, #tpu.memory_space<semaphore_mem>>)
        %dma_wait3A = arith.constant 0 : i32
        %dma_wait3A_56 = tpu.memref_slice %arg2[%add3A, %mul3A_44, %dma_wait3A] : memref<32x320000x16xf32, #tpu.memory_space<hbm>> -> memref<1x1000x16xf32, #tpu.memory_space<hbm>>
        %dma_wait3A_57 = tpu.memref_squeeze %dma_wait3A_56 : memref<1x1000x16xf32, #tpu.memory_space<hbm>> -> memref<1000x16xf32, #tpu.memory_space<hbm>>
        %dma_wait3A_58 = arith.constant 0 : i32
        %dma_wait3A_59 = tpu.memref_slice %arg2[%add3A, %mul3A_44, %dma_wait3A_58] : memref<32x320000x16xf32, #tpu.memory_space<hbm>> -> memref<1x1000x16xf32, #tpu.memory_space<hbm>>
        %dma_wait3A_60 = tpu.memref_squeeze %dma_wait3A_59 : memref<1x1000x16xf32, #tpu.memory_space<hbm>> -> memref<1000x16xf32, #tpu.memory_space<hbm>>
        tpu.wait_dma2 semaphore(%run_scoped3A : memref<!tpu.dma_semaphore, #tpu.memory_space<semaphore_mem>>) src(%dma_wait3A_60 : memref<1000x16xf32, #tpu.memory_space<hbm>>) dst(%arg7 : memref<1000x16xf32, #tpu.memory_space<vmem>>)
        tpu.yield
      }) : () -> ()
      %scan3A_45 = arith.constant 0 : i32
      %scan3A_46 = arith.constant 0 : i32
      %scan3A_47 = arith.constant 125 : i32
      %scan3A_48 = arith.addi %scan3A_46, %scan3A_47 : i32
      %scan3A_49 = arith.constant 1 : i32
      scf.for %scan3A_51 = %scan3A_46 to %scan3A_48 step %scan3A_49  : i32 {
        %mul3A_52 = arith.constant 8 : i32
        %mul3A_53 = arith.muli %scan3A_51, %mul3A_52 : i32
        %add3A_54 = arith.constant 0 : i32
        %add3A_55 = arith.addi %mul3A_53, %add3A_54 : i32
        %get3A_56 = arith.index_cast %add3A_55 : i32 to index
        %get3A_57 = arith.constant 0 : index
        %get3A_58 = tpu.vector_load %arg6[%get3A_56, %get3A_57] {strides = array<i32>} : memref<1000x16xi32, #tpu.memory_space<vmem>>, vector<16xi32>,
        %sub3A = arith.subi %get3A_58, %broadcast_in_dim3A_23 : vector<16xi32>
        %bitcast_convert_type3A = tpu.bitcast %sub3A : vector<16xi32> -> vector<16xi32>
        %lt3A = arith.cmpi ult, %bitcast_convert_type3A, %broadcast_in_dim3A_2 : vector<16xi32>
        %get3A_59 = arith.index_cast %add3A_55 : i32 to index
        %get3A_60 = arith.constant 0 : index
        %get3A_61 = tpu.vector_load %arg7[%get3A_59, %get3A_60] {strides = array<i32>} : memref<1000x16xf32, #tpu.memory_space<vmem>>, vector<16xf32>,
        tpu.vector_store_idx %arg8[%sub3A, %iota3A], %get3A_61 masked %lt3A {add = true} : memref<5000x16xf32, #tpu.memory_space<vmem>>[vector<16xi32>, vector<16xi32>], vector<16xf32>, vector<16xi1>
        %mul3A_62 = arith.constant 8 : i32
        %mul3A_63 = arith.muli %scan3A_51, %mul3A_62 : i32
        %add3A_64 = arith.constant 1 : i32
        %add3A_65 = arith.addi %mul3A_63, %add3A_64 : i32
        %get3A_66 = arith.index_cast %add3A_65 : i32 to index
        %get3A_67 = arith.constant 0 : index
        %get3A_68 = tpu.vector_load %arg6[%get3A_66, %get3A_67] {strides = array<i32>} : memref<1000x16xi32, #tpu.memory_space<vmem>>, vector<16xi32>,
        %sub3A_69 = arith.subi %get3A_68, %broadcast_in_dim3A_23 : vector<16xi32>
        %bitcast_convert_type3A_70 = tpu.bitcast %sub3A_69 : vector<16xi32> -> vector<16xi32>
        %lt3A_71 = arith.cmpi ult, %bitcast_convert_type3A_70, %broadcast_in_dim3A_2 : vector<16xi32>
        %get3A_72 = arith.index_cast %add3A_65 : i32 to index
        %get3A_73 = arith.constant 0 : index
        %get3A_74 = tpu.vector_load %arg7[%get3A_72, %get3A_73] {strides = array<i32>} : memref<1000x16xf32, #tpu.memory_space<vmem>>, vector<16xf32>,
        tpu.vector_store_idx %arg8[%sub3A_69, %iota3A], %get3A_74 masked %lt3A_71 {add = true} : memref<5000x16xf32, #tpu.memory_space<vmem>>[vector<16xi32>, vector<16xi32>], vector<16xf32>, vector<16xi1>
        %mul3A_75 = arith.constant 8 : i32
        %mul3A_76 = arith.muli %scan3A_51, %mul3A_75 : i32
        %add3A_77 = arith.constant 2 : i32
        %add3A_78 = arith.addi %mul3A_76, %add3A_77 : i32
        %get3A_79 = arith.index_cast %add3A_78 : i32 to index
        %get3A_80 = arith.constant 0 : index
        %get3A_81 = tpu.vector_load %arg6[%get3A_79, %get3A_80] {strides = array<i32>} : memref<1000x16xi32, #tpu.memory_space<vmem>>, vector<16xi32>,
        %sub3A_82 = arith.subi %get3A_81, %broadcast_in_dim3A_23 : vector<16xi32>
        %bitcast_convert_type3A_83 = tpu.bitcast %sub3A_82 : vector<16xi32> -> vector<16xi32>
        %lt3A_84 = arith.cmpi ult, %bitcast_convert_type3A_83, %broadcast_in_dim3A_2 : vector<16xi32>
        %get3A_85 = arith.index_cast %add3A_78 : i32 to index
        %get3A_86 = arith.constant 0 : index
        %get3A_87 = tpu.vector_load %arg7[%get3A_85, %get3A_86] {strides = array<i32>} : memref<1000x16xf32, #tpu.memory_space<vmem>>, vector<16xf32>,
        tpu.vector_store_idx %arg8[%sub3A_82, %iota3A], %get3A_87 masked %lt3A_84 {add = true} : memref<5000x16xf32, #tpu.memory_space<vmem>>[vector<16xi32>, vector<16xi32>], vector<16xf32>, vector<16xi1>
        %mul3A_88 = arith.constant 8 : i32
        %mul3A_89 = arith.muli %scan3A_51, %mul3A_88 : i32
        %add3A_90 = arith.constant 3 : i32
        %add3A_91 = arith.addi %mul3A_89, %add3A_90 : i32
        %get3A_92 = arith.index_cast %add3A_91 : i32 to index
        %get3A_93 = arith.constant 0 : index
        %get3A_94 = tpu.vector_load %arg6[%get3A_92, %get3A_93] {strides = array<i32>} : memref<1000x16xi32, #tpu.memory_space<vmem>>, vector<16xi32>,
        %sub3A_95 = arith.subi %get3A_94, %broadcast_in_dim3A_23 : vector<16xi32>
        %bitcast_convert_type3A_96 = tpu.bitcast %sub3A_95 : vector<16xi32> -> vector<16xi32>
        %lt3A_97 = arith.cmpi ult, %bitcast_convert_type3A_96, %broadcast_in_dim3A_2 : vector<16xi32>
        %get3A_98 = arith.index_cast %add3A_91 : i32 to index
        %get3A_99 = arith.constant 0 : index
        %get3A_100 = tpu.vector_load %arg7[%get3A_98, %get3A_99] {strides = array<i32>} : memref<1000x16xf32, #tpu.memory_space<vmem>>, vector<16xf32>,
        tpu.vector_store_idx %arg8[%sub3A_95, %iota3A], %get3A_100 masked %lt3A_97 {add = true} : memref<5000x16xf32, #tpu.memory_space<vmem>>[vector<16xi32>, vector<16xi32>], vector<16xf32>, vector<16xi1>
        %mul3A_101 = arith.constant 8 : i32
        %mul3A_102 = arith.muli %scan3A_51, %mul3A_101 : i32
        %add3A_103 = arith.constant 4 : i32
        %add3A_104 = arith.addi %mul3A_102, %add3A_103 : i32
        %get3A_105 = arith.index_cast %add3A_104 : i32 to index
        %get3A_106 = arith.constant 0 : index
        %get3A_107 = tpu.vector_load %arg6[%get3A_105, %get3A_106] {strides = array<i32>} : memref<1000x16xi32, #tpu.memory_space<vmem>>, vector<16xi32>,
        %sub3A_108 = arith.subi %get3A_107, %broadcast_in_dim3A_23 : vector<16xi32>
        %bitcast_convert_type3A_109 = tpu.bitcast %sub3A_108 : vector<16xi32> -> vector<16xi32>
        %lt3A_110 = arith.cmpi ult, %bitcast_convert_type3A_109, %broadcast_in_dim3A_2 : vector<16xi32>
        %get3A_111 = arith.index_cast %add3A_104 : i32 to index
        %get3A_112 = arith.constant 0 : index
        %get3A_113 = tpu.vector_load %arg7[%get3A_111, %get3A_112] {strides = array<i32>} : memref<1000x16xf32, #tpu.memory_space<vmem>>, vector<16xf32>,
        tpu.vector_store_idx %arg8[%sub3A_108, %iota3A], %get3A_113 masked %lt3A_110 {add = true} : memref<5000x16xf32, #tpu.memory_space<vmem>>[vector<16xi32>, vector<16xi32>], vector<16xf32>, vector<16xi1>
        %mul3A_114 = arith.constant 8 : i32
        %mul3A_115 = arith.muli %scan3A_51, %mul3A_114 : i32
        %add3A_116 = arith.constant 5 : i32
        %add3A_117 = arith.addi %mul3A_115, %add3A_116 : i32
        %get3A_118 = arith.index_cast %add3A_117 : i32 to index
        %get3A_119 = arith.constant 0 : index
        %get3A_120 = tpu.vector_load %arg6[%get3A_118, %get3A_119] {strides = array<i32>} : memref<1000x16xi32, #tpu.memory_space<vmem>>, vector<16xi32>,
        %sub3A_121 = arith.subi %get3A_120, %broadcast_in_dim3A_23 : vector<16xi32>
        %bitcast_convert_type3A_122 = tpu.bitcast %sub3A_121 : vector<16xi32> -> vector<16xi32>
        %lt3A_123 = arith.cmpi ult, %bitcast_convert_type3A_122, %broadcast_in_dim3A_2 : vector<16xi32>
        %get3A_124 = arith.index_cast %add3A_117 : i32 to index
        %get3A_125 = arith.constant 0 : index
        %get3A_126 = tpu.vector_load %arg7[%get3A_124, %get3A_125] {strides = array<i32>} : memref<1000x16xf32, #tpu.memory_space<vmem>>, vector<16xf32>,
        tpu.vector_store_idx %arg8[%sub3A_121, %iota3A], %get3A_126 masked %lt3A_123 {add = true} : memref<5000x16xf32, #tpu.memory_space<vmem>>[vector<16xi32>, vector<16xi32>], vector<16xf32>, vector<16xi1>
        %mul3A_127 = arith.constant 8 : i32
        %mul3A_128 = arith.muli %scan3A_51, %mul3A_127 : i32
        %add3A_129 = arith.constant 6 : i32
        %add3A_130 = arith.addi %mul3A_128, %add3A_129 : i32
        %get3A_131 = arith.index_cast %add3A_130 : i32 to index
        %get3A_132 = arith.constant 0 : index
        %get3A_133 = tpu.vector_load %arg6[%get3A_131, %get3A_132] {strides = array<i32>} : memref<1000x16xi32, #tpu.memory_space<vmem>>, vector<16xi32>,
        %sub3A_134 = arith.subi %get3A_133, %broadcast_in_dim3A_23 : vector<16xi32>
        %bitcast_convert_type3A_135 = tpu.bitcast %sub3A_134 : vector<16xi32> -> vector<16xi32>
        %lt3A_136 = arith.cmpi ult, %bitcast_convert_type3A_135, %broadcast_in_dim3A_2 : vector<16xi32>
        %get3A_137 = arith.index_cast %add3A_130 : i32 to index
        %get3A_138 = arith.constant 0 : index
        %get3A_139 = tpu.vector_load %arg7[%get3A_137, %get3A_138] {strides = array<i32>} : memref<1000x16xf32, #tpu.memory_space<vmem>>, vector<16xf32>,
        tpu.vector_store_idx %arg8[%sub3A_134, %iota3A], %get3A_139 masked %lt3A_136 {add = true} : memref<5000x16xf32, #tpu.memory_space<vmem>>[vector<16xi32>, vector<16xi32>], vector<16xf32>, vector<16xi1>
        %mul3A_140 = arith.constant 8 : i32
        %mul3A_141 = arith.muli %scan3A_51, %mul3A_140 : i32
        %add3A_142 = arith.constant 7 : i32
        %add3A_143 = arith.addi %mul3A_141, %add3A_142 : i32
        %get3A_144 = arith.index_cast %add3A_143 : i32 to index
        %get3A_145 = arith.constant 0 : index
        %get3A_146 = tpu.vector_load %arg6[%get3A_144, %get3A_145] {strides = array<i32>} : memref<1000x16xi32, #tpu.memory_space<vmem>>, vector<16xi32>,
        %sub3A_147 = arith.subi %get3A_146, %broadcast_in_dim3A_23 : vector<16xi32>
        %bitcast_convert_type3A_148 = tpu.bitcast %sub3A_147 : vector<16xi32> -> vector<16xi32>
        %lt3A_149 = arith.cmpi ult, %bitcast_convert_type3A_148, %broadcast_in_dim3A_2 : vector<16xi32>
        %get3A_150 = arith.index_cast %add3A_143 : i32 to index
        %get3A_151 = arith.constant 0 : index
        %get3A_152 = tpu.vector_load %arg7[%get3A_150, %get3A_151] {strides = array<i32>} : memref<1000x16xf32, #tpu.memory_space<vmem>>, vector<16xf32>,
        tpu.vector_store_idx %arg8[%sub3A_147, %iota3A], %get3A_152 masked %lt3A_149 {add = true} : memref<5000x16xf32, #tpu.memory_space<vmem>>[vector<16xi32>, vector<16xi32>], vector<16xf32>, vector<16xi1>
      }
      %scan3A_50 = arith.constant 125 : i32
    }
    %scan3A_35 = arith.constant 320 : i32
    %scan3A_36 = arith.constant 0 : i32
    %scan3A_37 = arith.constant 0 : i32
    %scan3A_38 = arith.constant 5000 : i32
    %scan3A_39 = arith.addi %scan3A_37, %scan3A_38 : i32
    %scan3A_40 = arith.constant 1 : i32
    scf.for %scan3A_42 = %scan3A_37 to %scan3A_39 step %scan3A_40  : i32 {
      %get3A_43 = arith.index_cast %scan3A_42 : i32 to index
      %get3A_44 = arith.constant 0 : index
      %get3A_45 = tpu.vector_load %arg8[%get3A_43, %get3A_44] {strides = array<i32>} : memref<5000x16xf32, #tpu.memory_space<vmem>>, vector<16xf32>,
      %max3A = arith.constant 9.99999935E-39 : f32
      %max3A_46 = vector.broadcast %max3A : f32 to vector<16xf32>
      %max3A_47 = arith.maximumf %get3A_45, %max3A_46 : vector<16xf32>
      %div3A = arith.constant 1.000000e+00 : f32
      %div3A_48 = vector.broadcast %div3A : f32 to vector<16xf32>
      %div3A_49 = arith.divf %div3A_48, %max3A_47 : vector<16xf32>
      %swap3A = arith.index_cast %scan3A_42 : i32 to index
      %swap3A_50 = arith.constant 0 : index
      %swap3A_51 = tpu.vector_load %arg8[%swap3A, %swap3A_50] {strides = array<i32>} : memref<5000x16xf32, #tpu.memory_space<vmem>>, vector<16xf32>,
      tpu.vector_store %arg8[%swap3A, %swap3A_50], %div3A_49 {strides = array<i32>} : memref<5000x16xf32, #tpu.memory_space<vmem>>, vector<16xf32>,
    }
    %scan3A_41 = arith.constant 5000 : i32
    "tpu.region"() ({
      %run_scoped3A = tpu.sem_alloc : memref<!tpu.dma_semaphore, #tpu.memory_space<semaphore_mem>>
      %dma_start3A = arith.constant 5000 : i32
      %dma_start3A_42 = arith.constant 0 : i32
      %dma_start3A_43 = tpu.memref_slice %arg5[%add3A, %dma_start3A, %dma_start3A_42] : memref<32x10000x16xf32, #tpu.memory_space<hbm>> -> memref<1x5000x16xf32, #tpu.memory_space<hbm>>
      %dma_start3A_44 = tpu.memref_squeeze %dma_start3A_43 : memref<1x5000x16xf32, #tpu.memory_space<hbm>> -> memref<5000x16xf32, #tpu.memory_space<hbm>>
      %dma_start3A_45 = arith.constant 5000 : i32
      %dma_start3A_46 = arith.constant 0 : i32
      %dma_start3A_47 = tpu.memref_slice %arg5[%add3A, %dma_start3A_45, %dma_start3A_46] : memref<32x10000x16xf32, #tpu.memory_space<hbm>> -> memref<1x5000x16xf32, #tpu.memory_space<hbm>>
      %dma_start3A_48 = tpu.memref_squeeze %dma_start3A_47 : memref<1x5000x16xf32, #tpu.memory_space<hbm>> -> memref<5000x16xf32, #tpu.memory_space<hbm>>
      tpu.enqueue_dma source(%arg8 : memref<5000x16xf32, #tpu.memory_space<vmem>>) target(%dma_start3A_48 : memref<5000x16xf32, #tpu.memory_space<hbm>>) target_semaphore(%run_scoped3A : memref<!tpu.dma_semaphore, #tpu.memory_space<semaphore_mem>>)
      %dma_wait3A = arith.constant 5000 : i32
      %dma_wait3A_49 = arith.constant 0 : i32
      %dma_wait3A_50 = tpu.memref_slice %arg5[%add3A, %dma_wait3A, %dma_wait3A_49] : memref<32x10000x16xf32, #tpu.memory_space<hbm>> -> memref<1x5000x16xf32, #tpu.memory_space<hbm>>
      %dma_wait3A_51 = tpu.memref_squeeze %dma_wait3A_50 : memref<1x5000x16xf32, #tpu.memory_space<hbm>> -> memref<5000x16xf32, #tpu.memory_space<hbm>>
      %dma_wait3A_52 = arith.constant 5000 : i32
      %dma_wait3A_53 = arith.constant 0 : i32
      %dma_wait3A_54 = tpu.memref_slice %arg5[%add3A, %dma_wait3A_52, %dma_wait3A_53] : memref<32x10000x16xf32, #tpu.memory_space<hbm>> -> memref<1x5000x16xf32, #tpu.memory_space<hbm>>
      %dma_wait3A_55 = tpu.memref_squeeze %dma_wait3A_54 : memref<1x5000x16xf32, #tpu.memory_space<hbm>> -> memref<5000x16xf32, #tpu.memory_space<hbm>>
      tpu.wait_dma2 semaphore(%run_scoped3A : memref<!tpu.dma_semaphore, #tpu.memory_space<semaphore_mem>>) src(%arg8 : memref<5000x16xf32, #tpu.memory_space<vmem>>) dst(%dma_wait3A_55 : memref<5000x16xf32, #tpu.memory_space<hbm>>)
      tpu.yield
    }) : () -> ()
    return
  }
}

#map = affine_map<(d0, d1) -> (0, 0, 0)>
#map1 = affine_map<(d0, d1) -> (0)>
#map2 = affine_map<(d0, d1) -> (0, 0)>
module attributes {stable_mosaic.version = 14 : i64} {
  func.func @k(%arg0: i32, %arg1: i32, %arg2: memref<32x320000x16xf32, #tpu.memory_space<hbm>>, %arg3: memref<8x320000x16xf32, #tpu.memory_space<hbm>>, %arg4: memref<320000xi32, #tpu.memory_space<hbm>>, %arg5: memref<320000x16xi32, #tpu.memory_space<hbm>>, %arg6: memref<320000x16xf32, #tpu.memory_space<hbm>>, %arg7: memref<16xf32, #tpu.memory_space<hbm>>, %arg8: memref<32x10000x16xf32, #tpu.memory_space<hbm>>, %arg9: memref<512xi32, #tpu.memory_space<vmem>>, %arg10: memref<512x16xi32, #tpu.memory_space<vmem>>, %arg11: memref<4x128xi32, #tpu.memory_space<vmem>>, %arg12: memref<512x16xf32, #tpu.memory_space<vmem>>, %arg13: memref<512x16xf32, #tpu.memory_space<vmem>>, %arg14: memref<512x16xf32, #tpu.memory_space<vmem>>, %arg15: memref<5000x16xf32, #tpu.memory_space<vmem>>, %arg16: memref<16xf32, #tpu.memory_space<vmem>>, %arg17: memref<!tpu.dma_semaphore, #tpu.memory_space<semaphore_mem>>) attributes {dimension_semantics = [#tpu.dimension_semantics<core_parallel>, #tpu.dimension_semantics<subcore_parallel>], iteration_bounds = array<i64: 2, 16>, scalar_prefetch = 0 : i64, scratch_operands = 9 : i64, tpu.core_type = #tpu.core_type<sc_vector_subcore>, window_params = [{transform_indices = #map}, {transform_indices = #map}, {transform_indices = #map1}, {transform_indices = #map2}, {transform_indices = #map2}, {transform_indices = #map1}, {transform_indices = #map}]} {
    %mul3A = arith.constant 2 : i32
    %mul3A_0 = arith.muli %arg1, %mul3A : i32
    %add3A = arith.addi %mul3A_0, %arg0 : i32
    %rem3A = arith.constant 8 : i32
    %rem3A_1 = arith.remsi %add3A, %rem3A : i32
    "tpu.region"() ({
      %run_scoped3A = tpu.sem_alloc : memref<!tpu.dma_semaphore, #tpu.memory_space<semaphore_mem>>
      tpu.enqueue_dma source(%arg7 : memref<16xf32, #tpu.memory_space<hbm>>) target(%arg16 : memref<16xf32, #tpu.memory_space<vmem>>) target_semaphore(%run_scoped3A : memref<!tpu.dma_semaphore, #tpu.memory_space<semaphore_mem>>)
      tpu.wait_dma2 semaphore(%run_scoped3A : memref<!tpu.dma_semaphore, #tpu.memory_space<semaphore_mem>>) src(%arg7 : memref<16xf32, #tpu.memory_space<hbm>>) dst(%arg16 : memref<16xf32, #tpu.memory_space<vmem>>)
      tpu.yield
    }) : () -> ()
    %get3A = arith.constant 0 : index
    %get3A_2 = tpu.vector_load %arg16[%get3A] {strides = array<i32>} : memref<16xf32, #tpu.memory_space<vmem>>, vector<16xf32>,
    %iota3A = tpu.iota {dimensions = array<i32: 0>} : vector<16xi32>
    %mul3A_3 = arith.constant 10000 : i32
    %mul3A_4 = arith.muli %add3A, %mul3A_3 : i32
    %broadcast_in_dim3A = vector.broadcast %mul3A_4 : i32 to vector<16xi32>
    %broadcast_in_dim3A_5 = arith.constant 5000 : i32
    %broadcast_in_dim3A_6 = vector.broadcast %broadcast_in_dim3A_5 : i32 to vector<16xi32>
    %broadcast_in_dim3A_7 = arith.constant 0 : i32
    %broadcast_in_dim3A_8 = vector.broadcast %broadcast_in_dim3A_7 : i32 to vector<16xi32>
    %scan3A = arith.constant 0 : i32
    %scan3A_9 = arith.constant 0 : i32
    %scan3A_10 = arith.constant 625 : i32
    %scan3A_11 = arith.addi %scan3A_9, %scan3A_10 : i32
    %scan3A_12 = arith.constant 1 : i32
    scf.for %scan3A_34 = %scan3A_9 to %scan3A_11 step %scan3A_12  : i32 {
      %broadcast_in_dim3A_35 = arith.constant 0.000000e+00 : f32
      %broadcast_in_dim3A_36 = vector.broadcast %broadcast_in_dim3A_35 : f32 to vector<16xf32>
      %mul3A_37 = arith.constant 8 : i32
      %mul3A_38 = arith.muli %scan3A_34, %mul3A_37 : i32
      %add3A_39 = arith.constant 0 : i32
      %add3A_40 = arith.addi %mul3A_38, %add3A_39 : i32
      %swap3A = arith.index_cast %add3A_40 : i32 to index
      %swap3A_41 = arith.constant 0 : index
      %swap3A_42 = tpu.vector_load %arg15[%swap3A, %swap3A_41] {strides = array<i32>} : memref<5000x16xf32, #tpu.memory_space<vmem>>, vector<16xf32>,
      tpu.vector_store %arg15[%swap3A, %swap3A_41], %broadcast_in_dim3A_36 {strides = array<i32>} : memref<5000x16xf32, #tpu.memory_space<vmem>>, vector<16xf32>,
      %broadcast_in_dim3A_43 = arith.constant 0.000000e+00 : f32
      %broadcast_in_dim3A_44 = vector.broadcast %broadcast_in_dim3A_43 : f32 to vector<16xf32>
      %mul3A_45 = arith.constant 8 : i32
      %mul3A_46 = arith.muli %scan3A_34, %mul3A_45 : i32
      %add3A_47 = arith.constant 1 : i32
      %add3A_48 = arith.addi %mul3A_46, %add3A_47 : i32
      %swap3A_49 = arith.index_cast %add3A_48 : i32 to index
      %swap3A_50 = arith.constant 0 : index
      %swap3A_51 = tpu.vector_load %arg15[%swap3A_49, %swap3A_50] {strides = array<i32>} : memref<5000x16xf32, #tpu.memory_space<vmem>>, vector<16xf32>,
      tpu.vector_store %arg15[%swap3A_49, %swap3A_50], %broadcast_in_dim3A_44 {strides = array<i32>} : memref<5000x16xf32, #tpu.memory_space<vmem>>, vector<16xf32>,
      %broadcast_in_dim3A_52 = arith.constant 0.000000e+00 : f32
      %broadcast_in_dim3A_53 = vector.broadcast %broadcast_in_dim3A_52 : f32 to vector<16xf32>
      %mul3A_54 = arith.constant 8 : i32
      %mul3A_55 = arith.muli %scan3A_34, %mul3A_54 : i32
      %add3A_56 = arith.constant 2 : i32
      %add3A_57 = arith.addi %mul3A_55, %add3A_56 : i32
      %swap3A_58 = arith.index_cast %add3A_57 : i32 to index
      %swap3A_59 = arith.constant 0 : index
      %swap3A_60 = tpu.vector_load %arg15[%swap3A_58, %swap3A_59] {strides = array<i32>} : memref<5000x16xf32, #tpu.memory_space<vmem>>, vector<16xf32>,
      tpu.vector_store %arg15[%swap3A_58, %swap3A_59], %broadcast_in_dim3A_53 {strides = array<i32>} : memref<5000x16xf32, #tpu.memory_space<vmem>>, vector<16xf32>,
      %broadcast_in_dim3A_61 = arith.constant 0.000000e+00 : f32
      %broadcast_in_dim3A_62 = vector.broadcast %broadcast_in_dim3A_61 : f32 to vector<16xf32>
      %mul3A_63 = arith.constant 8 : i32
      %mul3A_64 = arith.muli %scan3A_34, %mul3A_63 : i32
      %add3A_65 = arith.constant 3 : i32
      %add3A_66 = arith.addi %mul3A_64, %add3A_65 : i32
      %swap3A_67 = arith.index_cast %add3A_66 : i32 to index
      %swap3A_68 = arith.constant 0 : index
      %swap3A_69 = tpu.vector_load %arg15[%swap3A_67, %swap3A_68] {strides = array<i32>} : memref<5000x16xf32, #tpu.memory_space<vmem>>, vector<16xf32>,
      tpu.vector_store %arg15[%swap3A_67, %swap3A_68], %broadcast_in_dim3A_62 {strides = array<i32>} : memref<5000x16xf32, #tpu.memory_space<vmem>>, vector<16xf32>,
      %broadcast_in_dim3A_70 = arith.constant 0.000000e+00 : f32
      %broadcast_in_dim3A_71 = vector.broadcast %broadcast_in_dim3A_70 : f32 to vector<16xf32>
      %mul3A_72 = arith.constant 8 : i32
      %mul3A_73 = arith.muli %scan3A_34, %mul3A_72 : i32
      %add3A_74 = arith.constant 4 : i32
      %add3A_75 = arith.addi %mul3A_73, %add3A_74 : i32
      %swap3A_76 = arith.index_cast %add3A_75 : i32 to index
      %swap3A_77 = arith.constant 0 : index
      %swap3A_78 = tpu.vector_load %arg15[%swap3A_76, %swap3A_77] {strides = array<i32>} : memref<5000x16xf32, #tpu.memory_space<vmem>>, vector<16xf32>,
      tpu.vector_store %arg15[%swap3A_76, %swap3A_77], %broadcast_in_dim3A_71 {strides = array<i32>} : memref<5000x16xf32, #tpu.memory_space<vmem>>, vector<16xf32>,
      %broadcast_in_dim3A_79 = arith.constant 0.000000e+00 : f32
      %broadcast_in_dim3A_80 = vector.broadcast %broadcast_in_dim3A_79 : f32 to vector<16xf32>
      %mul3A_81 = arith.constant 8 : i32
      %mul3A_82 = arith.muli %scan3A_34, %mul3A_81 : i32
      %add3A_83 = arith.constant 5 : i32
      %add3A_84 = arith.addi %mul3A_82, %add3A_83 : i32
      %swap3A_85 = arith.index_cast %add3A_84 : i32 to index
      %swap3A_86 = arith.constant 0 : index
      %swap3A_87 = tpu.vector_load %arg15[%swap3A_85, %swap3A_86] {strides = array<i32>} : memref<5000x16xf32, #tpu.memory_space<vmem>>, vector<16xf32>,
      tpu.vector_store %arg15[%swap3A_85, %swap3A_86], %broadcast_in_dim3A_80 {strides = array<i32>} : memref<5000x16xf32, #tpu.memory_space<vmem>>, vector<16xf32>,
      %broadcast_in_dim3A_88 = arith.constant 0.000000e+00 : f32
      %broadcast_in_dim3A_89 = vector.broadcast %broadcast_in_dim3A_88 : f32 to vector<16xf32>
      %mul3A_90 = arith.constant 8 : i32
      %mul3A_91 = arith.muli %scan3A_34, %mul3A_90 : i32
      %add3A_92 = arith.constant 6 : i32
      %add3A_93 = arith.addi %mul3A_91, %add3A_92 : i32
      %swap3A_94 = arith.index_cast %add3A_93 : i32 to index
      %swap3A_95 = arith.constant 0 : index
      %swap3A_96 = tpu.vector_load %arg15[%swap3A_94, %swap3A_95] {strides = array<i32>} : memref<5000x16xf32, #tpu.memory_space<vmem>>, vector<16xf32>,
      tpu.vector_store %arg15[%swap3A_94, %swap3A_95], %broadcast_in_dim3A_89 {strides = array<i32>} : memref<5000x16xf32, #tpu.memory_space<vmem>>, vector<16xf32>,
      %broadcast_in_dim3A_97 = arith.constant 0.000000e+00 : f32
      %broadcast_in_dim3A_98 = vector.broadcast %broadcast_in_dim3A_97 : f32 to vector<16xf32>
      %mul3A_99 = arith.constant 8 : i32
      %mul3A_100 = arith.muli %scan3A_34, %mul3A_99 : i32
      %add3A_101 = arith.constant 7 : i32
      %add3A_102 = arith.addi %mul3A_100, %add3A_101 : i32
      %swap3A_103 = arith.index_cast %add3A_102 : i32 to index
      %swap3A_104 = arith.constant 0 : index
      %swap3A_105 = tpu.vector_load %arg15[%swap3A_103, %swap3A_104] {strides = array<i32>} : memref<5000x16xf32, #tpu.memory_space<vmem>>, vector<16xf32>,
      tpu.vector_store %arg15[%swap3A_103, %swap3A_104], %broadcast_in_dim3A_98 {strides = array<i32>} : memref<5000x16xf32, #tpu.memory_space<vmem>>, vector<16xf32>,
    }
    %scan3A_13 = arith.constant 625 : i32
    %scan3A_14 = arith.constant 0 : i32
    %scan3A_15 = arith.constant 0 : i32
    %scan3A_16 = arith.constant 625 : i32
    %scan3A_17 = arith.addi %scan3A_15, %scan3A_16 : i32
    %scan3A_18 = arith.constant 1 : i32
    scf.for %scan3A_34 = %scan3A_15 to %scan3A_17 step %scan3A_18  : i32 {
      %mul3A_35 = arith.constant 512 : i32
      %mul3A_36 = arith.muli %scan3A_34, %mul3A_35 : i32
      "tpu.region"() ({
        %run_scoped3A = tpu.sem_alloc : memref<!tpu.dma_semaphore, #tpu.memory_space<semaphore_mem>>
        %dma_start3A_127 = tpu.memref_slice %arg4[%mul3A_36] : memref<320000xi32, #tpu.memory_space<hbm>> -> memref<512xi32, #tpu.memory_space<hbm>>
        %dma_start3A_128 = tpu.memref_slice %arg4[%mul3A_36] : memref<320000xi32, #tpu.memory_space<hbm>> -> memref<512xi32, #tpu.memory_space<hbm>>
        tpu.enqueue_dma source(%dma_start3A_128 : memref<512xi32, #tpu.memory_space<hbm>>) target(%arg9 : memref<512xi32, #tpu.memory_space<vmem>>) target_semaphore(%run_scoped3A : memref<!tpu.dma_semaphore, #tpu.memory_space<semaphore_mem>>)
        %dma_wait3A_129 = tpu.memref_slice %arg4[%mul3A_36] : memref<320000xi32, #tpu.memory_space<hbm>> -> memref<512xi32, #tpu.memory_space<hbm>>
        %dma_wait3A_130 = tpu.memref_slice %arg4[%mul3A_36] : memref<320000xi32, #tpu.memory_space<hbm>> -> memref<512xi32, #tpu.memory_space<hbm>>
        tpu.wait_dma2 semaphore(%run_scoped3A : memref<!tpu.dma_semaphore, #tpu.memory_space<semaphore_mem>>) src(%dma_wait3A_130 : memref<512xi32, #tpu.memory_space<hbm>>) dst(%arg9 : memref<512xi32, #tpu.memory_space<vmem>>)
        tpu.yield
      }) : () -> ()
      "tpu.region"() ({
        %run_scoped3A = tpu.sem_alloc : memref<!tpu.dma_semaphore, #tpu.memory_space<semaphore_mem>>
        %dma_start3A_127 = arith.constant 0 : i32
        %dma_start3A_128 = tpu.memref_slice %arg5[%mul3A_36, %dma_start3A_127] : memref<320000x16xi32, #tpu.memory_space<hbm>> -> memref<512x16xi32, #tpu.memory_space<hbm>>
        %dma_start3A_129 = arith.constant 0 : i32
        %dma_start3A_130 = tpu.memref_slice %arg5[%mul3A_36, %dma_start3A_129] : memref<320000x16xi32, #tpu.memory_space<hbm>> -> memref<512x16xi32, #tpu.memory_space<hbm>>
        tpu.enqueue_dma source(%dma_start3A_130 : memref<512x16xi32, #tpu.memory_space<hbm>>) target(%arg10 : memref<512x16xi32, #tpu.memory_space<vmem>>) target_semaphore(%run_scoped3A : memref<!tpu.dma_semaphore, #tpu.memory_space<semaphore_mem>>)
        %dma_wait3A_131 = arith.constant 0 : i32
        %dma_wait3A_132 = tpu.memref_slice %arg5[%mul3A_36, %dma_wait3A_131] : memref<320000x16xi32, #tpu.memory_space<hbm>> -> memref<512x16xi32, #tpu.memory_space<hbm>>
        %dma_wait3A_133 = arith.constant 0 : i32
        %dma_wait3A_134 = tpu.memref_slice %arg5[%mul3A_36, %dma_wait3A_133] : memref<320000x16xi32, #tpu.memory_space<hbm>> -> memref<512x16xi32, #tpu.memory_space<hbm>>
        tpu.wait_dma2 semaphore(%run_scoped3A : memref<!tpu.dma_semaphore, #tpu.memory_space<semaphore_mem>>) src(%dma_wait3A_134 : memref<512x16xi32, #tpu.memory_space<hbm>>) dst(%arg10 : memref<512x16xi32, #tpu.memory_space<vmem>>)
        tpu.yield
      }) : () -> ()
      %scan3A_37 = arith.constant 0 : i32
      %scan3A_38 = arith.constant 0 : i32
      %scan3A_39 = arith.constant 32 : i32
      %scan3A_40 = arith.addi %scan3A_38, %scan3A_39 : i32
      %scan3A_41 = arith.constant 1 : i32
      scf.for %scan3A_127 = %scan3A_38 to %scan3A_40 step %scan3A_41  : i32 {
        %mul3A_128 = arith.constant 16 : i32
        %mul3A_129 = arith.muli %scan3A_127, %mul3A_128 : i32
        %get3A_130 = arith.index_cast %mul3A_129 : i32 to index
        %get3A_131 = tpu.vector_load %arg9[%get3A_130] {strides = array<i32>} : memref<512xi32, #tpu.memory_space<vmem>>, vector<16xi32>,
        %add3A_132 = arith.addi %get3A_131, %broadcast_in_dim3A : vector<16xi32>
        %jit3A = arith.constant 8 : i32
        %div3A = arith.divsi %scan3A_127, %jit3A : i32
        %sign3A = arith.constant 0 : i32
        %sign3A_133 = arith.cmpi sgt, %scan3A_127, %sign3A : i32
        %sign3A_134 = arith.extui %sign3A_133 : i1 to i32
        %sign3A_135 = arith.constant 0 : i32
        %sign3A_136 = arith.cmpi slt, %scan3A_127, %sign3A_135 : i32
        %sign3A_137 = arith.extui %sign3A_136 : i1 to i32
        %sign3A_138 = arith.subi %sign3A_134, %sign3A_137 : i32
        %sign3A_139 = arith.constant 0 : i32
        %sign3A_140 = arith.cmpi sgt, %jit3A, %sign3A_139 : i32
        %sign3A_141 = arith.extui %sign3A_140 : i1 to i32
        %sign3A_142 = arith.constant 0 : i32
        %sign3A_143 = arith.cmpi slt, %jit3A, %sign3A_142 : i32
        %sign3A_144 = arith.extui %sign3A_143 : i1 to i32
        %sign3A_145 = arith.subi %sign3A_141, %sign3A_144 : i32
        %ne3A = arith.cmpi ne, %sign3A_138, %sign3A_145 : i32
        %rem3A_146 = arith.remsi %scan3A_127, %jit3A : i32
        %ne3A_147 = arith.constant 0 : i32
        %ne3A_148 = arith.cmpi ne, %rem3A_146, %ne3A_147 : i32
        %and3A = arith.andi %ne3A, %ne3A_148 : i1
        %sub3A = arith.constant 1 : i32
        %sub3A_149 = arith.subi %div3A, %sub3A : i32
        %select_n3A = arith.select %and3A, %sub3A_149, %div3A : i32
        %mul3A_150 = arith.constant 8 : i32
        %mul3A_151 = arith.muli %select_n3A, %mul3A_150 : i32
        %sub3A_152 = arith.subi %scan3A_127, %mul3A_151 : i32
        %mul3A_153 = arith.constant 16 : i32
        %mul3A_154 = arith.muli %sub3A_152, %mul3A_153 : i32
        %swap3A = arith.index_cast %select_n3A : i32 to index
        %swap3A_155 = arith.index_cast %mul3A_154 : i32 to index
        %swap3A_156 = tpu.vector_load %arg11[%swap3A, %swap3A_155] {strides = array<i32>} : memref<4x128xi32, #tpu.memory_space<vmem>>, vector<16xi32>,
        tpu.vector_store %arg11[%swap3A, %swap3A_155], %add3A_132 {strides = array<i32>} : memref<4x128xi32, #tpu.memory_space<vmem>>, vector<16xi32>,
      }
      %scan3A_42 = arith.constant 32 : i32
      %dma_start3A = arith.constant 0 : i32
      %dma_start3A_43 = arith.constant 0 : i32
      %dma_start3A_44 = arith.constant 0 : i32
      %dma_start3A_45 = tpu.memref_slice %arg14[%dma_start3A_43, %dma_start3A_44] : memref<512x16xf32, #tpu.memory_space<vmem>> -> memref<128x16xf32, #tpu.memory_space<vmem>>
      %dma_start3A_46 = arith.constant 0 : i32
      %dma_start3A_47 = tpu.memref_slice %arg11[%dma_start3A, %dma_start3A_46] : memref<4x128xi32, #tpu.memory_space<vmem>> -> memref<1x128xi32, #tpu.memory_space<vmem>>
      %dma_start3A_48 = tpu.memref_squeeze %dma_start3A_47 : memref<1x128xi32, #tpu.memory_space<vmem>> -> memref<128xi32, #tpu.memory_space<vmem>>
      %dma_start3A_49 = arith.constant 0 : i32
      %dma_start3A_50 = arith.constant 0 : i32
      %dma_start3A_51 = tpu.memref_slice %arg6[%dma_start3A_49, %dma_start3A_50] : memref<320000x16xf32, #tpu.memory_space<hbm>> -> memref<320000x16xf32, #tpu.memory_space<hbm>>
      tpu.enqueue_indirect_dma source(%dma_start3A_51 : memref<320000x16xf32, #tpu.memory_space<hbm>>) target(%dma_start3A_45 : memref<128x16xf32, #tpu.memory_space<vmem>>) offsets(%dma_start3A_48 : memref<128xi32, #tpu.memory_space<vmem>>) semaphore(%arg17 : memref<!tpu.dma_semaphore, #tpu.memory_space<semaphore_mem>>)
      %dma_start3A_52 = arith.constant 1 : i32
      %dma_start3A_53 = arith.constant 128 : i32
      %dma_start3A_54 = arith.constant 0 : i32
      %dma_start3A_55 = tpu.memref_slice %arg14[%dma_start3A_53, %dma_start3A_54] : memref<512x16xf32, #tpu.memory_space<vmem>> -> memref<128x16xf32, #tpu.memory_space<vmem>>
      %dma_start3A_56 = arith.constant 0 : i32
      %dma_start3A_57 = tpu.memref_slice %arg11[%dma_start3A_52, %dma_start3A_56] : memref<4x128xi32, #tpu.memory_space<vmem>> -> memref<1x128xi32, #tpu.memory_space<vmem>>
      %dma_start3A_58 = tpu.memref_squeeze %dma_start3A_57 : memref<1x128xi32, #tpu.memory_space<vmem>> -> memref<128xi32, #tpu.memory_space<vmem>>
      %dma_start3A_59 = arith.constant 0 : i32
      %dma_start3A_60 = arith.constant 0 : i32
      %dma_start3A_61 = tpu.memref_slice %arg6[%dma_start3A_59, %dma_start3A_60] : memref<320000x16xf32, #tpu.memory_space<hbm>> -> memref<320000x16xf32, #tpu.memory_space<hbm>>
      tpu.enqueue_indirect_dma source(%dma_start3A_61 : memref<320000x16xf32, #tpu.memory_space<hbm>>) target(%dma_start3A_55 : memref<128x16xf32, #tpu.memory_space<vmem>>) offsets(%dma_start3A_58 : memref<128xi32, #tpu.memory_space<vmem>>) semaphore(%arg17 : memref<!tpu.dma_semaphore, #tpu.memory_space<semaphore_mem>>)
      %dma_start3A_62 = arith.constant 2 : i32
      %dma_start3A_63 = arith.constant 256 : i32
      %dma_start3A_64 = arith.constant 0 : i32
      %dma_start3A_65 = tpu.memref_slice %arg14[%dma_start3A_63, %dma_start3A_64] : memref<512x16xf32, #tpu.memory_space<vmem>> -> memref<128x16xf32, #tpu.memory_space<vmem>>
      %dma_start3A_66 = arith.constant 0 : i32
      %dma_start3A_67 = tpu.memref_slice %arg11[%dma_start3A_62, %dma_start3A_66] : memref<4x128xi32, #tpu.memory_space<vmem>> -> memref<1x128xi32, #tpu.memory_space<vmem>>
      %dma_start3A_68 = tpu.memref_squeeze %dma_start3A_67 : memref<1x128xi32, #tpu.memory_space<vmem>> -> memref<128xi32, #tpu.memory_space<vmem>>
      %dma_start3A_69 = arith.constant 0 : i32
      %dma_start3A_70 = arith.constant 0 : i32
      %dma_start3A_71 = tpu.memref_slice %arg6[%dma_start3A_69, %dma_start3A_70] : memref<320000x16xf32, #tpu.memory_space<hbm>> -> memref<320000x16xf32, #tpu.memory_space<hbm>>
      tpu.enqueue_indirect_dma source(%dma_start3A_71 : memref<320000x16xf32, #tpu.memory_space<hbm>>) target(%dma_start3A_65 : memref<128x16xf32, #tpu.memory_space<vmem>>) offsets(%dma_start3A_68 : memref<128xi32, #tpu.memory_space<vmem>>) semaphore(%arg17 : memref<!tpu.dma_semaphore, #tpu.memory_space<semaphore_mem>>)
      %dma_start3A_72 = arith.constant 3 : i32
      %dma_start3A_73 = arith.constant 384 : i32
      %dma_start3A_74 = arith.constant 0 : i32
      %dma_start3A_75 = tpu.memref_slice %arg14[%dma_start3A_73, %dma_start3A_74] : memref<512x16xf32, #tpu.memory_space<vmem>> -> memref<128x16xf32, #tpu.memory_space<vmem>>
      %dma_start3A_76 = arith.constant 0 : i32
      %dma_start3A_77 = tpu.memref_slice %arg11[%dma_start3A_72, %dma_start3A_76] : memref<4x128xi32, #tpu.memory_space<vmem>> -> memref<1x128xi32, #tpu.memory_space<vmem>>
      %dma_start3A_78 = tpu.memref_squeeze %dma_start3A_77 : memref<1x128xi32, #tpu.memory_space<vmem>> -> memref<128xi32, #tpu.memory_space<vmem>>
      %dma_start3A_79 = arith.constant 0 : i32
      %dma_start3A_80 = arith.constant 0 : i32
      %dma_start3A_81 = tpu.memref_slice %arg6[%dma_start3A_79, %dma_start3A_80] : memref<320000x16xf32, #tpu.memory_space<hbm>> -> memref<320000x16xf32, #tpu.memory_space<hbm>>
      tpu.enqueue_indirect_dma source(%dma_start3A_81 : memref<320000x16xf32, #tpu.memory_space<hbm>>) target(%dma_start3A_75 : memref<128x16xf32, #tpu.memory_space<vmem>>) offsets(%dma_start3A_78 : memref<128xi32, #tpu.memory_space<vmem>>) semaphore(%arg17 : memref<!tpu.dma_semaphore, #tpu.memory_space<semaphore_mem>>)
      "tpu.region"() ({
        %run_scoped3A = tpu.sem_alloc : memref<!tpu.dma_semaphore, #tpu.memory_space<semaphore_mem>>
        %dma_start3A_127 = arith.constant 0 : i32
        %dma_start3A_128 = tpu.memref_slice %arg2[%add3A, %mul3A_36, %dma_start3A_127] : memref<32x320000x16xf32, #tpu.memory_space<hbm>> -> memref<1x512x16xf32, #tpu.memory_space<hbm>>
        %dma_start3A_129 = tpu.memref_squeeze %dma_start3A_128 : memref<1x512x16xf32, #tpu.memory_space<hbm>> -> memref<512x16xf32, #tpu.memory_space<hbm>>
        %dma_start3A_130 = arith.constant 0 : i32
        %dma_start3A_131 = tpu.memref_slice %arg2[%add3A, %mul3A_36, %dma_start3A_130] : memref<32x320000x16xf32, #tpu.memory_space<hbm>> -> memref<1x512x16xf32, #tpu.memory_space<hbm>>
        %dma_start3A_132 = tpu.memref_squeeze %dma_start3A_131 : memref<1x512x16xf32, #tpu.memory_space<hbm>> -> memref<512x16xf32, #tpu.memory_space<hbm>>
        tpu.enqueue_dma source(%dma_start3A_132 : memref<512x16xf32, #tpu.memory_space<hbm>>) target(%arg12 : memref<512x16xf32, #tpu.memory_space<vmem>>) target_semaphore(%run_scoped3A : memref<!tpu.dma_semaphore, #tpu.memory_space<semaphore_mem>>)
        %dma_wait3A_133 = arith.constant 0 : i32
        %dma_wait3A_134 = tpu.memref_slice %arg2[%add3A, %mul3A_36, %dma_wait3A_133] : memref<32x320000x16xf32, #tpu.memory_space<hbm>> -> memref<1x512x16xf32, #tpu.memory_space<hbm>>
        %dma_wait3A_135 = tpu.memref_squeeze %dma_wait3A_134 : memref<1x512x16xf32, #tpu.memory_space<hbm>> -> memref<512x16xf32, #tpu.memory_space<hbm>>
        %dma_wait3A_136 = arith.constant 0 : i32
        %dma_wait3A_137 = tpu.memref_slice %arg2[%add3A, %mul3A_36, %dma_wait3A_136] : memref<32x320000x16xf32, #tpu.memory_space<hbm>> -> memref<1x512x16xf32, #tpu.memory_space<hbm>>
        %dma_wait3A_138 = tpu.memref_squeeze %dma_wait3A_137 : memref<1x512x16xf32, #tpu.memory_space<hbm>> -> memref<512x16xf32, #tpu.memory_space<hbm>>
        tpu.wait_dma2 semaphore(%run_scoped3A : memref<!tpu.dma_semaphore, #tpu.memory_space<semaphore_mem>>) src(%dma_wait3A_138 : memref<512x16xf32, #tpu.memory_space<hbm>>) dst(%arg12 : memref<512x16xf32, #tpu.memory_space<vmem>>)
        tpu.yield
      }) : () -> ()
      "tpu.region"() ({
        %run_scoped3A = tpu.sem_alloc : memref<!tpu.dma_semaphore, #tpu.memory_space<semaphore_mem>>
        %dma_start3A_127 = arith.constant 0 : i32
        %dma_start3A_128 = tpu.memref_slice %arg3[%rem3A_1, %mul3A_36, %dma_start3A_127] : memref<8x320000x16xf32, #tpu.memory_space<hbm>> -> memref<1x512x16xf32, #tpu.memory_space<hbm>>
        %dma_start3A_129 = tpu.memref_squeeze %dma_start3A_128 : memref<1x512x16xf32, #tpu.memory_space<hbm>> -> memref<512x16xf32, #tpu.memory_space<hbm>>
        %dma_start3A_130 = arith.constant 0 : i32
        %dma_start3A_131 = tpu.memref_slice %arg3[%rem3A_1, %mul3A_36, %dma_start3A_130] : memref<8x320000x16xf32, #tpu.memory_space<hbm>> -> memref<1x512x16xf32, #tpu.memory_space<hbm>>
        %dma_start3A_132 = tpu.memref_squeeze %dma_start3A_131 : memref<1x512x16xf32, #tpu.memory_space<hbm>> -> memref<512x16xf32, #tpu.memory_space<hbm>>
        tpu.enqueue_dma source(%dma_start3A_132 : memref<512x16xf32, #tpu.memory_space<hbm>>) target(%arg13 : memref<512x16xf32, #tpu.memory_space<vmem>>) target_semaphore(%run_scoped3A : memref<!tpu.dma_semaphore, #tpu.memory_space<semaphore_mem>>)
        %dma_wait3A_133 = arith.constant 0 : i32
        %dma_wait3A_134 = tpu.memref_slice %arg3[%rem3A_1, %mul3A_36, %dma_wait3A_133] : memref<8x320000x16xf32, #tpu.memory_space<hbm>> -> memref<1x512x16xf32, #tpu.memory_space<hbm>>
        %dma_wait3A_135 = tpu.memref_squeeze %dma_wait3A_134 : memref<1x512x16xf32, #tpu.memory_space<hbm>> -> memref<512x16xf32, #tpu.memory_space<hbm>>
        %dma_wait3A_136 = arith.constant 0 : i32
        %dma_wait3A_137 = tpu.memref_slice %arg3[%rem3A_1, %mul3A_36, %dma_wait3A_136] : memref<8x320000x16xf32, #tpu.memory_space<hbm>> -> memref<1x512x16xf32, #tpu.memory_space<hbm>>
        %dma_wait3A_138 = tpu.memref_squeeze %dma_wait3A_137 : memref<1x512x16xf32, #tpu.memory_space<hbm>> -> memref<512x16xf32, #tpu.memory_space<hbm>>
        tpu.wait_dma2 semaphore(%run_scoped3A : memref<!tpu.dma_semaphore, #tpu.memory_space<semaphore_mem>>) src(%dma_wait3A_138 : memref<512x16xf32, #tpu.memory_space<hbm>>) dst(%arg13 : memref<512x16xf32, #tpu.memory_space<vmem>>)
        tpu.yield
      }) : () -> ()
      %dma_wait3A = arith.constant 0 : i32
      %dma_wait3A_82 = arith.constant 0 : i32
      %dma_wait3A_83 = arith.constant 0 : i32
      %dma_wait3A_84 = tpu.memref_slice %arg14[%dma_wait3A_82, %dma_wait3A_83] : memref<512x16xf32, #tpu.memory_space<vmem>> -> memref<128x16xf32, #tpu.memory_space<vmem>>
      %dma_wait3A_85 = arith.constant 0 : i32
      %dma_wait3A_86 = tpu.memref_slice %arg11[%dma_wait3A, %dma_wait3A_85] : memref<4x128xi32, #tpu.memory_space<vmem>> -> memref<1x128xi32, #tpu.memory_space<vmem>>
      %dma_wait3A_87 = tpu.memref_squeeze %dma_wait3A_86 : memref<1x128xi32, #tpu.memory_space<vmem>> -> memref<128xi32, #tpu.memory_space<vmem>>
      %dma_wait3A_88 = arith.constant 0 : i32
      %dma_wait3A_89 = arith.constant 0 : i32
      %dma_wait3A_90 = tpu.memref_slice %arg6[%dma_wait3A_88, %dma_wait3A_89] : memref<320000x16xf32, #tpu.memory_space<hbm>> -> memref<320000x16xf32, #tpu.memory_space<hbm>>
      tpu.wait_indirect_dma semaphore(%arg17 : memref<!tpu.dma_semaphore, #tpu.memory_space<semaphore_mem>>) src(%dma_wait3A_90 : memref<320000x16xf32, #tpu.memory_space<hbm>>) dst(%dma_wait3A_84 : memref<128x16xf32, #tpu.memory_space<vmem>>)
      %dma_wait3A_91 = arith.constant 1 : i32
      %dma_wait3A_92 = arith.constant 128 : i32
      %dma_wait3A_93 = arith.constant 0 : i32
      %dma_wait3A_94 = tpu.memref_slice %arg14[%dma_wait3A_92, %dma_wait3A_93] : memref<512x16xf32, #tpu.memory_space<vmem>> -> memref<128x16xf32, #tpu.memory_space<vmem>>
      %dma_wait3A_95 = arith.constant 0 : i32
      %dma_wait3A_96 = tpu.memref_slice %arg11[%dma_wait3A_91, %dma_wait3A_95] : memref<4x128xi32, #tpu.memory_space<vmem>> -> memref<1x128xi32, #tpu.memory_space<vmem>>
      %dma_wait3A_97 = tpu.memref_squeeze %dma_wait3A_96 : memref<1x128xi32, #tpu.memory_space<vmem>> -> memref<128xi32, #tpu.memory_space<vmem>>
      %dma_wait3A_98 = arith.constant 0 : i32
      %dma_wait3A_99 = arith.constant 0 : i32
      %dma_wait3A_100 = tpu.memref_slice %arg6[%dma_wait3A_98, %dma_wait3A_99] : memref<320000x16xf32, #tpu.memory_space<hbm>> -> memref<320000x16xf32, #tpu.memory_space<hbm>>
      tpu.wait_indirect_dma semaphore(%arg17 : memref<!tpu.dma_semaphore, #tpu.memory_space<semaphore_mem>>) src(%dma_wait3A_100 : memref<320000x16xf32, #tpu.memory_space<hbm>>) dst(%dma_wait3A_94 : memref<128x16xf32, #tpu.memory_space<vmem>>)
      %dma_wait3A_101 = arith.constant 2 : i32
      %dma_wait3A_102 = arith.constant 256 : i32
      %dma_wait3A_103 = arith.constant 0 : i32
      %dma_wait3A_104 = tpu.memref_slice %arg14[%dma_wait3A_102, %dma_wait3A_103] : memref<512x16xf32, #tpu.memory_space<vmem>> -> memref<128x16xf32, #tpu.memory_space<vmem>>
      %dma_wait3A_105 = arith.constant 0 : i32
      %dma_wait3A_106 = tpu.memref_slice %arg11[%dma_wait3A_101, %dma_wait3A_105] : memref<4x128xi32, #tpu.memory_space<vmem>> -> memref<1x128xi32, #tpu.memory_space<vmem>>
      %dma_wait3A_107 = tpu.memref_squeeze %dma_wait3A_106 : memref<1x128xi32, #tpu.memory_space<vmem>> -> memref<128xi32, #tpu.memory_space<vmem>>
      %dma_wait3A_108 = arith.constant 0 : i32
      %dma_wait3A_109 = arith.constant 0 : i32
      %dma_wait3A_110 = tpu.memref_slice %arg6[%dma_wait3A_108, %dma_wait3A_109] : memref<320000x16xf32, #tpu.memory_space<hbm>> -> memref<320000x16xf32, #tpu.memory_space<hbm>>
      tpu.wait_indirect_dma semaphore(%arg17 : memref<!tpu.dma_semaphore, #tpu.memory_space<semaphore_mem>>) src(%dma_wait3A_110 : memref<320000x16xf32, #tpu.memory_space<hbm>>) dst(%dma_wait3A_104 : memref<128x16xf32, #tpu.memory_space<vmem>>)
      %dma_wait3A_111 = arith.constant 3 : i32
      %dma_wait3A_112 = arith.constant 384 : i32
      %dma_wait3A_113 = arith.constant 0 : i32
      %dma_wait3A_114 = tpu.memref_slice %arg14[%dma_wait3A_112, %dma_wait3A_113] : memref<512x16xf32, #tpu.memory_space<vmem>> -> memref<128x16xf32, #tpu.memory_space<vmem>>
      %dma_wait3A_115 = arith.constant 0 : i32
      %dma_wait3A_116 = tpu.memref_slice %arg11[%dma_wait3A_111, %dma_wait3A_115] : memref<4x128xi32, #tpu.memory_space<vmem>> -> memref<1x128xi32, #tpu.memory_space<vmem>>
      %dma_wait3A_117 = tpu.memref_squeeze %dma_wait3A_116 : memref<1x128xi32, #tpu.memory_space<vmem>> -> memref<128xi32, #tpu.memory_space<vmem>>
      %dma_wait3A_118 = arith.constant 0 : i32
      %dma_wait3A_119 = arith.constant 0 : i32
      %dma_wait3A_120 = tpu.memref_slice %arg6[%dma_wait3A_118, %dma_wait3A_119] : memref<320000x16xf32, #tpu.memory_space<hbm>> -> memref<320000x16xf32, #tpu.memory_space<hbm>>
      tpu.wait_indirect_dma semaphore(%arg17 : memref<!tpu.dma_semaphore, #tpu.memory_space<semaphore_mem>>) src(%dma_wait3A_120 : memref<320000x16xf32, #tpu.memory_space<hbm>>) dst(%dma_wait3A_114 : memref<128x16xf32, #tpu.memory_space<vmem>>)
      %scan3A_121 = arith.constant 0 : i32
      %scan3A_122 = arith.constant 0 : i32
      %scan3A_123 = arith.constant 64 : i32
      %scan3A_124 = arith.addi %scan3A_122, %scan3A_123 : i32
      %scan3A_125 = arith.constant 1 : i32
      scf.for %scan3A_127 = %scan3A_122 to %scan3A_124 step %scan3A_125  : i32 {
        %mul3A_128 = arith.constant 8 : i32
        %mul3A_129 = arith.muli %scan3A_127, %mul3A_128 : i32
        %add3A_130 = arith.constant 0 : i32
        %add3A_131 = arith.addi %mul3A_129, %add3A_130 : i32
        %get3A_132 = arith.index_cast %add3A_131 : i32 to index
        %get3A_133 = arith.constant 0 : index
        %get3A_134 = tpu.vector_load %arg10[%get3A_132, %get3A_133] {strides = array<i32>} : memref<512x16xi32, #tpu.memory_space<vmem>>, vector<16xi32>,
        %sub3A = arith.subi %get3A_134, %broadcast_in_dim3A_8 : vector<16xi32>
        %bitcast_convert_type3A = tpu.bitcast %sub3A : vector<16xi32> -> vector<16xi32>
        %lt3A = arith.cmpi ult, %bitcast_convert_type3A, %broadcast_in_dim3A_6 : vector<16xi32>
        %get3A_135 = arith.index_cast %add3A_131 : i32 to index
        %get3A_136 = arith.constant 0 : index
        %get3A_137 = tpu.vector_load %arg12[%get3A_135, %get3A_136] {strides = array<i32>} : memref<512x16xf32, #tpu.memory_space<vmem>>, vector<16xf32>,
        %get3A_138 = arith.index_cast %add3A_131 : i32 to index
        %get3A_139 = arith.constant 0 : index
        %get3A_140 = tpu.vector_load %arg14[%get3A_138, %get3A_139] {strides = array<i32>} : memref<512x16xf32, #tpu.memory_space<vmem>>, vector<16xf32>,
        %mul3A_141 = arith.mulf %get3A_137, %get3A_140 : vector<16xf32>
        %get3A_142 = arith.index_cast %add3A_131 : i32 to index
        %get3A_143 = arith.constant 0 : index
        %get3A_144 = tpu.vector_load %arg13[%get3A_142, %get3A_143] {strides = array<i32>} : memref<512x16xf32, #tpu.memory_space<vmem>>, vector<16xf32>,
        %mul3A_145 = arith.mulf %mul3A_141, %get3A_144 : vector<16xf32>
        tpu.vector_store_idx %arg15[%sub3A, %iota3A], %mul3A_145 masked %lt3A {add = true} : memref<5000x16xf32, #tpu.memory_space<vmem>>[vector<16xi32>, vector<16xi32>], vector<16xf32>, vector<16xi1>
        %mul3A_146 = arith.constant 8 : i32
        %mul3A_147 = arith.muli %scan3A_127, %mul3A_146 : i32
        %add3A_148 = arith.constant 1 : i32
        %add3A_149 = arith.addi %mul3A_147, %add3A_148 : i32
        %get3A_150 = arith.index_cast %add3A_149 : i32 to index
        %get3A_151 = arith.constant 0 : index
        %get3A_152 = tpu.vector_load %arg10[%get3A_150, %get3A_151] {strides = array<i32>} : memref<512x16xi32, #tpu.memory_space<vmem>>, vector<16xi32>,
        %sub3A_153 = arith.subi %get3A_152, %broadcast_in_dim3A_8 : vector<16xi32>
        %bitcast_convert_type3A_154 = tpu.bitcast %sub3A_153 : vector<16xi32> -> vector<16xi32>
        %lt3A_155 = arith.cmpi ult, %bitcast_convert_type3A_154, %broadcast_in_dim3A_6 : vector<16xi32>
        %get3A_156 = arith.index_cast %add3A_149 : i32 to index
        %get3A_157 = arith.constant 0 : index
        %get3A_158 = tpu.vector_load %arg12[%get3A_156, %get3A_157] {strides = array<i32>} : memref<512x16xf32, #tpu.memory_space<vmem>>, vector<16xf32>,
        %get3A_159 = arith.index_cast %add3A_149 : i32 to index
        %get3A_160 = arith.constant 0 : index
        %get3A_161 = tpu.vector_load %arg14[%get3A_159, %get3A_160] {strides = array<i32>} : memref<512x16xf32, #tpu.memory_space<vmem>>, vector<16xf32>,
        %mul3A_162 = arith.mulf %get3A_158, %get3A_161 : vector<16xf32>
        %get3A_163 = arith.index_cast %add3A_149 : i32 to index
        %get3A_164 = arith.constant 0 : index
        %get3A_165 = tpu.vector_load %arg13[%get3A_163, %get3A_164] {strides = array<i32>} : memref<512x16xf32, #tpu.memory_space<vmem>>, vector<16xf32>,
        %mul3A_166 = arith.mulf %mul3A_162, %get3A_165 : vector<16xf32>
        tpu.vector_store_idx %arg15[%sub3A_153, %iota3A], %mul3A_166 masked %lt3A_155 {add = true} : memref<5000x16xf32, #tpu.memory_space<vmem>>[vector<16xi32>, vector<16xi32>], vector<16xf32>, vector<16xi1>
        %mul3A_167 = arith.constant 8 : i32
        %mul3A_168 = arith.muli %scan3A_127, %mul3A_167 : i32
        %add3A_169 = arith.constant 2 : i32
        %add3A_170 = arith.addi %mul3A_168, %add3A_169 : i32
        %get3A_171 = arith.index_cast %add3A_170 : i32 to index
        %get3A_172 = arith.constant 0 : index
        %get3A_173 = tpu.vector_load %arg10[%get3A_171, %get3A_172] {strides = array<i32>} : memref<512x16xi32, #tpu.memory_space<vmem>>, vector<16xi32>,
        %sub3A_174 = arith.subi %get3A_173, %broadcast_in_dim3A_8 : vector<16xi32>
        %bitcast_convert_type3A_175 = tpu.bitcast %sub3A_174 : vector<16xi32> -> vector<16xi32>
        %lt3A_176 = arith.cmpi ult, %bitcast_convert_type3A_175, %broadcast_in_dim3A_6 : vector<16xi32>
        %get3A_177 = arith.index_cast %add3A_170 : i32 to index
        %get3A_178 = arith.constant 0 : index
        %get3A_179 = tpu.vector_load %arg12[%get3A_177, %get3A_178] {strides = array<i32>} : memref<512x16xf32, #tpu.memory_space<vmem>>, vector<16xf32>,
        %get3A_180 = arith.index_cast %add3A_170 : i32 to index
        %get3A_181 = arith.constant 0 : index
        %get3A_182 = tpu.vector_load %arg14[%get3A_180, %get3A_181] {strides = array<i32>} : memref<512x16xf32, #tpu.memory_space<vmem>>, vector<16xf32>,
        %mul3A_183 = arith.mulf %get3A_179, %get3A_182 : vector<16xf32>
        %get3A_184 = arith.index_cast %add3A_170 : i32 to index
        %get3A_185 = arith.constant 0 : index
        %get3A_186 = tpu.vector_load %arg13[%get3A_184, %get3A_185] {strides = array<i32>} : memref<512x16xf32, #tpu.memory_space<vmem>>, vector<16xf32>,
        %mul3A_187 = arith.mulf %mul3A_183, %get3A_186 : vector<16xf32>
        tpu.vector_store_idx %arg15[%sub3A_174, %iota3A], %mul3A_187 masked %lt3A_176 {add = true} : memref<5000x16xf32, #tpu.memory_space<vmem>>[vector<16xi32>, vector<16xi32>], vector<16xf32>, vector<16xi1>
        %mul3A_188 = arith.constant 8 : i32
        %mul3A_189 = arith.muli %scan3A_127, %mul3A_188 : i32
        %add3A_190 = arith.constant 3 : i32
        %add3A_191 = arith.addi %mul3A_189, %add3A_190 : i32
        %get3A_192 = arith.index_cast %add3A_191 : i32 to index
        %get3A_193 = arith.constant 0 : index
        %get3A_194 = tpu.vector_load %arg10[%get3A_192, %get3A_193] {strides = array<i32>} : memref<512x16xi32, #tpu.memory_space<vmem>>, vector<16xi32>,
        %sub3A_195 = arith.subi %get3A_194, %broadcast_in_dim3A_8 : vector<16xi32>
        %bitcast_convert_type3A_196 = tpu.bitcast %sub3A_195 : vector<16xi32> -> vector<16xi32>
        %lt3A_197 = arith.cmpi ult, %bitcast_convert_type3A_196, %broadcast_in_dim3A_6 : vector<16xi32>
        %get3A_198 = arith.index_cast %add3A_191 : i32 to index
        %get3A_199 = arith.constant 0 : index
        %get3A_200 = tpu.vector_load %arg12[%get3A_198, %get3A_199] {strides = array<i32>} : memref<512x16xf32, #tpu.memory_space<vmem>>, vector<16xf32>,
        %get3A_201 = arith.index_cast %add3A_191 : i32 to index
        %get3A_202 = arith.constant 0 : index
        %get3A_203 = tpu.vector_load %arg14[%get3A_201, %get3A_202] {strides = array<i32>} : memref<512x16xf32, #tpu.memory_space<vmem>>, vector<16xf32>,
        %mul3A_204 = arith.mulf %get3A_200, %get3A_203 : vector<16xf32>
        %get3A_205 = arith.index_cast %add3A_191 : i32 to index
        %get3A_206 = arith.constant 0 : index
        %get3A_207 = tpu.vector_load %arg13[%get3A_205, %get3A_206] {strides = array<i32>} : memref<512x16xf32, #tpu.memory_space<vmem>>, vector<16xf32>,
        %mul3A_208 = arith.mulf %mul3A_204, %get3A_207 : vector<16xf32>
        tpu.vector_store_idx %arg15[%sub3A_195, %iota3A], %mul3A_208 masked %lt3A_197 {add = true} : memref<5000x16xf32, #tpu.memory_space<vmem>>[vector<16xi32>, vector<16xi32>], vector<16xf32>, vector<16xi1>
        %mul3A_209 = arith.constant 8 : i32
        %mul3A_210 = arith.muli %scan3A_127, %mul3A_209 : i32
        %add3A_211 = arith.constant 4 : i32
        %add3A_212 = arith.addi %mul3A_210, %add3A_211 : i32
        %get3A_213 = arith.index_cast %add3A_212 : i32 to index
        %get3A_214 = arith.constant 0 : index
        %get3A_215 = tpu.vector_load %arg10[%get3A_213, %get3A_214] {strides = array<i32>} : memref<512x16xi32, #tpu.memory_space<vmem>>, vector<16xi32>,
        %sub3A_216 = arith.subi %get3A_215, %broadcast_in_dim3A_8 : vector<16xi32>
        %bitcast_convert_type3A_217 = tpu.bitcast %sub3A_216 : vector<16xi32> -> vector<16xi32>
        %lt3A_218 = arith.cmpi ult, %bitcast_convert_type3A_217, %broadcast_in_dim3A_6 : vector<16xi32>
        %get3A_219 = arith.index_cast %add3A_212 : i32 to index
        %get3A_220 = arith.constant 0 : index
        %get3A_221 = tpu.vector_load %arg12[%get3A_219, %get3A_220] {strides = array<i32>} : memref<512x16xf32, #tpu.memory_space<vmem>>, vector<16xf32>,
        %get3A_222 = arith.index_cast %add3A_212 : i32 to index
        %get3A_223 = arith.constant 0 : index
        %get3A_224 = tpu.vector_load %arg14[%get3A_222, %get3A_223] {strides = array<i32>} : memref<512x16xf32, #tpu.memory_space<vmem>>, vector<16xf32>,
        %mul3A_225 = arith.mulf %get3A_221, %get3A_224 : vector<16xf32>
        %get3A_226 = arith.index_cast %add3A_212 : i32 to index
        %get3A_227 = arith.constant 0 : index
        %get3A_228 = tpu.vector_load %arg13[%get3A_226, %get3A_227] {strides = array<i32>} : memref<512x16xf32, #tpu.memory_space<vmem>>, vector<16xf32>,
        %mul3A_229 = arith.mulf %mul3A_225, %get3A_228 : vector<16xf32>
        tpu.vector_store_idx %arg15[%sub3A_216, %iota3A], %mul3A_229 masked %lt3A_218 {add = true} : memref<5000x16xf32, #tpu.memory_space<vmem>>[vector<16xi32>, vector<16xi32>], vector<16xf32>, vector<16xi1>
        %mul3A_230 = arith.constant 8 : i32
        %mul3A_231 = arith.muli %scan3A_127, %mul3A_230 : i32
        %add3A_232 = arith.constant 5 : i32
        %add3A_233 = arith.addi %mul3A_231, %add3A_232 : i32
        %get3A_234 = arith.index_cast %add3A_233 : i32 to index
        %get3A_235 = arith.constant 0 : index
        %get3A_236 = tpu.vector_load %arg10[%get3A_234, %get3A_235] {strides = array<i32>} : memref<512x16xi32, #tpu.memory_space<vmem>>, vector<16xi32>,
        %sub3A_237 = arith.subi %get3A_236, %broadcast_in_dim3A_8 : vector<16xi32>
        %bitcast_convert_type3A_238 = tpu.bitcast %sub3A_237 : vector<16xi32> -> vector<16xi32>
        %lt3A_239 = arith.cmpi ult, %bitcast_convert_type3A_238, %broadcast_in_dim3A_6 : vector<16xi32>
        %get3A_240 = arith.index_cast %add3A_233 : i32 to index
        %get3A_241 = arith.constant 0 : index
        %get3A_242 = tpu.vector_load %arg12[%get3A_240, %get3A_241] {strides = array<i32>} : memref<512x16xf32, #tpu.memory_space<vmem>>, vector<16xf32>,
        %get3A_243 = arith.index_cast %add3A_233 : i32 to index
        %get3A_244 = arith.constant 0 : index
        %get3A_245 = tpu.vector_load %arg14[%get3A_243, %get3A_244] {strides = array<i32>} : memref<512x16xf32, #tpu.memory_space<vmem>>, vector<16xf32>,
        %mul3A_246 = arith.mulf %get3A_242, %get3A_245 : vector<16xf32>
        %get3A_247 = arith.index_cast %add3A_233 : i32 to index
        %get3A_248 = arith.constant 0 : index
        %get3A_249 = tpu.vector_load %arg13[%get3A_247, %get3A_248] {strides = array<i32>} : memref<512x16xf32, #tpu.memory_space<vmem>>, vector<16xf32>,
        %mul3A_250 = arith.mulf %mul3A_246, %get3A_249 : vector<16xf32>
        tpu.vector_store_idx %arg15[%sub3A_237, %iota3A], %mul3A_250 masked %lt3A_239 {add = true} : memref<5000x16xf32, #tpu.memory_space<vmem>>[vector<16xi32>, vector<16xi32>], vector<16xf32>, vector<16xi1>
        %mul3A_251 = arith.constant 8 : i32
        %mul3A_252 = arith.muli %scan3A_127, %mul3A_251 : i32
        %add3A_253 = arith.constant 6 : i32
        %add3A_254 = arith.addi %mul3A_252, %add3A_253 : i32
        %get3A_255 = arith.index_cast %add3A_254 : i32 to index
        %get3A_256 = arith.constant 0 : index
        %get3A_257 = tpu.vector_load %arg10[%get3A_255, %get3A_256] {strides = array<i32>} : memref<512x16xi32, #tpu.memory_space<vmem>>, vector<16xi32>,
        %sub3A_258 = arith.subi %get3A_257, %broadcast_in_dim3A_8 : vector<16xi32>
        %bitcast_convert_type3A_259 = tpu.bitcast %sub3A_258 : vector<16xi32> -> vector<16xi32>
        %lt3A_260 = arith.cmpi ult, %bitcast_convert_type3A_259, %broadcast_in_dim3A_6 : vector<16xi32>
        %get3A_261 = arith.index_cast %add3A_254 : i32 to index
        %get3A_262 = arith.constant 0 : index
        %get3A_263 = tpu.vector_load %arg12[%get3A_261, %get3A_262] {strides = array<i32>} : memref<512x16xf32, #tpu.memory_space<vmem>>, vector<16xf32>,
        %get3A_264 = arith.index_cast %add3A_254 : i32 to index
        %get3A_265 = arith.constant 0 : index
        %get3A_266 = tpu.vector_load %arg14[%get3A_264, %get3A_265] {strides = array<i32>} : memref<512x16xf32, #tpu.memory_space<vmem>>, vector<16xf32>,
        %mul3A_267 = arith.mulf %get3A_263, %get3A_266 : vector<16xf32>
        %get3A_268 = arith.index_cast %add3A_254 : i32 to index
        %get3A_269 = arith.constant 0 : index
        %get3A_270 = tpu.vector_load %arg13[%get3A_268, %get3A_269] {strides = array<i32>} : memref<512x16xf32, #tpu.memory_space<vmem>>, vector<16xf32>,
        %mul3A_271 = arith.mulf %mul3A_267, %get3A_270 : vector<16xf32>
        tpu.vector_store_idx %arg15[%sub3A_258, %iota3A], %mul3A_271 masked %lt3A_260 {add = true} : memref<5000x16xf32, #tpu.memory_space<vmem>>[vector<16xi32>, vector<16xi32>], vector<16xf32>, vector<16xi1>
        %mul3A_272 = arith.constant 8 : i32
        %mul3A_273 = arith.muli %scan3A_127, %mul3A_272 : i32
        %add3A_274 = arith.constant 7 : i32
        %add3A_275 = arith.addi %mul3A_273, %add3A_274 : i32
        %get3A_276 = arith.index_cast %add3A_275 : i32 to index
        %get3A_277 = arith.constant 0 : index
        %get3A_278 = tpu.vector_load %arg10[%get3A_276, %get3A_277] {strides = array<i32>} : memref<512x16xi32, #tpu.memory_space<vmem>>, vector<16xi32>,
        %sub3A_279 = arith.subi %get3A_278, %broadcast_in_dim3A_8 : vector<16xi32>
        %bitcast_convert_type3A_280 = tpu.bitcast %sub3A_279 : vector<16xi32> -> vector<16xi32>
        %lt3A_281 = arith.cmpi ult, %bitcast_convert_type3A_280, %broadcast_in_dim3A_6 : vector<16xi32>
        %get3A_282 = arith.index_cast %add3A_275 : i32 to index
        %get3A_283 = arith.constant 0 : index
        %get3A_284 = tpu.vector_load %arg12[%get3A_282, %get3A_283] {strides = array<i32>} : memref<512x16xf32, #tpu.memory_space<vmem>>, vector<16xf32>,
        %get3A_285 = arith.index_cast %add3A_275 : i32 to index
        %get3A_286 = arith.constant 0 : index
        %get3A_287 = tpu.vector_load %arg14[%get3A_285, %get3A_286] {strides = array<i32>} : memref<512x16xf32, #tpu.memory_space<vmem>>, vector<16xf32>,
        %mul3A_288 = arith.mulf %get3A_284, %get3A_287 : vector<16xf32>
        %get3A_289 = arith.index_cast %add3A_275 : i32 to index
        %get3A_290 = arith.constant 0 : index
        %get3A_291 = tpu.vector_load %arg13[%get3A_289, %get3A_290] {strides = array<i32>} : memref<512x16xf32, #tpu.memory_space<vmem>>, vector<16xf32>,
        %mul3A_292 = arith.mulf %mul3A_288, %get3A_291 : vector<16xf32>
        tpu.vector_store_idx %arg15[%sub3A_279, %iota3A], %mul3A_292 masked %lt3A_281 {add = true} : memref<5000x16xf32, #tpu.memory_space<vmem>>[vector<16xi32>, vector<16xi32>], vector<16xf32>, vector<16xi1>
      }
      %scan3A_126 = arith.constant 64 : i32
    }
    %scan3A_19 = arith.constant 625 : i32
    "tpu.region"() ({
      %run_scoped3A = tpu.sem_alloc : memref<!tpu.dma_semaphore, #tpu.memory_space<semaphore_mem>>
      %dma_start3A = arith.constant 0 : i32
      %dma_start3A_34 = arith.constant 0 : i32
      %dma_start3A_35 = tpu.memref_slice %arg8[%add3A, %dma_start3A, %dma_start3A_34] : memref<32x10000x16xf32, #tpu.memory_space<hbm>> -> memref<1x5000x16xf32, #tpu.memory_space<hbm>>
      %dma_start3A_36 = tpu.memref_squeeze %dma_start3A_35 : memref<1x5000x16xf32, #tpu.memory_space<hbm>> -> memref<5000x16xf32, #tpu.memory_space<hbm>>
      %dma_start3A_37 = arith.constant 0 : i32
      %dma_start3A_38 = arith.constant 0 : i32
      %dma_start3A_39 = tpu.memref_slice %arg8[%add3A, %dma_start3A_37, %dma_start3A_38] : memref<32x10000x16xf32, #tpu.memory_space<hbm>> -> memref<1x5000x16xf32, #tpu.memory_space<hbm>>
      %dma_start3A_40 = tpu.memref_squeeze %dma_start3A_39 : memref<1x5000x16xf32, #tpu.memory_space<hbm>> -> memref<5000x16xf32, #tpu.memory_space<hbm>>
      tpu.enqueue_dma source(%arg15 : memref<5000x16xf32, #tpu.memory_space<vmem>>) target(%dma_start3A_40 : memref<5000x16xf32, #tpu.memory_space<hbm>>) target_semaphore(%run_scoped3A : memref<!tpu.dma_semaphore, #tpu.memory_space<semaphore_mem>>)
      %dma_wait3A = arith.constant 0 : i32
      %dma_wait3A_41 = arith.constant 0 : i32
      %dma_wait3A_42 = tpu.memref_slice %arg8[%add3A, %dma_wait3A, %dma_wait3A_41] : memref<32x10000x16xf32, #tpu.memory_space<hbm>> -> memref<1x5000x16xf32, #tpu.memory_space<hbm>>
      %dma_wait3A_43 = tpu.memref_squeeze %dma_wait3A_42 : memref<1x5000x16xf32, #tpu.memory_space<hbm>> -> memref<5000x16xf32, #tpu.memory_space<hbm>>
      %dma_wait3A_44 = arith.constant 0 : i32
      %dma_wait3A_45 = arith.constant 0 : i32
      %dma_wait3A_46 = tpu.memref_slice %arg8[%add3A, %dma_wait3A_44, %dma_wait3A_45] : memref<32x10000x16xf32, #tpu.memory_space<hbm>> -> memref<1x5000x16xf32, #tpu.memory_space<hbm>>
      %dma_wait3A_47 = tpu.memref_squeeze %dma_wait3A_46 : memref<1x5000x16xf32, #tpu.memory_space<hbm>> -> memref<5000x16xf32, #tpu.memory_space<hbm>>
      tpu.wait_dma2 semaphore(%run_scoped3A : memref<!tpu.dma_semaphore, #tpu.memory_space<semaphore_mem>>) src(%arg15 : memref<5000x16xf32, #tpu.memory_space<vmem>>) dst(%dma_wait3A_47 : memref<5000x16xf32, #tpu.memory_space<hbm>>)
      tpu.yield
    }) : () -> ()
    %broadcast_in_dim3A_20 = arith.constant 5000 : i32
    %broadcast_in_dim3A_21 = vector.broadcast %broadcast_in_dim3A_20 : i32 to vector<16xi32>
    %scan3A_22 = arith.constant 0 : i32
    %scan3A_23 = arith.constant 0 : i32
    %scan3A_24 = arith.constant 625 : i32
    %scan3A_25 = arith.addi %scan3A_23, %scan3A_24 : i32
    %scan3A_26 = arith.constant 1 : i32
    scf.for %scan3A_34 = %scan3A_23 to %scan3A_25 step %scan3A_26  : i32 {
      %broadcast_in_dim3A_35 = arith.constant 0.000000e+00 : f32
      %broadcast_in_dim3A_36 = vector.broadcast %broadcast_in_dim3A_35 : f32 to vector<16xf32>
      %mul3A_37 = arith.constant 8 : i32
      %mul3A_38 = arith.muli %scan3A_34, %mul3A_37 : i32
      %add3A_39 = arith.constant 0 : i32
      %add3A_40 = arith.addi %mul3A_38, %add3A_39 : i32
      %swap3A = arith.index_cast %add3A_40 : i32 to index
      %swap3A_41 = arith.constant 0 : index
      %swap3A_42 = tpu.vector_load %arg15[%swap3A, %swap3A_41] {strides = array<i32>} : memref<5000x16xf32, #tpu.memory_space<vmem>>, vector<16xf32>,
      tpu.vector_store %arg15[%swap3A, %swap3A_41], %broadcast_in_dim3A_36 {strides = array<i32>} : memref<5000x16xf32, #tpu.memory_space<vmem>>, vector<16xf32>,
      %broadcast_in_dim3A_43 = arith.constant 0.000000e+00 : f32
      %broadcast_in_dim3A_44 = vector.broadcast %broadcast_in_dim3A_43 : f32 to vector<16xf32>
      %mul3A_45 = arith.constant 8 : i32
      %mul3A_46 = arith.muli %scan3A_34, %mul3A_45 : i32
      %add3A_47 = arith.constant 1 : i32
      %add3A_48 = arith.addi %mul3A_46, %add3A_47 : i32
      %swap3A_49 = arith.index_cast %add3A_48 : i32 to index
      %swap3A_50 = arith.constant 0 : index
      %swap3A_51 = tpu.vector_load %arg15[%swap3A_49, %swap3A_50] {strides = array<i32>} : memref<5000x16xf32, #tpu.memory_space<vmem>>, vector<16xf32>,
      tpu.vector_store %arg15[%swap3A_49, %swap3A_50], %broadcast_in_dim3A_44 {strides = array<i32>} : memref<5000x16xf32, #tpu.memory_space<vmem>>, vector<16xf32>,
      %broadcast_in_dim3A_52 = arith.constant 0.000000e+00 : f32
      %broadcast_in_dim3A_53 = vector.broadcast %broadcast_in_dim3A_52 : f32 to vector<16xf32>
      %mul3A_54 = arith.constant 8 : i32
      %mul3A_55 = arith.muli %scan3A_34, %mul3A_54 : i32
      %add3A_56 = arith.constant 2 : i32
      %add3A_57 = arith.addi %mul3A_55, %add3A_56 : i32
      %swap3A_58 = arith.index_cast %add3A_57 : i32 to index
      %swap3A_59 = arith.constant 0 : index
      %swap3A_60 = tpu.vector_load %arg15[%swap3A_58, %swap3A_59] {strides = array<i32>} : memref<5000x16xf32, #tpu.memory_space<vmem>>, vector<16xf32>,
      tpu.vector_store %arg15[%swap3A_58, %swap3A_59], %broadcast_in_dim3A_53 {strides = array<i32>} : memref<5000x16xf32, #tpu.memory_space<vmem>>, vector<16xf32>,
      %broadcast_in_dim3A_61 = arith.constant 0.000000e+00 : f32
      %broadcast_in_dim3A_62 = vector.broadcast %broadcast_in_dim3A_61 : f32 to vector<16xf32>
      %mul3A_63 = arith.constant 8 : i32
      %mul3A_64 = arith.muli %scan3A_34, %mul3A_63 : i32
      %add3A_65 = arith.constant 3 : i32
      %add3A_66 = arith.addi %mul3A_64, %add3A_65 : i32
      %swap3A_67 = arith.index_cast %add3A_66 : i32 to index
      %swap3A_68 = arith.constant 0 : index
      %swap3A_69 = tpu.vector_load %arg15[%swap3A_67, %swap3A_68] {strides = array<i32>} : memref<5000x16xf32, #tpu.memory_space<vmem>>, vector<16xf32>,
      tpu.vector_store %arg15[%swap3A_67, %swap3A_68], %broadcast_in_dim3A_62 {strides = array<i32>} : memref<5000x16xf32, #tpu.memory_space<vmem>>, vector<16xf32>,
      %broadcast_in_dim3A_70 = arith.constant 0.000000e+00 : f32
      %broadcast_in_dim3A_71 = vector.broadcast %broadcast_in_dim3A_70 : f32 to vector<16xf32>
      %mul3A_72 = arith.constant 8 : i32
      %mul3A_73 = arith.muli %scan3A_34, %mul3A_72 : i32
      %add3A_74 = arith.constant 4 : i32
      %add3A_75 = arith.addi %mul3A_73, %add3A_74 : i32
      %swap3A_76 = arith.index_cast %add3A_75 : i32 to index
      %swap3A_77 = arith.constant 0 : index
      %swap3A_78 = tpu.vector_load %arg15[%swap3A_76, %swap3A_77] {strides = array<i32>} : memref<5000x16xf32, #tpu.memory_space<vmem>>, vector<16xf32>,
      tpu.vector_store %arg15[%swap3A_76, %swap3A_77], %broadcast_in_dim3A_71 {strides = array<i32>} : memref<5000x16xf32, #tpu.memory_space<vmem>>, vector<16xf32>,
      %broadcast_in_dim3A_79 = arith.constant 0.000000e+00 : f32
      %broadcast_in_dim3A_80 = vector.broadcast %broadcast_in_dim3A_79 : f32 to vector<16xf32>
      %mul3A_81 = arith.constant 8 : i32
      %mul3A_82 = arith.muli %scan3A_34, %mul3A_81 : i32
      %add3A_83 = arith.constant 5 : i32
      %add3A_84 = arith.addi %mul3A_82, %add3A_83 : i32
      %swap3A_85 = arith.index_cast %add3A_84 : i32 to index
      %swap3A_86 = arith.constant 0 : index
      %swap3A_87 = tpu.vector_load %arg15[%swap3A_85, %swap3A_86] {strides = array<i32>} : memref<5000x16xf32, #tpu.memory_space<vmem>>, vector<16xf32>,
      tpu.vector_store %arg15[%swap3A_85, %swap3A_86], %broadcast_in_dim3A_80 {strides = array<i32>} : memref<5000x16xf32, #tpu.memory_space<vmem>>, vector<16xf32>,
      %broadcast_in_dim3A_88 = arith.constant 0.000000e+00 : f32
      %broadcast_in_dim3A_89 = vector.broadcast %broadcast_in_dim3A_88 : f32 to vector<16xf32>
      %mul3A_90 = arith.constant 8 : i32
      %mul3A_91 = arith.muli %scan3A_34, %mul3A_90 : i32
      %add3A_92 = arith.constant 6 : i32
      %add3A_93 = arith.addi %mul3A_91, %add3A_92 : i32
      %swap3A_94 = arith.index_cast %add3A_93 : i32 to index
      %swap3A_95 = arith.constant 0 : index
      %swap3A_96 = tpu.vector_load %arg15[%swap3A_94, %swap3A_95] {strides = array<i32>} : memref<5000x16xf32, #tpu.memory_space<vmem>>, vector<16xf32>,
      tpu.vector_store %arg15[%swap3A_94, %swap3A_95], %broadcast_in_dim3A_89 {strides = array<i32>} : memref<5000x16xf32, #tpu.memory_space<vmem>>, vector<16xf32>,
      %broadcast_in_dim3A_97 = arith.constant 0.000000e+00 : f32
      %broadcast_in_dim3A_98 = vector.broadcast %broadcast_in_dim3A_97 : f32 to vector<16xf32>
      %mul3A_99 = arith.constant 8 : i32
      %mul3A_100 = arith.muli %scan3A_34, %mul3A_99 : i32
      %add3A_101 = arith.constant 7 : i32
      %add3A_102 = arith.addi %mul3A_100, %add3A_101 : i32
      %swap3A_103 = arith.index_cast %add3A_102 : i32 to index
      %swap3A_104 = arith.constant 0 : index
      %swap3A_105 = tpu.vector_load %arg15[%swap3A_103, %swap3A_104] {strides = array<i32>} : memref<5000x16xf32, #tpu.memory_space<vmem>>, vector<16xf32>,
      tpu.vector_store %arg15[%swap3A_103, %swap3A_104], %broadcast_in_dim3A_98 {strides = array<i32>} : memref<5000x16xf32, #tpu.memory_space<vmem>>, vector<16xf32>,
    }
    %scan3A_27 = arith.constant 625 : i32
    %scan3A_28 = arith.constant 0 : i32
    %scan3A_29 = arith.constant 0 : i32
    %scan3A_30 = arith.constant 625 : i32
    %scan3A_31 = arith.addi %scan3A_29, %scan3A_30 : i32
    %scan3A_32 = arith.constant 1 : i32
    scf.for %scan3A_34 = %scan3A_29 to %scan3A_31 step %scan3A_32  : i32 {
      %mul3A_35 = arith.constant 512 : i32
      %mul3A_36 = arith.muli %scan3A_34, %mul3A_35 : i32
      "tpu.region"() ({
        %run_scoped3A = tpu.sem_alloc : memref<!tpu.dma_semaphore, #tpu.memory_space<semaphore_mem>>
        %dma_start3A_127 = tpu.memref_slice %arg4[%mul3A_36] : memref<320000xi32, #tpu.memory_space<hbm>> -> memref<512xi32, #tpu.memory_space<hbm>>
        %dma_start3A_128 = tpu.memref_slice %arg4[%mul3A_36] : memref<320000xi32, #tpu.memory_space<hbm>> -> memref<512xi32, #tpu.memory_space<hbm>>
        tpu.enqueue_dma source(%dma_start3A_128 : memref<512xi32, #tpu.memory_space<hbm>>) target(%arg9 : memref<512xi32, #tpu.memory_space<vmem>>) target_semaphore(%run_scoped3A : memref<!tpu.dma_semaphore, #tpu.memory_space<semaphore_mem>>)
        %dma_wait3A_129 = tpu.memref_slice %arg4[%mul3A_36] : memref<320000xi32, #tpu.memory_space<hbm>> -> memref<512xi32, #tpu.memory_space<hbm>>
        %dma_wait3A_130 = tpu.memref_slice %arg4[%mul3A_36] : memref<320000xi32, #tpu.memory_space<hbm>> -> memref<512xi32, #tpu.memory_space<hbm>>
        tpu.wait_dma2 semaphore(%run_scoped3A : memref<!tpu.dma_semaphore, #tpu.memory_space<semaphore_mem>>) src(%dma_wait3A_130 : memref<512xi32, #tpu.memory_space<hbm>>) dst(%arg9 : memref<512xi32, #tpu.memory_space<vmem>>)
        tpu.yield
      }) : () -> ()
      "tpu.region"() ({
        %run_scoped3A = tpu.sem_alloc : memref<!tpu.dma_semaphore, #tpu.memory_space<semaphore_mem>>
        %dma_start3A_127 = arith.constant 0 : i32
        %dma_start3A_128 = tpu.memref_slice %arg5[%mul3A_36, %dma_start3A_127] : memref<320000x16xi32, #tpu.memory_space<hbm>> -> memref<512x16xi32, #tpu.memory_space<hbm>>
        %dma_start3A_129 = arith.constant 0 : i32
        %dma_start3A_130 = tpu.memref_slice %arg5[%mul3A_36, %dma_start3A_129] : memref<320000x16xi32, #tpu.memory_space<hbm>> -> memref<512x16xi32, #tpu.memory_space<hbm>>
        tpu.enqueue_dma source(%dma_start3A_130 : memref<512x16xi32, #tpu.memory_space<hbm>>) target(%arg10 : memref<512x16xi32, #tpu.memory_space<vmem>>) target_semaphore(%run_scoped3A : memref<!tpu.dma_semaphore, #tpu.memory_space<semaphore_mem>>)
        %dma_wait3A_131 = arith.constant 0 : i32
        %dma_wait3A_132 = tpu.memref_slice %arg5[%mul3A_36, %dma_wait3A_131] : memref<320000x16xi32, #tpu.memory_space<hbm>> -> memref<512x16xi32, #tpu.memory_space<hbm>>
        %dma_wait3A_133 = arith.constant 0 : i32
        %dma_wait3A_134 = tpu.memref_slice %arg5[%mul3A_36, %dma_wait3A_133] : memref<320000x16xi32, #tpu.memory_space<hbm>> -> memref<512x16xi32, #tpu.memory_space<hbm>>
        tpu.wait_dma2 semaphore(%run_scoped3A : memref<!tpu.dma_semaphore, #tpu.memory_space<semaphore_mem>>) src(%dma_wait3A_134 : memref<512x16xi32, #tpu.memory_space<hbm>>) dst(%arg10 : memref<512x16xi32, #tpu.memory_space<vmem>>)
        tpu.yield
      }) : () -> ()
      %scan3A_37 = arith.constant 0 : i32
      %scan3A_38 = arith.constant 0 : i32
      %scan3A_39 = arith.constant 32 : i32
      %scan3A_40 = arith.addi %scan3A_38, %scan3A_39 : i32
      %scan3A_41 = arith.constant 1 : i32
      scf.for %scan3A_127 = %scan3A_38 to %scan3A_40 step %scan3A_41  : i32 {
        %mul3A_128 = arith.constant 16 : i32
        %mul3A_129 = arith.muli %scan3A_127, %mul3A_128 : i32
        %get3A_130 = arith.index_cast %mul3A_129 : i32 to index
        %get3A_131 = tpu.vector_load %arg9[%get3A_130] {strides = array<i32>} : memref<512xi32, #tpu.memory_space<vmem>>, vector<16xi32>,
        %add3A_132 = arith.addi %get3A_131, %broadcast_in_dim3A : vector<16xi32>
        %jit3A = arith.constant 8 : i32
        %div3A = arith.divsi %scan3A_127, %jit3A : i32
        %sign3A = arith.constant 0 : i32
        %sign3A_133 = arith.cmpi sgt, %scan3A_127, %sign3A : i32
        %sign3A_134 = arith.extui %sign3A_133 : i1 to i32
        %sign3A_135 = arith.constant 0 : i32
        %sign3A_136 = arith.cmpi slt, %scan3A_127, %sign3A_135 : i32
        %sign3A_137 = arith.extui %sign3A_136 : i1 to i32
        %sign3A_138 = arith.subi %sign3A_134, %sign3A_137 : i32
        %sign3A_139 = arith.constant 0 : i32
        %sign3A_140 = arith.cmpi sgt, %jit3A, %sign3A_139 : i32
        %sign3A_141 = arith.extui %sign3A_140 : i1 to i32
        %sign3A_142 = arith.constant 0 : i32
        %sign3A_143 = arith.cmpi slt, %jit3A, %sign3A_142 : i32
        %sign3A_144 = arith.extui %sign3A_143 : i1 to i32
        %sign3A_145 = arith.subi %sign3A_141, %sign3A_144 : i32
        %ne3A = arith.cmpi ne, %sign3A_138, %sign3A_145 : i32
        %rem3A_146 = arith.remsi %scan3A_127, %jit3A : i32
        %ne3A_147 = arith.constant 0 : i32
        %ne3A_148 = arith.cmpi ne, %rem3A_146, %ne3A_147 : i32
        %and3A = arith.andi %ne3A, %ne3A_148 : i1
        %sub3A = arith.constant 1 : i32
        %sub3A_149 = arith.subi %div3A, %sub3A : i32
        %select_n3A = arith.select %and3A, %sub3A_149, %div3A : i32
        %mul3A_150 = arith.constant 8 : i32
        %mul3A_151 = arith.muli %select_n3A, %mul3A_150 : i32
        %sub3A_152 = arith.subi %scan3A_127, %mul3A_151 : i32
        %mul3A_153 = arith.constant 16 : i32
        %mul3A_154 = arith.muli %sub3A_152, %mul3A_153 : i32
        %swap3A = arith.index_cast %select_n3A : i32 to index
        %swap3A_155 = arith.index_cast %mul3A_154 : i32 to index
        %swap3A_156 = tpu.vector_load %arg11[%swap3A, %swap3A_155] {strides = array<i32>} : memref<4x128xi32, #tpu.memory_space<vmem>>, vector<16xi32>,
        tpu.vector_store %arg11[%swap3A, %swap3A_155], %add3A_132 {strides = array<i32>} : memref<4x128xi32, #tpu.memory_space<vmem>>, vector<16xi32>,
      }
      %scan3A_42 = arith.constant 32 : i32
      %dma_start3A = arith.constant 0 : i32
      %dma_start3A_43 = arith.constant 0 : i32
      %dma_start3A_44 = arith.constant 0 : i32
      %dma_start3A_45 = tpu.memref_slice %arg14[%dma_start3A_43, %dma_start3A_44] : memref<512x16xf32, #tpu.memory_space<vmem>> -> memref<128x16xf32, #tpu.memory_space<vmem>>
      %dma_start3A_46 = arith.constant 0 : i32
      %dma_start3A_47 = tpu.memref_slice %arg11[%dma_start3A, %dma_start3A_46] : memref<4x128xi32, #tpu.memory_space<vmem>> -> memref<1x128xi32, #tpu.memory_space<vmem>>
      %dma_start3A_48 = tpu.memref_squeeze %dma_start3A_47 : memref<1x128xi32, #tpu.memory_space<vmem>> -> memref<128xi32, #tpu.memory_space<vmem>>
      %dma_start3A_49 = arith.constant 0 : i32
      %dma_start3A_50 = arith.constant 0 : i32
      %dma_start3A_51 = tpu.memref_slice %arg6[%dma_start3A_49, %dma_start3A_50] : memref<320000x16xf32, #tpu.memory_space<hbm>> -> memref<320000x16xf32, #tpu.memory_space<hbm>>
      tpu.enqueue_indirect_dma source(%dma_start3A_51 : memref<320000x16xf32, #tpu.memory_space<hbm>>) target(%dma_start3A_45 : memref<128x16xf32, #tpu.memory_space<vmem>>) offsets(%dma_start3A_48 : memref<128xi32, #tpu.memory_space<vmem>>) semaphore(%arg17 : memref<!tpu.dma_semaphore, #tpu.memory_space<semaphore_mem>>)
      %dma_start3A_52 = arith.constant 1 : i32
      %dma_start3A_53 = arith.constant 128 : i32
      %dma_start3A_54 = arith.constant 0 : i32
      %dma_start3A_55 = tpu.memref_slice %arg14[%dma_start3A_53, %dma_start3A_54] : memref<512x16xf32, #tpu.memory_space<vmem>> -> memref<128x16xf32, #tpu.memory_space<vmem>>
      %dma_start3A_56 = arith.constant 0 : i32
      %dma_start3A_57 = tpu.memref_slice %arg11[%dma_start3A_52, %dma_start3A_56] : memref<4x128xi32, #tpu.memory_space<vmem>> -> memref<1x128xi32, #tpu.memory_space<vmem>>
      %dma_start3A_58 = tpu.memref_squeeze %dma_start3A_57 : memref<1x128xi32, #tpu.memory_space<vmem>> -> memref<128xi32, #tpu.memory_space<vmem>>
      %dma_start3A_59 = arith.constant 0 : i32
      %dma_start3A_60 = arith.constant 0 : i32
      %dma_start3A_61 = tpu.memref_slice %arg6[%dma_start3A_59, %dma_start3A_60] : memref<320000x16xf32, #tpu.memory_space<hbm>> -> memref<320000x16xf32, #tpu.memory_space<hbm>>
      tpu.enqueue_indirect_dma source(%dma_start3A_61 : memref<320000x16xf32, #tpu.memory_space<hbm>>) target(%dma_start3A_55 : memref<128x16xf32, #tpu.memory_space<vmem>>) offsets(%dma_start3A_58 : memref<128xi32, #tpu.memory_space<vmem>>) semaphore(%arg17 : memref<!tpu.dma_semaphore, #tpu.memory_space<semaphore_mem>>)
      %dma_start3A_62 = arith.constant 2 : i32
      %dma_start3A_63 = arith.constant 256 : i32
      %dma_start3A_64 = arith.constant 0 : i32
      %dma_start3A_65 = tpu.memref_slice %arg14[%dma_start3A_63, %dma_start3A_64] : memref<512x16xf32, #tpu.memory_space<vmem>> -> memref<128x16xf32, #tpu.memory_space<vmem>>
      %dma_start3A_66 = arith.constant 0 : i32
      %dma_start3A_67 = tpu.memref_slice %arg11[%dma_start3A_62, %dma_start3A_66] : memref<4x128xi32, #tpu.memory_space<vmem>> -> memref<1x128xi32, #tpu.memory_space<vmem>>
      %dma_start3A_68 = tpu.memref_squeeze %dma_start3A_67 : memref<1x128xi32, #tpu.memory_space<vmem>> -> memref<128xi32, #tpu.memory_space<vmem>>
      %dma_start3A_69 = arith.constant 0 : i32
      %dma_start3A_70 = arith.constant 0 : i32
      %dma_start3A_71 = tpu.memref_slice %arg6[%dma_start3A_69, %dma_start3A_70] : memref<320000x16xf32, #tpu.memory_space<hbm>> -> memref<320000x16xf32, #tpu.memory_space<hbm>>
      tpu.enqueue_indirect_dma source(%dma_start3A_71 : memref<320000x16xf32, #tpu.memory_space<hbm>>) target(%dma_start3A_65 : memref<128x16xf32, #tpu.memory_space<vmem>>) offsets(%dma_start3A_68 : memref<128xi32, #tpu.memory_space<vmem>>) semaphore(%arg17 : memref<!tpu.dma_semaphore, #tpu.memory_space<semaphore_mem>>)
      %dma_start3A_72 = arith.constant 3 : i32
      %dma_start3A_73 = arith.constant 384 : i32
      %dma_start3A_74 = arith.constant 0 : i32
      %dma_start3A_75 = tpu.memref_slice %arg14[%dma_start3A_73, %dma_start3A_74] : memref<512x16xf32, #tpu.memory_space<vmem>> -> memref<128x16xf32, #tpu.memory_space<vmem>>
      %dma_start3A_76 = arith.constant 0 : i32
      %dma_start3A_77 = tpu.memref_slice %arg11[%dma_start3A_72, %dma_start3A_76] : memref<4x128xi32, #tpu.memory_space<vmem>> -> memref<1x128xi32, #tpu.memory_space<vmem>>
      %dma_start3A_78 = tpu.memref_squeeze %dma_start3A_77 : memref<1x128xi32, #tpu.memory_space<vmem>> -> memref<128xi32, #tpu.memory_space<vmem>>
      %dma_start3A_79 = arith.constant 0 : i32
      %dma_start3A_80 = arith.constant 0 : i32
      %dma_start3A_81 = tpu.memref_slice %arg6[%dma_start3A_79, %dma_start3A_80] : memref<320000x16xf32, #tpu.memory_space<hbm>> -> memref<320000x16xf32, #tpu.memory_space<hbm>>
      tpu.enqueue_indirect_dma source(%dma_start3A_81 : memref<320000x16xf32, #tpu.memory_space<hbm>>) target(%dma_start3A_75 : memref<128x16xf32, #tpu.memory_space<vmem>>) offsets(%dma_start3A_78 : memref<128xi32, #tpu.memory_space<vmem>>) semaphore(%arg17 : memref<!tpu.dma_semaphore, #tpu.memory_space<semaphore_mem>>)
      "tpu.region"() ({
        %run_scoped3A = tpu.sem_alloc : memref<!tpu.dma_semaphore, #tpu.memory_space<semaphore_mem>>
        %dma_start3A_127 = arith.constant 0 : i32
        %dma_start3A_128 = tpu.memref_slice %arg2[%add3A, %mul3A_36, %dma_start3A_127] : memref<32x320000x16xf32, #tpu.memory_space<hbm>> -> memref<1x512x16xf32, #tpu.memory_space<hbm>>
        %dma_start3A_129 = tpu.memref_squeeze %dma_start3A_128 : memref<1x512x16xf32, #tpu.memory_space<hbm>> -> memref<512x16xf32, #tpu.memory_space<hbm>>
        %dma_start3A_130 = arith.constant 0 : i32
        %dma_start3A_131 = tpu.memref_slice %arg2[%add3A, %mul3A_36, %dma_start3A_130] : memref<32x320000x16xf32, #tpu.memory_space<hbm>> -> memref<1x512x16xf32, #tpu.memory_space<hbm>>
        %dma_start3A_132 = tpu.memref_squeeze %dma_start3A_131 : memref<1x512x16xf32, #tpu.memory_space<hbm>> -> memref<512x16xf32, #tpu.memory_space<hbm>>
        tpu.enqueue_dma source(%dma_start3A_132 : memref<512x16xf32, #tpu.memory_space<hbm>>) target(%arg12 : memref<512x16xf32, #tpu.memory_space<vmem>>) target_semaphore(%run_scoped3A : memref<!tpu.dma_semaphore, #tpu.memory_space<semaphore_mem>>)
        %dma_wait3A_133 = arith.constant 0 : i32
        %dma_wait3A_134 = tpu.memref_slice %arg2[%add3A, %mul3A_36, %dma_wait3A_133] : memref<32x320000x16xf32, #tpu.memory_space<hbm>> -> memref<1x512x16xf32, #tpu.memory_space<hbm>>
        %dma_wait3A_135 = tpu.memref_squeeze %dma_wait3A_134 : memref<1x512x16xf32, #tpu.memory_space<hbm>> -> memref<512x16xf32, #tpu.memory_space<hbm>>
        %dma_wait3A_136 = arith.constant 0 : i32
        %dma_wait3A_137 = tpu.memref_slice %arg2[%add3A, %mul3A_36, %dma_wait3A_136] : memref<32x320000x16xf32, #tpu.memory_space<hbm>> -> memref<1x512x16xf32, #tpu.memory_space<hbm>>
        %dma_wait3A_138 = tpu.memref_squeeze %dma_wait3A_137 : memref<1x512x16xf32, #tpu.memory_space<hbm>> -> memref<512x16xf32, #tpu.memory_space<hbm>>
        tpu.wait_dma2 semaphore(%run_scoped3A : memref<!tpu.dma_semaphore, #tpu.memory_space<semaphore_mem>>) src(%dma_wait3A_138 : memref<512x16xf32, #tpu.memory_space<hbm>>) dst(%arg12 : memref<512x16xf32, #tpu.memory_space<vmem>>)
        tpu.yield
      }) : () -> ()
      "tpu.region"() ({
        %run_scoped3A = tpu.sem_alloc : memref<!tpu.dma_semaphore, #tpu.memory_space<semaphore_mem>>
        %dma_start3A_127 = arith.constant 0 : i32
        %dma_start3A_128 = tpu.memref_slice %arg3[%rem3A_1, %mul3A_36, %dma_start3A_127] : memref<8x320000x16xf32, #tpu.memory_space<hbm>> -> memref<1x512x16xf32, #tpu.memory_space<hbm>>
        %dma_start3A_129 = tpu.memref_squeeze %dma_start3A_128 : memref<1x512x16xf32, #tpu.memory_space<hbm>> -> memref<512x16xf32, #tpu.memory_space<hbm>>
        %dma_start3A_130 = arith.constant 0 : i32
        %dma_start3A_131 = tpu.memref_slice %arg3[%rem3A_1, %mul3A_36, %dma_start3A_130] : memref<8x320000x16xf32, #tpu.memory_space<hbm>> -> memref<1x512x16xf32, #tpu.memory_space<hbm>>
        %dma_start3A_132 = tpu.memref_squeeze %dma_start3A_131 : memref<1x512x16xf32, #tpu.memory_space<hbm>> -> memref<512x16xf32, #tpu.memory_space<hbm>>
        tpu.enqueue_dma source(%dma_start3A_132 : memref<512x16xf32, #tpu.memory_space<hbm>>) target(%arg13 : memref<512x16xf32, #tpu.memory_space<vmem>>) target_semaphore(%run_scoped3A : memref<!tpu.dma_semaphore, #tpu.memory_space<semaphore_mem>>)
        %dma_wait3A_133 = arith.constant 0 : i32
        %dma_wait3A_134 = tpu.memref_slice %arg3[%rem3A_1, %mul3A_36, %dma_wait3A_133] : memref<8x320000x16xf32, #tpu.memory_space<hbm>> -> memref<1x512x16xf32, #tpu.memory_space<hbm>>
        %dma_wait3A_135 = tpu.memref_squeeze %dma_wait3A_134 : memref<1x512x16xf32, #tpu.memory_space<hbm>> -> memref<512x16xf32, #tpu.memory_space<hbm>>
        %dma_wait3A_136 = arith.constant 0 : i32
        %dma_wait3A_137 = tpu.memref_slice %arg3[%rem3A_1, %mul3A_36, %dma_wait3A_136] : memref<8x320000x16xf32, #tpu.memory_space<hbm>> -> memref<1x512x16xf32, #tpu.memory_space<hbm>>
        %dma_wait3A_138 = tpu.memref_squeeze %dma_wait3A_137 : memref<1x512x16xf32, #tpu.memory_space<hbm>> -> memref<512x16xf32, #tpu.memory_space<hbm>>
        tpu.wait_dma2 semaphore(%run_scoped3A : memref<!tpu.dma_semaphore, #tpu.memory_space<semaphore_mem>>) src(%dma_wait3A_138 : memref<512x16xf32, #tpu.memory_space<hbm>>) dst(%arg13 : memref<512x16xf32, #tpu.memory_space<vmem>>)
        tpu.yield
      }) : () -> ()
      %dma_wait3A = arith.constant 0 : i32
      %dma_wait3A_82 = arith.constant 0 : i32
      %dma_wait3A_83 = arith.constant 0 : i32
      %dma_wait3A_84 = tpu.memref_slice %arg14[%dma_wait3A_82, %dma_wait3A_83] : memref<512x16xf32, #tpu.memory_space<vmem>> -> memref<128x16xf32, #tpu.memory_space<vmem>>
      %dma_wait3A_85 = arith.constant 0 : i32
      %dma_wait3A_86 = tpu.memref_slice %arg11[%dma_wait3A, %dma_wait3A_85] : memref<4x128xi32, #tpu.memory_space<vmem>> -> memref<1x128xi32, #tpu.memory_space<vmem>>
      %dma_wait3A_87 = tpu.memref_squeeze %dma_wait3A_86 : memref<1x128xi32, #tpu.memory_space<vmem>> -> memref<128xi32, #tpu.memory_space<vmem>>
      %dma_wait3A_88 = arith.constant 0 : i32
      %dma_wait3A_89 = arith.constant 0 : i32
      %dma_wait3A_90 = tpu.memref_slice %arg6[%dma_wait3A_88, %dma_wait3A_89] : memref<320000x16xf32, #tpu.memory_space<hbm>> -> memref<320000x16xf32, #tpu.memory_space<hbm>>
      tpu.wait_indirect_dma semaphore(%arg17 : memref<!tpu.dma_semaphore, #tpu.memory_space<semaphore_mem>>) src(%dma_wait3A_90 : memref<320000x16xf32, #tpu.memory_space<hbm>>) dst(%dma_wait3A_84 : memref<128x16xf32, #tpu.memory_space<vmem>>)
      %dma_wait3A_91 = arith.constant 1 : i32
      %dma_wait3A_92 = arith.constant 128 : i32
      %dma_wait3A_93 = arith.constant 0 : i32
      %dma_wait3A_94 = tpu.memref_slice %arg14[%dma_wait3A_92, %dma_wait3A_93] : memref<512x16xf32, #tpu.memory_space<vmem>> -> memref<128x16xf32, #tpu.memory_space<vmem>>
      %dma_wait3A_95 = arith.constant 0 : i32
      %dma_wait3A_96 = tpu.memref_slice %arg11[%dma_wait3A_91, %dma_wait3A_95] : memref<4x128xi32, #tpu.memory_space<vmem>> -> memref<1x128xi32, #tpu.memory_space<vmem>>
      %dma_wait3A_97 = tpu.memref_squeeze %dma_wait3A_96 : memref<1x128xi32, #tpu.memory_space<vmem>> -> memref<128xi32, #tpu.memory_space<vmem>>
      %dma_wait3A_98 = arith.constant 0 : i32
      %dma_wait3A_99 = arith.constant 0 : i32
      %dma_wait3A_100 = tpu.memref_slice %arg6[%dma_wait3A_98, %dma_wait3A_99] : memref<320000x16xf32, #tpu.memory_space<hbm>> -> memref<320000x16xf32, #tpu.memory_space<hbm>>
      tpu.wait_indirect_dma semaphore(%arg17 : memref<!tpu.dma_semaphore, #tpu.memory_space<semaphore_mem>>) src(%dma_wait3A_100 : memref<320000x16xf32, #tpu.memory_space<hbm>>) dst(%dma_wait3A_94 : memref<128x16xf32, #tpu.memory_space<vmem>>)
      %dma_wait3A_101 = arith.constant 2 : i32
      %dma_wait3A_102 = arith.constant 256 : i32
      %dma_wait3A_103 = arith.constant 0 : i32
      %dma_wait3A_104 = tpu.memref_slice %arg14[%dma_wait3A_102, %dma_wait3A_103] : memref<512x16xf32, #tpu.memory_space<vmem>> -> memref<128x16xf32, #tpu.memory_space<vmem>>
      %dma_wait3A_105 = arith.constant 0 : i32
      %dma_wait3A_106 = tpu.memref_slice %arg11[%dma_wait3A_101, %dma_wait3A_105] : memref<4x128xi32, #tpu.memory_space<vmem>> -> memref<1x128xi32, #tpu.memory_space<vmem>>
      %dma_wait3A_107 = tpu.memref_squeeze %dma_wait3A_106 : memref<1x128xi32, #tpu.memory_space<vmem>> -> memref<128xi32, #tpu.memory_space<vmem>>
      %dma_wait3A_108 = arith.constant 0 : i32
      %dma_wait3A_109 = arith.constant 0 : i32
      %dma_wait3A_110 = tpu.memref_slice %arg6[%dma_wait3A_108, %dma_wait3A_109] : memref<320000x16xf32, #tpu.memory_space<hbm>> -> memref<320000x16xf32, #tpu.memory_space<hbm>>
      tpu.wait_indirect_dma semaphore(%arg17 : memref<!tpu.dma_semaphore, #tpu.memory_space<semaphore_mem>>) src(%dma_wait3A_110 : memref<320000x16xf32, #tpu.memory_space<hbm>>) dst(%dma_wait3A_104 : memref<128x16xf32, #tpu.memory_space<vmem>>)
      %dma_wait3A_111 = arith.constant 3 : i32
      %dma_wait3A_112 = arith.constant 384 : i32
      %dma_wait3A_113 = arith.constant 0 : i32
      %dma_wait3A_114 = tpu.memref_slice %arg14[%dma_wait3A_112, %dma_wait3A_113] : memref<512x16xf32, #tpu.memory_space<vmem>> -> memref<128x16xf32, #tpu.memory_space<vmem>>
      %dma_wait3A_115 = arith.constant 0 : i32
      %dma_wait3A_116 = tpu.memref_slice %arg11[%dma_wait3A_111, %dma_wait3A_115] : memref<4x128xi32, #tpu.memory_space<vmem>> -> memref<1x128xi32, #tpu.memory_space<vmem>>
      %dma_wait3A_117 = tpu.memref_squeeze %dma_wait3A_116 : memref<1x128xi32, #tpu.memory_space<vmem>> -> memref<128xi32, #tpu.memory_space<vmem>>
      %dma_wait3A_118 = arith.constant 0 : i32
      %dma_wait3A_119 = arith.constant 0 : i32
      %dma_wait3A_120 = tpu.memref_slice %arg6[%dma_wait3A_118, %dma_wait3A_119] : memref<320000x16xf32, #tpu.memory_space<hbm>> -> memref<320000x16xf32, #tpu.memory_space<hbm>>
      tpu.wait_indirect_dma semaphore(%arg17 : memref<!tpu.dma_semaphore, #tpu.memory_space<semaphore_mem>>) src(%dma_wait3A_120 : memref<320000x16xf32, #tpu.memory_space<hbm>>) dst(%dma_wait3A_114 : memref<128x16xf32, #tpu.memory_space<vmem>>)
      %scan3A_121 = arith.constant 0 : i32
      %scan3A_122 = arith.constant 0 : i32
      %scan3A_123 = arith.constant 64 : i32
      %scan3A_124 = arith.addi %scan3A_122, %scan3A_123 : i32
      %scan3A_125 = arith.constant 1 : i32
      scf.for %scan3A_127 = %scan3A_122 to %scan3A_124 step %scan3A_125  : i32 {
        %mul3A_128 = arith.constant 8 : i32
        %mul3A_129 = arith.muli %scan3A_127, %mul3A_128 : i32
        %add3A_130 = arith.constant 0 : i32
        %add3A_131 = arith.addi %mul3A_129, %add3A_130 : i32
        %get3A_132 = arith.index_cast %add3A_131 : i32 to index
        %get3A_133 = arith.constant 0 : index
        %get3A_134 = tpu.vector_load %arg10[%get3A_132, %get3A_133] {strides = array<i32>} : memref<512x16xi32, #tpu.memory_space<vmem>>, vector<16xi32>,
        %sub3A = arith.subi %get3A_134, %broadcast_in_dim3A_21 : vector<16xi32>
        %bitcast_convert_type3A = tpu.bitcast %sub3A : vector<16xi32> -> vector<16xi32>
        %lt3A = arith.cmpi ult, %bitcast_convert_type3A, %broadcast_in_dim3A_6 : vector<16xi32>
        %get3A_135 = arith.index_cast %add3A_131 : i32 to index
        %get3A_136 = arith.constant 0 : index
        %get3A_137 = tpu.vector_load %arg12[%get3A_135, %get3A_136] {strides = array<i32>} : memref<512x16xf32, #tpu.memory_space<vmem>>, vector<16xf32>,
        %get3A_138 = arith.index_cast %add3A_131 : i32 to index
        %get3A_139 = arith.constant 0 : index
        %get3A_140 = tpu.vector_load %arg14[%get3A_138, %get3A_139] {strides = array<i32>} : memref<512x16xf32, #tpu.memory_space<vmem>>, vector<16xf32>,
        %mul3A_141 = arith.mulf %get3A_137, %get3A_140 : vector<16xf32>
        %get3A_142 = arith.index_cast %add3A_131 : i32 to index
        %get3A_143 = arith.constant 0 : index
        %get3A_144 = tpu.vector_load %arg13[%get3A_142, %get3A_143] {strides = array<i32>} : memref<512x16xf32, #tpu.memory_space<vmem>>, vector<16xf32>,
        %mul3A_145 = arith.mulf %mul3A_141, %get3A_144 : vector<16xf32>
        tpu.vector_store_idx %arg15[%sub3A, %iota3A], %mul3A_145 masked %lt3A {add = true} : memref<5000x16xf32, #tpu.memory_space<vmem>>[vector<16xi32>, vector<16xi32>], vector<16xf32>, vector<16xi1>
        %mul3A_146 = arith.constant 8 : i32
        %mul3A_147 = arith.muli %scan3A_127, %mul3A_146 : i32
        %add3A_148 = arith.constant 1 : i32
        %add3A_149 = arith.addi %mul3A_147, %add3A_148 : i32
        %get3A_150 = arith.index_cast %add3A_149 : i32 to index
        %get3A_151 = arith.constant 0 : index
        %get3A_152 = tpu.vector_load %arg10[%get3A_150, %get3A_151] {strides = array<i32>} : memref<512x16xi32, #tpu.memory_space<vmem>>, vector<16xi32>,
        %sub3A_153 = arith.subi %get3A_152, %broadcast_in_dim3A_21 : vector<16xi32>
        %bitcast_convert_type3A_154 = tpu.bitcast %sub3A_153 : vector<16xi32> -> vector<16xi32>
        %lt3A_155 = arith.cmpi ult, %bitcast_convert_type3A_154, %broadcast_in_dim3A_6 : vector<16xi32>
        %get3A_156 = arith.index_cast %add3A_149 : i32 to index
        %get3A_157 = arith.constant 0 : index
        %get3A_158 = tpu.vector_load %arg12[%get3A_156, %get3A_157] {strides = array<i32>} : memref<512x16xf32, #tpu.memory_space<vmem>>, vector<16xf32>,
        %get3A_159 = arith.index_cast %add3A_149 : i32 to index
        %get3A_160 = arith.constant 0 : index
        %get3A_161 = tpu.vector_load %arg14[%get3A_159, %get3A_160] {strides = array<i32>} : memref<512x16xf32, #tpu.memory_space<vmem>>, vector<16xf32>,
        %mul3A_162 = arith.mulf %get3A_158, %get3A_161 : vector<16xf32>
        %get3A_163 = arith.index_cast %add3A_149 : i32 to index
        %get3A_164 = arith.constant 0 : index
        %get3A_165 = tpu.vector_load %arg13[%get3A_163, %get3A_164] {strides = array<i32>} : memref<512x16xf32, #tpu.memory_space<vmem>>, vector<16xf32>,
        %mul3A_166 = arith.mulf %mul3A_162, %get3A_165 : vector<16xf32>
        tpu.vector_store_idx %arg15[%sub3A_153, %iota3A], %mul3A_166 masked %lt3A_155 {add = true} : memref<5000x16xf32, #tpu.memory_space<vmem>>[vector<16xi32>, vector<16xi32>], vector<16xf32>, vector<16xi1>
        %mul3A_167 = arith.constant 8 : i32
        %mul3A_168 = arith.muli %scan3A_127, %mul3A_167 : i32
        %add3A_169 = arith.constant 2 : i32
        %add3A_170 = arith.addi %mul3A_168, %add3A_169 : i32
        %get3A_171 = arith.index_cast %add3A_170 : i32 to index
        %get3A_172 = arith.constant 0 : index
        %get3A_173 = tpu.vector_load %arg10[%get3A_171, %get3A_172] {strides = array<i32>} : memref<512x16xi32, #tpu.memory_space<vmem>>, vector<16xi32>,
        %sub3A_174 = arith.subi %get3A_173, %broadcast_in_dim3A_21 : vector<16xi32>
        %bitcast_convert_type3A_175 = tpu.bitcast %sub3A_174 : vector<16xi32> -> vector<16xi32>
        %lt3A_176 = arith.cmpi ult, %bitcast_convert_type3A_175, %broadcast_in_dim3A_6 : vector<16xi32>
        %get3A_177 = arith.index_cast %add3A_170 : i32 to index
        %get3A_178 = arith.constant 0 : index
        %get3A_179 = tpu.vector_load %arg12[%get3A_177, %get3A_178] {strides = array<i32>} : memref<512x16xf32, #tpu.memory_space<vmem>>, vector<16xf32>,
        %get3A_180 = arith.index_cast %add3A_170 : i32 to index
        %get3A_181 = arith.constant 0 : index
        %get3A_182 = tpu.vector_load %arg14[%get3A_180, %get3A_181] {strides = array<i32>} : memref<512x16xf32, #tpu.memory_space<vmem>>, vector<16xf32>,
        %mul3A_183 = arith.mulf %get3A_179, %get3A_182 : vector<16xf32>
        %get3A_184 = arith.index_cast %add3A_170 : i32 to index
        %get3A_185 = arith.constant 0 : index
        %get3A_186 = tpu.vector_load %arg13[%get3A_184, %get3A_185] {strides = array<i32>} : memref<512x16xf32, #tpu.memory_space<vmem>>, vector<16xf32>,
        %mul3A_187 = arith.mulf %mul3A_183, %get3A_186 : vector<16xf32>
        tpu.vector_store_idx %arg15[%sub3A_174, %iota3A], %mul3A_187 masked %lt3A_176 {add = true} : memref<5000x16xf32, #tpu.memory_space<vmem>>[vector<16xi32>, vector<16xi32>], vector<16xf32>, vector<16xi1>
        %mul3A_188 = arith.constant 8 : i32
        %mul3A_189 = arith.muli %scan3A_127, %mul3A_188 : i32
        %add3A_190 = arith.constant 3 : i32
        %add3A_191 = arith.addi %mul3A_189, %add3A_190 : i32
        %get3A_192 = arith.index_cast %add3A_191 : i32 to index
        %get3A_193 = arith.constant 0 : index
        %get3A_194 = tpu.vector_load %arg10[%get3A_192, %get3A_193] {strides = array<i32>} : memref<512x16xi32, #tpu.memory_space<vmem>>, vector<16xi32>,
        %sub3A_195 = arith.subi %get3A_194, %broadcast_in_dim3A_21 : vector<16xi32>
        %bitcast_convert_type3A_196 = tpu.bitcast %sub3A_195 : vector<16xi32> -> vector<16xi32>
        %lt3A_197 = arith.cmpi ult, %bitcast_convert_type3A_196, %broadcast_in_dim3A_6 : vector<16xi32>
        %get3A_198 = arith.index_cast %add3A_191 : i32 to index
        %get3A_199 = arith.constant 0 : index
        %get3A_200 = tpu.vector_load %arg12[%get3A_198, %get3A_199] {strides = array<i32>} : memref<512x16xf32, #tpu.memory_space<vmem>>, vector<16xf32>,
        %get3A_201 = arith.index_cast %add3A_191 : i32 to index
        %get3A_202 = arith.constant 0 : index
        %get3A_203 = tpu.vector_load %arg14[%get3A_201, %get3A_202] {strides = array<i32>} : memref<512x16xf32, #tpu.memory_space<vmem>>, vector<16xf32>,
        %mul3A_204 = arith.mulf %get3A_200, %get3A_203 : vector<16xf32>
        %get3A_205 = arith.index_cast %add3A_191 : i32 to index
        %get3A_206 = arith.constant 0 : index
        %get3A_207 = tpu.vector_load %arg13[%get3A_205, %get3A_206] {strides = array<i32>} : memref<512x16xf32, #tpu.memory_space<vmem>>, vector<16xf32>,
        %mul3A_208 = arith.mulf %mul3A_204, %get3A_207 : vector<16xf32>
        tpu.vector_store_idx %arg15[%sub3A_195, %iota3A], %mul3A_208 masked %lt3A_197 {add = true} : memref<5000x16xf32, #tpu.memory_space<vmem>>[vector<16xi32>, vector<16xi32>], vector<16xf32>, vector<16xi1>
        %mul3A_209 = arith.constant 8 : i32
        %mul3A_210 = arith.muli %scan3A_127, %mul3A_209 : i32
        %add3A_211 = arith.constant 4 : i32
        %add3A_212 = arith.addi %mul3A_210, %add3A_211 : i32
        %get3A_213 = arith.index_cast %add3A_212 : i32 to index
        %get3A_214 = arith.constant 0 : index
        %get3A_215 = tpu.vector_load %arg10[%get3A_213, %get3A_214] {strides = array<i32>} : memref<512x16xi32, #tpu.memory_space<vmem>>, vector<16xi32>,
        %sub3A_216 = arith.subi %get3A_215, %broadcast_in_dim3A_21 : vector<16xi32>
        %bitcast_convert_type3A_217 = tpu.bitcast %sub3A_216 : vector<16xi32> -> vector<16xi32>
        %lt3A_218 = arith.cmpi ult, %bitcast_convert_type3A_217, %broadcast_in_dim3A_6 : vector<16xi32>
        %get3A_219 = arith.index_cast %add3A_212 : i32 to index
        %get3A_220 = arith.constant 0 : index
        %get3A_221 = tpu.vector_load %arg12[%get3A_219, %get3A_220] {strides = array<i32>} : memref<512x16xf32, #tpu.memory_space<vmem>>, vector<16xf32>,
        %get3A_222 = arith.index_cast %add3A_212 : i32 to index
        %get3A_223 = arith.constant 0 : index
        %get3A_224 = tpu.vector_load %arg14[%get3A_222, %get3A_223] {strides = array<i32>} : memref<512x16xf32, #tpu.memory_space<vmem>>, vector<16xf32>,
        %mul3A_225 = arith.mulf %get3A_221, %get3A_224 : vector<16xf32>
        %get3A_226 = arith.index_cast %add3A_212 : i32 to index
        %get3A_227 = arith.constant 0 : index
        %get3A_228 = tpu.vector_load %arg13[%get3A_226, %get3A_227] {strides = array<i32>} : memref<512x16xf32, #tpu.memory_space<vmem>>, vector<16xf32>,
        %mul3A_229 = arith.mulf %mul3A_225, %get3A_228 : vector<16xf32>
        tpu.vector_store_idx %arg15[%sub3A_216, %iota3A], %mul3A_229 masked %lt3A_218 {add = true} : memref<5000x16xf32, #tpu.memory_space<vmem>>[vector<16xi32>, vector<16xi32>], vector<16xf32>, vector<16xi1>
        %mul3A_230 = arith.constant 8 : i32
        %mul3A_231 = arith.muli %scan3A_127, %mul3A_230 : i32
        %add3A_232 = arith.constant 5 : i32
        %add3A_233 = arith.addi %mul3A_231, %add3A_232 : i32
        %get3A_234 = arith.index_cast %add3A_233 : i32 to index
        %get3A_235 = arith.constant 0 : index
        %get3A_236 = tpu.vector_load %arg10[%get3A_234, %get3A_235] {strides = array<i32>} : memref<512x16xi32, #tpu.memory_space<vmem>>, vector<16xi32>,
        %sub3A_237 = arith.subi %get3A_236, %broadcast_in_dim3A_21 : vector<16xi32>
        %bitcast_convert_type3A_238 = tpu.bitcast %sub3A_237 : vector<16xi32> -> vector<16xi32>
        %lt3A_239 = arith.cmpi ult, %bitcast_convert_type3A_238, %broadcast_in_dim3A_6 : vector<16xi32>
        %get3A_240 = arith.index_cast %add3A_233 : i32 to index
        %get3A_241 = arith.constant 0 : index
        %get3A_242 = tpu.vector_load %arg12[%get3A_240, %get3A_241] {strides = array<i32>} : memref<512x16xf32, #tpu.memory_space<vmem>>, vector<16xf32>,
        %get3A_243 = arith.index_cast %add3A_233 : i32 to index
        %get3A_244 = arith.constant 0 : index
        %get3A_245 = tpu.vector_load %arg14[%get3A_243, %get3A_244] {strides = array<i32>} : memref<512x16xf32, #tpu.memory_space<vmem>>, vector<16xf32>,
        %mul3A_246 = arith.mulf %get3A_242, %get3A_245 : vector<16xf32>
        %get3A_247 = arith.index_cast %add3A_233 : i32 to index
        %get3A_248 = arith.constant 0 : index
        %get3A_249 = tpu.vector_load %arg13[%get3A_247, %get3A_248] {strides = array<i32>} : memref<512x16xf32, #tpu.memory_space<vmem>>, vector<16xf32>,
        %mul3A_250 = arith.mulf %mul3A_246, %get3A_249 : vector<16xf32>
        tpu.vector_store_idx %arg15[%sub3A_237, %iota3A], %mul3A_250 masked %lt3A_239 {add = true} : memref<5000x16xf32, #tpu.memory_space<vmem>>[vector<16xi32>, vector<16xi32>], vector<16xf32>, vector<16xi1>
        %mul3A_251 = arith.constant 8 : i32
        %mul3A_252 = arith.muli %scan3A_127, %mul3A_251 : i32
        %add3A_253 = arith.constant 6 : i32
        %add3A_254 = arith.addi %mul3A_252, %add3A_253 : i32
        %get3A_255 = arith.index_cast %add3A_254 : i32 to index
        %get3A_256 = arith.constant 0 : index
        %get3A_257 = tpu.vector_load %arg10[%get3A_255, %get3A_256] {strides = array<i32>} : memref<512x16xi32, #tpu.memory_space<vmem>>, vector<16xi32>,
        %sub3A_258 = arith.subi %get3A_257, %broadcast_in_dim3A_21 : vector<16xi32>
        %bitcast_convert_type3A_259 = tpu.bitcast %sub3A_258 : vector<16xi32> -> vector<16xi32>
        %lt3A_260 = arith.cmpi ult, %bitcast_convert_type3A_259, %broadcast_in_dim3A_6 : vector<16xi32>
        %get3A_261 = arith.index_cast %add3A_254 : i32 to index
        %get3A_262 = arith.constant 0 : index
        %get3A_263 = tpu.vector_load %arg12[%get3A_261, %get3A_262] {strides = array<i32>} : memref<512x16xf32, #tpu.memory_space<vmem>>, vector<16xf32>,
        %get3A_264 = arith.index_cast %add3A_254 : i32 to index
        %get3A_265 = arith.constant 0 : index
        %get3A_266 = tpu.vector_load %arg14[%get3A_264, %get3A_265] {strides = array<i32>} : memref<512x16xf32, #tpu.memory_space<vmem>>, vector<16xf32>,
        %mul3A_267 = arith.mulf %get3A_263, %get3A_266 : vector<16xf32>
        %get3A_268 = arith.index_cast %add3A_254 : i32 to index
        %get3A_269 = arith.constant 0 : index
        %get3A_270 = tpu.vector_load %arg13[%get3A_268, %get3A_269] {strides = array<i32>} : memref<512x16xf32, #tpu.memory_space<vmem>>, vector<16xf32>,
        %mul3A_271 = arith.mulf %mul3A_267, %get3A_270 : vector<16xf32>
        tpu.vector_store_idx %arg15[%sub3A_258, %iota3A], %mul3A_271 masked %lt3A_260 {add = true} : memref<5000x16xf32, #tpu.memory_space<vmem>>[vector<16xi32>, vector<16xi32>], vector<16xf32>, vector<16xi1>
        %mul3A_272 = arith.constant 8 : i32
        %mul3A_273 = arith.muli %scan3A_127, %mul3A_272 : i32
        %add3A_274 = arith.constant 7 : i32
        %add3A_275 = arith.addi %mul3A_273, %add3A_274 : i32
        %get3A_276 = arith.index_cast %add3A_275 : i32 to index
        %get3A_277 = arith.constant 0 : index
        %get3A_278 = tpu.vector_load %arg10[%get3A_276, %get3A_277] {strides = array<i32>} : memref<512x16xi32, #tpu.memory_space<vmem>>, vector<16xi32>,
        %sub3A_279 = arith.subi %get3A_278, %broadcast_in_dim3A_21 : vector<16xi32>
        %bitcast_convert_type3A_280 = tpu.bitcast %sub3A_279 : vector<16xi32> -> vector<16xi32>
        %lt3A_281 = arith.cmpi ult, %bitcast_convert_type3A_280, %broadcast_in_dim3A_6 : vector<16xi32>
        %get3A_282 = arith.index_cast %add3A_275 : i32 to index
        %get3A_283 = arith.constant 0 : index
        %get3A_284 = tpu.vector_load %arg12[%get3A_282, %get3A_283] {strides = array<i32>} : memref<512x16xf32, #tpu.memory_space<vmem>>, vector<16xf32>,
        %get3A_285 = arith.index_cast %add3A_275 : i32 to index
        %get3A_286 = arith.constant 0 : index
        %get3A_287 = tpu.vector_load %arg14[%get3A_285, %get3A_286] {strides = array<i32>} : memref<512x16xf32, #tpu.memory_space<vmem>>, vector<16xf32>,
        %mul3A_288 = arith.mulf %get3A_284, %get3A_287 : vector<16xf32>
        %get3A_289 = arith.index_cast %add3A_275 : i32 to index
        %get3A_290 = arith.constant 0 : index
        %get3A_291 = tpu.vector_load %arg13[%get3A_289, %get3A_290] {strides = array<i32>} : memref<512x16xf32, #tpu.memory_space<vmem>>, vector<16xf32>,
        %mul3A_292 = arith.mulf %mul3A_288, %get3A_291 : vector<16xf32>
        tpu.vector_store_idx %arg15[%sub3A_279, %iota3A], %mul3A_292 masked %lt3A_281 {add = true} : memref<5000x16xf32, #tpu.memory_space<vmem>>[vector<16xi32>, vector<16xi32>], vector<16xf32>, vector<16xi1>
      }
      %scan3A_126 = arith.constant 64 : i32
    }
    %scan3A_33 = arith.constant 625 : i32
    "tpu.region"() ({
      %run_scoped3A = tpu.sem_alloc : memref<!tpu.dma_semaphore, #tpu.memory_space<semaphore_mem>>
      %dma_start3A = arith.constant 5000 : i32
      %dma_start3A_34 = arith.constant 0 : i32
      %dma_start3A_35 = tpu.memref_slice %arg8[%add3A, %dma_start3A, %dma_start3A_34] : memref<32x10000x16xf32, #tpu.memory_space<hbm>> -> memref<1x5000x16xf32, #tpu.memory_space<hbm>>
      %dma_start3A_36 = tpu.memref_squeeze %dma_start3A_35 : memref<1x5000x16xf32, #tpu.memory_space<hbm>> -> memref<5000x16xf32, #tpu.memory_space<hbm>>
      %dma_start3A_37 = arith.constant 5000 : i32
      %dma_start3A_38 = arith.constant 0 : i32
      %dma_start3A_39 = tpu.memref_slice %arg8[%add3A, %dma_start3A_37, %dma_start3A_38] : memref<32x10000x16xf32, #tpu.memory_space<hbm>> -> memref<1x5000x16xf32, #tpu.memory_space<hbm>>
      %dma_start3A_40 = tpu.memref_squeeze %dma_start3A_39 : memref<1x5000x16xf32, #tpu.memory_space<hbm>> -> memref<5000x16xf32, #tpu.memory_space<hbm>>
      tpu.enqueue_dma source(%arg15 : memref<5000x16xf32, #tpu.memory_space<vmem>>) target(%dma_start3A_40 : memref<5000x16xf32, #tpu.memory_space<hbm>>) target_semaphore(%run_scoped3A : memref<!tpu.dma_semaphore, #tpu.memory_space<semaphore_mem>>)
      %dma_wait3A = arith.constant 5000 : i32
      %dma_wait3A_41 = arith.constant 0 : i32
      %dma_wait3A_42 = tpu.memref_slice %arg8[%add3A, %dma_wait3A, %dma_wait3A_41] : memref<32x10000x16xf32, #tpu.memory_space<hbm>> -> memref<1x5000x16xf32, #tpu.memory_space<hbm>>
      %dma_wait3A_43 = tpu.memref_squeeze %dma_wait3A_42 : memref<1x5000x16xf32, #tpu.memory_space<hbm>> -> memref<5000x16xf32, #tpu.memory_space<hbm>>
      %dma_wait3A_44 = arith.constant 5000 : i32
      %dma_wait3A_45 = arith.constant 0 : i32
      %dma_wait3A_46 = tpu.memref_slice %arg8[%add3A, %dma_wait3A_44, %dma_wait3A_45] : memref<32x10000x16xf32, #tpu.memory_space<hbm>> -> memref<1x5000x16xf32, #tpu.memory_space<hbm>>
      %dma_wait3A_47 = tpu.memref_squeeze %dma_wait3A_46 : memref<1x5000x16xf32, #tpu.memory_space<hbm>> -> memref<5000x16xf32, #tpu.memory_space<hbm>>
      tpu.wait_dma2 semaphore(%run_scoped3A : memref<!tpu.dma_semaphore, #tpu.memory_space<semaphore_mem>>) src(%arg15 : memref<5000x16xf32, #tpu.memory_space<vmem>>) dst(%dma_wait3A_47 : memref<5000x16xf32, #tpu.memory_space<hbm>>)
      tpu.yield
    }) : () -> ()
    return
  }
}

module attributes {stable_mosaic.version = 14 : i64} {
  func.func @_node_body(%arg0: i32, %arg1: memref<2000x128xf32, #tpu.memory_space<vmem>>, %arg2: memref<128x128xf32, #tpu.memory_space<vmem>>, %arg3: memref<128x128xf32, #tpu.memory_space<vmem>>, %arg4: memref<384x128xf32, #tpu.memory_space<vmem>>, %arg5: memref<1x384xf32, #tpu.memory_space<vmem>>, %arg6: memref<2000x128xf32, #tpu.memory_space<vmem>>, %arg7: memref<2000x128xf32, #tpu.memory_space<vmem>>, %arg8: memref<2000x384xf32, #tpu.memory_space<vmem>>) attributes {dimension_semantics = [#tpu.dimension_semantics<arbitrary>], iteration_bounds = array<i64: 5>, scalar_prefetch = 0 : i64, scratch_operands = 0 : i64, tpu.core_type = #tpu.core_type<tc>, window_params = [{transform_indices = @transform_0, window_bounds = array<i64: 2000, 128>}, {pipeline_mode = #tpu.pipeline_mode<synchronous>, transform_indices = @transform_1, window_bounds = array<i64: 128, 128>}, {pipeline_mode = #tpu.pipeline_mode<synchronous>, transform_indices = @transform_2, window_bounds = array<i64: 128, 128>}, {pipeline_mode = #tpu.pipeline_mode<synchronous>, transform_indices = @transform_3, window_bounds = array<i64: 384, 128>}, {pipeline_mode = #tpu.pipeline_mode<synchronous>, transform_indices = @transform_4, window_bounds = array<i64: 1, 384>}, {transform_indices = @transform_5, window_bounds = array<i64: 2000, 128>}, {transform_indices = @transform_6, window_bounds = array<i64: 2000, 128>}, {transform_indices = @transform_7, window_bounds = array<i64: 2000, 384>}]} {
    %get3A = arith.constant 0 : index
    %get3A_0 = arith.constant 0 : index
    %get3A_1 = vector.load %arg1[%get3A, %get3A_0] : memref<2000x128xf32, #tpu.memory_space<vmem>>, vector<2000x128xf32>
    %get3A_2 = arith.constant 0 : index
    %get3A_3 = arith.constant 0 : index
    %get3A_4 = vector.load %arg2[%get3A_2, %get3A_3] : memref<128x128xf32, #tpu.memory_space<vmem>>, vector<128x128xf32>
    %dot_general3A = arith.constant dense<0.000000e+00> : vector<2000x128xf32>
    %dot_general3A_5 = tpu.matmul %get3A_1, %get3A_4, %dot_general3A {dimension_numbers = #tpu.dot_dimension_numbers<[1], [1], [0], [0], [0, 0, 1, 0], [], []>, transpose_lhs_hint = false} : vector<2000x128xf32>, vector<128x128xf32>, vector<2000x128xf32> -> vector<2000x128xf32>
    %swap3A = arith.constant 0 : index
    %swap3A_6 = arith.constant 0 : index
    %swap3A_7 = vector.load %arg6[%swap3A, %swap3A_6] : memref<2000x128xf32, #tpu.memory_space<vmem>>, vector<2000x128xf32>
    tpu.vector_store %arg6[%swap3A, %swap3A_6], %dot_general3A_5 {strides = array<i32>} : memref<2000x128xf32, #tpu.memory_space<vmem>>, vector<2000x128xf32>,
    %get3A_8 = arith.constant 0 : index
    %get3A_9 = arith.constant 0 : index
    %get3A_10 = vector.load %arg3[%get3A_8, %get3A_9] : memref<128x128xf32, #tpu.memory_space<vmem>>, vector<128x128xf32>
    %dot_general3A_11 = arith.constant dense<0.000000e+00> : vector<2000x128xf32>
    %dot_general3A_12 = tpu.matmul %get3A_1, %get3A_10, %dot_general3A_11 {dimension_numbers = #tpu.dot_dimension_numbers<[1], [1], [0], [0], [0, 0, 1, 0], [], []>, transpose_lhs_hint = false} : vector<2000x128xf32>, vector<128x128xf32>, vector<2000x128xf32> -> vector<2000x128xf32>
    %swap3A_13 = arith.constant 0 : index
    %swap3A_14 = arith.constant 0 : index
    %swap3A_15 = vector.load %arg7[%swap3A_13, %swap3A_14] : memref<2000x128xf32, #tpu.memory_space<vmem>>, vector<2000x128xf32>
    tpu.vector_store %arg7[%swap3A_13, %swap3A_14], %dot_general3A_12 {strides = array<i32>} : memref<2000x128xf32, #tpu.memory_space<vmem>>, vector<2000x128xf32>,
    %get3A_16 = arith.constant 0 : index
    %get3A_17 = arith.constant 0 : index
    %get3A_18 = vector.load %arg4[%get3A_16, %get3A_17] : memref<384x128xf32, #tpu.memory_space<vmem>>, vector<384x128xf32>
    %dot_general3A_19 = arith.constant dense<0.000000e+00> : vector<2000x384xf32>
    %dot_general3A_20 = tpu.matmul %get3A_1, %get3A_18, %dot_general3A_19 {dimension_numbers = #tpu.dot_dimension_numbers<[1], [1], [0], [0], [0, 0, 1, 0], [], []>, transpose_lhs_hint = false} : vector<2000x128xf32>, vector<384x128xf32>, vector<2000x384xf32> -> vector<2000x384xf32>
    %get3A_21 = arith.constant 0 : index
    %get3A_22 = arith.constant 0 : index
    %get3A_23 = vector.load %arg5[%get3A_21, %get3A_22] : memref<1x384xf32, #tpu.memory_space<vmem>>, vector<1x384xf32>
    %add3A = vector.broadcast %get3A_23 : vector<1x384xf32> to vector<2000x384xf32>
    %add3A_24 = arith.addf %dot_general3A_20, %add3A : vector<2000x384xf32>
    %swap3A_25 = arith.constant 0 : index
    %swap3A_26 = arith.constant 0 : index
    %swap3A_27 = vector.load %arg8[%swap3A_25, %swap3A_26] : memref<2000x384xf32, #tpu.memory_space<vmem>>, vector<2000x384xf32>
    tpu.vector_store %arg8[%swap3A_25, %swap3A_26], %add3A_24 {strides = array<i32>} : memref<2000x384xf32, #tpu.memory_space<vmem>>, vector<2000x384xf32>,
    return
  }
  func.func @transform_0(%arg0: i32) -> (i32, i32) {
    %c0_i32 = arith.constant 0 : i32
    %c0_i32_0 = arith.constant 0 : i32
    return %arg0, %c0_i32 : i32, i32
  }
  func.func @transform_1(%arg0: i32) -> (i32, i32) {
    %c0_i32 = arith.constant 0 : i32
    %c0_i32_0 = arith.constant 0 : i32
    %c0_i32_1 = arith.constant 0 : i32
    return %c0_i32, %c0_i32_0 : i32, i32
  }
  func.func @transform_2(%arg0: i32) -> (i32, i32) {
    %c0_i32 = arith.constant 0 : i32
    %c0_i32_0 = arith.constant 0 : i32
    %c0_i32_1 = arith.constant 0 : i32
    return %c0_i32, %c0_i32_0 : i32, i32
  }
  func.func @transform_3(%arg0: i32) -> (i32, i32) {
    %c0_i32 = arith.constant 0 : i32
    %c0_i32_0 = arith.constant 0 : i32
    %c0_i32_1 = arith.constant 0 : i32
    return %c0_i32, %c0_i32_0 : i32, i32
  }
  func.func @transform_4(%arg0: i32) -> (i32, i32) {
    %c0_i32 = arith.constant 0 : i32
    %c0_i32_0 = arith.constant 0 : i32
    %c0_i32_1 = arith.constant 0 : i32
    return %c0_i32, %c0_i32_0 : i32, i32
  }
  func.func @transform_5(%arg0: i32) -> (i32, i32) {
    %c0_i32 = arith.constant 0 : i32
    %c0_i32_0 = arith.constant 0 : i32
    return %arg0, %c0_i32 : i32, i32
  }
  func.func @transform_6(%arg0: i32) -> (i32, i32) {
    %c0_i32 = arith.constant 0 : i32
    %c0_i32_0 = arith.constant 0 : i32
    return %arg0, %c0_i32 : i32, i32
  }
  func.func @transform_7(%arg0: i32) -> (i32, i32) {
    %c0_i32 = arith.constant 0 : i32
    %c0_i32_0 = arith.constant 0 : i32
    return %arg0, %c0_i32 : i32, i32
  }
}

module attributes {stable_mosaic.version = 14 : i64} {
  func.func @_logits_body(%arg0: i32, %arg1: memref<2000x128xf32, #tpu.memory_space<vmem>>, %arg2: memref<512x128xf32, #tpu.memory_space<vmem>>, %arg3: memref<2000x512xf32, #tpu.memory_space<vmem>>, %arg4: memref<8x128xf32, #tpu.memory_space<vmem>>) attributes {dimension_semantics = [#tpu.dimension_semantics<arbitrary>], iteration_bounds = array<i64: 160>, scalar_prefetch = 0 : i64, scratch_operands = 0 : i64, tpu.core_type = #tpu.core_type<tc>, window_params = [{transform_indices = @transform_0, window_bounds = array<i64: 2000, 128>}, {pipeline_mode = #tpu.pipeline_mode<synchronous>, transform_indices = @transform_1, window_bounds = array<i64: 512, 128>}, {transform_indices = @transform_2, window_bounds = array<i64: 2000, 512>}, {pipeline_mode = #tpu.pipeline_mode<synchronous>, transform_indices = @transform_3, window_bounds = array<i64: 8, 128>}]} {
    %get3A = arith.constant 0 : index
    %get3A_0 = arith.constant 0 : index
    %get3A_1 = vector.load %arg1[%get3A, %get3A_0] : memref<2000x128xf32, #tpu.memory_space<vmem>>, vector<2000x128xf32>
    %get3A_2 = arith.constant 0 : index
    %get3A_3 = arith.constant 0 : index
    %get3A_4 = vector.load %arg2[%get3A_2, %get3A_3] : memref<512x128xf32, #tpu.memory_space<vmem>>, vector<512x128xf32>
    %dot_general3A = arith.constant dense<0.000000e+00> : vector<2000x512xf32>
    %dot_general3A_5 = tpu.matmul %get3A_1, %get3A_4, %dot_general3A {dimension_numbers = #tpu.dot_dimension_numbers<[1], [1], [0], [0], [0, 0, 1, 0], [], []>, transpose_lhs_hint = false} : vector<2000x128xf32>, vector<512x128xf32>, vector<2000x512xf32> -> vector<2000x512xf32>
    %swap3A = arith.constant 0 : index
    %swap3A_6 = arith.constant 0 : index
    %swap3A_7 = vector.load %arg3[%swap3A, %swap3A_6] : memref<2000x512xf32, #tpu.memory_space<vmem>>, vector<2000x512xf32>
    tpu.vector_store %arg3[%swap3A, %swap3A_6], %dot_general3A_5 {strides = array<i32>} : memref<2000x512xf32, #tpu.memory_space<vmem>>, vector<2000x512xf32>,
    %reduce_max3A = vector.shape_cast %dot_general3A_5 : vector<2000x512xf32> to vector<1x2000x512xf32>
    %reduce_max3A_8 = arith.constant dense<0xFF800000> : vector<1xf32>
    %reduce_max3A_9 = vector.multi_reduction <maximumf>, %reduce_max3A, %reduce_max3A_8 [1, 2] : vector<1x2000x512xf32> to vector<1xf32>
    %reduce_max3A_10 = vector.shape_cast %reduce_max3A_9 : vector<1xf32> to vector<1x1x1xf32>
    %reduce_max3A_11 = vector.extract %reduce_max3A_10[0, 0, 0] : f32 from vector<1x1x1xf32>
    %broadcast_in_dim3A = vector.broadcast %reduce_max3A_11 : f32 to vector<8x128xf32>
    %eq3A = arith.constant 0 : i32
    %eq3A_12 = arith.cmpi eq, %arg0, %eq3A : i32
    %convert_element_type3A = arith.extui %eq3A_12 : i1 to i32
    %cond3A = arith.constant 0 : i32
    %cond3A_13 = arith.cmpi ne, %convert_element_type3A, %cond3A : i32
    scf.if %cond3A_13 {
      %broadcast_in_dim3A_20 = arith.constant 0xFF800000 : f32
      %broadcast_in_dim3A_21 = vector.broadcast %broadcast_in_dim3A_20 : f32 to vector<8x128xf32>
      %swap3A_22 = arith.constant 0 : index
      %swap3A_23 = arith.constant 0 : index
      %swap3A_24 = vector.load %arg4[%swap3A_22, %swap3A_23] : memref<8x128xf32, #tpu.memory_space<vmem>>, vector<8x128xf32>
      tpu.vector_store %arg4[%swap3A_22, %swap3A_23], %broadcast_in_dim3A_21 {strides = array<i32>} : memref<8x128xf32, #tpu.memory_space<vmem>>, vector<8x128xf32>,
    } else {
    }
    %get3A_14 = arith.constant 0 : index
    %get3A_15 = arith.constant 0 : index
    %get3A_16 = vector.load %arg4[%get3A_14, %get3A_15] : memref<8x128xf32, #tpu.memory_space<vmem>>, vector<8x128xf32>
    %max3A = arith.maximumf %get3A_16, %broadcast_in_dim3A : vector<8x128xf32>
    %swap3A_17 = arith.constant 0 : index
    %swap3A_18 = arith.constant 0 : index
    %swap3A_19 = vector.load %arg4[%swap3A_17, %swap3A_18] : memref<8x128xf32, #tpu.memory_space<vmem>>, vector<8x128xf32>
    tpu.vector_store %arg4[%swap3A_17, %swap3A_18], %max3A {strides = array<i32>} : memref<8x128xf32, #tpu.memory_space<vmem>>, vector<8x128xf32>,
    return
  }
  func.func @transform_0(%arg0: i32) -> (i32, i32) {
    %c0_i32 = arith.constant 0 : i32
    %c0_i32_0 = arith.constant 0 : i32
    return %arg0, %c0_i32 : i32, i32
  }
  func.func @transform_1(%arg0: i32) -> (i32, i32) {
    %c0_i32 = arith.constant 0 : i32
    %c0_i32_0 = arith.constant 0 : i32
    %c0_i32_1 = arith.constant 0 : i32
    return %c0_i32, %c0_i32_0 : i32, i32
  }
  func.func @transform_2(%arg0: i32) -> (i32, i32) {
    %c0_i32 = arith.constant 0 : i32
    %c0_i32_0 = arith.constant 0 : i32
    return %arg0, %c0_i32 : i32, i32
  }
  func.func @transform_3(%arg0: i32) -> (i32, i32) {
    %c0_i32 = arith.constant 0 : i32
    %c0_i32_0 = arith.constant 0 : i32
    %c0_i32_1 = arith.constant 0 : i32
    return %c0_i32, %c0_i32_0 : i32, i32
  }
}

module attributes {stable_mosaic.version = 14 : i64} {
  func.func @_epart_body(%arg0: i32, %arg1: memref<10000x16xf32, #tpu.memory_space<vmem>>, %arg2: memref<128x16xf32, #tpu.memory_space<vmem>>, %arg3: memref<10000x128xf32, #tpu.memory_space<vmem>>) attributes {dimension_semantics = [#tpu.dimension_semantics<arbitrary>], iteration_bounds = array<i64: 32>, scalar_prefetch = 0 : i64, scratch_operands = 0 : i64, tpu.core_type = #tpu.core_type<tc>, window_params = [{transform_indices = @transform_0, window_bounds = array<i64: 10000, 16>}, {pipeline_mode = #tpu.pipeline_mode<synchronous>, transform_indices = @transform_1, window_bounds = array<i64: 128, 16>}, {transform_indices = @transform_2, window_bounds = array<i64: 10000, 128>}]} {
    %get3A = arith.constant 0 : index
    %get3A_0 = arith.constant 0 : index
    %get3A_1 = vector.load %arg1[%get3A, %get3A_0] : memref<10000x16xf32, #tpu.memory_space<vmem>>, vector<10000x16xf32>
    %get3A_2 = arith.constant 0 : index
    %get3A_3 = arith.constant 0 : index
    %get3A_4 = vector.load %arg2[%get3A_2, %get3A_3] : memref<128x16xf32, #tpu.memory_space<vmem>>, vector<128x16xf32>
    %dot_general3A = arith.constant dense<0.000000e+00> : vector<10000x128xf32>
    %dot_general3A_5 = tpu.matmul %get3A_1, %get3A_4, %dot_general3A {dimension_numbers = #tpu.dot_dimension_numbers<[1], [1], [0], [0], [0, 0, 1, 0], [], []>, transpose_lhs_hint = false} : vector<10000x16xf32>, vector<128x16xf32>, vector<10000x128xf32> -> vector<10000x128xf32>
    %swap3A = arith.constant 0 : index
    %swap3A_6 = arith.constant 0 : index
    %swap3A_7 = vector.load %arg3[%swap3A, %swap3A_6] : memref<10000x128xf32, #tpu.memory_space<vmem>>, vector<10000x128xf32>
    tpu.vector_store %arg3[%swap3A, %swap3A_6], %dot_general3A_5 {strides = array<i32>} : memref<10000x128xf32, #tpu.memory_space<vmem>>, vector<10000x128xf32>,
    return
  }
  func.func @transform_0(%arg0: i32) -> (i32, i32) {
    %c0_i32 = arith.constant 0 : i32
    %c0_i32_0 = arith.constant 0 : i32
    return %arg0, %c0_i32 : i32, i32
  }
  func.func @transform_1(%arg0: i32) -> (i32, i32) {
    %c0_i32 = arith.constant 0 : i32
    %c0_i32_0 = arith.constant 0 : i32
    %c0_i32_1 = arith.constant 0 : i32
    return %c0_i32, %c0_i32_0 : i32, i32
  }
  func.func @transform_2(%arg0: i32) -> (i32, i32) {
    %c0_i32 = arith.constant 0 : i32
    %c0_i32_0 = arith.constant 0 : i32
    return %arg0, %c0_i32 : i32, i32
  }
}

module attributes {stable_mosaic.version = 14 : i64} {
  func.func @_expw_body(%arg0: i32, %arg1: memref<2000x512xf32, #tpu.memory_space<vmem>>, %arg2: memref<8x128xf32, #tpu.memory_space<vmem>>, %arg3: memref<2000x512xf32, #tpu.memory_space<vmem>>) attributes {dimension_semantics = [#tpu.dimension_semantics<arbitrary>], iteration_bounds = array<i64: 160>, scalar_prefetch = 0 : i64, scratch_operands = 0 : i64, tpu.core_type = #tpu.core_type<tc>, window_params = [{transform_indices = @transform_0, window_bounds = array<i64: 2000, 512>}, {pipeline_mode = #tpu.pipeline_mode<synchronous>, transform_indices = @transform_1, window_bounds = array<i64: 8, 128>}, {transform_indices = @transform_2, window_bounds = array<i64: 2000, 512>}]} {
    %get3A = arith.constant 0 : index
    %get3A_0 = arith.constant 0 : index
    %get3A_1 = vector.load %arg1[%get3A, %get3A_0] : memref<2000x512xf32, #tpu.memory_space<vmem>>, vector<2000x512xf32>
    %get3A_2 = arith.constant 0 : index
    %get3A_3 = arith.constant 0 : index
    %get3A_4 = vector.load %arg2[%get3A_2, %get3A_3] : memref<8x128xf32, #tpu.memory_space<vmem>>, vector<1x1xf32>
    %get3A_5 = vector.extract %get3A_4[0, 0] : f32 from vector<1x1xf32>
    %sub3A = vector.broadcast %get3A_5 : f32 to vector<2000x512xf32>
    %sub3A_6 = arith.subf %get3A_1, %sub3A : vector<2000x512xf32>
    %exp3A = math.exp %sub3A_6 : vector<2000x512xf32>
    %swap3A = arith.constant 0 : index
    %swap3A_7 = arith.constant 0 : index
    %swap3A_8 = vector.load %arg3[%swap3A, %swap3A_7] : memref<2000x512xf32, #tpu.memory_space<vmem>>, vector<2000x512xf32>
    tpu.vector_store %arg3[%swap3A, %swap3A_7], %exp3A {strides = array<i32>} : memref<2000x512xf32, #tpu.memory_space<vmem>>, vector<2000x512xf32>,
    return
  }
  func.func @transform_0(%arg0: i32) -> (i32, i32) {
    %c0_i32 = arith.constant 0 : i32
    %c0_i32_0 = arith.constant 0 : i32
    return %arg0, %c0_i32 : i32, i32
  }
  func.func @transform_1(%arg0: i32) -> (i32, i32) {
    %c0_i32 = arith.constant 0 : i32
    %c0_i32_0 = arith.constant 0 : i32
    %c0_i32_1 = arith.constant 0 : i32
    return %c0_i32, %c0_i32_0 : i32, i32
  }
  func.func @transform_2(%arg0: i32) -> (i32, i32) {
    %c0_i32 = arith.constant 0 : i32
    %c0_i32_0 = arith.constant 0 : i32
    return %arg0, %c0_i32 : i32, i32
  }
}

module attributes {stable_mosaic.version = 14 : i64} {
  func.func @_gru_body(%arg0: i32, %arg1: memref<2000x512xf32, #tpu.memory_space<vmem>>, %arg2: memref<2000x128xf32, #tpu.memory_space<vmem>>, %arg3: memref<2000x384xf32, #tpu.memory_space<vmem>>, %arg4: memref<384x128xf32, #tpu.memory_space<vmem>>, %arg5: memref<1x384xf32, #tpu.memory_space<vmem>>, %arg6: memref<2000x128xf32, #tpu.memory_space<vmem>>) attributes {dimension_semantics = [#tpu.dimension_semantics<arbitrary>], iteration_bounds = array<i64: 5>, scalar_prefetch = 0 : i64, scratch_operands = 0 : i64, tpu.core_type = #tpu.core_type<tc>, window_params = [{transform_indices = @transform_0, window_bounds = array<i64: 2000, 512>}, {transform_indices = @transform_1, window_bounds = array<i64: 2000, 128>}, {transform_indices = @transform_2, window_bounds = array<i64: 2000, 384>}, {pipeline_mode = #tpu.pipeline_mode<synchronous>, transform_indices = @transform_3, window_bounds = array<i64: 384, 128>}, {pipeline_mode = #tpu.pipeline_mode<synchronous>, transform_indices = @transform_4, window_bounds = array<i64: 1, 384>}, {transform_indices = @transform_5, window_bounds = array<i64: 2000, 128>}]} {
    %get3A = arith.constant 0 : index
    %get3A_0 = arith.constant 0 : index
    %get3A_1 = vector.load %arg1[%get3A, %get3A_0] : memref<2000x512xf32, #tpu.memory_space<vmem>>, vector<2000x512xf32>
    %slice3A = vector.extract_strided_slice %get3A_1 {offsets = [0, 0], sizes = [2000, 128], strides = [1, 1]} : vector<2000x512xf32> to vector<2000x128xf32>
    %slice3A_2 = vector.extract_strided_slice %get3A_1 {offsets = [0, 128], sizes = [2000, 128], strides = [1, 1]} : vector<2000x512xf32> to vector<2000x128xf32>
    %add3A = arith.addf %slice3A, %slice3A_2 : vector<2000x128xf32>
    %slice3A_3 = vector.extract_strided_slice %get3A_1 {offsets = [0, 256], sizes = [2000, 128], strides = [1, 1]} : vector<2000x512xf32> to vector<2000x128xf32>
    %add3A_4 = arith.addf %add3A, %slice3A_3 : vector<2000x128xf32>
    %slice3A_5 = vector.extract_strided_slice %get3A_1 {offsets = [0, 384], sizes = [2000, 128], strides = [1, 1]} : vector<2000x512xf32> to vector<2000x128xf32>
    %add3A_6 = arith.addf %add3A_4, %slice3A_5 : vector<2000x128xf32>
    %mul3A = arith.constant 2.500000e-01 : f32
    %mul3A_7 = vector.broadcast %mul3A : f32 to vector<2000x128xf32>
    %mul3A_8 = arith.mulf %mul3A_7, %add3A_6 : vector<2000x128xf32>
    %get3A_9 = arith.constant 0 : index
    %get3A_10 = arith.constant 0 : index
    %get3A_11 = vector.load %arg4[%get3A_9, %get3A_10] : memref<384x128xf32, #tpu.memory_space<vmem>>, vector<384x128xf32>
    %dot_general3A = arith.constant dense<0.000000e+00> : vector<2000x384xf32>
    %dot_general3A_12 = tpu.matmul %mul3A_8, %get3A_11, %dot_general3A {dimension_numbers = #tpu.dot_dimension_numbers<[1], [1], [0], [0], [0, 0, 1, 0], [], []>, transpose_lhs_hint = false} : vector<2000x128xf32>, vector<384x128xf32>, vector<2000x384xf32> -> vector<2000x384xf32>
    %get3A_13 = arith.constant 0 : index
    %get3A_14 = arith.constant 0 : index
    %get3A_15 = vector.load %arg5[%get3A_13, %get3A_14] : memref<1x384xf32, #tpu.memory_space<vmem>>, vector<1x384xf32>
    %add3A_16 = vector.broadcast %get3A_15 : vector<1x384xf32> to vector<2000x384xf32>
    %add3A_17 = arith.addf %dot_general3A_12, %add3A_16 : vector<2000x384xf32>
    %get3A_18 = arith.constant 0 : index
    %get3A_19 = arith.constant 0 : index
    %get3A_20 = vector.load %arg3[%get3A_18, %get3A_19] : memref<2000x384xf32, #tpu.memory_space<vmem>>, vector<2000x384xf32>
    %slice3A_21 = vector.extract_strided_slice %get3A_20 {offsets = [0, 0], sizes = [2000, 128], strides = [1, 1]} : vector<2000x384xf32> to vector<2000x128xf32>
    %slice3A_22 = vector.extract_strided_slice %add3A_17 {offsets = [0, 0], sizes = [2000, 128], strides = [1, 1]} : vector<2000x384xf32> to vector<2000x128xf32>
    %add3A_23 = arith.addf %slice3A_21, %slice3A_22 : vector<2000x128xf32>
    %logistic3A = arith.negf %add3A_23 : vector<2000x128xf32>
    %logistic3A_24 = math.exp %logistic3A : vector<2000x128xf32>
    %logistic3A_25 = arith.constant 1.000000e+00 : f32
    %logistic3A_26 = vector.broadcast %logistic3A_25 : f32 to vector<2000x128xf32>
    %logistic3A_27 = arith.addf %logistic3A_26, %logistic3A_24 : vector<2000x128xf32>
    %logistic3A_28 = arith.divf %logistic3A_26, %logistic3A_27 : vector<2000x128xf32>
    %slice3A_29 = vector.extract_strided_slice %get3A_20 {offsets = [0, 128], sizes = [2000, 128], strides = [1, 1]} : vector<2000x384xf32> to vector<2000x128xf32>
    %slice3A_30 = vector.extract_strided_slice %add3A_17 {offsets = [0, 128], sizes = [2000, 128], strides = [1, 1]} : vector<2000x384xf32> to vector<2000x128xf32>
    %add3A_31 = arith.addf %slice3A_29, %slice3A_30 : vector<2000x128xf32>
    %logistic3A_32 = arith.negf %add3A_31 : vector<2000x128xf32>
    %logistic3A_33 = math.exp %logistic3A_32 : vector<2000x128xf32>
    %logistic3A_34 = arith.constant 1.000000e+00 : f32
    %logistic3A_35 = vector.broadcast %logistic3A_34 : f32 to vector<2000x128xf32>
    %logistic3A_36 = arith.addf %logistic3A_35, %logistic3A_33 : vector<2000x128xf32>
    %logistic3A_37 = arith.divf %logistic3A_35, %logistic3A_36 : vector<2000x128xf32>
    %slice3A_38 = vector.extract_strided_slice %get3A_20 {offsets = [0, 256], sizes = [2000, 128], strides = [1, 1]} : vector<2000x384xf32> to vector<2000x128xf32>
    %slice3A_39 = vector.extract_strided_slice %add3A_17 {offsets = [0, 256], sizes = [2000, 128], strides = [1, 1]} : vector<2000x384xf32> to vector<2000x128xf32>
    %mul3A_40 = arith.mulf %logistic3A_28, %slice3A_39 : vector<2000x128xf32>
    %add3A_41 = arith.addf %slice3A_38, %mul3A_40 : vector<2000x128xf32>
    %tanh3A = math.tanh %add3A_41 : vector<2000x128xf32>
    %sub3A = arith.constant 1.000000e+00 : f32
    %sub3A_42 = vector.broadcast %sub3A : f32 to vector<2000x128xf32>
    %sub3A_43 = arith.subf %sub3A_42, %logistic3A_37 : vector<2000x128xf32>
    %mul3A_44 = arith.mulf %sub3A_43, %tanh3A : vector<2000x128xf32>
    %mul3A_45 = arith.mulf %logistic3A_37, %mul3A_8 : vector<2000x128xf32>
    %add3A_46 = arith.addf %mul3A_44, %mul3A_45 : vector<2000x128xf32>
    %swap3A = arith.constant 0 : index
    %swap3A_47 = arith.constant 0 : index
    %swap3A_48 = vector.load %arg6[%swap3A, %swap3A_47] : memref<2000x128xf32, #tpu.memory_space<vmem>>, vector<2000x128xf32>
    tpu.vector_store %arg6[%swap3A, %swap3A_47], %add3A_46 {strides = array<i32>} : memref<2000x128xf32, #tpu.memory_space<vmem>>, vector<2000x128xf32>,
    return
  }
  func.func @transform_0(%arg0: i32) -> (i32, i32) {
    %c0_i32 = arith.constant 0 : i32
    %c0_i32_0 = arith.constant 0 : i32
    return %arg0, %c0_i32 : i32, i32
  }
  func.func @transform_1(%arg0: i32) -> (i32, i32) {
    %c0_i32 = arith.constant 0 : i32
    %c0_i32_0 = arith.constant 0 : i32
    return %arg0, %c0_i32 : i32, i32
  }
  func.func @transform_2(%arg0: i32) -> (i32, i32) {
    %c0_i32 = arith.constant 0 : i32
    %c0_i32_0 = arith.constant 0 : i32
    return %arg0, %c0_i32 : i32, i32
  }
  func.func @transform_3(%arg0: i32) -> (i32, i32) {
    %c0_i32 = arith.constant 0 : i32
    %c0_i32_0 = arith.constant 0 : i32
    %c0_i32_1 = arith.constant 0 : i32
    return %c0_i32, %c0_i32_0 : i32, i32
  }
  func.func @transform_4(%arg0: i32) -> (i32, i32) {
    %c0_i32 = arith.constant 0 : i32
    %c0_i32_0 = arith.constant 0 : i32
    %c0_i32_1 = arith.constant 0 : i32
    return %c0_i32, %c0_i32_0 : i32, i32
  }
  func.func @transform_5(%arg0: i32) -> (i32, i32) {
    %c0_i32 = arith.constant 0 : i32
    %c0_i32_0 = arith.constant 0 : i32
    return %arg0, %c0_i32 : i32, i32
  }
}

</mosaic_0001>

<sc_bundles>
// kernel: kernel.10.cloned.1.call-start
scs
__scs_entry_jumppad:
0x0: {  	(pc) =	sbr.rel $0x88, $3  }
0x1: {  	(tag) =	ssettag $0x0;
	lr =	simm.s32 $0x1  }
0x2: {  	[smem:$0x3F96] =	sst lr;
	_ =	strace $0xD0000000  }
0x3: {  	_ = 	snop  }
0x4: {  	_ = 	snop  }
0x5: {  	_ = 	snop  }
0x6: {  	_ = 	snop  }
0x7: {  	_ = 	snop  }
__scs_overlays_trampoline_lowered:
0x8: {  	[smem:$0x3FA5] =	sst s0  }
0x9: {  	[smem:$0x3FA6] =	sst s1  }
0xa: {  	[smem:$0x3FA7] =	sst s2  }
0xb: {  	[smem:$0x3FA8] =	sst s3  }
0xc: {  	[smem:$0x3FA9] =	sst s4  }
0xd: {  	[smem:$0x3FAA] =	sst s5  }
0xe: {  	[smem:$0x3FAB] =	sst s6  }
0xf: {  	[smem:$0x3FAC] =	sst s7  }
0x10: {  	[smem:$0x3FAD] =	sst s8  }
0x11: {  	[smem:$0x3FAE] =	sst s9;
	s0 =	simm.s32 @!p0 $0x0  }
0x12: {  	s1 =	sld [smem:$0x3F94];
	s0 =	simm.s32 @p0 $0x1  }
0x13: {  	[smem:$0x3FAF] =	sst s0;
	s0 =	simm.s32 @!p1 $0x0  }
0x14: {  	s2 =	sld [smem:$0x3F93];
	s0 =	simm.s32 @p1 $0x1  }
0x15: {  	[smem:$0x3FB0] =	sst s0;
	s0 =	simm.s32 @!p2 $0x0  }
0x16: {  	s3 =	sld [smem:$0x3FDB];
	s0 =	simm.s32 @p2 $0x1  }
0x17: {  	s4 =	simm.s32 $0x1BF5;
	[smem:$0x3FB2] =	sst s0  }
0x18: {  	s0 =	sld [smem:$0x3F95];
	_ =	swait.ge [sflag:s4], $0x0  }
0x19: {  	s7 =	sld [smem:$0x3F96]  }
0x1a: {  	s8 =	sadd.s32 $0xFFFFE003, lr  }
0x1b: {  	s9 =	sadd.s32 $0xFFFFFEF7, lr;
	s5 =	simm.s32 $0xFFFFFFFF;
	p2 =	slt.u32 s8, $0xFFFFF086  }
0x1c: {  	p1 =	slt.u32 s9, $0xF7A;
	s5 =	simm.s32 @!p2 $0x0  }
0x1d: {  	s5 =	simm.s32 @p1 $0x1;
	p0 =	seq.s32 s7, s2  }
0x1e: {  	s7 =	smul.u32 @!p0 $0xF7A, s2;
	p2 =	seq.s32 @!p0 s5, $0x0  }
0x1f: {  	s9 =	smul.u32 $0xF7A, s1;
	s8 =	simm.s32 @!p0 $0x1BF5;
	p2 =	por !p2, p0  }
0x20: {  	[sflag:s8] =	ssyncset.s32 @!p0 $0xFFFFF086;
	s6 =	sadd.s32 @!p0 s3, s7;
	s7 =	simm.s32 @!p0 $0x108  }
0x21: {  	s3 =	sadd.s32 s3, s9;
	s6 =	sadd.s32 @!p0 $0x88, s6;
	s7 =	simm.s32 @p2 $0x1082  }
0x22: {  	[simem:s7], [sflag:s8] =	dma.local @!p0 [hbm:s6], $0xF7A  }
0x23: {  	s9 =	sor.u32 $0xD0000000, s2;
	s6 =	simm.s32 $0x108;
	_ =	swait.ge @!p0 [sflag:s8], $0x0  }
0x24: {  	s3 =	sadd.s32 $0x88, s3;
	s6 =	simm.s32 @!p1 $0x1082;
	[sflag:s4] =	ssyncset.s32 $0xFFFFF086  }
0x25: {  	[simem:s6], [sflag:s4] =	dma.local [hbm:s3], $0xF7A  }
0x26: {  	[smem:$0x3F96] =	sst s1;
	(tag) =	ssettag s2;
	_ =	strace s9  }
0x27: {  	s1 =	sld [smem:$0x3FA6]  }
0x28: {  	s2 =	sld [smem:$0x3FA7]  }
0x29: {  	s4 =	sld [smem:$0x3FA9]  }
0x2a: {  	p0 =	seq.s32 s5, $0x0;
	s5 =	sld [smem:$0x3FAA]  }
0x2b: {  	s6 =	sld [smem:$0x3FAB]  }
0x2c: {  	s7 =	sld [smem:$0x3FAC]  }
0x2d: {  	s3 =	simm.s32 $0x108;
	s8 =	sld [smem:$0x3FAD]  }
0x2e: {  	s3 =	simm.s32 @!p0 $0x1082;
	s9 =	sld [smem:$0x3FAE]  }
0x2f: {  	lr =	sadd.s32 s0, s3;
	s0 =	sld [smem:$0x3FA5]  }
0x30: {  	s3 =	sld [smem:$0x3FA8]  }
0x31: {  	[smem:$0x3FB1] =	sst s10  }
0x32: {  	s10 =	sld [smem:$0x3FAF];
	_ =	sdelay $0x3  }
0x33: {  	p0 =	seq.s32 s10, $0x1;
	s10 =	sld [smem:$0x3FB1];
	_ =	sdelay $0x3  }
0x34: {  	[smem:$0x3FB1] =	sst s10  }
0x35: {  	s10 =	sld [smem:$0x3FB0];
	_ =	sdelay $0x3  }
0x36: {  	p1 =	seq.s32 s10, $0x1;
	s10 =	sld [smem:$0x3FB1];
	_ =	sdelay $0x3  }
0x37: {  	[smem:$0x3FB1] =	sst s10  }
0x38: {  	s10 =	sld [smem:$0x3FB2]  }
0x39: {  	_ = 	snop;
	(pc) =	sbr.ind lr, $3  }
0x3a: {  	_ = 	snop  }
0x3b: {  	_ = 	snop  }
0x3c: {  	p2 =	seq.s32 s10, $0x1;
	s10 =	sld [smem:$0x3FB1]  }
0x3d: {  	_ =	shalt  }
0x3e: {  	_ =	shalt  }
0x3f: {  	_ =	shalt  }
0x40: {  	_ =	shalt  }
0x41: {  	_ =	shalt  }
0x42: {  	_ =	shalt  }
0x43: {  	_ =	shalt  }
0x44: {  	_ =	shalt  }
0x45: {  	_ =	shalt  }
0x46: {  	_ =	shalt  }
0x47: {  	_ =	shalt  }
0x48: {  	_ =	shalt  }
0x49: {  	_ =	shalt  }
0x4a: {  	_ =	shalt  }
0x4b: {  	_ =	shalt  }
0x4c: {  	_ =	shalt  }
0x4d: {  	_ =	shalt  }
0x4e: {  	_ =	shalt  }
0x4f: {  	_ =	shalt  }
0x50: {  	_ =	shalt  }
0x51: {  	_ =	shalt  }
0x52: {  	_ =	shalt  }
0x53: {  	_ =	shalt  }
0x54: {  	_ =	shalt  }
0x55: {  	_ =	shalt  }
0x56: {  	_ =	shalt  }
0x57: {  	_ =	shalt  }
0x58: {  	_ =	shalt  }
0x59: {  	_ =	shalt  }
0x5a: {  	_ =	shalt  }
0x5b: {  	_ =	shalt  }
0x5c: {  	_ =	shalt  }
0x5d: {  	_ =	shalt  }
0x5e: {  	_ =	shalt  }
0x5f: {  	_ =	shalt  }
0x60: {  	_ =	shalt  }
0x61: {  	_ =	shalt  }
0x62: {  	_ =	shalt  }
0x63: {  	_ =	shalt  }
0x64: {  	_ =	shalt  }
0x65: {  	_ =	shalt  }
0x66: {  	_ =	shalt  }
0x67: {  	_ =	shalt  }
0x68: {  	_ =	shalt  }
0x69: {  	_ =	shalt  }
0x6a: {  	_ =	shalt  }
0x6b: {  	_ =	shalt  }
0x6c: {  	_ =	shalt  }
0x6d: {  	_ =	shalt  }
0x6e: {  	_ =	shalt  }
0x6f: {  	_ =	shalt  }
0x70: {  	_ =	shalt  }
0x71: {  	_ =	shalt  }
0x72: {  	_ =	shalt  }
0x73: {  	_ =	shalt  }
0x74: {  	_ =	shalt  }
0x75: {  	_ =	shalt  }
0x76: {  	_ =	shalt  }
0x77: {  	_ =	shalt  }
0x78: {  	_ =	shalt  }
0x79: {  	_ =	shalt  }
0x7a: {  	_ =	shalt  }
0x7b: {  	_ =	shalt  }
0x7c: {  	_ =	shalt  }
0x7d: {  	_ =	shalt  }
0x7e: {  	_ =	shalt  }
0x7f: {  	_ =	shalt  }
0x80: {  	_ =	shalt  }
0x81: {  	_ =	shalt  }
0x82: {  	_ =	shalt  }
0x83: {  	_ =	shalt  }
0x84: {  	_ =	shalt  }
0x85: {  	_ =	shalt  }
0x86: {  	_ =	shalt  }
0x87: {  	_ =	shalt  }
.Lfunc_end0:
.L_simem_size_0:
called_computation.3_lowered:
.L_overlay_start_0:
0x88: {  	s2 =	sld [smem:$0x3FD9]  }
0x89: {  	s3 =	sld [smem:$0x3FFE];
	_ =	sdelay $0x1  }
0x8a: {  	s1 =	srdreg.scid  }
0x8b: {  	s0 =	sand.u32 $0x1, s1  }
0x8c: {  	s14 =	sshll.u32 s0, $0xA;
	s2 =	sadd.s32 s3, s2  }
0x8d: {  	s2 =	sadd.s32 s2, s14  }
0x8e: {  	[smem:$0x3FBD] =	sst s2  }
0x8f: {  	_ = 	snop  }
0x90: {  	s2 =	sld [smem:$0x3FD0];
	_ =	sdelay $0x2  }
0x91: {  	s15 =	simm.s32 $0xB;
	s4 =	simm.s32 $0x10  }
0x92: {  	[smem:s4], [sflag:s15] =	dma.local [hbm:s2], $0x1  }
0x93: {  	_ =	swait.eq [sflag:s15], $0x1  }
0x94: {  	[sflag:s15] =	ssyncset.done $0x0  }
0x95: {  	s16 =	sld [smem:$0x10];
	[sflag:s15] =	ssyncadd.s32 $0xFFFFFFFF  }
0x96: {  	s17 =	sld [smem:$0x11];
	(tm) =	ssettm $0x1  }
0x97: {  	s18 =	sld [smem:$0x3FFB];
	_ =	sdelay $0x3  }
0x98: {  	_ =	strace s18  }
0x99: {  	s4 =	sld [smem:$0x3FFC];
	_ =	sdelay $0x3  }
0x9a: {  	_ =	strace s4  }
0x9b: {  	s4 =	sld [smem:$0x3FFD];
	_ =	sdelay $0x3  }
0x9c: {  	_ =	strace s4  }
0x9d: {  	_ =	strace $0x8FFFFFFF  }
0x9e: {  	s19 =	sld [smem:$0x3FDB];
	_ =	sdelay $0x1  }
0x9f: {  	s5 =	simm.s32 $_scs_section_size  }
0xa0: {  	s6 =	simm.s32 $_size__tile_overlayer_lowered;
	s7 =	simm.s32 $_tile_overlayer_lowered  }
0xa1: {  	s22 =	simm.s32 $0x1BFF;
	s21 =	sshll.u32 s7, $0x1;
	s4 =	sadd.s32 s5, s19  }
0xa2: {  	s8 =	simm.s32 $0x0;
	s20 =	sshll.u32 s6, $0x1;
	s6 =	sadd.s32 s21, s4  }
0xa3: {  	[timem:s8], [sflag:s22] =	dma.local [hbm:s6], s20  }
0xa4: {  	_ =	swait.ge [sflag:s22], s20  }
0xa5: {  	s5 =	ssub.s32 $0x0, s20;
	[sflag:s22] =	ssyncset.done $0x0  }
0xa6: {  	[sflag:s22] =	ssyncadd.s32 s5;
	_ =	sdelay $0x1  }
0xa7: {  	s23 =	simm.s32 $0x1B8B  }
0xa8: {  	_ =	swait.ge [sflag:s23], $0x1  }
0xa9: {  	[sflag:s23] =	ssyncset.done $0x0  }
0xaa: {  	s25 =	simm.s32 $0x1B8E;
	s24 =	sld [smem:$0x3FFE];
	[sflag:s23] =	ssyncadd.s32 $0xFFFFFFFF  }
0xab: {  	s26 =	simm.s32 $execute0_lowered;
	[smem:$0x3FD2] =	sst s25  }
0xac: {  	s6 =	sshll.u32 s26, $0x1;
	_ =	strace $0x80000046;
	[dreg:$0x1] =	wrdreg $0xFFFFFFFF  }
0xad: {  	s28 =	simm.s32 $_size_execute0_lowered;
	s4 =	sadd.s32 s4, s6;
	[dreg:$0x0] =	wrdreg $0x0  }
0xae: {  	s6 =	sshll.u32 s28, $0x1;
	[dreg:$0x2] =	wrdreg s4  }
0xaf: {  	[dreg:$0x3] =	wrdreg s6  }
0xb0: {  	[dreg:$0x4] =	wrdreg $0xC0  }
0xb1: {  	_ =	task [dreg:s8], $0x5FFFF  }
0xb2: {  	[dreg:$0x1] =	wrdreg $0xFFFFFFFF  }
0xb3: {  	[dreg:$0x0] =	wrdreg $0x60  }
0xb4: {  	[dreg:$0x2] =	wrdreg s24  }
0xb5: {  	[dreg:$0x3] =	wrdreg s16  }
0xb6: {  	[dreg:$0x4] =	wrdreg s17  }
0xb7: {  	[dreg:$0x5] =	wrdreg $0x9  }
0xb8: {  	_ =	task.clear_ibuf [dreg:s8], $0x6FFFF;
	_ =	strace $0x90000046  }
0xb9: {  	s29 =	simm.s32 $0x9;
	_ =	strace $0x80000048  }
0xba: {  	_ =	swait.ge [sflag:s29], $0x1  }
0xbb: {  	[sflag:s29] =	ssyncadd.s32 $0xFFFFFFFF  }
0xbc: {  	_ =	strace $0x90000048  }
0xbd: {  	_ =	sfence  }
0xbe: {  	s30 =	sld [smem:$0x0];
	_ =	sdelay $0x2  }
0xbf: {  	s31 =	sshll.u32 s1, $0xD;
	s1 =	sshrl.u32 s1, $0x2  }
0xc0: {  	s3 =	sand.u32 $0x4000, s31;
	s1 =	sadd.s32 s1, s30  }
0xc1: {  	s0 =	sor.u32 s3, s0;
	s1 =	sshll.u32 s1, $0x11  }
0xc2: {  	s0 =	sor.u32 s1, s0  }
0xc3: {  	s0 =	sadd.s32 $0x8F2B, s0  }
0xc4: {  	[sflag:s0] =	ssyncadd.remote.s32 $0x1  }
0xc5: {  	_ =	sfence.sel $0xFFFF  }
0xc6: {  	[dreg:$0x0] =	wrdreg $0xFFFFFFFF;
	(pc) =	sbr.abs _section_cstart, $3  }
0xc7: {  	[dreg:$0x1] =	wrdreg $0xFFFFFFFF  }
0xc8: {  	_ =	task.clear_ibuf [dreg:s8], $0x2FFFF;
	_ =	strace $0x9FFFFFFF  }
0xc9: {  	(tm) =	ssettm $0x7FFFFFFF  }
tec
execute0_lowered:
.L_overlay_start_1:
0x0: {  	(tag) =	ssettag $0x1  }
0x1: {  	s0 =	rddreg [dreg:$0x0]  }
0x2: {  	s1 =	rddreg [dreg:$0x1]  }
0x3: {  	s2 =	rddreg [dreg:$0x2];
	s3 =	simm.s32 $0x0;
	s5 =	srdreg.scid  }
0x4: {  	s30 =	stileid.u32;
	s15 =	simm.s32 $0x28A0;
	s16 =	simm.s32 $0x50A0  }
0x5: {  	s17 =	simm.s32 $0xA0;
	s18 =	simm.s32 $0x78A0;
	s19 =	simm.s32 $0x7DA0  }
0x6: {  	s20 =	simm.s32 $0x1;
	s21 =	simm.s32 $0x2;
	s22 =	simm.s32 $0x0  }
0x7: {  	[smem:$0x7FF] =	sst s3;
	s4 =	sadd.s32 $0x18400, s0;
	s6 =	sadd.s32 $0x56F800, s0  }
0x8: {  	s7 =	sadd.s32 $0xE600, s0;
	s11 =	sand.u32 $0x1, s5;
	s8 =	sadd.s32 $0x4800, s0  }
0x9: {  	s9 =	sadd.s32 $0x596A00, s0;
	s14 =	sshll.u32 s30, $0x1;
	s12 =	ssub.s32 $0x2, s11  }
0xa: {  	s10 =	sadd.s32 $0x632E00, s0;
	_ =	strace $0x80000047;
	s13 =	sshrl.u32 s12, $0x1  }
0xb: {  	s11 =	sor.u32 s11, s14;
	s14 =	simm.s32 $0x50;
	s31 =	ssub.s32 s12, s13  }
0xc: {  	s11 =	smul.u32 $0x2710, s11;
	s13 =	simm.s32 $0x3;
	s12 =	smax.u32 s31, $0x1  }
.LBB2_1:
0xd: {  	s23 =	simm.s32 $0x0  }
.LBB2_2:
0xe: {  	s0 =	smul.u32 $0x50, s23;
	_ =	sdelay $0x1  }
0xf: {  	s25 =	sadd.s32 s11, s0  }
0x10: {  	s0 =	sshrl.u32 s25, $0x3  }
0x11: {  	s26 =	simm.s32 $0x0;
	s24 =	sadd.s32 s7, s0  }
0x12: {  	[tilespmem:s26], [sflag:$0x3] =	stream.linear.gather [hbm4b:s24+s26], $0x50, $0x38;
	[tilespmem:$0x82A0] =	vst v63  }
0x13: {  	_ =	swait.ge [sflag:s13], $0x50  }
0x14: {  	[sflag:s13] =	ssyncset.done $0x0  }
0x15: {  	s0 =	sadd.s32 s8, s0;
	[sflag:s13] =	ssyncadd.s32 $0xFFFFFFB0  }
0x16: {  	[tilespmem:s14], [sflag:$0x3] =	stream.linear.gather [hbm4b:s0+s26], $0x50, $0x38;
	[tilespmem:$0x82A0] =	vst v63  }
0x17: {  	_ =	swait.ge [sflag:s13], $0x50  }
0x18: {  	[sflag:s13] =	ssyncset.done $0x0  }
0x19: {  	[sflag:s13] =	ssyncadd.s32 $0xFFFFFFB0  }
0x1a: {  	[tilespmem:s15], [sflag:$0x1] =	stream.indirect.gather [hbm4b:s1+s14], $0x80, s26, s14, $0xb8;
	[tilespmem:$0x82A0] =	vst v63  }
0x1b: {  	s24 =	sshll.u32 s25, $0x4  }
0x1c: {  	[tilespmem:s16], [sflag:$0x2] =	stream.indirect.gather [hbm4b:s6+s14], $0x80, s14, s14, $0xb8;
	[tilespmem:$0x82A0] =	vst v63  }
0x1d: {  	s5 =	sadd.s32 s4, s24  }
0x1e: {  	[tilespmem:s17], [sflag:$0x3] =	stream.linear.gather [hbm4b:s5+s26], $0x2800, $0x38;
	[tilespmem:$0x82A0] =	vst v63  }
0x1f: {  	_ =	swait.ge [sflag:s13], $0x2800  }
0x20: {  	[sflag:s13] =	ssyncset.done $0x0  }
0x21: {  	s26 =	simm.s32 $0x0;
	[sflag:s13] =	ssyncadd.s32 $0xFFFFD800  }
0x22: {  	v0 =	vld [tilespmem:s26+$0x0]  }
0x23: {  	v1 =	vld [tilespmem:s26+$0x50];
	_ =	sdelay $0x3  }
0x24: {  	v2 =	vbroadcast v0, $0x0  }
0x25: {  	s26 =	simm.s32 $0x7920;
	v3 =	vbroadcast v1, $0x0  }
0x26: {  	s29 =	simm.s32 $0x7E20;
	[tilespmem:s26+$0xFFFFFF80] =	vst v2;
	v2 =	vbroadcast v0, $0x1  }
0x27: {  	[tilespmem:s29+$0xFFFFFF80] =	vst v3;
	v3 =	vbroadcast v1, $0x1  }
0x28: {  	[tilespmem:s26+$0xFFFFFF90] =	vst v2;
	v2 =	vbroadcast v0, $0x2  }
0x29: {  	[tilespmem:s29+$0xFFFFFF90] =	vst v3;
	v3 =	vbroadcast v1, $0x2  }
0x2a: {  	[tilespmem:s26+$0xFFFFFFA0] =	vst v2;
	v2 =	vbroadcast v0, $0x3  }
0x2b: {  	[tilespmem:s29+$0xFFFFFFA0] =	vst v3;
	v3 =	vbroadcast v1, $0x3  }
0x2c: {  	[tilespmem:s26+$0xFFFFFFB0] =	vst v2;
	v2 =	vbroadcast v0, $0x4  }
0x2d: {  	[tilespmem:s29+$0xFFFFFFB0] =	vst v3;
	v3 =	vbroadcast v1, $0x4  }
0x2e: {  	[tilespmem:s26+$0xFFFFFFC0] =	vst v2;
	v2 =	vbroadcast v0, $0x5  }
0x2f: {  	[tilespmem:s29+$0xFFFFFFC0] =	vst v3;
	v3 =	vbroadcast v1, $0x5  }
0x30: {  	[tilespmem:s26+$0xFFFFFFD0] =	vst v2;
	v2 =	vbroadcast v0, $0x6  }
0x31: {  	[tilespmem:s29+$0xFFFFFFD0] =	vst v3;
	v3 =	vbroadcast v1, $0x6  }
0x32: {  	[tilespmem:s26+$0xFFFFFFE0] =	vst v2;
	v2 =	vbroadcast v0, $0x7  }
0x33: {  	[tilespmem:s29+$0xFFFFFFE0] =	vst v3;
	v3 =	vbroadcast v1, $0x7  }
0x34: {  	[tilespmem:s26+$0xFFFFFFF0] =	vst v2;
	v2 =	vbroadcast v0, $0x8  }
0x35: {  	[tilespmem:s29+$0xFFFFFFF0] =	vst v3;
	v3 =	vbroadcast v1, $0x8  }
0x36: {  	[tilespmem:s26+$0x0] =	vst v2;
	v2 =	vbroadcast v0, $0x9  }
0x37: {  	[tilespmem:s29+$0x0] =	vst v3;
	v3 =	vbroadcast v1, $0x9  }
0x38: {  	[tilespmem:s26+$0x10] =	vst v2;
	v2 =	vbroadcast v0, $0xA  }
0x39: {  	[tilespmem:s29+$0x10] =	vst v3;
	v3 =	vbroadcast v1, $0xA  }
0x3a: {  	[tilespmem:s26+$0x20] =	vst v2;
	v2 =	vbroadcast v0, $0xB  }
0x3b: {  	[tilespmem:s29+$0x20] =	vst v3;
	v3 =	vbroadcast v1, $0xB  }
0x3c: {  	[tilespmem:s26+$0x30] =	vst v2;
	v2 =	vbroadcast v0, $0xC  }
0x3d: {  	[tilespmem:s29+$0x30] =	vst v3;
	v3 =	vbroadcast v1, $0xC  }
0x3e: {  	[tilespmem:s26+$0x40] =	vst v2;
	v2 =	vbroadcast v0, $0xD  }
0x3f: {  	[tilespmem:s29+$0x40] =	vst v3;
	v3 =	vbroadcast v1, $0xD  }
0x40: {  	[tilespmem:s26+$0x50] =	vst v2;
	v2 =	vbroadcast v0, $0xE  }
0x41: {  	[tilespmem:s29+$0x50] =	vst v3;
	v3 =	vbroadcast v1, $0xE  }
0x42: {  	[tilespmem:s26+$0x60] =	vst v2;
	v2 =	vbroadcast v0, $0xF  }
0x43: {  	[tilespmem:s29+$0x60] =	vst v3  }
0x44: {  	s30 =	simm.s32 $0x40;
	s31 =	simm.s32 $0x80;
	s28 =	simm.s32 $0x7F20;
	v0 =	vbroadcast v1, $0xF;
	[tilespmem:s26+$0x70] =	vst v2  }
.LBB2_3:
0x45: {  	s5 =	sshra.s32 s30, $0x2;
	s26 =	sadd.s32 $0x100, s26  }
0x46: {  	[tilespmem:s29+$0x70] =	vst v0;
	s30 =	smov.u32 s31;
	s0 =	sadd.s32 $0x40, s31;
	s29 =	smov.u32 s28  }
0x47: {  	p0 =	sne.s32 s31, $0x100;
	v0 =	vld [tilespmem:s5+$0x0]  }
0x48: {  	v1 =	vld [tilespmem:s5+$0x50];
	_ =	sdelay $0x3  }
0x49: {  	v2 =	vbroadcast v0, $0x0  }
0x4a: {  	v3 =	vbroadcast v1, $0x0  }
0x4b: {  	[tilespmem:s26+$0xFFFFFF80] =	vst v2;
	v2 =	vbroadcast v0, $0x1  }
0x4c: {  	[tilespmem:s28+$0xFFFFFF80] =	vst v3;
	v3 =	vbroadcast v1, $0x1  }
0x4d: {  	[tilespmem:s26+$0xFFFFFF90] =	vst v2;
	v2 =	vbroadcast v0, $0x2  }
0x4e: {  	[tilespmem:s28+$0xFFFFFF90] =	vst v3;
	v3 =	vbroadcast v1, $0x2  }
0x4f: {  	[tilespmem:s26+$0xFFFFFFA0] =	vst v2;
	v2 =	vbroadcast v0, $0x3  }
0x50: {  	[tilespmem:s28+$0xFFFFFFA0] =	vst v3;
	v3 =	vbroadcast v1, $0x3  }
0x51: {  	[tilespmem:s26+$0xFFFFFFB0] =	vst v2;
	v2 =	vbroadcast v0, $0x4  }
0x52: {  	[tilespmem:s28+$0xFFFFFFB0] =	vst v3;
	v3 =	vbroadcast v1, $0x4  }
0x53: {  	[tilespmem:s26+$0xFFFFFFC0] =	vst v2;
	v2 =	vbroadcast v0, $0x5  }
0x54: {  	[tilespmem:s28+$0xFFFFFFC0] =	vst v3;
	v3 =	vbroadcast v1, $0x5  }
0x55: {  	[tilespmem:s26+$0xFFFFFFD0] =	vst v2;
	v2 =	vbroadcast v0, $0x6  }
0x56: {  	[tilespmem:s28+$0xFFFFFFD0] =	vst v3;
	v3 =	vbroadcast v1, $0x6  }
0x57: {  	[tilespmem:s26+$0xFFFFFFE0] =	vst v2;
	v2 =	vbroadcast v0, $0x7  }
0x58: {  	[tilespmem:s28+$0xFFFFFFE0] =	vst v3;
	v3 =	vbroadcast v1, $0x7  }
0x59: {  	[tilespmem:s26+$0xFFFFFFF0] =	vst v2;
	v2 =	vbroadcast v0, $0x8  }
0x5a: {  	[tilespmem:s28+$0xFFFFFFF0] =	vst v3;
	v3 =	vbroadcast v1, $0x8  }
0x5b: {  	[tilespmem:s26+$0x0] =	vst v2;
	v2 =	vbroadcast v0, $0x9  }
0x5c: {  	[tilespmem:s28+$0x0] =	vst v3;
	v3 =	vbroadcast v1, $0x9  }
0x5d: {  	[tilespmem:s26+$0x10] =	vst v2;
	v2 =	vbroadcast v0, $0xA  }
0x5e: {  	[tilespmem:s28+$0x10] =	vst v3;
	v3 =	vbroadcast v1, $0xA  }
0x5f: {  	[tilespmem:s26+$0x20] =	vst v2;
	v2 =	vbroadcast v0, $0xB  }
0x60: {  	[tilespmem:s28+$0x20] =	vst v3;
	v3 =	vbroadcast v1, $0xB  }
0x61: {  	[tilespmem:s26+$0x30] =	vst v2;
	v2 =	vbroadcast v0, $0xC  }
0x62: {  	[tilespmem:s28+$0x30] =	vst v3;
	v3 =	vbroadcast v1, $0xC  }
0x63: {  	[tilespmem:s26+$0x40] =	vst v2;
	v2 =	vbroadcast v0, $0xD  }
0x64: {  	[tilespmem:s28+$0x40] =	vst v3;
	v3 =	vbroadcast v1, $0xD  }
.Ltmp0:
0x65: {  	[tilespmem:s26+$0x50] =	vst v2;
	v2 =	vbroadcast v0, $0xE;
	(pc) =	sbr.rel @p0 .LBB2_3-.Ltmp0, $4  }
0x66: {  	[tilespmem:s28+$0x50] =	vst v3;
	v3 =	vbroadcast v1, $0xE  }
0x67: {  	[tilespmem:s26+$0x60] =	vst v2;
	v2 =	vbroadcast v0, $0xF  }
0x68: {  	v0 =	vbroadcast v1, $0xF;
	[tilespmem:s28+$0x60] =	vst v3  }
0x69: {  	s31 =	smov.u32 s0;
	s28 =	sadd.s32 $0x100, s28;
	[tilespmem:s26+$0x70] =	vst v2  }
0x6a: {  	s0 =	sshra.s32 s30, $0x2;
	[tilespmem:s29+$0x70] =	vst v0  }
0x6b: {  	v0 =	vld [tilespmem:s0+$0x0]  }
0x6c: {  	v1 =	vld [tilespmem:s0+$0x50];
	_ =	sdelay $0x3  }
0x6d: {  	v2 =	vbroadcast v0, $0x0  }
0x6e: {  	s29 =	sadd.s32 $0x100, s26;
	v3 =	vbroadcast v1, $0x0  }
0x6f: {  	[tilespmem:s29+$0xFFFFFF80] =	vst v2;
	v2 =	vbroadcast v0, $0x1  }
0x70: {  	[tilespmem:s28+$0xFFFFFF80] =	vst v3;
	v3 =	vbroadcast v1, $0x1  }
0x71: {  	[tilespmem:s29+$0xFFFFFF90] =	vst v2;
	v2 =	vbroadcast v0, $0x2  }
0x72: {  	[tilespmem:s28+$0xFFFFFF90] =	vst v3;
	v3 =	vbroadcast v1, $0x2  }
0x73: {  	[tilespmem:s29+$0xFFFFFFA0] =	vst v2;
	v2 =	vbroadcast v0, $0x3  }
0x74: {  	[tilespmem:s28+$0xFFFFFFA0] =	vst v3;
	v3 =	vbroadcast v1, $0x3  }
0x75: {  	[tilespmem:s29+$0xFFFFFFB0] =	vst v2;
	v2 =	vbroadcast v0, $0x4  }
0x76: {  	[tilespmem:s28+$0xFFFFFFB0] =	vst v3;
	v3 =	vbroadcast v1, $0x4  }
0x77: {  	[tilespmem:s29+$0xFFFFFFC0] =	vst v2;
	v2 =	vbroadcast v0, $0x5  }
0x78: {  	[tilespmem:s28+$0xFFFFFFC0] =	vst v3;
	v3 =	vbroadcast v1, $0x5  }
0x79: {  	[tilespmem:s29+$0xFFFFFFD0] =	vst v2;
	v2 =	vbroadcast v0, $0x6  }
0x7a: {  	[tilespmem:s28+$0xFFFFFFD0] =	vst v3;
	v3 =	vbroadcast v1, $0x6  }
0x7b: {  	[tilespmem:s29+$0xFFFFFFE0] =	vst v2;
	v2 =	vbroadcast v0, $0x7  }
0x7c: {  	[tilespmem:s28+$0xFFFFFFE0] =	vst v3;
	v3 =	vbroadcast v1, $0x7  }
0x7d: {  	[tilespmem:s29+$0xFFFFFFF0] =	vst v2;
	v2 =	vbroadcast v0, $0x8  }
0x7e: {  	[tilespmem:s28+$0xFFFFFFF0] =	vst v3;
	v3 =	vbroadcast v1, $0x8  }
0x7f: {  	[tilespmem:s29+$0x0] =	vst v2;
	v2 =	vbroadcast v0, $0x9  }
0x80: {  	[tilespmem:s28+$0x0] =	vst v3;
	v3 =	vbroadcast v1, $0x9  }
0x81: {  	[tilespmem:s29+$0x10] =	vst v2;
	v2 =	vbroadcast v0, $0xA  }
0x82: {  	[tilespmem:s28+$0x10] =	vst v3;
	v3 =	vbroadcast v1, $0xA  }
0x83: {  	[tilespmem:s29+$0x20] =	vst v2;
	v2 =	vbroadcast v0, $0xB  }
0x84: {  	[tilespmem:s28+$0x20] =	vst v3;
	v3 =	vbroadcast v1, $0xB  }
0x85: {  	[tilespmem:s29+$0x30] =	vst v2;
	v2 =	vbroadcast v0, $0xC  }
0x86: {  	[tilespmem:s28+$0x30] =	vst v3;
	v3 =	vbroadcast v1, $0xC  }
0x87: {  	[tilespmem:s29+$0x40] =	vst v2;
	v2 =	vbroadcast v0, $0xD  }
0x88: {  	[tilespmem:s28+$0x40] =	vst v3;
	v3 =	vbroadcast v1, $0xD  }
0x89: {  	[tilespmem:s29+$0x50] =	vst v2;
	v2 =	vbroadcast v0, $0xE  }
0x8a: {  	[tilespmem:s28+$0x50] =	vst v3;
	v3 =	vbroadcast v1, $0xE  }
0x8b: {  	v0 =	vbroadcast v0, $0xF;
	[tilespmem:s29+$0x60] =	vst v2  }
0x8c: {  	v1 =	vbroadcast v1, $0xF;
	[tilespmem:s28+$0x60] =	vst v3  }
0x8d: {  	s30 =	sshll.u32 s25, $0x1;
	[tilespmem:s29+$0x70] =	vst v0  }
0x8e: {  	s31 =	simm.s32 $0x0;
	s5 =	sadd.s32 s9, s30;
	[tilespmem:s28+$0x70] =	vst v1  }
0x8f: {  	[hbm4b:s5+s31] =	stream.linear.scatter [tilespmem:s18], [sflag:$0x3], $0x500, $0x38;
	[tilespmem:$0x82A0] =	vst v63  }
0x90: {  	_ =	swait.ge [sflag:s13], $0x500  }
0x91: {  	[sflag:s13] =	ssyncset.done $0x0  }
0x92: {  	s0 =	sadd.s32 s10, s30;
	[sflag:s13] =	ssyncadd.s32 $0xFFFFFB00  }
0x93: {  	[hbm4b:s0+s31] =	stream.linear.scatter [tilespmem:s19], [sflag:$0x3], $0x500, $0x38;
	[tilespmem:$0x82A0] =	vst v63  }
0x94: {  	_ =	swait.ge [sflag:s13], $0x500  }
0x95: {  	[sflag:s13] =	ssyncset.done $0x0  }
0x96: {  	[sflag:s13] =	ssyncadd.s32 $0xFFFFFB00  }
0x97: {  	_ =	swait.ge [sflag:s20], $0x2800  }
0x98: {  	[sflag:s20] =	ssyncset.done $0x0  }
0x99: {  	[sflag:s20] =	ssyncadd.s32 $0xFFFFD800  }
0x9a: {  	_ =	swait.ge [sflag:s21], $0x2800  }
0x9b: {  	[sflag:s21] =	ssyncset.done $0x0  }
0x9c: {  	s25 =	simm.s32 $0x0;
	[sflag:s21] =	ssyncadd.s32 $0xFFFFD800  }
0x9d: {  	v10 =	vld [tilespmem:s25+$0x50A0]  }
0x9e: {  	v13 =	vld [tilespmem:s25+$0x50B0]  }
0x9f: {  	v3 =	vld [tilespmem:s25+$0x50C0]  }
0xa0: {  	v2 =	vld [tilespmem:s25+$0x50D0]  }
0xa1: {  	v1 =	vld [tilespmem:s25+$0x50E0]  }
0xa2: {  	v0 =	vld [tilespmem:s25+$0x50F0]  }
0xa3: {  	v11 =	vld [tilespmem:s25+$0x28A0]  }
0xa4: {  	v12 =	vld [tilespmem:s25+$0x28B0]  }
0xa5: {  	v9 =	vld [tilespmem:s25+$0x28C0]  }
0xa6: {  	v8 =	vld [tilespmem:s25+$0x28D0]  }
0xa7: {  	v7 =	vld [tilespmem:s25+$0x28E0]  }
0xa8: {  	v5 =	vld [tilespmem:s25+$0x28F0]  }
0xa9: {  	v16 =	vld [tilespmem:s25+$0xA0]  }
0xaa: {  	v17 =	vld [tilespmem:s25+$0xB0]  }
0xab: {  	v6 =	vld [tilespmem:s25+$0x2900]  }
0xac: {  	v4 =	vld [tilespmem:s25+$0x2910]  }
0xad: {  	v15 =	vld [tilespmem:s25+$0xC0]  }
0xae: {  	v14 =	vld [tilespmem:s25+$0xD0];
	v16 =	vadd.f32 v11, v16  }
0xaf: {  	v17 =	vadd.f32 v12, v17;
	v12 =	vld [tilespmem:s25+$0xE0]  }
0xb0: {  	v11 =	vld [tilespmem:s25+$0xF0];
	v16 =	vadd.f32 v10, v16  }
0xb1: {  	s26 =	simm.s32 $0x200;
	v13 =	vadd.f32 v13, v17;
	v10 =	vld [tilespmem:s25+$0x100]  }
.LBB2_5:
0xb2: {  	p0 =	sne.s32 s26, $0x9E00;
	v17 =	vmul.f32 $9.999999770e-03, v16;
	v9 =	vadd.f32 v9, v15;
	v15 =	vld [tilespmem:s25+$0x110]  }
0xb3: {  	v18 =	vmul.f32 $9.999999770e-03, v13;
	v8 =	vadd.f32 v8, v14;
	v14 =	vld [tilespmem:s25+$0x5100]  }
0xb4: {  	s0 =	sshra.s32 s26, $0x2;
	v16 =	vmax.f32 v16, v17;
	v9 =	vadd.f32 v3, v9;
	v3 =	vadd.f32 v7, v12;
	v7 =	vld [tilespmem:s25+$0x5110]  }
0xb5: {  	v17 =	vld [tilespmem:s0+$0x50A0];
	v12 =	vmax.f32 v13, v18;
	v8 =	vadd.f32 v2, v8;
	v2 =	vadd.f32 v5, v11  }
0xb6: {  	v13 =	vld [tilespmem:s0+$0x50B0];
	v5 =	vmul.f32 $9.999999770e-03, v9;
	v11 =	vadd.f32 v1, v3;
	v1 =	vadd.f32 v6, v10  }
0xb7: {  	v3 =	vld [tilespmem:s0+$0x50C0];
	[tilespmem:s25+$0xA0] =	vst v16;
	v6 =	vmul.f32 $9.999999770e-03, v8;
	v10 =	vadd.f32 v0, v2;
	v0 =	vadd.f32 v4, v15  }
0xb8: {  	v2 =	vld [tilespmem:s0+$0x50D0];
	[tilespmem:s25+$0xB0] =	vst v12;
	v4 =	vmax.f32 v9, v5;
	v5 =	vmul.f32 $9.999999770e-03, v11;
	v9 =	vadd.f32 v14, v1  }
0xb9: {  	v1 =	vld [tilespmem:s0+$0x50E0];
	[tilespmem:s25+$0xC0] =	vst v4;
	v4 =	vmax.f32 v8, v6;
	v6 =	vmul.f32 $9.999999770e-03, v10;
	v7 =	vadd.f32 v7, v0  }
0xba: {  	v0 =	vld [tilespmem:s0+$0x50F0];
	[tilespmem:s25+$0xD0] =	vst v4;
	v4 =	vmax.f32 v11, v5;
	v5 =	vmul.f32 $9.999999770e-03, v9  }
0xbb: {  	v11 =	vld [tilespmem:s0+$0x28A0];
	[tilespmem:s25+$0xE0] =	vst v4;
	v4 =	vmax.f32 v10, v6;
	v6 =	vmul.f32 $9.999999770e-03, v7  }
0xbc: {  	v10 =	vld [tilespmem:s0+$0x28B0];
	[tilespmem:s25+$0xF0] =	vst v4;
	v4 =	vmax.f32 v9, v5  }
0xbd: {  	v9 =	vld [tilespmem:s0+$0x28C0];
	[tilespmem:s25+$0x100] =	vst v4;
	v4 =	vmax.f32 v7, v6  }
0xbe: {  	v8 =	vld [tilespmem:s0+$0x28D0];
	[tilespmem:s25+$0x110] =	vst v4;
	s25 =	smov.u32 s0  }
0xbf: {  	v7 =	vld [tilespmem:s25+$0x28E0]  }
0xc0: {  	v5 =	vld [tilespmem:s25+$0x28F0]  }
0xc1: {  	v12 =	vld [tilespmem:s25+$0xA0]  }
0xc2: {  	v16 =	vld [tilespmem:s25+$0xB0]  }
0xc3: {  	v6 =	vld [tilespmem:s25+$0x2900]  }
0xc4: {  	v4 =	vld [tilespmem:s25+$0x2910]  }
.Ltmp1:
0xc5: {  	v15 =	vld [tilespmem:s25+$0xC0];
	(pc) =	sbr.rel @p0 .LBB2_5-.Ltmp1, $4  }
0xc6: {  	v11 =	vadd.f32 v11, v12;
	v14 =	vld [tilespmem:s25+$0xD0]  }
0xc7: {  	v10 =	vadd.f32 v10, v16;
	v12 =	vld [tilespmem:s25+$0xE0]  }
0xc8: {  	v16 =	vadd.f32 v17, v11;
	v11 =	vld [tilespmem:s25+$0xF0]  }
0xc9: {  	s26 =	sadd.s32 $0x200, s26;
	v13 =	vadd.f32 v13, v10;
	v10 =	vld [tilespmem:s25+$0x100]  }
0xca: {  	v17 =	vmul.f32 $9.999999770e-03, v16;
	v9 =	vadd.f32 v9, v15;
	v52 =	vld [tilespmem:s25+$0x110]  }
0xcb: {  	v53 =	vld [tilespmem:s25+$0x5100];
	v18 =	vmul.f32 $9.999999770e-03, v13;
	v8 =	vadd.f32 v8, v14  }
0xcc: {  	v54 =	vld [tilespmem:s25+$0x5110];
	v16 =	vmax.f32 v16, v17;
	v3 =	vadd.f32 v3, v9;
	v7 =	vadd.f32 v7, v12  }
0xcd: {  	v55 =	vmax.f32 v13, v18;
	v2 =	vadd.f32 v2, v8;
	v5 =	vadd.f32 v5, v11  }
0xce: {  	v56 =	vmul.f32 $9.999999770e-03, v3;
	v1 =	vadd.f32 v1, v7;
	v6 =	vadd.f32 v6, v10  }
0xcf: {  	[tilespmem:s25+$0xA0] =	vst v16;
	v57 =	vmul.f32 $9.999999770e-03, v2;
	v0 =	vadd.f32 v0, v5;
	v4 =	vadd.f32 v4, v52  }
0xd0: {  	[tilespmem:s25+$0xB0] =	vst v55;
	v3 =	vmax.f32 v3, v56;
	v58 =	vmul.f32 $9.999999770e-03, v1;
	v6 =	vadd.f32 v53, v6  }
0xd1: {  	[tilespmem:s25+$0xC0] =	vst v3;
	v2 =	vmax.f32 v2, v57;
	v59 =	vmul.f32 $9.999999770e-03, v0;
	v4 =	vadd.f32 v54, v4  }
0xd2: {  	[tilespmem:s25+$0xD0] =	vst v2;
	v1 =	vmax.f32 v1, v58;
	v60 =	vmul.f32 $9.999999770e-03, v6  }
0xd3: {  	[tilespmem:s25+$0xE0] =	vst v1;
	v0 =	vmax.f32 v0, v59;
	v61 =	vmul.f32 $9.999999770e-03, v4  }
0xd4: {  	s23 =	sadd.s32 $0x1, s23;
	[tilespmem:s25+$0xF0] =	vst v0;
	v62 =	vmax.f32 v6, v60  }
0xd5: {  	p0 =	sne.s32 s23, $0x7D;
	[tilespmem:s25+$0x100] =	vst v62;
	v63 =	vmax.f32 v4, v61  }
.Ltmp2:
0xd6: {  	s0 =	sadd.s32 s2, s24;
	[tilespmem:s25+$0x110] =	vst v63;
	(pc) =	sbr.rel @p0 .LBB2_2-.Ltmp2, $4  }
0xd7: {  	[hbm4b:s0+s3] =	stream.linear.scatter [tilespmem:s17], [sflag:$0x3], $0x2800, $0x38;
	[tilespmem:$0x82A0] =	vst v63  }
0xd8: {  	_ =	swait.ge [sflag:s13], $0x2800  }
0xd9: {  	[sflag:s13] =	ssyncset.done $0x0  }
0xda: {  	[sflag:s13] =	ssyncadd.s32 $0xFFFFD800  }
0xdb: {  	s22 =	sadd.s32 $0x1, s22  }
0xdc: {  	p0 =	sne.s32 s22, s12  }
.Ltmp3:
0xdd: {  	_ = 	snop;
	(pc) =	sbr.rel @p0 .LBB2_1-.Ltmp3, $1  }
0xde: {  	_ =	sdelay $0x3  }
0xdf: {  	_ =	sfence.sel $0x180000  }
0xe0: {  	[bflag:$0x0] =	sbarrier.arrive $0xFFFF  }
0xe1: {  	_ =	strace $0x90000047  }
0xe2: {  	s0 =	stileid.u32;
	[bflag:$0x2] =	sbarrier.arrive $0xFFFF  }
0xe3: {  	p0 =	sne.s32 s0, $0x0;
	s0 =	rddreg [dreg:$0x3]  }
0xe4: {  	s0 =	sadd.s32 @!p0 $0x100000, s0  }
0xe5: {  	[sflag:s0] =	ssyncadd.tile.s32 @!p0 $0x1;
	_ =	shalt  }
.Lfunc_end2:
_tile_overlayer_lowered:
.L_overlay_start_2:
0xe6: {  	(tag) =	ssettag $0x2  }
0xe7: {  	s0 =	rddreg [dreg:$0x0];
	s2 =	stileid.u32  }
0xe8: {  	s1 =	rddreg [dreg:$0x1];
	p0 =	sne.s32 s2, $0x0  }
0xe9: {  	s3 =	rddreg [dreg:$0x2];
	[bflag:$0x3] =	sbarrier.arrive $0xFFFF;
	s2 =	simm.s32 @!p0 $0x1C03  }
0xea: {  	[timem:s3], [sflag:s2] =	dma.local @!p0 [hbm:s0], s1  }
0xeb: {  	s0 =	simm.s32 @!p0 $0x3  }
0xec: {  	_ =	swait.ge @!p0 [sflag:s0], s1  }
0xed: {  	s1 =	ssub.s32 @!p0 $0x0, s1;
	[sflag:s0] =	ssyncset.done @!p0 $0x0  }
0xee: {  	[sflag:s0] =	ssyncadd.s32 @!p0 s1  }
0xef: {  	[bflag:$0x3] =	sbarrier.arrive $0xFFFF  }
0xf0: {  	_ =	shalt  }

// kernel: kernel.13.cloned.1.call-start
scs
__scs_entry_jumppad:
0x0: {  	(pc) =	sbr.rel $0x88, $3  }
0x1: {  	(tag) =	ssettag $0x0;
	lr =	simm.s32 $0x1  }
0x2: {  	[smem:$0x3F96] =	sst lr;
	_ =	strace $0xD0000000  }
0x3: {  	_ = 	snop  }
0x4: {  	_ = 	snop  }
0x5: {  	_ = 	snop  }
0x6: {  	_ = 	snop  }
0x7: {  	_ = 	snop  }
__scs_overlays_trampoline_lowered:
0x8: {  	[smem:$0x3FA5] =	sst s0  }
0x9: {  	[smem:$0x3FA6] =	sst s1  }
0xa: {  	[smem:$0x3FA7] =	sst s2  }
0xb: {  	[smem:$0x3FA8] =	sst s3  }
0xc: {  	[smem:$0x3FA9] =	sst s4  }
0xd: {  	[smem:$0x3FAA] =	sst s5  }
0xe: {  	[smem:$0x3FAB] =	sst s6  }
0xf: {  	[smem:$0x3FAC] =	sst s7  }
0x10: {  	[smem:$0x3FAD] =	sst s8  }
0x11: {  	[smem:$0x3FAE] =	sst s9;
	s0 =	simm.s32 @!p0 $0x0  }
0x12: {  	s1 =	sld [smem:$0x3F94];
	s0 =	simm.s32 @p0 $0x1  }
0x13: {  	[smem:$0x3FAF] =	sst s0;
	s0 =	simm.s32 @!p1 $0x0  }
0x14: {  	s2 =	sld [smem:$0x3F93];
	s0 =	simm.s32 @p1 $0x1  }
0x15: {  	[smem:$0x3FB0] =	sst s0;
	s0 =	simm.s32 @!p2 $0x0  }
0x16: {  	s3 =	sld [smem:$0x3FDB];
	s0 =	simm.s32 @p2 $0x1  }
0x17: {  	s4 =	simm.s32 $0x1BF5;
	[smem:$0x3FB2] =	sst s0  }
0x18: {  	s0 =	sld [smem:$0x3F95];
	_ =	swait.ge [sflag:s4], $0x0  }
0x19: {  	s7 =	sld [smem:$0x3F96]  }
0x1a: {  	s8 =	sadd.s32 $0xFFFFE003, lr  }
0x1b: {  	s9 =	sadd.s32 $0xFFFFFEF7, lr;
	s5 =	simm.s32 $0xFFFFFFFF;
	p2 =	slt.u32 s8, $0xFFFFF086  }
0x1c: {  	p1 =	slt.u32 s9, $0xF7A;
	s5 =	simm.s32 @!p2 $0x0  }
0x1d: {  	s5 =	simm.s32 @p1 $0x1;
	p0 =	seq.s32 s7, s2  }
0x1e: {  	s7 =	smul.u32 @!p0 $0xF7A, s2;
	p2 =	seq.s32 @!p0 s5, $0x0  }
0x1f: {  	s9 =	smul.u32 $0xF7A, s1;
	s8 =	simm.s32 @!p0 $0x1BF5;
	p2 =	por !p2, p0  }
0x20: {  	[sflag:s8] =	ssyncset.s32 @!p0 $0xFFFFF086;
	s6 =	sadd.s32 @!p0 s3, s7;
	s7 =	simm.s32 @!p0 $0x108  }
0x21: {  	s3 =	sadd.s32 s3, s9;
	s6 =	sadd.s32 @!p0 $0x88, s6;
	s7 =	simm.s32 @p2 $0x1082  }
0x22: {  	[simem:s7], [sflag:s8] =	dma.local @!p0 [hbm:s6], $0xF7A  }
0x23: {  	s9 =	sor.u32 $0xD0000000, s2;
	s6 =	simm.s32 $0x108;
	_ =	swait.ge @!p0 [sflag:s8], $0x0  }
0x24: {  	s3 =	sadd.s32 $0x88, s3;
	s6 =	simm.s32 @!p1 $0x1082;
	[sflag:s4] =	ssyncset.s32 $0xFFFFF086  }
0x25: {  	[simem:s6], [sflag:s4] =	dma.local [hbm:s3], $0xF7A  }
0x26: {  	[smem:$0x3F96] =	sst s1;
	(tag) =	ssettag s2;
	_ =	strace s9  }
0x27: {  	s1 =	sld [smem:$0x3FA6]  }
0x28: {  	s2 =	sld [smem:$0x3FA7]  }
0x29: {  	s4 =	sld [smem:$0x3FA9]  }
0x2a: {  	p0 =	seq.s32 s5, $0x0;
	s5 =	sld [smem:$0x3FAA]  }
0x2b: {  	s6 =	sld [smem:$0x3FAB]  }
0x2c: {  	s7 =	sld [smem:$0x3FAC]  }
0x2d: {  	s3 =	simm.s32 $0x108;
	s8 =	sld [smem:$0x3FAD]  }
0x2e: {  	s3 =	simm.s32 @!p0 $0x1082;
	s9 =	sld [smem:$0x3FAE]  }
0x2f: {  	lr =	sadd.s32 s0, s3;
	s0 =	sld [smem:$0x3FA5]  }
0x30: {  	s3 =	sld [smem:$0x3FA8]  }
0x31: {  	[smem:$0x3FB1] =	sst s10  }
0x32: {  	s10 =	sld [smem:$0x3FAF];
	_ =	sdelay $0x3  }
0x33: {  	p0 =	seq.s32 s10, $0x1;
	s10 =	sld [smem:$0x3FB1];
	_ =	sdelay $0x3  }
0x34: {  	[smem:$0x3FB1] =	sst s10  }
0x35: {  	s10 =	sld [smem:$0x3FB0];
	_ =	sdelay $0x3  }
0x36: {  	p1 =	seq.s32 s10, $0x1;
	s10 =	sld [smem:$0x3FB1];
	_ =	sdelay $0x3  }
0x37: {  	[smem:$0x3FB1] =	sst s10  }
0x38: {  	s10 =	sld [smem:$0x3FB2]  }
0x39: {  	_ = 	snop;
	(pc) =	sbr.ind lr, $3  }
0x3a: {  	_ = 	snop  }
0x3b: {  	_ = 	snop  }
0x3c: {  	p2 =	seq.s32 s10, $0x1;
	s10 =	sld [smem:$0x3FB1]  }
0x3d: {  	_ =	shalt  }
0x3e: {  	_ =	shalt  }
0x3f: {  	_ =	shalt  }
0x40: {  	_ =	shalt  }
0x41: {  	_ =	shalt  }
0x42: {  	_ =	shalt  }
0x43: {  	_ =	shalt  }
0x44: {  	_ =	shalt  }
0x45: {  	_ =	shalt  }
0x46: {  	_ =	shalt  }
0x47: {  	_ =	shalt  }
0x48: {  	_ =	shalt  }
0x49: {  	_ =	shalt  }
0x4a: {  	_ =	shalt  }
0x4b: {  	_ =	shalt  }
0x4c: {  	_ =	shalt  }
0x4d: {  	_ =	shalt  }
0x4e: {  	_ =	shalt  }
0x4f: {  	_ =	shalt  }
0x50: {  	_ =	shalt  }
0x51: {  	_ =	shalt  }
0x52: {  	_ =	shalt  }
0x53: {  	_ =	shalt  }
0x54: {  	_ =	shalt  }
0x55: {  	_ =	shalt  }
0x56: {  	_ =	shalt  }
0x57: {  	_ =	shalt  }
0x58: {  	_ =	shalt  }
0x59: {  	_ =	shalt  }
0x5a: {  	_ =	shalt  }
0x5b: {  	_ =	shalt  }
0x5c: {  	_ =	shalt  }
0x5d: {  	_ =	shalt  }
0x5e: {  	_ =	shalt  }
0x5f: {  	_ =	shalt  }
0x60: {  	_ =	shalt  }
0x61: {  	_ =	shalt  }
0x62: {  	_ =	shalt  }
0x63: {  	_ =	shalt  }
0x64: {  	_ =	shalt  }
0x65: {  	_ =	shalt  }
0x66: {  	_ =	shalt  }
0x67: {  	_ =	shalt  }
0x68: {  	_ =	shalt  }
0x69: {  	_ =	shalt  }
0x6a: {  	_ =	shalt  }
0x6b: {  	_ =	shalt  }
0x6c: {  	_ =	shalt  }
0x6d: {  	_ =	shalt  }
0x6e: {  	_ =	shalt  }
0x6f: {  	_ =	shalt  }
0x70: {  	_ =	shalt  }
0x71: {  	_ =	shalt  }
0x72: {  	_ =	shalt  }
0x73: {  	_ =	shalt  }
0x74: {  	_ =	shalt  }
0x75: {  	_ =	shalt  }
0x76: {  	_ =	shalt  }
0x77: {  	_ =	shalt  }
0x78: {  	_ =	shalt  }
0x79: {  	_ =	shalt  }
0x7a: {  	_ =	shalt  }
0x7b: {  	_ =	shalt  }
0x7c: {  	_ =	shalt  }
0x7d: {  	_ =	shalt  }
0x7e: {  	_ =	shalt  }
0x7f: {  	_ =	shalt  }
0x80: {  	_ =	shalt  }
0x81: {  	_ =	shalt  }
0x82: {  	_ =	shalt  }
0x83: {  	_ =	shalt  }
0x84: {  	_ =	shalt  }
0x85: {  	_ =	shalt  }
0x86: {  	_ =	shalt  }
0x87: {  	_ =	shalt  }
.Lfunc_end0:
.L_simem_size_0:
called_computation.4_lowered:
.L_overlay_start_0:
0x88: {  	s2 =	sld [smem:$0x3FD9]  }
0x89: {  	s3 =	sld [smem:$0x3FFE];
	_ =	sdelay $0x1  }
0x8a: {  	s1 =	srdreg.scid  }
0x8b: {  	s0 =	sand.u32 $0x1, s1  }
0x8c: {  	s17 =	sshll.u32 s0, $0xA;
	s2 =	sadd.s32 s3, s2  }
0x8d: {  	s2 =	sadd.s32 s2, s17  }
0x8e: {  	[smem:$0x3FBD] =	sst s2  }
0x8f: {  	_ = 	snop  }
0x90: {  	(tm) =	ssettm $0x1  }
0x91: {  	s18 =	sld [smem:$0x3FFB];
	_ =	sdelay $0x3  }
0x92: {  	_ =	strace s18  }
0x93: {  	s2 =	sld [smem:$0x3FFC];
	_ =	sdelay $0x3  }
0x94: {  	_ =	strace s2  }
0x95: {  	s2 =	sld [smem:$0x3FFD];
	_ =	sdelay $0x3  }
0x96: {  	_ =	strace s2  }
0x97: {  	_ =	strace $0x8FFFFFFF  }
0x98: {  	s19 =	sld [smem:$0x3FDB];
	_ =	sdelay $0x1  }
0x99: {  	s20 =	simm.s32 $_scs_section_size  }
0x9a: {  	s4 =	simm.s32 $_size__tile_overlayer_lowered;
	s5 =	simm.s32 $_tile_overlayer_lowered  }
0x9b: {  	s6 =	simm.s32 $0x1BFF;
	s21 =	sshll.u32 s5, $0x1;
	s3 =	sadd.s32 s20, s19  }
0x9c: {  	s22 =	simm.s32 $0x0;
	s4 =	sshll.u32 s4, $0x1;
	s5 =	sadd.s32 s21, s3  }
0x9d: {  	[timem:s22], [sflag:s6] =	dma.local [hbm:s5], s4  }
0x9e: {  	_ =	swait.ge [sflag:s6], s4  }
0x9f: {  	s4 =	ssub.s32 $0x0, s4;
	[sflag:s6] =	ssyncset.done $0x0  }
0xa0: {  	[sflag:s6] =	ssyncadd.s32 s4;
	_ =	sdelay $0x1  }
0xa1: {  	s23 =	simm.s32 $0x1B8B  }
0xa2: {  	_ =	swait.ge [sflag:s23], $0x1  }
0xa3: {  	[sflag:s23] =	ssyncset.done $0x0  }
0xa4: {  	[sflag:s23] =	ssyncadd.s32 $0xFFFFFFFF  }
0xa5: {  	s4 =	sld [smem:$0x0]  }
0xa6: {  	s5 =	sand.u32 $0xFFFFFFFE, s1  }
0xa7: {  	p0 =	sne.s32 s1, s5  }
0xa8: {  	s5 =	sshll.u32 @p0 s5, $0xE  }
0xa9: {  	s5 =	sadd.s32 @p0 $0x11B8D, s5;
	s6 =	sshll.u32 @p0 s4, $0x11  }
0xaa: {  	s5 =	sor.u32 @p0 s6, s5  }
0xab: {  	[sflag:s5] =	ssyncadd.remote.s32 @p0 $0x1;
	_ =	sdelay $0x1  }
0xac: {  	s5 =	simm.s32 @p0 $0x1B8D  }
0xad: {  	_ =	swait.eq @p0 [sflag:s5], $0x1  }
0xae: {  	[sflag:s5] =	ssyncadd.s32 @p0 $0xFFFFFFFF  }
0xaf: {  	s6 =	sshll.u32 @!p0 s1, $0xE  }
0xb0: {  	s6 =	sor.u32 @!p0 $0x4000, s6;
	s5 =	simm.s32 @!p0 $0x1B8D  }
0xb1: {  	s4 =	sshll.u32 @!p0 s4, $0x11;
	s6 =	sadd.s32 @!p0 $0x11B8D, s6;
	_ =	swait.eq @!p0 [sflag:s5], $0x1  }
0xb2: {  	s4 =	sor.u32 @!p0 s4, s6;
	[sflag:s5] =	ssyncadd.s32 @!p0 $0xFFFFFFFF  }
0xb3: {  	s25 =	simm.s32 $0x1B8E;
	s24 =	sld [smem:$0x3FFE];
	[sflag:s4] =	ssyncadd.remote.s32 @!p0 $0x1  }
0xb4: {  	s26 =	simm.s32 $execute0_lowered;
	[smem:$0x3FD2] =	sst s25  }
0xb5: {  	s5 =	sshll.u32 s26, $0x1;
	_ =	strace $0x80000052;
	[dreg:$0x1] =	wrdreg $0xFFFFFFFF  }
0xb6: {  	s28 =	simm.s32 $_size_execute0_lowered;
	s3 =	sadd.s32 s3, s5;
	[dreg:$0x0] =	wrdreg $0x0  }
0xb7: {  	s5 =	sshll.u32 s28, $0x1;
	[dreg:$0x2] =	wrdreg s3  }
0xb8: {  	[dreg:$0x3] =	wrdreg s5  }
0xb9: {  	[dreg:$0x4] =	wrdreg $0xC0  }
0xba: {  	_ =	task [dreg:s22], $0x5FFFF  }
0xbb: {  	[dreg:$0x1] =	wrdreg $0xFFFFFFFF  }
0xbc: {  	[dreg:$0x0] =	wrdreg $0x60  }
0xbd: {  	[dreg:$0x2] =	wrdreg s24  }
0xbe: {  	[dreg:$0x3] =	wrdreg $0xA  }
0xbf: {  	_ =	task.clear_ibuf [dreg:s22], $0x4FFFF;
	_ =	strace $0x90000052  }
0xc0: {  	s29 =	simm.s32 $0xA;
	_ =	strace $0x80000054  }
0xc1: {  	_ =	swait.ge [sflag:s29], $0x1  }
0xc2: {  	[sflag:s29] =	ssyncadd.s32 $0xFFFFFFFF  }
0xc3: {  	_ =	strace $0x90000054  }
0xc4: {  	_ =	sfence  }
0xc5: {  	s30 =	sld [smem:$0x0];
	_ =	sdelay $0x2  }
0xc6: {  	s31 =	sshll.u32 s1, $0xD;
	s1 =	sshrl.u32 s1, $0x2  }
0xc7: {  	s4 =	sand.u32 $0x4000, s31;
	s1 =	sadd.s32 s1, s30  }
0xc8: {  	s0 =	sor.u32 s4, s0;
	s1 =	sshll.u32 s1, $0x11  }
0xc9: {  	s0 =	sor.u32 s1, s0  }
0xca: {  	s0 =	sadd.s32 $0x8F2B, s0  }
0xcb: {  	[sflag:s0] =	ssyncadd.remote.s32 $0x1  }
0xcc: {  	_ =	sfence.sel $0xFFFF  }
0xcd: {  	[dreg:$0x0] =	wrdreg $0xFFFFFFFF;
	(pc) =	sbr.abs _section_cstart, $3  }
0xce: {  	[dreg:$0x1] =	wrdreg $0xFFFFFFFF  }
0xcf: {  	_ =	task.clear_ibuf [dreg:s22], $0x2FFFF;
	_ =	strace $0x9FFFFFFF  }
0xd0: {  	(tm) =	ssettm $0x7FFFFFFF  }
0xd1: {  	_ =	shalt  }
tec
execute0_lowered:
.L_overlay_start_1:
0x0: {  	(tag) =	ssettag $0x1  }
0x1: {  	s6 =	rddreg [dreg:$0x0]  }
0x2: {  	s0 =	rddreg [dreg:$0x1]  }
0x3: {  	s3 =	srdreg.scid;
	s1 =	stileid.u32  }
0x4: {  	s2 =	simm.s32 $0x0;
	s7 =	sand.u32 $0x1, s3;
	s31 =	sshll.u32 s1, $0x1  }
0x5: {  	s11 =	simm.s32 $0x1;
	s12 =	simm.s32 $0x3E80;
	s8 =	sor.u32 s7, s31  }
0x6: {  	s13 =	simm.s32 $0x7D00;
	[smem:$0x7FF] =	sst s2;
	s9 =	smul.u32 $0x27100, s8  }
0x7: {  	s14 =	simm.s32 $0x0;
	s3 =	sadd.s32 $0x6CF200, s6;
	s4 =	sadd.s32 $0x596A00, s6  }
0x8: {  	s5 =	sadd.s32 $0x4800, s6;
	s7 =	ssub.s32 $0x2, s7;
	s9 =	sshrl.u32 s9, $0x3  }
0x9: {  	_ =	strace $0x80000053;
	s10 =	sshrl.u32 s7, $0x1;
	s9 =	sadd.s32 s9, s6  }
0xa: {  	s10 =	ssub.s32 s7, s10;
	s6 =	smul.u32 $0x4E2000, s8;
	s7 =	sadd.s32 $0x1A57200, s9  }
0xb: {  	v0 =	vimm.f32 $0.0e+00;
	v1 =	vlaneseq.u32;
	s8 =	sadd.s32 $0x1A59910, s9;
	s9 =	smax.u32 s10, $0x1;
	s10 =	simm.s32 $0x1B580  }
.LBB2_1:
0xc: {  	[tilespmem:s10], [sflag:$0x1] =	stream.linear.gather [hbm4b:s5+s2], $0x10, $0x38;
	[tilespmem:$0x1B590] =	vst v63  }
0xd: {  	_ =	swait.ge [sflag:s11], $0x10  }
0xe: {  	[sflag:s11] =	ssyncset.done $0x0  }
0xf: {  	s16 =	simm.s32 $0x0;
	s15 =	simm.s32 $0x200;
	[sflag:s11] =	ssyncadd.s32 $0xFFFFFFF0  }
.LBB2_2:
0x10: {  	p0 =	sne.s32 s15, $0x4E000;
	[tilespmem:s16+$0x7D70] =	vst v0  }
0x11: {  	[tilespmem:s16+$0x7D00] =	vst v0  }
0x12: {  	[tilespmem:s16+$0x7D10] =	vst v0  }
.Ltmp0:
0x13: {  	[tilespmem:s16+$0x7D20] =	vst v0;
	(pc) =	sbr.rel @p0 .LBB2_2-.Ltmp0, $4  }
0x14: {  	[tilespmem:s16+$0x7D30] =	vst v0  }
0x15: {  	[tilespmem:s16+$0x7D40] =	vst v0  }
0x16: {  	[tilespmem:s16+$0x7D50] =	vst v0  }
0x17: {  	[tilespmem:s16+$0x7D60] =	vst v0;
	s16 =	sshra.s32 s15, $0x2;
	s15 =	sadd.s32 $0x200, s15  }
0x18: {  	[tilespmem:s16+$0x7D70] =	vst v0  }
0x19: {  	[tilespmem:s16+$0x7D00] =	vst v0  }
0x1a: {  	[tilespmem:s16+$0x7D10] =	vst v0  }
0x1b: {  	[tilespmem:s16+$0x7D20] =	vst v0  }
0x1c: {  	[tilespmem:s16+$0x7D30] =	vst v0  }
0x1d: {  	[tilespmem:s16+$0x7D40] =	vst v0  }
0x1e: {  	[tilespmem:s16+$0x7D50] =	vst v0  }
0x1f: {  	s15 =	simm.s32 $0x0;
	[tilespmem:s16+$0x7D60] =	vst v0;
	s16 =	simm.s32 $0x0  }
.LBB2_4:
0x20: {  	s17 =	smul.u32 $0x3E80, s16;
	_ =	sdelay $0x1  }
0x21: {  	s18 =	sshrl.u32 s17, $0x3  }
0x22: {  	s18 =	sadd.s32 s4, s18  }
0x23: {  	[tilespmem:s15], [sflag:$0x1] =	stream.linear.gather [hbm4b:s18+s15], $0x3E80, $0x38;
	[tilespmem:$0x1B590] =	vst v63  }
0x24: {  	s17 =	sadd.s32 s6, s17;
	_ =	swait.ge [sflag:s11], $0x3E80  }
0x25: {  	s17 =	sshrl.u32 s17, $0x3;
	[sflag:s11] =	ssyncset.done $0x0  }
0x26: {  	s17 =	sadd.s32 s3, s17;
	[sflag:s11] =	ssyncadd.s32 $0xFFFFC180  }
0x27: {  	[tilespmem:s12], [sflag:$0x1] =	stream.linear.gather [hbm4b:s17+s15], $0x3E80, $0x38;
	[tilespmem:$0x1B590] =	vst v63  }
0x28: {  	_ =	swait.ge [sflag:s11], $0x3E80  }
0x29: {  	[sflag:s11] =	ssyncset.done $0x0  }
0x2a: {  	s17 =	simm.s32 $0x0;
	[sflag:s11] =	ssyncadd.s32 $0xFFFFC180  }
.LBB2_5:
0x2b: {  	s18 =	sshra.s32 s17, $0x2  }
0x2c: {  	v2 =	vld [tilespmem:s18+$0x0];
	_ =	sdelay $0x4  }
0x2d: {  	vm0 =	vlt.u32 v2, $0x1388;
	v2 =	vshll.u32 v2, $0x4  }
0x2e: {  	v3 =	vld [tilespmem:s18+$0x3E80];
	v2 =	vor.u32 v1, v2;
	_ =	sdelay $0x4  }
0x2f: {  	[tilespmem:v2+s13+$0x0] =	vst.idx.add.f32.msk vm0, v3  }
0x30: {  	v2 =	vld [tilespmem:s18+$0x10];
	_ =	sdelay $0x4  }
0x31: {  	vm9 =	vlt.u32 v2, $0x1388;
	v2 =	vshll.u32 v2, $0x4  }
0x32: {  	v3 =	vld [tilespmem:s18+$0x3E90];
	v2 =	vor.u32 v1, v2;
	_ =	sdelay $0x4  }
0x33: {  	[tilespmem:v2+s13+$0x0] =	vst.idx.add.f32.msk vm9, v3  }
0x34: {  	v2 =	vld [tilespmem:s18+$0x20];
	_ =	sdelay $0x4  }
0x35: {  	vm10 =	vlt.u32 v2, $0x1388;
	v2 =	vshll.u32 v2, $0x4  }
0x36: {  	v3 =	vld [tilespmem:s18+$0x3EA0];
	v2 =	vor.u32 v1, v2;
	_ =	sdelay $0x4  }
0x37: {  	[tilespmem:v2+s13+$0x0] =	vst.idx.add.f32.msk vm10, v3  }
0x38: {  	v2 =	vld [tilespmem:s18+$0x30];
	_ =	sdelay $0x4  }
0x39: {  	vm11 =	vlt.u32 v2, $0x1388;
	v2 =	vshll.u32 v2, $0x4  }
0x3a: {  	v3 =	vld [tilespmem:s18+$0x3EB0];
	v2 =	vor.u32 v1, v2;
	_ =	sdelay $0x4  }
0x3b: {  	[tilespmem:v2+s13+$0x0] =	vst.idx.add.f32.msk vm11, v3  }
0x3c: {  	v2 =	vld [tilespmem:s18+$0x40];
	_ =	sdelay $0x4  }
0x3d: {  	vm12 =	vlt.u32 v2, $0x1388;
	v2 =	vshll.u32 v2, $0x4  }
0x3e: {  	v3 =	vld [tilespmem:s18+$0x3EC0];
	v2 =	vor.u32 v1, v2;
	_ =	sdelay $0x4  }
0x3f: {  	[tilespmem:v2+s13+$0x0] =	vst.idx.add.f32.msk vm12, v3  }
0x40: {  	v2 =	vld [tilespmem:s18+$0x50];
	_ =	sdelay $0x4  }
0x41: {  	vm13 =	vlt.u32 v2, $0x1388;
	v2 =	vshll.u32 v2, $0x4  }
0x42: {  	v3 =	vld [tilespmem:s18+$0x3ED0];
	v2 =	vor.u32 v1, v2;
	_ =	sdelay $0x4  }
0x43: {  	[tilespmem:v2+s13+$0x0] =	vst.idx.add.f32.msk vm13, v3  }
0x44: {  	v2 =	vld [tilespmem:s18+$0x60];
	_ =	sdelay $0x4  }
0x45: {  	vm14 =	vlt.u32 v2, $0x1388;
	v2 =	vshll.u32 v2, $0x4  }
0x46: {  	v3 =	vld [tilespmem:s18+$0x3EE0];
	v2 =	vor.u32 v1, v2;
	_ =	sdelay $0x4  }
0x47: {  	[tilespmem:v2+s13+$0x0] =	vst.idx.add.f32.msk vm14, v3  }
0x48: {  	v2 =	vld [tilespmem:s18+$0x70];
	_ =	sdelay $0x4  }
0x49: {  	vm15 =	vlt.u32 v2, $0x1388;
	v2 =	vshll.u32 v2, $0x4  }
0x4a: {  	p0 =	sne.s32 s17, $0xF800;
	v3 =	vld [tilespmem:s18+$0x3EF0];
	v2 =	vor.u32 v1, v2  }
.Ltmp1:
0x4b: {  	_ = 	snop;
	(pc) =	sbr.rel @p0 .LBB2_5-.Ltmp1, $2  }
0x4c: {  	_ =	sdelay $0x2  }
0x4d: {  	s17 =	sadd.s32 $0x200, s17;
	[tilespmem:v2+s13+$0x0] =	vst.idx.add.f32.msk vm15, v3  }
0x4e: {  	s16 =	sadd.s32 $0x1, s16  }
0x4f: {  	p0 =	sne.s32 s16, $0x140  }
.Ltmp2:
0x50: {  	_ = 	snop;
	(pc) =	sbr.rel @p0 .LBB2_4-.Ltmp2, $1  }
0x51: {  	_ =	sdelay $0x3  }
0x52: {  	s15 =	simm.s32 $0x0;
	s16 =	simm.s32 $0x40  }
.LBB2_8:
0x53: {  	p0 =	sne.s32 s16, $0x4E1C0;
	v2 =	vld [tilespmem:s15+$0x7D00];
	_ =	sdelay $0x4  }
0x54: {  	v2 =	vmax.f32 v2, $9.999999350e-39  }
0x55: {  	(erf) = vrcp.f32 v2;
	_ =	sdelay $0x5  }
.Ltmp3:
0x56: {  	(pc) =	sbr.rel @p0 .LBB2_8-.Ltmp3, $3  }
0x57: {  	_ =	sdelay $0x1  }
0x58: {  	v2 =	vpop (erf)  }
0x59: {  	[tilespmem:s15+$0x7D00] =	vst v2;
	s15 =	sshra.s32 s16, $0x2;
	s16 =	sadd.s32 $0x40, s16  }
0x5a: {  	v2 =	vld [tilespmem:s15+$0x7D00];
	_ =	sdelay $0x4  }
0x5b: {  	v2 =	vmax.f32 v2, $9.999999350e-39  }
0x5c: {  	(erf) = vrcp.f32 v2;
	_ =	sdelay $0x8  }
0x5d: {  	v2 =	vpop (erf)  }
0x5e: {  	[tilespmem:s15+$0x7D00] =	vst v2;
	s15 =	simm.s32 $0x0  }
0x5f: {  	[hbm4b:s7+s15] =	stream.linear.scatter [tilespmem:s13], [sflag:$0x1], $0x13880, $0x38;
	[tilespmem:$0x1B590] =	vst v63  }
0x60: {  	_ =	swait.ge [sflag:s11], $0x13880  }
0x61: {  	[sflag:s11] =	ssyncset.done $0x0  }
0x62: {  	s16 =	simm.s32 $0x0;
	s17 =	simm.s32 $0x200;
	[sflag:s11] =	ssyncadd.s32 $0xFFFEC780  }
.LBB2_10:
0x63: {  	p0 =	sne.s32 s17, $0x4E000;
	[tilespmem:s16+$0x7D70] =	vst v0  }
0x64: {  	[tilespmem:s16+$0x7D00] =	vst v0  }
0x65: {  	[tilespmem:s16+$0x7D10] =	vst v0  }
.Ltmp4:
0x66: {  	[tilespmem:s16+$0x7D20] =	vst v0;
	(pc) =	sbr.rel @p0 .LBB2_10-.Ltmp4, $4  }
0x67: {  	[tilespmem:s16+$0x7D30] =	vst v0  }
0x68: {  	[tilespmem:s16+$0x7D40] =	vst v0  }
0x69: {  	[tilespmem:s16+$0x7D50] =	vst v0  }
0x6a: {  	[tilespmem:s16+$0x7D60] =	vst v0;
	s16 =	sshra.s32 s17, $0x2;
	s17 =	sadd.s32 $0x200, s17  }
0x6b: {  	[tilespmem:s16+$0x7D70] =	vst v0  }
0x6c: {  	[tilespmem:s16+$0x7D00] =	vst v0  }
0x6d: {  	[tilespmem:s16+$0x7D10] =	vst v0  }
0x6e: {  	[tilespmem:s16+$0x7D20] =	vst v0  }
0x6f: {  	[tilespmem:s16+$0x7D30] =	vst v0  }
0x70: {  	[tilespmem:s16+$0x7D40] =	vst v0  }
0x71: {  	[tilespmem:s16+$0x7D50] =	vst v0  }
0x72: {  	[tilespmem:s16+$0x7D60] =	vst v0  }
.LBB2_12:
0x73: {  	s17 =	smul.u32 $0x3E80, s15;
	_ =	sdelay $0x1  }
0x74: {  	s16 =	sshrl.u32 s17, $0x3  }
0x75: {  	s18 =	sadd.s32 s4, s16;
	s16 =	simm.s32 $0x0  }
0x76: {  	[tilespmem:s16], [sflag:$0x1] =	stream.linear.gather [hbm4b:s18+s16], $0x3E80, $0x38;
	[tilespmem:$0x1B590] =	vst v63  }
0x77: {  	s17 =	sadd.s32 s6, s17;
	_ =	swait.ge [sflag:s11], $0x3E80  }
0x78: {  	s17 =	sshrl.u32 s17, $0x3;
	[sflag:s11] =	ssyncset.done $0x0  }
0x79: {  	s17 =	sadd.s32 s3, s17;
	[sflag:s11] =	ssyncadd.s32 $0xFFFFC180  }
0x7a: {  	[tilespmem:s12], [sflag:$0x1] =	stream.linear.gather [hbm4b:s17+s16], $0x3E80, $0x38;
	[tilespmem:$0x1B590] =	vst v63  }
0x7b: {  	_ =	swait.ge [sflag:s11], $0x3E80  }
0x7c: {  	[sflag:s11] =	ssyncset.done $0x0  }
0x7d: {  	[sflag:s11] =	ssyncadd.s32 $0xFFFFC180  }
.LBB2_13:
0x7e: {  	s17 =	sshra.s32 s16, $0x2  }
0x7f: {  	v2 =	vld [tilespmem:s17+$0x0];
	_ =	sdelay $0x4  }
0x80: {  	v2 =	vadd.s32 $0xFFFFEC78, v2  }
0x81: {  	vm0 =	vlt.u32 v2, $0x1388;
	v2 =	vshll.u32 v2, $0x4  }
0x82: {  	v3 =	vld [tilespmem:s17+$0x3E80];
	v2 =	vor.u32 v1, v2;
	_ =	sdelay $0x4  }
0x83: {  	[tilespmem:v2+s13+$0x0] =	vst.idx.add.f32.msk vm0, v3  }
0x84: {  	v2 =	vld [tilespmem:s17+$0x10];
	_ =	sdelay $0x4  }
0x85: {  	v2 =	vadd.s32 $0xFFFFEC78, v2  }
0x86: {  	vm9 =	vlt.u32 v2, $0x1388;
	v2 =	vshll.u32 v2, $0x4  }
0x87: {  	v3 =	vld [tilespmem:s17+$0x3E90];
	v2 =	vor.u32 v1, v2;
	_ =	sdelay $0x4  }
0x88: {  	[tilespmem:v2+s13+$0x0] =	vst.idx.add.f32.msk vm9, v3  }
0x89: {  	v2 =	vld [tilespmem:s17+$0x20];
	_ =	sdelay $0x4  }
0x8a: {  	v2 =	vadd.s32 $0xFFFFEC78, v2  }
0x8b: {  	vm10 =	vlt.u32 v2, $0x1388;
	v2 =	vshll.u32 v2, $0x4  }
0x8c: {  	v3 =	vld [tilespmem:s17+$0x3EA0];
	v2 =	vor.u32 v1, v2;
	_ =	sdelay $0x4  }
0x8d: {  	[tilespmem:v2+s13+$0x0] =	vst.idx.add.f32.msk vm10, v3  }
0x8e: {  	v2 =	vld [tilespmem:s17+$0x30];
	_ =	sdelay $0x4  }
0x8f: {  	v2 =	vadd.s32 $0xFFFFEC78, v2  }
0x90: {  	vm11 =	vlt.u32 v2, $0x1388;
	v2 =	vshll.u32 v2, $0x4  }
0x91: {  	v3 =	vld [tilespmem:s17+$0x3EB0];
	v2 =	vor.u32 v1, v2;
	_ =	sdelay $0x4  }
0x92: {  	[tilespmem:v2+s13+$0x0] =	vst.idx.add.f32.msk vm11, v3  }
0x93: {  	v2 =	vld [tilespmem:s17+$0x40];
	_ =	sdelay $0x4  }
0x94: {  	v2 =	vadd.s32 $0xFFFFEC78, v2  }
0x95: {  	vm12 =	vlt.u32 v2, $0x1388;
	v2 =	vshll.u32 v2, $0x4  }
0x96: {  	v3 =	vld [tilespmem:s17+$0x3EC0];
	v2 =	vor.u32 v1, v2;
	_ =	sdelay $0x4  }
0x97: {  	[tilespmem:v2+s13+$0x0] =	vst.idx.add.f32.msk vm12, v3  }
0x98: {  	v2 =	vld [tilespmem:s17+$0x50];
	_ =	sdelay $0x4  }
0x99: {  	v2 =	vadd.s32 $0xFFFFEC78, v2  }
0x9a: {  	vm13 =	vlt.u32 v2, $0x1388;
	v2 =	vshll.u32 v2, $0x4  }
0x9b: {  	v3 =	vld [tilespmem:s17+$0x3ED0];
	v2 =	vor.u32 v1, v2;
	_ =	sdelay $0x4  }
0x9c: {  	[tilespmem:v2+s13+$0x0] =	vst.idx.add.f32.msk vm13, v3  }
0x9d: {  	v2 =	vld [tilespmem:s17+$0x60];
	_ =	sdelay $0x4  }
0x9e: {  	v2 =	vadd.s32 $0xFFFFEC78, v2  }
0x9f: {  	vm14 =	vlt.u32 v2, $0x1388;
	v2 =	vshll.u32 v2, $0x4  }
0xa0: {  	v3 =	vld [tilespmem:s17+$0x3EE0];
	v2 =	vor.u32 v1, v2;
	_ =	sdelay $0x4  }
0xa1: {  	[tilespmem:v2+s13+$0x0] =	vst.idx.add.f32.msk vm14, v3  }
0xa2: {  	v2 =	vld [tilespmem:s17+$0x70];
	_ =	sdelay $0x4  }
0xa3: {  	v2 =	vadd.s32 $0xFFFFEC78, v2  }
0xa4: {  	vm15 =	vlt.u32 v2, $0x1388;
	v2 =	vshll.u32 v2, $0x4  }
0xa5: {  	p0 =	sne.s32 s16, $0xF800;
	v3 =	vld [tilespmem:s17+$0x3EF0];
	v2 =	vor.u32 v1, v2  }
.Ltmp5:
0xa6: {  	_ = 	snop;
	(pc) =	sbr.rel @p0 .LBB2_13-.Ltmp5, $2  }
0xa7: {  	_ =	sdelay $0x2  }
0xa8: {  	s16 =	sadd.s32 $0x200, s16;
	[tilespmem:v2+s13+$0x0] =	vst.idx.add.f32.msk vm15, v3  }
0xa9: {  	s15 =	sadd.s32 $0x1, s15  }
0xaa: {  	p0 =	sne.s32 s15, $0x140  }
.Ltmp6:
0xab: {  	_ = 	snop;
	(pc) =	sbr.rel @p0 .LBB2_12-.Ltmp6, $1  }
0xac: {  	_ =	sdelay $0x3  }
0xad: {  	s15 =	simm.s32 $0x0;
	s16 =	simm.s32 $0x40  }
.LBB2_16:
0xae: {  	p0 =	sne.s32 s16, $0x4E1C0;
	v2 =	vld [tilespmem:s15+$0x7D00];
	_ =	sdelay $0x4  }
0xaf: {  	v2 =	vmax.f32 v2, $9.999999350e-39  }
0xb0: {  	(erf) = vrcp.f32 v2;
	_ =	sdelay $0x5  }
.Ltmp7:
0xb1: {  	(pc) =	sbr.rel @p0 .LBB2_16-.Ltmp7, $3  }
0xb2: {  	_ =	sdelay $0x1  }
0xb3: {  	v2 =	vpop (erf)  }
0xb4: {  	[tilespmem:s15+$0x7D00] =	vst v2;
	s15 =	sshra.s32 s16, $0x2;
	s16 =	sadd.s32 $0x40, s16  }
0xb5: {  	v2 =	vld [tilespmem:s15+$0x7D00];
	_ =	sdelay $0x4  }
0xb6: {  	v2 =	vmax.f32 v2, $9.999999350e-39  }
0xb7: {  	(erf) = vrcp.f32 v2;
	_ =	sdelay $0x7  }
0xb8: {  	s14 =	sadd.s32 $0x1, s14  }
0xb9: {  	p0 =	sne.s32 s14, s9;
	v2 =	vpop (erf)  }
.Ltmp8:
0xba: {  	[tilespmem:s15+$0x7D00] =	vst v2;
	(pc) =	sbr.rel @p0 .LBB2_1-.Ltmp8, $4  }
0xbb: {  	[hbm4b:s8+s2] =	stream.linear.scatter [tilespmem:s13], [sflag:$0x1], $0x13880, $0x38;
	[tilespmem:$0x1B590] =	vst v63  }
0xbc: {  	_ =	swait.ge [sflag:s11], $0x13880  }
0xbd: {  	[sflag:s11] =	ssyncset.done $0x0  }
0xbe: {  	[sflag:s11] =	ssyncadd.s32 $0xFFFEC780  }
0xbf: {  	_ =	sfence.sel $0x180000  }
0xc0: {  	[bflag:$0x0] =	sbarrier.arrive $0xFFFF  }
0xc1: {  	p0 =	sne.s32 s1, $0x0;
	_ =	strace $0x90000053  }
0xc2: {  	s0 =	sadd.s32 @!p0 $0x100000, s0;
	[bflag:$0x2] =	sbarrier.arrive $0xFFFF  }
0xc3: {  	[sflag:s0] =	ssyncadd.tile.s32 @!p0 $0x1;
	_ =	shalt  }
.Lfunc_end2:
_tile_overlayer_lowered:
.L_overlay_start_2:
0xc4: {  	(tag) =	ssettag $0x2  }
0xc5: {  	s0 =	rddreg [dreg:$0x0];
	s2 =	stileid.u32  }
0xc6: {  	s1 =	rddreg [dreg:$0x1];
	p0 =	sne.s32 s2, $0x0  }
0xc7: {  	s3 =	rddreg [dreg:$0x2];
	[bflag:$0x3] =	sbarrier.arrive $0xFFFF;
	s2 =	simm.s32 @!p0 $0x1C01  }
0xc8: {  	[timem:s3], [sflag:s2] =	dma.local @!p0 [hbm:s0], s1  }
0xc9: {  	s0 =	simm.s32 @!p0 $0x1  }
0xca: {  	_ =	swait.ge @!p0 [sflag:s0], s1  }
0xcb: {  	s1 =	ssub.s32 @!p0 $0x0, s1;
	[sflag:s0] =	ssyncset.done @!p0 $0x0  }
0xcc: {  	[sflag:s0] =	ssyncadd.s32 @!p0 s1  }
0xcd: {  	[bflag:$0x3] =	sbarrier.arrive $0xFFFF  }
0xce: {  	_ =	shalt  }

// kernel: kernel.16.cloned.1.call-start
scs
__scs_entry_jumppad:
0x0: {  	(pc) =	sbr.rel $0x88, $3  }
0x1: {  	(tag) =	ssettag $0x0;
	lr =	simm.s32 $0x1  }
0x2: {  	[smem:$0x3F96] =	sst lr;
	_ =	strace $0xD0000000  }
0x3: {  	_ = 	snop  }
0x4: {  	_ = 	snop  }
0x5: {  	_ = 	snop  }
0x6: {  	_ = 	snop  }
0x7: {  	_ = 	snop  }
__scs_overlays_trampoline_lowered:
0x8: {  	[smem:$0x3FA5] =	sst s0  }
0x9: {  	[smem:$0x3FA6] =	sst s1  }
0xa: {  	[smem:$0x3FA7] =	sst s2  }
0xb: {  	[smem:$0x3FA8] =	sst s3  }
0xc: {  	[smem:$0x3FA9] =	sst s4  }
0xd: {  	[smem:$0x3FAA] =	sst s5  }
0xe: {  	[smem:$0x3FAB] =	sst s6  }
0xf: {  	[smem:$0x3FAC] =	sst s7  }
0x10: {  	[smem:$0x3FAD] =	sst s8  }
0x11: {  	[smem:$0x3FAE] =	sst s9;
	s0 =	simm.s32 @!p0 $0x0  }
0x12: {  	s1 =	sld [smem:$0x3F94];
	s0 =	simm.s32 @p0 $0x1  }
0x13: {  	[smem:$0x3FAF] =	sst s0;
	s0 =	simm.s32 @!p1 $0x0  }
0x14: {  	s2 =	sld [smem:$0x3F93];
	s0 =	simm.s32 @p1 $0x1  }
0x15: {  	[smem:$0x3FB0] =	sst s0;
	s0 =	simm.s32 @!p2 $0x0  }
0x16: {  	s3 =	sld [smem:$0x3FDB];
	s0 =	simm.s32 @p2 $0x1  }
0x17: {  	s4 =	simm.s32 $0x1BF5;
	[smem:$0x3FB2] =	sst s0  }
0x18: {  	s0 =	sld [smem:$0x3F95];
	_ =	swait.ge [sflag:s4], $0x0  }
0x19: {  	s7 =	sld [smem:$0x3F96]  }
0x1a: {  	s8 =	sadd.s32 $0xFFFFE003, lr  }
0x1b: {  	s9 =	sadd.s32 $0xFFFFFEF7, lr;
	s5 =	simm.s32 $0xFFFFFFFF;
	p2 =	slt.u32 s8, $0xFFFFF086  }
0x1c: {  	p1 =	slt.u32 s9, $0xF7A;
	s5 =	simm.s32 @!p2 $0x0  }
0x1d: {  	s5 =	simm.s32 @p1 $0x1;
	p0 =	seq.s32 s7, s2  }
0x1e: {  	s7 =	smul.u32 @!p0 $0xF7A, s2;
	p2 =	seq.s32 @!p0 s5, $0x0  }
0x1f: {  	s9 =	smul.u32 $0xF7A, s1;
	s8 =	simm.s32 @!p0 $0x1BF5;
	p2 =	por !p2, p0  }
0x20: {  	[sflag:s8] =	ssyncset.s32 @!p0 $0xFFFFF086;
	s6 =	sadd.s32 @!p0 s3, s7;
	s7 =	simm.s32 @!p0 $0x108  }
0x21: {  	s3 =	sadd.s32 s3, s9;
	s6 =	sadd.s32 @!p0 $0x88, s6;
	s7 =	simm.s32 @p2 $0x1082  }
0x22: {  	[simem:s7], [sflag:s8] =	dma.local @!p0 [hbm:s6], $0xF7A  }
0x23: {  	s9 =	sor.u32 $0xD0000000, s2;
	s6 =	simm.s32 $0x108;
	_ =	swait.ge @!p0 [sflag:s8], $0x0  }
0x24: {  	s3 =	sadd.s32 $0x88, s3;
	s6 =	simm.s32 @!p1 $0x1082;
	[sflag:s4] =	ssyncset.s32 $0xFFFFF086  }
0x25: {  	[simem:s6], [sflag:s4] =	dma.local [hbm:s3], $0xF7A  }
0x26: {  	[smem:$0x3F96] =	sst s1;
	(tag) =	ssettag s2;
	_ =	strace s9  }
0x27: {  	s1 =	sld [smem:$0x3FA6]  }
0x28: {  	s2 =	sld [smem:$0x3FA7]  }
0x29: {  	s4 =	sld [smem:$0x3FA9]  }
0x2a: {  	p0 =	seq.s32 s5, $0x0;
	s5 =	sld [smem:$0x3FAA]  }
0x2b: {  	s6 =	sld [smem:$0x3FAB]  }
0x2c: {  	s7 =	sld [smem:$0x3FAC]  }
0x2d: {  	s3 =	simm.s32 $0x108;
	s8 =	sld [smem:$0x3FAD]  }
0x2e: {  	s3 =	simm.s32 @!p0 $0x1082;
	s9 =	sld [smem:$0x3FAE]  }
0x2f: {  	lr =	sadd.s32 s0, s3;
	s0 =	sld [smem:$0x3FA5]  }
0x30: {  	s3 =	sld [smem:$0x3FA8]  }
0x31: {  	[smem:$0x3FB1] =	sst s10  }
0x32: {  	s10 =	sld [smem:$0x3FAF];
	_ =	sdelay $0x3  }
0x33: {  	p0 =	seq.s32 s10, $0x1;
	s10 =	sld [smem:$0x3FB1];
	_ =	sdelay $0x3  }
0x34: {  	[smem:$0x3FB1] =	sst s10  }
0x35: {  	s10 =	sld [smem:$0x3FB0];
	_ =	sdelay $0x3  }
0x36: {  	p1 =	seq.s32 s10, $0x1;
	s10 =	sld [smem:$0x3FB1];
	_ =	sdelay $0x3  }
0x37: {  	[smem:$0x3FB1] =	sst s10  }
0x38: {  	s10 =	sld [smem:$0x3FB2]  }
0x39: {  	_ = 	snop;
	(pc) =	sbr.ind lr, $3  }
0x3a: {  	_ = 	snop  }
0x3b: {  	_ = 	snop  }
0x3c: {  	p2 =	seq.s32 s10, $0x1;
	s10 =	sld [smem:$0x3FB1]  }
0x3d: {  	_ =	shalt  }
0x3e: {  	_ =	shalt  }
0x3f: {  	_ =	shalt  }
0x40: {  	_ =	shalt  }
0x41: {  	_ =	shalt  }
0x42: {  	_ =	shalt  }
0x43: {  	_ =	shalt  }
0x44: {  	_ =	shalt  }
0x45: {  	_ =	shalt  }
0x46: {  	_ =	shalt  }
0x47: {  	_ =	shalt  }
0x48: {  	_ =	shalt  }
0x49: {  	_ =	shalt  }
0x4a: {  	_ =	shalt  }
0x4b: {  	_ =	shalt  }
0x4c: {  	_ =	shalt  }
0x4d: {  	_ =	shalt  }
0x4e: {  	_ =	shalt  }
0x4f: {  	_ =	shalt  }
0x50: {  	_ =	shalt  }
0x51: {  	_ =	shalt  }
0x52: {  	_ =	shalt  }
0x53: {  	_ =	shalt  }
0x54: {  	_ =	shalt  }
0x55: {  	_ =	shalt  }
0x56: {  	_ =	shalt  }
0x57: {  	_ =	shalt  }
0x58: {  	_ =	shalt  }
0x59: {  	_ =	shalt  }
0x5a: {  	_ =	shalt  }
0x5b: {  	_ =	shalt  }
0x5c: {  	_ =	shalt  }
0x5d: {  	_ =	shalt  }
0x5e: {  	_ =	shalt  }
0x5f: {  	_ =	shalt  }
0x60: {  	_ =	shalt  }
0x61: {  	_ =	shalt  }
0x62: {  	_ =	shalt  }
0x63: {  	_ =	shalt  }
0x64: {  	_ =	shalt  }
0x65: {  	_ =	shalt  }
0x66: {  	_ =	shalt  }
0x67: {  	_ =	shalt  }
0x68: {  	_ =	shalt  }
0x69: {  	_ =	shalt  }
0x6a: {  	_ =	shalt  }
0x6b: {  	_ =	shalt  }
0x6c: {  	_ =	shalt  }
0x6d: {  	_ =	shalt  }
0x6e: {  	_ =	shalt  }
0x6f: {  	_ =	shalt  }
0x70: {  	_ =	shalt  }
0x71: {  	_ =	shalt  }
0x72: {  	_ =	shalt  }
0x73: {  	_ =	shalt  }
0x74: {  	_ =	shalt  }
0x75: {  	_ =	shalt  }
0x76: {  	_ =	shalt  }
0x77: {  	_ =	shalt  }
0x78: {  	_ =	shalt  }
0x79: {  	_ =	shalt  }
0x7a: {  	_ =	shalt  }
0x7b: {  	_ =	shalt  }
0x7c: {  	_ =	shalt  }
0x7d: {  	_ =	shalt  }
0x7e: {  	_ =	shalt  }
0x7f: {  	_ =	shalt  }
0x80: {  	_ =	shalt  }
0x81: {  	_ =	shalt  }
0x82: {  	_ =	shalt  }
0x83: {  	_ =	shalt  }
0x84: {  	_ =	shalt  }
0x85: {  	_ =	shalt  }
0x86: {  	_ =	shalt  }
0x87: {  	_ =	shalt  }
.Lfunc_end0:
.L_simem_size_0:
called_computation.5_lowered:
.L_overlay_start_0:
0x88: {  	s2 =	sld [smem:$0x3FD9]  }
0x89: {  	s3 =	sld [smem:$0x3FFE];
	_ =	sdelay $0x1  }
0x8a: {  	s1 =	srdreg.scid  }
0x8b: {  	s0 =	sand.u32 $0x1, s1  }
0x8c: {  	s16 =	sshll.u32 s0, $0xA;
	s2 =	sadd.s32 s3, s2  }
0x8d: {  	s2 =	sadd.s32 s2, s16  }
0x8e: {  	[smem:$0x3FBD] =	sst s2  }
0x8f: {  	_ = 	snop  }
0x90: {  	(tm) =	ssettm $0x1  }
0x91: {  	s17 =	sld [smem:$0x3FFB];
	_ =	sdelay $0x3  }
0x92: {  	_ =	strace s17  }
0x93: {  	s2 =	sld [smem:$0x3FFC];
	_ =	sdelay $0x3  }
0x94: {  	_ =	strace s2  }
0x95: {  	s2 =	sld [smem:$0x3FFD];
	_ =	sdelay $0x3  }
0x96: {  	_ =	strace s2  }
0x97: {  	_ =	strace $0x8FFFFFFF  }
0x98: {  	s18 =	sld [smem:$0x3FDB];
	_ =	sdelay $0x1  }
0x99: {  	s19 =	simm.s32 $_scs_section_size  }
0x9a: {  	s4 =	simm.s32 $_size__tile_overlayer_lowered;
	s5 =	simm.s32 $_tile_overlayer_lowered  }
0x9b: {  	s22 =	simm.s32 $0x1BFF;
	s21 =	sshll.u32 s5, $0x1;
	s2 =	sadd.s32 s19, s18  }
0x9c: {  	s6 =	simm.s32 $0x0;
	s20 =	sshll.u32 s4, $0x1;
	s4 =	sadd.s32 s21, s2  }
0x9d: {  	[timem:s6], [sflag:s22] =	dma.local [hbm:s4], s20  }
0x9e: {  	_ =	swait.ge [sflag:s22], s20  }
0x9f: {  	s3 =	ssub.s32 $0x0, s20;
	[sflag:s22] =	ssyncset.done $0x0  }
0xa0: {  	[sflag:s22] =	ssyncadd.s32 s3;
	_ =	sdelay $0x1  }
0xa1: {  	s23 =	simm.s32 $0x1B8B  }
0xa2: {  	_ =	swait.ge [sflag:s23], $0x1  }
0xa3: {  	[sflag:s23] =	ssyncset.done $0x0  }
0xa4: {  	s25 =	simm.s32 $0x1B8E;
	s24 =	sld [smem:$0x3FFE];
	[sflag:s23] =	ssyncadd.s32 $0xFFFFFFFF  }
0xa5: {  	s26 =	simm.s32 $execute0_lowered;
	[smem:$0x3FD2] =	sst s25  }
0xa6: {  	s4 =	sshll.u32 s26, $0x1;
	_ =	strace $0x80000055;
	[dreg:$0x1] =	wrdreg $0xFFFFFFFF  }
0xa7: {  	s28 =	simm.s32 $_size_execute0_lowered;
	s2 =	sadd.s32 s2, s4;
	[dreg:$0x0] =	wrdreg $0x0  }
0xa8: {  	s4 =	sshll.u32 s28, $0x1;
	[dreg:$0x2] =	wrdreg s2  }
0xa9: {  	[dreg:$0x3] =	wrdreg s4  }
0xaa: {  	[dreg:$0x4] =	wrdreg $0xC0  }
0xab: {  	_ =	task [dreg:s6], $0x5FFFF  }
0xac: {  	[dreg:$0x1] =	wrdreg $0xFFFFFFFF  }
0xad: {  	[dreg:$0x0] =	wrdreg $0x60  }
0xae: {  	[dreg:$0x2] =	wrdreg s24  }
0xaf: {  	[dreg:$0x3] =	wrdreg $0x9  }
0xb0: {  	_ =	task.clear_ibuf [dreg:s6], $0x4FFFF;
	_ =	strace $0x90000055  }
0xb1: {  	s29 =	simm.s32 $0x9;
	_ =	strace $0x80000057  }
0xb2: {  	_ =	swait.ge [sflag:s29], $0x1  }
0xb3: {  	[sflag:s29] =	ssyncadd.s32 $0xFFFFFFFF  }
0xb4: {  	_ =	strace $0x90000057  }
0xb5: {  	_ =	sfence  }
0xb6: {  	s30 =	sld [smem:$0x0];
	_ =	sdelay $0x2  }
0xb7: {  	s31 =	sshll.u32 s1, $0xD;
	s1 =	sshrl.u32 s1, $0x2  }
0xb8: {  	s3 =	sand.u32 $0x4000, s31;
	s1 =	sadd.s32 s1, s30  }
0xb9: {  	s0 =	sor.u32 s3, s0;
	s1 =	sshll.u32 s1, $0x11  }
0xba: {  	s0 =	sor.u32 s1, s0  }
0xbb: {  	s0 =	sadd.s32 $0x8F2B, s0  }
0xbc: {  	[sflag:s0] =	ssyncadd.remote.s32 $0x1  }
0xbd: {  	_ =	sfence.sel $0xFFFF  }
0xbe: {  	[dreg:$0x0] =	wrdreg $0xFFFFFFFF;
	(pc) =	sbr.abs _section_cstart, $3  }
0xbf: {  	[dreg:$0x1] =	wrdreg $0xFFFFFFFF  }
0xc0: {  	_ =	task.clear_ibuf [dreg:s6], $0x2FFFF;
	_ =	strace $0x9FFFFFFF  }
0xc1: {  	(tm) =	ssettm $0x7FFFFFFF  }
tec
execute0_lowered:
.L_overlay_start_1:
0x0: {  	(tag) =	ssettag $0x1  }
0x1: {  	s0 =	rddreg [dreg:$0x0]  }
0x2: {  	s3 =	simm.s32 $0x0;
	s1 =	srdreg.scid;
	s2 =	stileid.u32  }
0x3: {  	s15 =	simm.s32 $0x2;
	s16 =	simm.s32 $0x200;
	s17 =	simm.s32 $0x80  }
0x4: {  	s18 =	simm.s32 $0x2200;
	s19 =	simm.s32 $0x6400;
	s20 =	simm.s32 $0x2280  }
0x5: {  	s21 =	simm.s32 $0x6C00;
	s22 =	simm.s32 $0x2300;
	s23 =	simm.s32 $0x7400  }
0x6: {  	s24 =	simm.s32 $0x2380;
	s25 =	simm.s32 $0x7C00;
	s28 =	simm.s32 $0x4400  }
0x7: {  	s29 =	simm.s32 $0x1;
	s30 =	simm.s32 $0x8400;
	s31 =	simm.s32 $0x0  }
0x8: {  	[smem:$0x7FF] =	sst s3;
	s1 =	sand.u32 $0x1, s1;
	s2 =	sshll.u32 s2, $0x1  }
0x9: {  	s3 =	sadd.s32 $0x6CF200, s0;
	s4 =	sadd.s32 $0x18400, s0;
	s5 =	sadd.s32 $0xE600, s0  }
0xa: {  	s6 =	sadd.s32 $0x632E00, s0;
	s7 =	sadd.s32 $0x1A57200, s0;
	s2 =	sor.u32 s1, s2  }
0xb: {  	s9 =	sadd.s32 $0x4800, s0;
	_ =	strace $0x80000056;
	s8 =	smul.u32 $0x27100, s2  }
0xc: {  	[dreg:$0x2] =	wrdreg s9;
	s1 =	ssub.s32 $0x2, s1;
	s14 =	smul.u32 $0x2710, s2  }
0xd: {  	s10 =	sand.u32 $0x7, s2;
	s9 =	smul.u32 $0x4E2000, s2;
	s26 =	sshrl.u32 s1, $0x1  }
0xe: {  	s10 =	smul.u32 $0x4E2000, s10;
	s1 =	ssub.s32 s1, s26;
	s8 =	sshrl.u32 s8, $0x3  }
0xf: {  	s26 =	simm.s32 $0x2400;
	s13 =	smax.u32 s1, $0x1;
	s0 =	sadd.s32 s8, s0  }
0x10: {  	v1 =	vimm.f32 $0.0e+00;
	v2 =	vlaneseq.u32;
	v0 =	vmov s14;
	s11 =	sadd.s32 $0x56F800, s0;
	s12 =	sadd.s32 $0x571F10, s0;
	s0 =	simm.s32 $0x0  }
.LBB2_1:
0x11: {  	s1 =	rddreg [dreg:$0x2];
	s2 =	simm.s32 $0x1BC80  }
0x12: {  	[tilespmem:s2], [sflag:$0x2] =	stream.linear.gather [hbm4b:s1+s0], $0x10, $0x38;
	[tilespmem:$0x1BC90] =	vst v63  }
0x13: {  	_ =	swait.ge [sflag:s15], $0x10  }
0x14: {  	[sflag:s15] =	ssyncset.done $0x0  }
0x15: {  	s1 =	simm.s32 $0x0;
	s0 =	simm.s32 $0x200;
	[sflag:s15] =	ssyncadd.s32 $0xFFFFFFF0  }
.LBB2_2:
0x16: {  	p0 =	sne.s32 s0, $0x4E000;
	[tilespmem:s1+$0x8470] =	vst v1  }
0x17: {  	[tilespmem:s1+$0x8400] =	vst v1  }
0x18: {  	[tilespmem:s1+$0x8410] =	vst v1  }
.Ltmp0:
0x19: {  	[tilespmem:s1+$0x8420] =	vst v1;
	(pc) =	sbr.rel @p0 .LBB2_2-.Ltmp0, $4  }
0x1a: {  	[tilespmem:s1+$0x8430] =	vst v1  }
0x1b: {  	[tilespmem:s1+$0x8440] =	vst v1  }
0x1c: {  	[tilespmem:s1+$0x8450] =	vst v1  }
0x1d: {  	[tilespmem:s1+$0x8460] =	vst v1;
	s1 =	sshra.s32 s0, $0x2;
	s0 =	sadd.s32 $0x200, s0  }
0x1e: {  	[tilespmem:s1+$0x8470] =	vst v1  }
0x1f: {  	[tilespmem:s1+$0x8400] =	vst v1  }
0x20: {  	[tilespmem:s1+$0x8410] =	vst v1  }
0x21: {  	[tilespmem:s1+$0x8420] =	vst v1  }
0x22: {  	[tilespmem:s1+$0x8430] =	vst v1  }
0x23: {  	[tilespmem:s1+$0x8440] =	vst v1  }
0x24: {  	[tilespmem:s1+$0x8450] =	vst v1  }
0x25: {  	s0 =	simm.s32 $0x0;
	[tilespmem:s1+$0x8460] =	vst v1;
	s1 =	simm.s32 $0x0  }
.LBB2_4:
0x26: {  	s2 =	sshll.u32 s1, $0x6  }
0x27: {  	s2 =	sadd.s32 s5, s2  }
0x28: {  	[tilespmem:s0], [sflag:$0x2] =	stream.linear.gather [hbm4b:s2+s0], $0x200, $0x38;
	[tilespmem:$0x1BC90] =	vst v63  }
0x29: {  	_ =	swait.ge [sflag:s15], $0x200  }
0x2a: {  	s14 =	sshll.u32 s1, $0xA;
	[sflag:s15] =	ssyncset.done $0x0  }
0x2b: {  	s2 =	sadd.s32 s6, s14;
	[sflag:s15] =	ssyncadd.s32 $0xFFFFFE00  }
0x2c: {  	[tilespmem:s16], [sflag:$0x2] =	stream.linear.gather [hbm4b:s2+s0], $0x2000, $0x38;
	[tilespmem:$0x1BC90] =	vst v63  }
0x2d: {  	_ =	swait.ge [sflag:s15], $0x2000  }
0x2e: {  	[sflag:s15] =	ssyncset.done $0x0  }
0x2f: {  	[sflag:s15] =	ssyncadd.s32 $0xFFFFE000  }
0x30: {  	v3 =	vld [tilespmem:s0+$0x0];
	_ =	sdelay $0x4  }
0x31: {  	s2 =	simm.s32 $0x2200;
	v3 =	vadd.s32 v0, v3  }
0x32: {  	s14 =	simm.s32 $0x10;
	[tilespmem:s2+$0x0] =	vst v3  }
0x33: {  	s8 =	simm.s32 $0x2;
	v3 =	vld [tilespmem:s14+$0x0]  }
.LBB2_5:
0x34: {  	p0 =	sne.s32 s8, $0x1F;
	_ =	sdelay $0x1  }
.Ltmp1:
0x35: {  	(pc) =	sbr.rel @p0 .LBB2_5-.Ltmp1, $4  }
0x36: {  	_ = 	snop  }
0x37: {  	s2 =	sadd.s32 $0x10, s2;
	v3 =	vadd.s32 v0, v3  }
0x38: {  	s14 =	sadd.s32 $0x10, s14;
	[tilespmem:s2+$0x0] =	vst v3  }
0x39: {  	s8 =	sadd.s32 $0x1, s8;
	v3 =	vld [tilespmem:s14+$0x0]  }
0x3a: {  	_ =	sdelay $0x3  }
0x3b: {  	s2 =	sadd.s32 $0x10, s2;
	v3 =	vadd.s32 v0, v3  }
0x3c: {  	[tilespmem:s2+$0x0] =	vst v3  }
0x3d: {  	[tilespmem:s19], [sflag:$0x1] =	stream.indirect.gather [hbm4b:s7+s17], $0x10, s18, s17, $0xb8;
	[tilespmem:$0x1BC90] =	vst v63  }
0x3e: {  	s2 =	sshll.u32 s1, $0xD  }
0x3f: {  	[tilespmem:s21], [sflag:$0x1] =	stream.indirect.gather [hbm4b:s7+s17], $0x10, s20, s17, $0xb8;
	[tilespmem:$0x1BC90] =	vst v63  }
0x40: {  	s8 =	sadd.s32 s9, s2  }
0x41: {  	[tilespmem:s23], [sflag:$0x1] =	stream.indirect.gather [hbm4b:s7+s17], $0x10, s22, s17, $0xb8;
	[tilespmem:$0x1BC90] =	vst v63  }
0x42: {  	s8 =	sshrl.u32 s8, $0x3  }
0x43: {  	[tilespmem:s25], [sflag:$0x1] =	stream.indirect.gather [hbm4b:s7+s17], $0x10, s24, s17, $0xb8;
	[tilespmem:$0x1BC90] =	vst v63  }
0x44: {  	s14 =	simm.s32 $0x0;
	s8 =	sadd.s32 s3, s8  }
0x45: {  	[tilespmem:s26], [sflag:$0x2] =	stream.linear.gather [hbm4b:s8+s14], $0x2000, $0x38;
	[tilespmem:$0x1BC90] =	vst v63  }
0x46: {  	s2 =	sadd.s32 s10, s2;
	_ =	swait.ge [sflag:s15], $0x2000  }
0x47: {  	s2 =	sshrl.u32 s2, $0x3;
	[sflag:s15] =	ssyncset.done $0x0  }
0x48: {  	s2 =	sadd.s32 s4, s2;
	[sflag:s15] =	ssyncadd.s32 $0xFFFFE000  }
0x49: {  	[tilespmem:s28], [sflag:$0x2] =	stream.linear.gather [hbm4b:s2+s14], $0x2000, $0x38;
	[tilespmem:$0x1BC90] =	vst v63  }
0x4a: {  	_ =	swait.ge [sflag:s15], $0x2000  }
0x4b: {  	[sflag:s15] =	ssyncset.done $0x0  }
0x4c: {  	[sflag:s15] =	ssyncadd.s32 $0xFFFFE000  }
0x4d: {  	_ =	swait.ge [sflag:s29], $0x800  }
0x4e: {  	[sflag:s29] =	ssyncset.done $0x0  }
0x4f: {  	[sflag:s29] =	ssyncadd.s32 $0xFFFFF800  }
0x50: {  	_ =	swait.ge [sflag:s29], $0x800  }
0x51: {  	[sflag:s29] =	ssyncset.done $0x0  }
0x52: {  	[sflag:s29] =	ssyncadd.s32 $0xFFFFF800  }
0x53: {  	_ =	swait.ge [sflag:s29], $0x800  }
0x54: {  	[sflag:s29] =	ssyncset.done $0x0  }
0x55: {  	[sflag:s29] =	ssyncadd.s32 $0xFFFFF800  }
0x56: {  	_ =	swait.ge [sflag:s29], $0x800  }
0x57: {  	[sflag:s29] =	ssyncset.done $0x0  }
0x58: {  	[sflag:s29] =	ssyncadd.s32 $0xFFFFF800  }
.LBB2_7:
0x59: {  	s2 =	sshra.s32 s14, $0x2  }
0x5a: {  	v3 =	vld [tilespmem:s2+$0x200]  }
0x5b: {  	v4 =	vld [tilespmem:s2+$0x2400]  }
0x5c: {  	v5 =	vld [tilespmem:s2+$0x6400];
	_ =	sdelay $0x1  }
0x5d: {  	v6 =	vld [tilespmem:s2+$0x4400]  }
0x5e: {  	vm0 =	vlt.u32 v3, $0x1388;
	v3 =	vshll.u32 v3, $0x4  }
0x5f: {  	v3 =	vor.u32 v2, v3  }
0x60: {  	v4 =	vmul.f32 v5, v4;
	_ =	sdelay $0x1  }
0x61: {  	v4 =	vmul.f32 v6, v4;
	_ =	sdelay $0x1  }
0x62: {  	[tilespmem:v3+s30+$0x0] =	vst.idx.add.f32.msk vm0, v4  }
0x63: {  	v3 =	vld [tilespmem:s2+$0x210]  }
0x64: {  	v4 =	vld [tilespmem:s2+$0x2410]  }
0x65: {  	v50 =	vld [tilespmem:s2+$0x6410];
	_ =	sdelay $0x1  }
0x66: {  	v51 =	vld [tilespmem:s2+$0x4410]  }
0x67: {  	vm9 =	vlt.u32 v3, $0x1388;
	v3 =	vshll.u32 v3, $0x4  }
0x68: {  	v3 =	vor.u32 v2, v3  }
0x69: {  	v4 =	vmul.f32 v50, v4;
	_ =	sdelay $0x1  }
0x6a: {  	v4 =	vmul.f32 v51, v4;
	_ =	sdelay $0x1  }
0x6b: {  	[tilespmem:v3+s30+$0x0] =	vst.idx.add.f32.msk vm9, v4  }
0x6c: {  	v3 =	vld [tilespmem:s2+$0x220]  }
0x6d: {  	v4 =	vld [tilespmem:s2+$0x2420]  }
0x6e: {  	v52 =	vld [tilespmem:s2+$0x6420];
	_ =	sdelay $0x1  }
0x6f: {  	v53 =	vld [tilespmem:s2+$0x4420]  }
0x70: {  	vm10 =	vlt.u32 v3, $0x1388;
	v3 =	vshll.u32 v3, $0x4  }
0x71: {  	v3 =	vor.u32 v2, v3  }
0x72: {  	v4 =	vmul.f32 v52, v4;
	_ =	sdelay $0x1  }
0x73: {  	v4 =	vmul.f32 v53, v4;
	_ =	sdelay $0x1  }
0x74: {  	[tilespmem:v3+s30+$0x0] =	vst.idx.add.f32.msk vm10, v4  }
0x75: {  	v3 =	vld [tilespmem:s2+$0x230]  }
0x76: {  	v4 =	vld [tilespmem:s2+$0x2430]  }
0x77: {  	v54 =	vld [tilespmem:s2+$0x6430];
	_ =	sdelay $0x1  }
0x78: {  	v55 =	vld [tilespmem:s2+$0x4430]  }
0x79: {  	vm11 =	vlt.u32 v3, $0x1388;
	v3 =	vshll.u32 v3, $0x4  }
0x7a: {  	v3 =	vor.u32 v2, v3  }
0x7b: {  	v4 =	vmul.f32 v54, v4;
	_ =	sdelay $0x1  }
0x7c: {  	v4 =	vmul.f32 v55, v4;
	_ =	sdelay $0x1  }
0x7d: {  	[tilespmem:v3+s30+$0x0] =	vst.idx.add.f32.msk vm11, v4  }
0x7e: {  	v3 =	vld [tilespmem:s2+$0x240]  }
0x7f: {  	v4 =	vld [tilespmem:s2+$0x2440]  }
0x80: {  	v56 =	vld [tilespmem:s2+$0x6440];
	_ =	sdelay $0x1  }
0x81: {  	v57 =	vld [tilespmem:s2+$0x4440]  }
0x82: {  	vm12 =	vlt.u32 v3, $0x1388;
	v3 =	vshll.u32 v3, $0x4  }
0x83: {  	v3 =	vor.u32 v2, v3  }
0x84: {  	v4 =	vmul.f32 v56, v4;
	_ =	sdelay $0x1  }
0x85: {  	v4 =	vmul.f32 v57, v4;
	_ =	sdelay $0x1  }
0x86: {  	[tilespmem:v3+s30+$0x0] =	vst.idx.add.f32.msk vm12, v4  }
0x87: {  	v3 =	vld [tilespmem:s2+$0x250]  }
0x88: {  	v4 =	vld [tilespmem:s2+$0x2450]  }
0x89: {  	v58 =	vld [tilespmem:s2+$0x6450];
	_ =	sdelay $0x1  }
0x8a: {  	v59 =	vld [tilespmem:s2+$0x4450]  }
0x8b: {  	vm13 =	vlt.u32 v3, $0x1388;
	v3 =	vshll.u32 v3, $0x4  }
0x8c: {  	v3 =	vor.u32 v2, v3  }
0x8d: {  	v4 =	vmul.f32 v58, v4;
	_ =	sdelay $0x1  }
0x8e: {  	v4 =	vmul.f32 v59, v4;
	_ =	sdelay $0x1  }
0x8f: {  	[tilespmem:v3+s30+$0x0] =	vst.idx.add.f32.msk vm13, v4  }
0x90: {  	v3 =	vld [tilespmem:s2+$0x260]  }
0x91: {  	v4 =	vld [tilespmem:s2+$0x2460]  }
0x92: {  	v60 =	vld [tilespmem:s2+$0x6460];
	_ =	sdelay $0x1  }
0x93: {  	v61 =	vld [tilespmem:s2+$0x4460]  }
0x94: {  	vm14 =	vlt.u32 v3, $0x1388;
	v3 =	vshll.u32 v3, $0x4  }
0x95: {  	v3 =	vor.u32 v2, v3  }
0x96: {  	v4 =	vmul.f32 v60, v4;
	_ =	sdelay $0x1  }
0x97: {  	v4 =	vmul.f32 v61, v4;
	_ =	sdelay $0x1  }
0x98: {  	[tilespmem:v3+s30+$0x0] =	vst.idx.add.f32.msk vm14, v4  }
0x99: {  	v3 =	vld [tilespmem:s2+$0x270]  }
0x9a: {  	v4 =	vld [tilespmem:s2+$0x2470]  }
0x9b: {  	v62 =	vld [tilespmem:s2+$0x6470];
	_ =	sdelay $0x1  }
0x9c: {  	v63 =	vld [tilespmem:s2+$0x4470]  }
0x9d: {  	vm15 =	vlt.u32 v3, $0x1388;
	v3 =	vshll.u32 v3, $0x4  }
0x9e: {  	p0 =	sne.s32 s14, $0x7E00;
	v3 =	vor.u32 v2, v3  }
.Ltmp2:
0x9f: {  	v4 =	vmul.f32 v62, v4;
	(pc) =	sbr.rel @p0 .LBB2_7-.Ltmp2, $3  }
0xa0: {  	_ = 	snop  }
0xa1: {  	v4 =	vmul.f32 v63, v4;
	_ =	sdelay $0x1  }
0xa2: {  	s14 =	sadd.s32 $0x200, s14;
	[tilespmem:v3+s30+$0x0] =	vst.idx.add.f32.msk vm15, v4  }
0xa3: {  	s1 =	sadd.s32 $0x1, s1  }
0xa4: {  	p0 =	sne.s32 s1, $0x271  }
.Ltmp3:
0xa5: {  	_ = 	snop;
	(pc) =	sbr.rel @p0 .LBB2_4-.Ltmp3, $1  }
0xa6: {  	_ =	sdelay $0x3  }
0xa7: {  	s0 =	simm.s32 $0x0  }
0xa8: {  	[hbm4b:s11+s0] =	stream.linear.scatter [tilespmem:s30], [sflag:$0x2], $0x13880, $0x38;
	[tilespmem:$0x1BC90] =	vst v63  }
0xa9: {  	_ =	swait.ge [sflag:s15], $0x13880  }
0xaa: {  	[sflag:s15] =	ssyncset.done $0x0  }
0xab: {  	s1 =	simm.s32 $0x0;
	s2 =	simm.s32 $0x200;
	[sflag:s15] =	ssyncadd.s32 $0xFFFEC780  }
.LBB2_10:
0xac: {  	p0 =	sne.s32 s2, $0x4E000;
	[tilespmem:s1+$0x8470] =	vst v1  }
0xad: {  	[tilespmem:s1+$0x8400] =	vst v1  }
0xae: {  	[tilespmem:s1+$0x8410] =	vst v1  }
.Ltmp4:
0xaf: {  	[tilespmem:s1+$0x8420] =	vst v1;
	(pc) =	sbr.rel @p0 .LBB2_10-.Ltmp4, $4  }
0xb0: {  	[tilespmem:s1+$0x8430] =	vst v1  }
0xb1: {  	[tilespmem:s1+$0x8440] =	vst v1  }
0xb2: {  	[tilespmem:s1+$0x8450] =	vst v1  }
0xb3: {  	[tilespmem:s1+$0x8460] =	vst v1;
	s1 =	sshra.s32 s2, $0x2;
	s2 =	sadd.s32 $0x200, s2  }
0xb4: {  	[tilespmem:s1+$0x8470] =	vst v1  }
0xb5: {  	[tilespmem:s1+$0x8400] =	vst v1  }
0xb6: {  	[tilespmem:s1+$0x8410] =	vst v1  }
0xb7: {  	[tilespmem:s1+$0x8420] =	vst v1  }
0xb8: {  	[tilespmem:s1+$0x8430] =	vst v1  }
0xb9: {  	[tilespmem:s1+$0x8440] =	vst v1  }
0xba: {  	[tilespmem:s1+$0x8450] =	vst v1  }
0xbb: {  	[tilespmem:s1+$0x8460] =	vst v1  }
.LBB2_12:
0xbc: {  	s1 =	sshll.u32 s0, $0x6  }
0xbd: {  	s2 =	simm.s32 $0x0;
	s1 =	sadd.s32 s5, s1  }
0xbe: {  	[tilespmem:s2], [sflag:$0x2] =	stream.linear.gather [hbm4b:s1+s2], $0x200, $0x38;
	[tilespmem:$0x1BC90] =	vst v63  }
0xbf: {  	_ =	swait.ge [sflag:s15], $0x200  }
0xc0: {  	s14 =	sshll.u32 s0, $0xA;
	[sflag:s15] =	ssyncset.done $0x0  }
0xc1: {  	s1 =	sadd.s32 s6, s14;
	[sflag:s15] =	ssyncadd.s32 $0xFFFFFE00  }
0xc2: {  	[tilespmem:s16], [sflag:$0x2] =	stream.linear.gather [hbm4b:s1+s2], $0x2000, $0x38;
	[tilespmem:$0x1BC90] =	vst v63  }
0xc3: {  	_ =	swait.ge [sflag:s15], $0x2000  }
0xc4: {  	[sflag:s15] =	ssyncset.done $0x0  }
0xc5: {  	[sflag:s15] =	ssyncadd.s32 $0xFFFFE000  }
0xc6: {  	v3 =	vld [tilespmem:s2+$0x0];
	_ =	sdelay $0x4  }
0xc7: {  	s1 =	simm.s32 $0x2200;
	v3 =	vadd.s32 v0, v3  }
0xc8: {  	s2 =	simm.s32 $0x10;
	[tilespmem:s1+$0x0] =	vst v3  }
0xc9: {  	s8 =	simm.s32 $0x2;
	v3 =	vld [tilespmem:s2+$0x0]  }
.LBB2_13:
0xca: {  	p0 =	sne.s32 s8, $0x1F;
	_ =	sdelay $0x1  }
.Ltmp5:
0xcb: {  	(pc) =	sbr.rel @p0 .LBB2_13-.Ltmp5, $4  }
0xcc: {  	_ = 	snop  }
0xcd: {  	s1 =	sadd.s32 $0x10, s1;
	v3 =	vadd.s32 v0, v3  }
0xce: {  	s2 =	sadd.s32 $0x10, s2;
	[tilespmem:s1+$0x0] =	vst v3  }
0xcf: {  	s8 =	sadd.s32 $0x1, s8;
	v3 =	vld [tilespmem:s2+$0x0]  }
0xd0: {  	_ =	sdelay $0x3  }
0xd1: {  	s1 =	sadd.s32 $0x10, s1;
	v3 =	vadd.s32 v0, v3  }
0xd2: {  	[tilespmem:s1+$0x0] =	vst v3  }
0xd3: {  	[tilespmem:s19], [sflag:$0x1] =	stream.indirect.gather [hbm4b:s7+s17], $0x10, s18, s17, $0xb8;
	[tilespmem:$0x1BC90] =	vst v63  }
0xd4: {  	s2 =	sshll.u32 s0, $0xD  }
0xd5: {  	[tilespmem:s21], [sflag:$0x1] =	stream.indirect.gather [hbm4b:s7+s17], $0x10, s20, s17, $0xb8;
	[tilespmem:$0x1BC90] =	vst v63  }
0xd6: {  	s14 =	sadd.s32 s9, s2  }
0xd7: {  	[tilespmem:s23], [sflag:$0x1] =	stream.indirect.gather [hbm4b:s7+s17], $0x10, s22, s17, $0xb8;
	[tilespmem:$0x1BC90] =	vst v63  }
0xd8: {  	s1 =	sshrl.u32 s14, $0x3  }
0xd9: {  	[tilespmem:s25], [sflag:$0x1] =	stream.indirect.gather [hbm4b:s7+s17], $0x10, s24, s17, $0xb8;
	[tilespmem:$0x1BC90] =	vst v63  }
0xda: {  	s8 =	sadd.s32 s3, s1;
	s1 =	simm.s32 $0x0  }
0xdb: {  	[tilespmem:s26], [sflag:$0x2] =	stream.linear.gather [hbm4b:s8+s1], $0x2000, $0x38;
	[tilespmem:$0x1BC90] =	vst v63  }
0xdc: {  	s2 =	sadd.s32 s10, s2;
	_ =	swait.ge [sflag:s15], $0x2000  }
0xdd: {  	s2 =	sshrl.u32 s2, $0x3;
	[sflag:s15] =	ssyncset.done $0x0  }
0xde: {  	s2 =	sadd.s32 s4, s2;
	[sflag:s15] =	ssyncadd.s32 $0xFFFFE000  }
0xdf: {  	[tilespmem:s28], [sflag:$0x2] =	stream.linear.gather [hbm4b:s2+s1], $0x2000, $0x38;
	[tilespmem:$0x1BC90] =	vst v63  }
0xe0: {  	_ =	swait.ge [sflag:s15], $0x2000  }
0xe1: {  	[sflag:s15] =	ssyncset.done $0x0  }
0xe2: {  	[sflag:s15] =	ssyncadd.s32 $0xFFFFE000  }
0xe3: {  	_ =	swait.ge [sflag:s29], $0x800  }
0xe4: {  	[sflag:s29] =	ssyncset.done $0x0  }
0xe5: {  	[sflag:s29] =	ssyncadd.s32 $0xFFFFF800  }
0xe6: {  	_ =	swait.ge [sflag:s29], $0x800  }
0xe7: {  	[sflag:s29] =	ssyncset.done $0x0  }
0xe8: {  	[sflag:s29] =	ssyncadd.s32 $0xFFFFF800  }
0xe9: {  	_ =	swait.ge [sflag:s29], $0x800  }
0xea: {  	[sflag:s29] =	ssyncset.done $0x0  }
0xeb: {  	[sflag:s29] =	ssyncadd.s32 $0xFFFFF800  }
0xec: {  	_ =	swait.ge [sflag:s29], $0x800  }
0xed: {  	[sflag:s29] =	ssyncset.done $0x0  }
0xee: {  	[sflag:s29] =	ssyncadd.s32 $0xFFFFF800  }
.LBB2_15:
0xef: {  	s14 =	sshra.s32 s1, $0x2  }
0xf0: {  	v3 =	vld [tilespmem:s14+$0x200];
	_ =	sdelay $0x1  }
0xf1: {  	v4 =	vld [tilespmem:s14+$0x2400]  }
0xf2: {  	v5 =	vld [tilespmem:s14+$0x6400];
	_ =	sdelay $0x1  }
0xf3: {  	v6 =	vld [tilespmem:s14+$0x4400];
	v3 =	vadd.s32 $0xFFFFEC78, v3  }
0xf4: {  	vm0 =	vlt.u32 v3, $0x1388;
	v3 =	vshll.u32 v3, $0x4  }
0xf5: {  	v3 =	vor.u32 v2, v3  }
0xf6: {  	v4 =	vmul.f32 v5, v4;
	_ =	sdelay $0x1  }
0xf7: {  	v4 =	vmul.f32 v6, v4;
	_ =	sdelay $0x1  }
0xf8: {  	[tilespmem:v3+s30+$0x0] =	vst.idx.add.f32.msk vm0, v4  }
0xf9: {  	v3 =	vld [tilespmem:s14+$0x210];
	_ =	sdelay $0x1  }
0xfa: {  	v4 =	vld [tilespmem:s14+$0x2410]  }
0xfb: {  	v50 =	vld [tilespmem:s14+$0x6410];
	_ =	sdelay $0x1  }
0xfc: {  	v51 =	vld [tilespmem:s14+$0x4410];
	v3 =	vadd.s32 $0xFFFFEC78, v3  }
0xfd: {  	vm9 =	vlt.u32 v3, $0x1388;
	v3 =	vshll.u32 v3, $0x4  }
0xfe: {  	v3 =	vor.u32 v2, v3  }
0xff: {  	v4 =	vmul.f32 v50, v4;
	_ =	sdelay $0x1  }
0x100: {  	v4 =	vmul.f32 v51, v4;
	_ =	sdelay $0x1  }
0x101: {  	[tilespmem:v3+s30+$0x0] =	vst.idx.add.f32.msk vm9, v4  }
0x102: {  	v3 =	vld [tilespmem:s14+$0x220];
	_ =	sdelay $0x1  }
0x103: {  	v4 =	vld [tilespmem:s14+$0x2420]  }
0x104: {  	v52 =	vld [tilespmem:s14+$0x6420];
	_ =	sdelay $0x1  }
0x105: {  	v53 =	vld [tilespmem:s14+$0x4420];
	v3 =	vadd.s32 $0xFFFFEC78, v3  }
0x106: {  	vm10 =	vlt.u32 v3, $0x1388;
	v3 =	vshll.u32 v3, $0x4  }
0x107: {  	v3 =	vor.u32 v2, v3  }
0x108: {  	v4 =	vmul.f32 v52, v4;
	_ =	sdelay $0x1  }
0x109: {  	v4 =	vmul.f32 v53, v4;
	_ =	sdelay $0x1  }
0x10a: {  	[tilespmem:v3+s30+$0x0] =	vst.idx.add.f32.msk vm10, v4  }
0x10b: {  	v3 =	vld [tilespmem:s14+$0x230];
	_ =	sdelay $0x1  }
0x10c: {  	v4 =	vld [tilespmem:s14+$0x2430]  }
0x10d: {  	v54 =	vld [tilespmem:s14+$0x6430];
	_ =	sdelay $0x1  }
0x10e: {  	v55 =	vld [tilespmem:s14+$0x4430];
	v3 =	vadd.s32 $0xFFFFEC78, v3  }
0x10f: {  	vm11 =	vlt.u32 v3, $0x1388;
	v3 =	vshll.u32 v3, $0x4  }
0x110: {  	v3 =	vor.u32 v2, v3  }
0x111: {  	v4 =	vmul.f32 v54, v4;
	_ =	sdelay $0x1  }
0x112: {  	v4 =	vmul.f32 v55, v4;
	_ =	sdelay $0x1  }
0x113: {  	[tilespmem:v3+s30+$0x0] =	vst.idx.add.f32.msk vm11, v4  }
0x114: {  	v3 =	vld [tilespmem:s14+$0x240];
	_ =	sdelay $0x1  }
0x115: {  	v4 =	vld [tilespmem:s14+$0x2440]  }
0x116: {  	v56 =	vld [tilespmem:s14+$0x6440];
	_ =	sdelay $0x1  }
0x117: {  	v57 =	vld [tilespmem:s14+$0x4440];
	v3 =	vadd.s32 $0xFFFFEC78, v3  }
0x118: {  	vm12 =	vlt.u32 v3, $0x1388;
	v3 =	vshll.u32 v3, $0x4  }
0x119: {  	v3 =	vor.u32 v2, v3  }
0x11a: {  	v4 =	vmul.f32 v56, v4;
	_ =	sdelay $0x1  }
0x11b: {  	v4 =	vmul.f32 v57, v4;
	_ =	sdelay $0x1  }
0x11c: {  	[tilespmem:v3+s30+$0x0] =	vst.idx.add.f32.msk vm12, v4  }
0x11d: {  	v3 =	vld [tilespmem:s14+$0x250];
	_ =	sdelay $0x1  }
0x11e: {  	v4 =	vld [tilespmem:s14+$0x2450]  }
0x11f: {  	v58 =	vld [tilespmem:s14+$0x6450];
	_ =	sdelay $0x1  }
0x120: {  	v59 =	vld [tilespmem:s14+$0x4450];
	v3 =	vadd.s32 $0xFFFFEC78, v3  }
0x121: {  	vm13 =	vlt.u32 v3, $0x1388;
	v3 =	vshll.u32 v3, $0x4  }
0x122: {  	v3 =	vor.u32 v2, v3  }
0x123: {  	v4 =	vmul.f32 v58, v4;
	_ =	sdelay $0x1  }
0x124: {  	v4 =	vmul.f32 v59, v4;
	_ =	sdelay $0x1  }
0x125: {  	[tilespmem:v3+s30+$0x0] =	vst.idx.add.f32.msk vm13, v4  }
0x126: {  	v3 =	vld [tilespmem:s14+$0x260];
	_ =	sdelay $0x1  }
0x127: {  	v4 =	vld [tilespmem:s14+$0x2460]  }
0x128: {  	v60 =	vld [tilespmem:s14+$0x6460];
	_ =	sdelay $0x1  }
0x129: {  	v61 =	vld [tilespmem:s14+$0x4460];
	v3 =	vadd.s32 $0xFFFFEC78, v3  }
0x12a: {  	vm14 =	vlt.u32 v3, $0x1388;
	v3 =	vshll.u32 v3, $0x4  }
0x12b: {  	v3 =	vor.u32 v2, v3  }
0x12c: {  	v4 =	vmul.f32 v60, v4;
	_ =	sdelay $0x1  }
0x12d: {  	v4 =	vmul.f32 v61, v4;
	_ =	sdelay $0x1  }
0x12e: {  	[tilespmem:v3+s30+$0x0] =	vst.idx.add.f32.msk vm14, v4  }
0x12f: {  	v3 =	vld [tilespmem:s14+$0x270];
	_ =	sdelay $0x1  }
0x130: {  	v4 =	vld [tilespmem:s14+$0x2470]  }
0x131: {  	v62 =	vld [tilespmem:s14+$0x6470];
	_ =	sdelay $0x1  }
0x132: {  	v63 =	vld [tilespmem:s14+$0x4470];
	v3 =	vadd.s32 $0xFFFFEC78, v3  }
0x133: {  	vm15 =	vlt.u32 v3, $0x1388;
	v3 =	vshll.u32 v3, $0x4  }
0x134: {  	p0 =	sne.s32 s1, $0x7E00;
	v3 =	vor.u32 v2, v3  }
.Ltmp6:
0x135: {  	v4 =	vmul.f32 v62, v4;
	(pc) =	sbr.rel @p0 .LBB2_15-.Ltmp6, $3  }
0x136: {  	_ = 	snop  }
0x137: {  	v4 =	vmul.f32 v63, v4;
	_ =	sdelay $0x1  }
0x138: {  	s1 =	sadd.s32 $0x200, s1;
	[tilespmem:v3+s30+$0x0] =	vst.idx.add.f32.msk vm15, v4  }
0x139: {  	s0 =	sadd.s32 $0x1, s0  }
0x13a: {  	p0 =	sne.s32 s0, $0x271  }
.Ltmp7:
0x13b: {  	_ = 	snop;
	(pc) =	sbr.rel @p0 .LBB2_12-.Ltmp7, $1  }
0x13c: {  	_ =	sdelay $0x3  }
0x13d: {  	s31 =	sadd.s32 $0x1, s31  }
0x13e: {  	p0 =	sne.s32 s31, s13  }
.Ltmp8:
0x13f: {  	s0 =	simm.s32 $0x0;
	(pc) =	sbr.rel @p0 .LBB2_1-.Ltmp8, $4  }
0x140: {  	[hbm4b:s12+s0] =	stream.linear.scatter [tilespmem:s30], [sflag:$0x2], $0x13880, $0x38;
	[tilespmem:$0x1BC90] =	vst v63  }
0x141: {  	_ =	swait.ge [sflag:s15], $0x13880  }
0x142: {  	[sflag:s15] =	ssyncset.done $0x0  }
0x143: {  	[sflag:s15] =	ssyncadd.s32 $0xFFFEC780  }
0x144: {  	_ =	sfence.sel $0x180000  }
0x145: {  	[bflag:$0x0] =	sbarrier.arrive $0xFFFF  }
0x146: {  	_ =	strace $0x90000056  }
0x147: {  	s0 =	stileid.u32;
	[bflag:$0x2] =	sbarrier.arrive $0xFFFF  }
0x148: {  	p0 =	sne.s32 s0, $0x0;
	s0 =	rddreg [dreg:$0x1]  }
0x149: {  	s0 =	sadd.s32 @!p0 $0x100000, s0  }
0x14a: {  	[sflag:s0] =	ssyncadd.tile.s32 @!p0 $0x1;
	_ =	shalt  }
.Lfunc_end2:
_tile_overlayer_lowered:
.L_overlay_start_2:
0x14b: {  	(tag) =	ssettag $0x2  }
0x14c: {  	s0 =	rddreg [dreg:$0x0];
	s2 =	stileid.u32  }
0x14d: {  	s1 =	rddreg [dreg:$0x1];
	p0 =	sne.s32 s2, $0x0  }
0x14e: {  	s3 =	rddreg [dreg:$0x2];
	[bflag:$0x3] =	sbarrier.arrive $0xFFFF;
	s2 =	simm.s32 @!p0 $0x1C02  }
0x14f: {  	[timem:s3], [sflag:s2] =	dma.local @!p0 [hbm:s0], s1  }
0x150: {  	s0 =	simm.s32 @!p0 $0x2  }
0x151: {  	_ =	swait.ge @!p0 [sflag:s0], s1  }
0x152: {  	s1 =	ssub.s32 @!p0 $0x0, s1;
	[sflag:s0] =	ssyncset.done @!p0 $0x0  }
0x153: {  	[sflag:s0] =	ssyncadd.s32 @!p0 s1  }
0x154: {  	[bflag:$0x3] =	sbarrier.arrive $0xFFFF  }
0x155: {  	_ =	shalt  }

// kernel: sparse-core-data-format-call.1.cloned.1.call-start
scs
called_computation.1_lowered:
.L_overlay_start_0:
0x0: {  	s2 =	sld [smem:$0x3FD9]  }
0x1: {  	s3 =	sld [smem:$0x3FFE];
	_ =	sdelay $0x1  }
0x2: {  	s1 =	srdreg.scid  }
0x3: {  	s0 =	sand.u32 $0x1, s1  }
0x4: {  	s15 =	sshll.u32 s0, $0xA;
	s2 =	sadd.s32 s3, s2  }
0x5: {  	s2 =	sadd.s32 s2, s15  }
0x6: {  	[smem:$0x3FBD] =	sst s2  }
0x7: {  	_ = 	snop  }
0x8: {  	s2 =	sld [smem:$0x3FD0];
	_ =	sdelay $0x2  }
0x9: {  	s16 =	simm.s32 $0xB;
	s4 =	simm.s32 $0x10  }
0xa: {  	[smem:s4], [sflag:s16] =	dma.local [hbm:s2], $0x1  }
0xb: {  	_ =	swait.eq [sflag:s16], $0x1  }
0xc: {  	[sflag:s16] =	ssyncset.done $0x0  }
0xd: {  	[sflag:s16] =	ssyncadd.s32 $0xFFFFFFFF  }
0xe: {  	s17 =	sld [smem:$0x11];
	(tm) =	ssettm $0x1  }
0xf: {  	s18 =	sld [smem:$0x3FFB];
	_ =	sdelay $0x3  }
0x10: {  	_ =	strace s18  }
0x11: {  	s3 =	sld [smem:$0x3FFC];
	_ =	sdelay $0x3  }
0x12: {  	_ =	strace s3  }
0x13: {  	s3 =	sld [smem:$0x3FFD];
	_ =	sdelay $0x3  }
0x14: {  	_ =	strace s3  }
0x15: {  	_ =	strace $0x8FFFFFFF  }
0x16: {  	s19 =	sld [smem:$0x3FDB];
	_ =	sdelay $0x1  }
0x17: {  	s20 =	simm.s32 $_scs_section_size  }
0x18: {  	s5 =	simm.s32 $_size__tile_overlayer_lowered;
	s6 =	simm.s32 $_tile_overlayer_lowered  }
0x19: {  	s23 =	simm.s32 $0x1BFF;
	s22 =	sshll.u32 s6, $0x1;
	s3 =	sadd.s32 s20, s19  }
0x1a: {  	s7 =	simm.s32 $0x0;
	s21 =	sshll.u32 s5, $0x1;
	s5 =	sadd.s32 s22, s3  }
0x1b: {  	[timem:s7], [sflag:s23] =	dma.local [hbm:s5], s21  }
0x1c: {  	_ =	swait.ge [sflag:s23], s21  }
0x1d: {  	s4 =	ssub.s32 $0x0, s21;
	[sflag:s23] =	ssyncset.done $0x0  }
0x1e: {  	[sflag:s23] =	ssyncadd.s32 s4;
	_ =	sdelay $0x1  }
0x1f: {  	s24 =	simm.s32 $0x1B8B  }
0x20: {  	_ =	swait.ge [sflag:s24], $0x1  }
0x21: {  	[sflag:s24] =	ssyncset.done $0x0  }
0x22: {  	s26 =	simm.s32 $0x1B8E;
	s25 =	sld [smem:$0x3FFE];
	[sflag:s24] =	ssyncadd.s32 $0xFFFFFFFF  }
0x23: {  	s27 =	simm.s32 $execute0_lowered;
	[smem:$0x3FD2] =	sst s26  }
0x24: {  	s5 =	sshll.u32 s27, $0x1;
	_ =	strace $0x80000049;
	[dreg:$0x1] =	wrdreg $0xFFFFFFFF  }
0x25: {  	s28 =	simm.s32 $_size_execute0_lowered;
	s3 =	sadd.s32 s3, s5;
	[dreg:$0x0] =	wrdreg $0x0  }
0x26: {  	s5 =	sshll.u32 s28, $0x1;
	[dreg:$0x2] =	wrdreg s3  }
0x27: {  	[dreg:$0x3] =	wrdreg s5  }
0x28: {  	[dreg:$0x4] =	wrdreg $0xC0  }
0x29: {  	_ =	task [dreg:s7], $0x5FFFF  }
0x2a: {  	[dreg:$0x1] =	wrdreg $0xFFFFFFFF  }
0x2b: {  	[dreg:$0x0] =	wrdreg $0x60  }
0x2c: {  	[dreg:$0x2] =	wrdreg s17  }
0x2d: {  	[dreg:$0x3] =	wrdreg s25  }
0x2e: {  	[dreg:$0x4] =	wrdreg $0x9  }
0x2f: {  	_ =	task.clear_ibuf [dreg:s7], $0x5FFFF;
	_ =	strace $0x90000049  }
0x30: {  	s29 =	simm.s32 $0x9;
	_ =	strace $0x8000004B  }
0x31: {  	_ =	swait.ge [sflag:s29], $0x1  }
0x32: {  	[sflag:s29] =	ssyncadd.s32 $0xFFFFFFFF  }
0x33: {  	_ =	strace $0x9000004B  }
0x34: {  	_ =	sfence  }
0x35: {  	s30 =	sld [smem:$0x0];
	_ =	sdelay $0x2  }
0x36: {  	s31 =	sshll.u32 s1, $0xD;
	s1 =	sshrl.u32 s1, $0x2  }
0x37: {  	s3 =	sand.u32 $0x4000, s31;
	s1 =	sadd.s32 s1, s30  }
0x38: {  	s0 =	sor.u32 s3, s0;
	s1 =	sshll.u32 s1, $0x11  }
0x39: {  	s0 =	sor.u32 s1, s0  }
0x3a: {  	s0 =	sadd.s32 $0x8F2B, s0  }
0x3b: {  	[sflag:s0] =	ssyncadd.remote.s32 $0x1  }
0x3c: {  	_ =	sfence.sel $0xFFFF  }
0x3d: {  	[dreg:$0x0] =	wrdreg $0xFFFFFFFF;
	(pc) =	sbr.abs _section_cstart, $3  }
0x3e: {  	[dreg:$0x1] =	wrdreg $0xFFFFFFFF  }
0x3f: {  	_ =	task.clear_ibuf [dreg:s7], $0x2FFFF;
	_ =	strace $0x9FFFFFFF  }
0x40: {  	(tm) =	ssettm $0x7FFFFFFF  }
0x41: {  	_ =	shalt  }
tec
execute0_lowered:
.L_overlay_start_1:
0x0: {  	(tag) =	ssettag $0x1  }
0x1: {  	s0 =	srdreg.scid  }
0x2: {  	s1 =	sshll.u32 s0, $0x4  }
0x3: {  	s2 =	rddreg [dreg:$0x0];
	s0 =	stileid.u32;
	s1 =	sand.u32 $0x10, s1  }
0x4: {  	s4 =	rddreg [dreg:$0x1];
	s7 =	simm.s32 $0x1;
	s1 =	sor.u32 s0, s1  }
0x5: {  	s8 =	simm.s32 $0x2;
	s11 =	simm.s32 $0x0;
	s3 =	sshll.u32 s1, $0x7  }
0x6: {  	s10 =	simm.s32 $0x0;
	s4 =	sadd.s32 $0x18400, s4;
	s6 =	ssub.s32 $0x4E200, s3  }
.Ltmp0:
0x7: {  	s1 =	rddreg [dreg:$0x2];
	s5 =	sand.u32 $0xF80, s6;
	(pc) =	sbr.rel .LBB1_1-.Ltmp0, $4  }
0x8: {  	_ =	strace $0x8000004A;
	s9 =	smov.u32 s3;
	p0 =	sne.s32 s5, $0x0  }
0x9: {  	s6 =	sshrl.u32 s6, $0xC;
	s5 =	simm.s32 $0x1;
	s7 =	simm.s32 @!p0 $0x0  }
0xa: {  	[sflag:s5] =	ssyncpa.u1 $0x0;
	p0 =	por $0x0, $0x0;
	s6 =	sadd.s32 s7, s6  }
0xb: {  	[sflag:s8] =	ssyncpa.u1 $0x0;
	s8 =	simm.s32 $0x271000;
	s7 =	sadd.s32 $0x1, s6  }
.LBB1_4:
0xc: {  	v5 =	vld [tilespmem:s15+$0xFFFFFFD0];
	[tilespmem:s14+$0x2040 ss:$0x81] =	vst.msk $0xffff, v3;
	s17 =	sshll.u32 s11, $0x3  }
0xd: {  	v58 =	vld [tilespmem:s15+$0xFFFFFFE0];
	[tilespmem:s14+$0x2850 ss:$0x81] =	vst.msk $0xffff, v4;
	s25 =	sand.u32 $0x7F, s11;
	s17 =	sand.u32 $0xFFFFFC00, s17  }
0xe: {  	s16 =	sshra.s32 s16, $0x2;
	v59 =	vld [tilespmem:s15+$0xFFFFFFF0];
	[tilespmem:s14+$0x3060 ss:$0x81] =	vst.msk $0xffff, v2;
	s11 =	sor.u32 s25, s17  }
0xf: {  	v60 =	vld [tilespmem:s15+$0x0];
	[tilespmem:s14+$0x0 ss:$0x81] =	vst.msk $0xffff, v0;
	s13 =	sadd.s32 s16, s13;
	s26 =	smulhi.u32 $0xD1B71759, s11  }
0x10: {  	v61 =	vld [tilespmem:s15+$0x10];
	[tilespmem:s13+$0x3870 ss:$0x81] =	vst.msk $0xffff, v1  }
0x11: {  	v62 =	vld [tilespmem:s15+$0x20];
	s27 =	smulhi.u32 $0xD1B71759, s17;
	[tilespmem:s13+$0x810 ss:$0x81] =	vst.msk $0xffff, v5;
	s14 =	sshrl.u32 s26, $0x12  }
0x12: {  	v63 =	vld [tilespmem:s15+$0xFFFFFFC0];
	[tilespmem:s13+$0x1020 ss:$0x81] =	vst.msk $0xffff, v58;
	s14 =	smul.u32 $0x4E200, s14  }
0x13: {  	s28 =	sshrl.u32 s27, $0x12;
	[tilespmem:s13+$0x1830 ss:$0x81] =	vst.msk $0xffff, v59  }
0x14: {  	[tilespmem:s13+$0x2040 ss:$0x81] =	vst.msk $0xffff, v60;
	s29 =	sand.u32 $0x7F, s28;
	s11 =	ssub.s32 s11, s14  }
0x15: {  	[tilespmem:s13+$0x2850 ss:$0x81] =	vst.msk $0xffff, v61;
	s14 =	smul.u32 $0x9C40, s29;
	s30 =	sshrl.u32 s11, $0x3;
	s11 =	sand.u32 $0x7, s11  }
0x16: {  	[tilespmem:s13+$0x3060 ss:$0x81] =	vst.msk $0xffff, v62;
	s15 =	sadd.s32 s4, s30;
	s11 =	sshll.u32 s11, $0x12  }
0x17: {  	[tilespmem:s13+$0x0 ss:$0x81] =	vst.msk $0xffff, v63;
	s31 =	sadd.s32 s14, s15;
	s11 =	sor.u32 $0x400, s11  }
0x18: {  	[hbm4b:s31+s11] =	stream.strided.scatter [tilespmem:s12], [sflag:$0x2], $0x4000, s8, s11, $0x20;
	[tilespmem:$0x10100] =	vst v63  }
.LBB1_5:
0x19: {  	s13 =	sadd.s32 $0x1000, s9  }
0x1a: {  	p2 =	sgt.s32 s13, $0x4E1FF  }
0x1b: {  	s13 =	smov.u32 @p2 s3;
	p2 =	sne.s32 s10, s7  }
.Ltmp1:
0x1c: {  	p1 =	slt.u32 s10, $0x2;
	(pc) =	sbr.rel @!p2 .LBB1_6-.Ltmp1, $4  }
0x1d: {  	s12 =	simm.s32 @!p1 $0x2  }
0x1e: {  	s14 =	sadd.s32 $0x1, s10;
	_ =	swait.ge @!p1 [sflag:s12], $0x4000  }
0x1f: {  	s11 =	smov.u32 s9;
	p0 =	por !p0, !p0;
	[sflag:s12] =	ssyncset.done @!p1 $0x0  }
0x20: {  	s10 =	smov.u32 s14;
	s9 =	smov.u32 s13;
	[sflag:s12] =	ssyncadd.s32 @!p1 $0xFFFFC000  }
.LBB1_1:
0x21: {  	p1 =	sge.u32 s10, s6  }
0x22: {  	s12 =	sand.u32 @!p1 $0x1FFFFFF, s9  }
0x23: {  	s13 =	smulhi.u32 @!p1 $0x1A36E2F, s12;
	_ =	sdelay $0x1  }
0x24: {  	s13 =	sshrl.u32 @!p1 s13, $0xB  }
0x25: {  	s13 =	smul.u32 @!p1 $0x4E200, s13;
	_ =	sdelay $0x1  }
0x26: {  	s14 =	sxor.u32 @!p1 $0xFFFFFFFF, s10;
	s12 =	ssub.s32 @!p1 s12, s13  }
0x27: {  	s31 =	sadd.s32 $0xFFFFFFFF, s10;
	s13 =	sshll.u32 @!p1 s14, $0xE;
	s12 =	sshll.u32 @!p1 s12, $0x4  }
0x28: {  	s14 =	simm.s32 @!p1 $0x0;
	s13 =	sand.u32 @!p1 $0x4000, s13;
	s12 =	sadd.s32 @!p1 s2, s12  }
0x29: {  	[tilespmem:s13], [sflag:$0x1] =	stream.linear.gather @!p1 [hbm4b:s12+s14], $0x4000, $0x38;
	[tilespmem:$0x10100] =	vst v63  }
0x2a: {  	p1 =	sge.u32 s31, s6  }
.Ltmp2:
0x2b: {  	_ = 	snop;
	(pc) =	sbr.rel @p1 .LBB1_5-.Ltmp2, $1  }
0x2c: {  	_ =	sdelay $0x3  }
0x2d: {  	s12 =	simm.s32 $0x1  }
0x2e: {  	_ =	swait.ge [sflag:s5], $0x4000;
	s12 =	simm.s32 @!p0 $0x0  }
0x2f: {  	[sflag:s5] =	ssyncset.done $0x0;
	s13 =	sshll.u32 s12, $0xE  }
0x30: {  	[sflag:s5] =	ssyncadd.s32 $0xFFFFC000;
	s15 =	sor.u32 $0x40, s13  }
0x31: {  	s12 =	smul.u32 $0x10200, s12;
	v0 =	vld [tilespmem:s15+$0x30]  }
0x32: {  	v1 =	vld [tilespmem:s15+$0xFFFFFFD0]  }
0x33: {  	s12 =	sshrl.u32 s12, $0x2;
	v5 =	vld [tilespmem:s15+$0xFFFFFFE0]  }
0x34: {  	v6 =	vld [tilespmem:s15+$0xFFFFFFF0];
	s13 =	sor.u32 $0x8000, s12  }
0x35: {  	s31 =	sand.u32 $0x1, s10;
	v3 =	vld [tilespmem:s15+$0x0];
	s14 =	sadd.s32 $0x0, s13  }
0x36: {  	v4 =	vld [tilespmem:s15+$0x10];
	s12 =	smul.u32 $0x10200, s31;
	[tilespmem:s14+$0x3870 ss:$0x81] =	vst.msk $0xffff, v0  }
0x37: {  	v2 =	vld [tilespmem:s15+$0x20];
	[tilespmem:s14+$0x810 ss:$0x81] =	vst.msk $0xffff, v1  }
0x38: {  	s12 =	sshrl.u32 s12, $0x2;
	v0 =	vld [tilespmem:s15+$0xFFFFFFC0];
	[tilespmem:s14+$0x1020 ss:$0x81] =	vst.msk $0xffff, v5;
	s15 =	sadd.s32 $0x80, s15  }
0x39: {  	s16 =	simm.s32 $0x4;
	s17 =	simm.s32 $0x8;
	s12 =	sor.u32 $0x8000, s12;
	[tilespmem:s14+$0x1830 ss:$0x81] =	vst.msk $0xffff, v6;
	v1 =	vld [tilespmem:s15+$0x30]  }
.LBB1_3:
0x3a: {  	p1 =	sne.s32 s17, $0x1FC;
	v5 =	vld [tilespmem:s15+$0xFFFFFFD0];
	[tilespmem:s14+$0x2040 ss:$0x81] =	vst.msk $0xffff, v3  }
0x3b: {  	v6 =	vld [tilespmem:s15+$0xFFFFFFE0];
	[tilespmem:s14+$0x2850 ss:$0x81] =	vst.msk $0xffff, v4  }
0x3c: {  	s18 =	sshra.s32 s16, $0x2;
	s16 =	smov.u32 s17;
	v7 =	vld [tilespmem:s15+$0xFFFFFFF0];
	[tilespmem:s14+$0x3060 ss:$0x81] =	vst.msk $0xffff, v2  }
.Ltmp3:
0x3d: {  	v3 =	vld [tilespmem:s15+$0x0];
	[tilespmem:s14+$0x0 ss:$0x81] =	vst.msk $0xffff, v0;
	s14 =	sadd.s32 s18, s13;
	(pc) =	sbr.rel @p1 .LBB1_3-.Ltmp3, $4  }
0x3e: {  	v4 =	vld [tilespmem:s15+$0x10];
	[tilespmem:s14+$0x3870 ss:$0x81] =	vst.msk $0xffff, v1  }
0x3f: {  	[tilespmem:s14+$0x810 ss:$0x81] =	vst.msk $0xffff, v5;
	v2 =	vld [tilespmem:s15+$0x20]  }
0x40: {  	v0 =	vld [tilespmem:s15+$0xFFFFFFC0];
	[tilespmem:s14+$0x1020 ss:$0x81] =	vst.msk $0xffff, v6;
	s15 =	sadd.s32 $0x80, s15  }
0x41: {  	s17 =	sadd.s32 $0x4, s17;
	v1 =	vld [tilespmem:s15+$0x30];
	[tilespmem:s14+$0x1830 ss:$0x81] =	vst.msk $0xffff, v7  }
.Ltmp4:
0x42: {  	_ = 	snop;
	(pc) =	sbr.rel .LBB1_4-.Ltmp4, $1  }
0x43: {  	_ =	sdelay $0x3  }
.LBB1_6:
0x44: {  	_ =	sfence.sel $0x180000  }
0x45: {  	s2 =	simm.s32 $0x1;
	[bflag:$0x0] =	sbarrier.arrive $0xFFFF  }
0x46: {  	s31 =	simm.s32 $0x2;
	[sflag:s2] =	ssyncpa.u1 $0x1  }
0x47: {  	[sflag:s31] =	ssyncpa.u1 $0x1  }
0x48: {  	p0 =	sne.s32 s0, $0x0;
	_ =	strace $0x9000004A  }
0x49: {  	s0 =	sadd.s32 @!p0 $0x100000, s1;
	[bflag:$0x2] =	sbarrier.arrive $0xFFFF  }
0x4a: {  	[sflag:s0] =	ssyncadd.tile.s32 @!p0 $0x1;
	_ =	shalt  }
.Lfunc_end1:
_tile_overlayer_lowered:
.L_overlay_start_2:
0x4b: {  	(tag) =	ssettag $0x2  }
0x4c: {  	s0 =	rddreg [dreg:$0x0];
	s2 =	stileid.u32  }
0x4d: {  	s1 =	rddreg [dreg:$0x1];
	p0 =	sne.s32 s2, $0x0  }
0x4e: {  	s3 =	rddreg [dreg:$0x2];
	[bflag:$0x3] =	sbarrier.arrive $0xFFFF;
	s2 =	simm.s32 @!p0 $0x1C01  }
0x4f: {  	[timem:s3], [sflag:s2] =	dma.local @!p0 [hbm:s0], s1  }
0x50: {  	s0 =	simm.s32 @!p0 $0x1  }
0x51: {  	_ =	swait.ge @!p0 [sflag:s0], s1  }
0x52: {  	s1 =	ssub.s32 @!p0 $0x0, s1;
	[sflag:s0] =	ssyncset.done @!p0 $0x0  }
0x53: {  	[sflag:s0] =	ssyncadd.s32 @!p0 s1  }
0x54: {  	[bflag:$0x3] =	sbarrier.arrive $0xFFFF  }
0x55: {  	_ =	shalt  }

// kernel: sparse-core-data-format-call.2.cloned.1.call-start
scs
called_computation.2_lowered:
.L_overlay_start_0:
0x0: {  	s2 =	sld [smem:$0x3FD9]  }
0x1: {  	s3 =	sld [smem:$0x3FFE];
	_ =	sdelay $0x1  }
0x2: {  	s1 =	srdreg.scid  }
0x3: {  	s0 =	sand.u32 $0x1, s1  }
0x4: {  	s18 =	sshll.u32 s0, $0xA;
	s2 =	sadd.s32 s3, s2  }
0x5: {  	s2 =	sadd.s32 s2, s18  }
0x6: {  	[smem:$0x3FBD] =	sst s2  }
0x7: {  	_ = 	snop  }
0x8: {  	(tm) =	ssettm $0x1  }
0x9: {  	s19 =	sld [smem:$0x3FFB];
	_ =	sdelay $0x3  }
0xa: {  	_ =	strace s19  }
0xb: {  	s2 =	sld [smem:$0x3FFC];
	_ =	sdelay $0x3  }
0xc: {  	_ =	strace s2  }
0xd: {  	s2 =	sld [smem:$0x3FFD];
	_ =	sdelay $0x3  }
0xe: {  	_ =	strace s2  }
0xf: {  	_ =	strace $0x8FFFFFFF  }
0x10: {  	s20 =	sld [smem:$0x3FDB];
	_ =	sdelay $0x1  }
0x11: {  	s21 =	simm.s32 $_scs_section_size  }
0x12: {  	s4 =	simm.s32 $_size__tile_overlayer_lowered;
	s5 =	simm.s32 $_tile_overlayer_lowered  }
0x13: {  	s6 =	simm.s32 $0x1BFF;
	s22 =	sshll.u32 s5, $0x1;
	s3 =	sadd.s32 s21, s20  }
0x14: {  	s23 =	simm.s32 $0x0;
	s4 =	sshll.u32 s4, $0x1;
	s5 =	sadd.s32 s22, s3  }
0x15: {  	[timem:s23], [sflag:s6] =	dma.local [hbm:s5], s4  }
0x16: {  	_ =	swait.ge [sflag:s6], s4  }
0x17: {  	s4 =	ssub.s32 $0x0, s4;
	[sflag:s6] =	ssyncset.done $0x0  }
0x18: {  	[sflag:s6] =	ssyncadd.s32 s4;
	_ =	sdelay $0x1  }
0x19: {  	s24 =	simm.s32 $0x1B8B  }
0x1a: {  	_ =	swait.ge [sflag:s24], $0x1  }
0x1b: {  	[sflag:s24] =	ssyncset.done $0x0  }
0x1c: {  	[sflag:s24] =	ssyncadd.s32 $0xFFFFFFFF  }
0x1d: {  	s4 =	sld [smem:$0x0]  }
0x1e: {  	s5 =	sand.u32 $0xFFFFFFFE, s1  }
0x1f: {  	p0 =	sne.s32 s1, s5  }
0x20: {  	s5 =	sshll.u32 @p0 s5, $0xE  }
0x21: {  	s5 =	sadd.s32 @p0 $0x11B8D, s5;
	s6 =	sshll.u32 @p0 s4, $0x11  }
0x22: {  	s5 =	sor.u32 @p0 s6, s5  }
0x23: {  	[sflag:s5] =	ssyncadd.remote.s32 @p0 $0x1;
	_ =	sdelay $0x1  }
0x24: {  	s5 =	simm.s32 @p0 $0x1B8D  }
0x25: {  	_ =	swait.eq @p0 [sflag:s5], $0x1  }
0x26: {  	[sflag:s5] =	ssyncadd.s32 @p0 $0xFFFFFFFF  }
0x27: {  	s6 =	sshll.u32 @!p0 s1, $0xE  }
0x28: {  	s6 =	sor.u32 @!p0 $0x4000, s6;
	s5 =	simm.s32 @!p0 $0x1B8D  }
0x29: {  	s4 =	sshll.u32 @!p0 s4, $0x11;
	s6 =	sadd.s32 @!p0 $0x11B8D, s6;
	_ =	swait.eq @!p0 [sflag:s5], $0x1  }
0x2a: {  	s4 =	sor.u32 @!p0 s4, s6;
	[sflag:s5] =	ssyncadd.s32 @!p0 $0xFFFFFFFF  }
0x2b: {  	s26 =	simm.s32 $0x1B8E;
	s25 =	sld [smem:$0x3FFE];
	[sflag:s4] =	ssyncadd.remote.s32 @!p0 $0x1  }
0x2c: {  	s27 =	simm.s32 $execute0_lowered;
	[smem:$0x3FD2] =	sst s26  }
0x2d: {  	s5 =	sshll.u32 s27, $0x1;
	_ =	strace $0x8000004C;
	[dreg:$0x1] =	wrdreg $0xFFFFFFFF  }
0x2e: {  	s28 =	simm.s32 $_size_execute0_lowered;
	s3 =	sadd.s32 s3, s5;
	[dreg:$0x0] =	wrdreg $0x0  }
0x2f: {  	s5 =	sshll.u32 s28, $0x1;
	[dreg:$0x2] =	wrdreg s3  }
0x30: {  	[dreg:$0x3] =	wrdreg s5  }
0x31: {  	[dreg:$0x4] =	wrdreg $0xC0  }
0x32: {  	_ =	task [dreg:s23], $0x5FFFF  }
0x33: {  	[dreg:$0x1] =	wrdreg $0xFFFFFFFF  }
0x34: {  	[dreg:$0x0] =	wrdreg $0x60  }
0x35: {  	[dreg:$0x2] =	wrdreg s25  }
0x36: {  	[dreg:$0x3] =	wrdreg $0xA  }
0x37: {  	_ =	task.clear_ibuf [dreg:s23], $0x4FFFF;
	_ =	strace $0x9000004C  }
0x38: {  	s29 =	simm.s32 $0xA;
	_ =	strace $0x8000004E  }
0x39: {  	_ =	swait.ge [sflag:s29], $0x1  }
0x3a: {  	[sflag:s29] =	ssyncadd.s32 $0xFFFFFFFF  }
0x3b: {  	_ =	strace $0x9000004E  }
0x3c: {  	_ =	sfence  }
0x3d: {  	s30 =	sld [smem:$0x0];
	_ =	sdelay $0x2  }
0x3e: {  	s31 =	sshll.u32 s1, $0xD;
	s1 =	sshrl.u32 s1, $0x2  }
0x3f: {  	s4 =	sand.u32 $0x4000, s31;
	s1 =	sadd.s32 s1, s30  }
0x40: {  	s0 =	sor.u32 s4, s0;
	s1 =	sshll.u32 s1, $0x11  }
0x41: {  	s0 =	sor.u32 s1, s0  }
0x42: {  	s0 =	sadd.s32 $0x8F2B, s0  }
0x43: {  	[sflag:s0] =	ssyncadd.remote.s32 $0x1  }
0x44: {  	_ =	sfence.sel $0xFFFF  }
0x45: {  	[dreg:$0x0] =	wrdreg $0xFFFFFFFF;
	(pc) =	sbr.abs _section_cstart, $3  }
0x46: {  	[dreg:$0x1] =	wrdreg $0xFFFFFFFF  }
0x47: {  	_ =	task.clear_ibuf [dreg:s23], $0x2FFFF;
	_ =	strace $0x9FFFFFFF  }
0x48: {  	(tm) =	ssettm $0x7FFFFFFF  }
0x49: {  	_ =	shalt  }
tec
execute0_lowered:
.L_overlay_start_1:
0x0: {  	(tag) =	ssettag $0x1  }
0x1: {  	s0 =	stileid.u32;
	s8 =	rddreg [dreg:$0x0]  }
0x2: {  	s3 =	srdreg.scid;
	s1 =	rddreg [dreg:$0x1]  }
0x3: {  	_ =	strace $0x8000004D;
	s7 =	simm.s32 $0x139;
	s9 =	simm.s32 $0x2  }
0x4: {  	s17 =	simm.s32 $0x0;
	s10 =	simm.s32 $0x80;
	s15 =	simm.s32 $0x0  }
0x5: {  	s16 =	simm.s32 $0x0;
	s12 =	simm.s32 $0x0;
	s2 =	sshll.u32 s0, $0x1  }
0x6: {  	s14 =	simm.s32 $0x0;
	s3 =	sshll.u32 s3, $0x9;
	s4 =	ssub.s32 $0x20, s2  }
0x7: {  	s3 =	sand.u32 $0x200, s3;
	s13 =	smov.u32 s2;
	s5 =	sand.u32 $0x1E, s4  }
0x8: {  	s6 =	sshrl.u32 s4, $0x5;
	p0 =	sne.s32 s5, $0x0;
	s5 =	simm.s32 $0x1  }
.Ltmp0:
0x9: {  	s5 =	simm.s32 @!p0 $0x0;
	p0 =	seq.s32 s3, $0x0;
	(pc) =	sbr.rel .LBB1_1-.Ltmp0, $4  }
0xa: {  	s4 =	simm.s32 $0x1;
	s5 =	sadd.s32 s5, s6;
	s7 =	simm.s32 @!p0 $0x138  }
0xb: {  	s11 =	smov.u32 s3;
	[sflag:s4] =	ssyncpa.u1 $0x0;
	s5 =	smul.u32 s7, s5  }
0xc: {  	[sflag:s9] =	ssyncpa.u1 $0x0;
	s6 =	sadd.s32 $0x6CF200, s8;
	p0 =	por $0x0, $0x0  }
0xd: {  	s7 =	sadd.s32 $0x1A57200, s8;
	s8 =	sadd.s32 $0x1F39200, s8;
	s9 =	sadd.s32 $0x1, s5  }
.LBB1_7:
0xe: {  	s18 =	sadd.s32 $0x400, s11  }
0xf: {  	s15 =	sadd.s32 $0x10, s12;
	s19 =	smov.u32 s12;
	p2 =	sgt.s32 s18, $0x4E1FF  }
0x10: {  	s19 =	smov.u32 @p2 s15  }
0x11: {  	s21 =	smov.u32 s13;
	s15 =	sadd.s32 $0x20, s13;
	p3 =	sgt.s32 s19, $0xF  }
0x12: {  	s21 =	smov.u32 @p3 s15  }
0x13: {  	s18 =	smov.u32 @p2 s3;
	p2 =	sgt.s32 s21, $0x1F  }
0x14: {  	p1 =	slt.u32 s14, $0x2;
	s21 =	smov.u32 @p2 s2;
	p2 =	sne.s32 s14, s9  }
.Ltmp1:
0x15: {  	s20 =	simm.s32 @!p1 $0x2;
	(pc) =	sbr.rel @!p2 .LBB1_8-.Ltmp1, $4  }
0x16: {  	s17 =	smov.u32 s11;
	s16 =	smov.u32 s13;
	_ =	swait.ge @!p1 [sflag:s20], $0x4000  }
0x17: {  	p0 =	por !p0, !p0;
	[sflag:s20] =	ssyncset.done @!p1 $0x0;
	s11 =	smov.u32 s18  }
0x18: {  	s19 =	simm.s32 @p3 $0x0;
	s15 =	smov.u32 s12;
	[sflag:s20] =	ssyncadd.s32 @!p1 $0xFFFFC000  }
0x19: {  	s12 =	smov.u32 s19;
	s14 =	sadd.s32 $0x1, s14;
	s13 =	smov.u32 s21  }
.LBB1_1:
0x1a: {  	p1 =	sge.u32 s14, s5  }
0x1b: {  	s18 =	sshrl.u32 @!p1 s12, $0x3  }
0x1c: {  	s19 =	sshll.u32 @!p1 s11, $0x3;
	s18 =	smul.u32 @!p1 $0x271000, s18  }
0x1d: {  	s20 =	sshll.u32 @!p1 s12, $0x7;
	s19 =	sand.u32 @!p1 $0xFFFFFC00, s19  }
0x1e: {  	s18 =	sadd.s32 @!p1 s18, s19;
	s19 =	sand.u32 @!p1 $0x380, s20  }
0x1f: {  	s20 =	sand.u32 @!p1 $0x7F, s11;
	s18 =	sor.u32 @!p1 s19, s18  }
0x20: {  	s19 =	sor.u32 @!p1 s20, s18  }
0x21: {  	s20 =	smulhi.u32 @!p1 $0xD1B71759, s19  }
0x22: {  	s18 =	smulhi.u32 @!p1 $0xD1B71759, s18  }
0x23: {  	s20 =	sshrl.u32 @!p1 s20, $0x12  }
0x24: {  	s31 =	sadd.s32 $0xFFFFFFFF, s14;
	s18 =	sshrl.u32 @!p1 s18, $0x12;
	s20 =	smul.u32 @!p1 $0x4E200, s20  }
0x25: {  	s21 =	sxor.u32 @!p1 $0xFFFFFFFF, s14;
	s22 =	smul.u32 @!p1 $0x9C400, s13;
	s18 =	sand.u32 @!p1 $0xF, s18  }
0x26: {  	s21 =	sshll.u32 @!p1 s21, $0xE;
	s18 =	smul.u32 @!p1 $0x9C40, s18;
	s19 =	ssub.s32 @!p1 s19, s20  }
0x27: {  	s20 =	sand.u32 @!p1 $0x4000, s21;
	s21 =	sadd.s32 @!p1 s6, s22;
	s22 =	sand.u32 @!p1 $0x7, s19  }
0x28: {  	s19 =	sshrl.u32 @!p1 s19, $0x3;
	s18 =	sadd.s32 @!p1 s18, s21;
	s21 =	sshll.u32 @!p1 s22, $0x12  }
0x29: {  	s18 =	sadd.s32 @!p1 s19, s18;
	s19 =	sor.u32 @!p1 $0x1000, s21;
	s21 =	simm.s32 @!p1 $0x271000  }
0x2a: {  	[tilespmem:s20], [sflag:$0x1] =	stream.strided.gather @!p1 [hbm4b:s18+s19], $0x4000, s21, s19, $0x38;
	[tilespmem:$0x10800] =	vst v63  }
0x2b: {  	p1 =	sge.u32 s31, s5  }
.Ltmp2:
0x2c: {  	_ = 	snop;
	(pc) =	sbr.rel @p1 .LBB1_7-.Ltmp2, $1  }
0x2d: {  	_ =	sdelay $0x3  }
0x2e: {  	s18 =	simm.s32 $0x1;
	s20 =	sand.u32 $0x1, s14  }
0x2f: {  	s18 =	simm.s32 @!p0 $0x0;
	s31 =	smul.u32 $0x11000, s20  }
0x30: {  	_ =	swait.ge [sflag:s4], $0x4000;
	s22 =	simm.s32 $0x0;
	s19 =	smul.u32 $0x11000, s18  }
0x31: {  	p2 =	por $0x1, $0x1;
	s23 =	simm.s32 $0x0;
	[sflag:s4] =	ssyncset.done $0x0  }
0x32: {  	s20 =	sshll.u32 s20, $0xE;
	s18 =	sshrl.u32 s31, $0x2;
	s21 =	sshrl.u32 s19, $0x2  }
0x33: {  	[sflag:s4] =	ssyncadd.s32 $0xFFFFC000;
	s19 =	sor.u32 $0x8000, s18;
	s21 =	sor.u32 $0x8000, s21  }
.LBB1_3:
0x34: {  	s24 =	sshll.u32 s23, $0xD  }
0x35: {  	s25 =	sadd.s32 s24, s20  }
0x36: {  	v0 =	vmov s25;
	_ =	sdelay $0x2  }
0x37: {  	s26 =	sand.u32 $0x380, s22;
	v1 =	vmov s24;
	s25 =	sand.u32 $0x1000, s22  }
0x38: {  	s24 =	sor.u32 s26, s25  }
0x39: {  	s25 =	sand.u32 $0x1200, s24;
	v2 =	vld.idx.msk [tilespmem:v0+s24+$0x410 ss:$0x1], $0xffff  }
0x3a: {  	s26 =	sand.u32 $0x180, s22;
	s25 =	sadd.s32 s25, s20;
	v3 =	vld.idx.msk [tilespmem:v0+s24+$0x420 ss:$0x1], $0xffff  }
0x3b: {  	s26 =	sadd.s32 s26, s25;
	v4 =	vld.idx.msk [tilespmem:v0+s24+$0x430 ss:$0x1], $0xffff  }
0x3c: {  	v5 =	vld.idx.msk [tilespmem:v1+s26+$0xC00 ss:$0x1], $0xffff  }
0x3d: {  	s25 =	smul.u32 $0x8800, s23;
	v6 =	vld.idx.msk [tilespmem:v1+s26+$0x0 ss:$0x1], $0xffff  }
0x3e: {  	v7 =	vld.idx.msk [tilespmem:v1+s26+$0x10 ss:$0x1], $0xffff  }
0x3f: {  	v8 =	vld.idx.msk [tilespmem:v1+s26+$0x20 ss:$0x1], $0xffff;
	s23 =	sshra.s32 s25, $0x2  }
0x40: {  	v9 =	vld.idx.msk [tilespmem:v1+s26+$0x30 ss:$0x1], $0xffff;
	s23 =	sadd.s32 s23, s21  }
0x41: {  	v10 =	vld.idx.msk [tilespmem:v1+s26+$0x40 ss:$0x1], $0xffff;
	s25 =	sadd.s32 $0x0, s23  }
0x42: {  	v11 =	vld.idx.msk [tilespmem:v1+s26+$0x50 ss:$0x1], $0xffff;
	[tilespmem:s25+$0x1980 ss:$0x11] =	vst.msk $0xffff, v5  }
0x43: {  	v12 =	vld.idx.msk [tilespmem:v0+s24+$0x810 ss:$0x1], $0xffff;
	[tilespmem:s25+$0x0 ss:$0x11] =	vst.msk $0xffff, v6  }
0x44: {  	v13 =	vld.idx.msk [tilespmem:v0+s24+$0x820 ss:$0x1], $0xffff;
	[tilespmem:s25+$0x110 ss:$0x11] =	vst.msk $0xffff, v7  }
0x45: {  	v14 =	vld.idx.msk [tilespmem:v0+s24+$0x830 ss:$0x1], $0xffff;
	[tilespmem:s25+$0x220 ss:$0x11] =	vst.msk $0xffff, v8  }
0x46: {  	v15 =	vld.idx.msk [tilespmem:v0+s24+$0x840 ss:$0x1], $0xffff;
	[tilespmem:s25+$0x330 ss:$0x11] =	vst.msk $0xffff, v9  }
0x47: {  	v5 =	vld.idx.msk [tilespmem:v1+s26+$0x60 ss:$0x1], $0xffff;
	[tilespmem:s25+$0x440 ss:$0x11] =	vst.msk $0xffff, v10  }
0x48: {  	v6 =	vld.idx.msk [tilespmem:v1+s26+$0x70 ss:$0x1], $0xffff;
	[tilespmem:s25+$0x550 ss:$0x11] =	vst.msk $0xffff, v11  }
0x49: {  	v7 =	vld.idx.msk [tilespmem:v1+s26+$0x400 ss:$0x1], $0xffff;
	[tilespmem:s25+$0x990 ss:$0x11] =	vst.msk $0xffff, v2  }
0x4a: {  	v8 =	vld.idx.msk [tilespmem:v1+s26+$0x800 ss:$0x1], $0xffff;
	[tilespmem:s25+$0xAA0 ss:$0x11] =	vst.msk $0xffff, v3  }
0x4b: {  	v10 =	vld.idx.msk [tilespmem:v0+s24+$0x440 ss:$0x1], $0xffff;
	[tilespmem:s25+$0xBB0 ss:$0x11] =	vst.msk $0xffff, v4  }
0x4c: {  	v11 =	vld.idx.msk [tilespmem:v0+s24+$0x450 ss:$0x1], $0xffff;
	[tilespmem:s25+$0x1210 ss:$0x11] =	vst.msk $0xffff, v12  }
0x4d: {  	v9 =	vld.idx.msk [tilespmem:v0+s24+$0x850 ss:$0x1], $0xffff;
	[tilespmem:s25+$0x1320 ss:$0x11] =	vst.msk $0xffff, v13  }
0x4e: {  	v2 =	vld.idx.msk [tilespmem:v0+s24+$0xC20 ss:$0x1], $0xffff;
	[tilespmem:s25+$0x1430 ss:$0x11] =	vst.msk $0xffff, v14  }
0x4f: {  	v3 =	vld.idx.msk [tilespmem:v0+s24+$0xC30 ss:$0x1], $0xffff;
	[tilespmem:s25+$0x1540 ss:$0x11] =	vst.msk $0xffff, v15  }
0x50: {  	v4 =	vld.idx.msk [tilespmem:v0+s24+$0xC40 ss:$0x1], $0xffff;
	[tilespmem:s25+$0x660 ss:$0x11] =	vst.msk $0xffff, v5  }
0x51: {  	v5 =	vld.idx.msk [tilespmem:v0+s24+$0x460 ss:$0x1], $0xffff;
	[tilespmem:s25+$0x770 ss:$0x11] =	vst.msk $0xffff, v6  }
0x52: {  	v6 =	vld.idx.msk [tilespmem:v0+s24+$0x470 ss:$0x1], $0xffff;
	[tilespmem:s25+$0x880 ss:$0x11] =	vst.msk $0xffff, v7  }
0x53: {  	[tilespmem:s25+$0x1100 ss:$0x11] =	vst.msk $0xffff, v8;
	v8 =	vld.idx.msk [tilespmem:v0+s24+$0x860 ss:$0x1], $0xffff  }
0x54: {  	[tilespmem:s25+$0xCC0 ss:$0x11] =	vst.msk $0xffff, v10;
	v7 =	vld.idx.msk [tilespmem:v0+s24+$0x870 ss:$0x1], $0xffff  }
0x55: {  	s27 =	simm.s32 $0x80;
	[tilespmem:s25+$0xDD0 ss:$0x11] =	vst.msk $0xffff, v11;
	v10 =	vld.idx.msk [tilespmem:v0+s24+$0xC60 ss:$0x1], $0xffff  }
0x56: {  	s28 =	simm.s32 $0x200;
	p1 =	por p2, p2;
	s29 =	simm.s32 $0x8;
	[tilespmem:s25+$0xEE0 ss:$0x11] =	vst.msk $0xffff, v5;
	v5 =	vld.idx.msk [tilespmem:v0+s24+$0xC10 ss:$0x1], $0xffff  }
0x57: {  	s30 =	sand.u32 $0x1000, s28;
	s31 =	sand.u32 $0x380, s27;
	s26 =	simm.s32 $0x4;
	[tilespmem:s25+$0xFF0 ss:$0x11] =	vst.msk $0xffff, v6;
	v6 =	vld.idx.msk [tilespmem:v0+s24+$0xC50 ss:$0x1], $0xffff  }
.LBB1_4:
0x58: {  	p2 =	sne.s32 s29, $0x3C;
	[tilespmem:s25+$0x1650 ss:$0x11] =	vst.msk $0xffff, v9;
	v9 =	vld.idx.msk [tilespmem:v0+s24+$0xC70 ss:$0x1], $0xffff;
	s24 =	sor.u32 s31, s30  }
0x59: {  	s30 =	sand.u32 $0x1200, s24;
	v11 =	vld.idx.msk [tilespmem:v0+s24+$0x410 ss:$0x1], $0xffff;
	[tilespmem:s25+$0x1760 ss:$0x11] =	vst.msk $0xffff, v8  }
0x5a: {  	s31 =	sand.u32 $0x180, s27;
	s30 =	sadd.s32 s30, s20;
	v8 =	vld.idx.msk [tilespmem:v0+s24+$0x420 ss:$0x1], $0xffff;
	[tilespmem:s25+$0x1870 ss:$0x11] =	vst.msk $0xffff, v7  }
0x5b: {  	s30 =	sadd.s32 s31, s30;
	v7 =	vld.idx.msk [tilespmem:v0+s24+$0x430 ss:$0x1], $0xffff;
	[tilespmem:s25+$0x1A90 ss:$0x11] =	vst.msk $0xffff, v5  }
0x5c: {  	v5 =	vld.idx.msk [tilespmem:v1+s30+$0xC00 ss:$0x1], $0xffff;
	[tilespmem:s25+$0x1BA0 ss:$0x11] =	vst.msk $0xffff, v2  }
0x5d: {  	v2 =	vld.idx.msk [tilespmem:v1+s30+$0x0 ss:$0x1], $0xffff;
	[tilespmem:s25+$0x1CB0 ss:$0x11] =	vst.msk $0xffff, v3  }
0x5e: {  	v3 =	vld.idx.msk [tilespmem:v1+s30+$0x10 ss:$0x1], $0xffff;
	[tilespmem:s25+$0x1DC0 ss:$0x11] =	vst.msk $0xffff, v4  }
0x5f: {  	v4 =	vld.idx.msk [tilespmem:v1+s30+$0x20 ss:$0x1], $0xffff;
	[tilespmem:s25+$0x1ED0 ss:$0x11] =	vst.msk $0xffff, v6  }
0x60: {  	s31 =	sshra.s32 s26, $0x2;
	s26 =	smov.u32 s29;
	v6 =	vld.idx.msk [tilespmem:v1+s30+$0x30 ss:$0x1], $0xffff;
	[tilespmem:s25+$0x1FE0 ss:$0x11] =	vst.msk $0xffff, v10  }
0x61: {  	v10 =	vld.idx.msk [tilespmem:v1+s30+$0x40 ss:$0x1], $0xffff;
	[tilespmem:s25+$0x20F0 ss:$0x11] =	vst.msk $0xffff, v9;
	s25 =	sadd.s32 s31, s23  }
0x62: {  	v9 =	vld.idx.msk [tilespmem:v1+s30+$0x50 ss:$0x1], $0xffff;
	[tilespmem:s25+$0x1980 ss:$0x11] =	vst.msk $0xffff, v5  }
0x63: {  	[tilespmem:s25+$0x0 ss:$0x11] =	vst.msk $0xffff, v2;
	v2 =	vld.idx.msk [tilespmem:v1+s30+$0x60 ss:$0x1], $0xffff  }
0x64: {  	[tilespmem:s25+$0x110 ss:$0x11] =	vst.msk $0xffff, v3;
	v3 =	vld.idx.msk [tilespmem:v1+s30+$0x70 ss:$0x1], $0xffff  }
0x65: {  	[tilespmem:s25+$0x220 ss:$0x11] =	vst.msk $0xffff, v4;
	v4 =	vld.idx.msk [tilespmem:v1+s30+$0x400 ss:$0x1], $0xffff  }
0x66: {  	[tilespmem:s25+$0x330 ss:$0x11] =	vst.msk $0xffff, v6;
	v5 =	vld.idx.msk [tilespmem:v1+s30+$0x800 ss:$0x1], $0xffff  }
0x67: {  	[tilespmem:s25+$0x440 ss:$0x11] =	vst.msk $0xffff, v10;
	v6 =	vld.idx.msk [tilespmem:v0+s24+$0x440 ss:$0x1], $0xffff  }
0x68: {  	[tilespmem:s25+$0x550 ss:$0x11] =	vst.msk $0xffff, v9;
	v10 =	vld.idx.msk [tilespmem:v0+s24+$0x450 ss:$0x1], $0xffff  }
0x69: {  	[tilespmem:s25+$0x660 ss:$0x11] =	vst.msk $0xffff, v2;
	v2 =	vld.idx.msk [tilespmem:v0+s24+$0x460 ss:$0x1], $0xffff  }
0x6a: {  	[tilespmem:s25+$0x770 ss:$0x11] =	vst.msk $0xffff, v3;
	v3 =	vld.idx.msk [tilespmem:v0+s24+$0x470 ss:$0x1], $0xffff  }
0x6b: {  	[tilespmem:s25+$0x880 ss:$0x11] =	vst.msk $0xffff, v4;
	v4 =	vld.idx.msk [tilespmem:v0+s24+$0x810 ss:$0x1], $0xffff  }
0x6c: {  	[tilespmem:s25+$0x1100 ss:$0x11] =	vst.msk $0xffff, v5;
	v12 =	vld.idx.msk [tilespmem:v0+s24+$0x820 ss:$0x1], $0xffff  }
0x6d: {  	[tilespmem:s25+$0x990 ss:$0x11] =	vst.msk $0xffff, v11;
	v11 =	vld.idx.msk [tilespmem:v0+s24+$0x830 ss:$0x1], $0xffff  }
0x6e: {  	[tilespmem:s25+$0xAA0 ss:$0x11] =	vst.msk $0xffff, v8;
	v13 =	vld.idx.msk [tilespmem:v0+s24+$0x840 ss:$0x1], $0xffff  }
0x6f: {  	[tilespmem:s25+$0xBB0 ss:$0x11] =	vst.msk $0xffff, v7;
	v9 =	vld.idx.msk [tilespmem:v0+s24+$0x850 ss:$0x1], $0xffff  }
0x70: {  	[tilespmem:s25+$0xCC0 ss:$0x11] =	vst.msk $0xffff, v6;
	v8 =	vld.idx.msk [tilespmem:v0+s24+$0x860 ss:$0x1], $0xffff  }
0x71: {  	[tilespmem:s25+$0xDD0 ss:$0x11] =	vst.msk $0xffff, v10;
	v7 =	vld.idx.msk [tilespmem:v0+s24+$0x870 ss:$0x1], $0xffff  }
0x72: {  	[tilespmem:s25+$0xEE0 ss:$0x11] =	vst.msk $0xffff, v2;
	v5 =	vld.idx.msk [tilespmem:v0+s24+$0xC10 ss:$0x1], $0xffff  }
.Ltmp3:
0x73: {  	[tilespmem:s25+$0xFF0 ss:$0x11] =	vst.msk $0xffff, v3;
	v2 =	vld.idx.msk [tilespmem:v0+s24+$0xC20 ss:$0x1], $0xffff;
	(pc) =	sbr.rel @p2 .LBB1_4-.Ltmp3, $4  }
0x74: {  	[tilespmem:s25+$0x1210 ss:$0x11] =	vst.msk $0xffff, v4;
	v3 =	vld.idx.msk [tilespmem:v0+s24+$0xC30 ss:$0x1], $0xffff  }
0x75: {  	[tilespmem:s25+$0x1320 ss:$0x11] =	vst.msk $0xffff, v12;
	v4 =	vld.idx.msk [tilespmem:v0+s24+$0xC40 ss:$0x1], $0xffff  }
0x76: {  	s27 =	sadd.s32 $0x80, s27;
	s28 =	sadd.s32 $0x200, s28;
	[tilespmem:s25+$0x1430 ss:$0x11] =	vst.msk $0xffff, v11;
	v6 =	vld.idx.msk [tilespmem:v0+s24+$0xC50 ss:$0x1], $0xffff  }
0x77: {  	s29 =	sadd.s32 $0x4, s29;
	s31 =	sand.u32 $0x380, s27;
	s30 =	sand.u32 $0x1000, s28;
	[tilespmem:s25+$0x1540 ss:$0x11] =	vst.msk $0xffff, v13;
	v10 =	vld.idx.msk [tilespmem:v0+s24+$0xC60 ss:$0x1], $0xffff  }
0x78: {  	[tilespmem:s25+$0x1650 ss:$0x11] =	vst.msk $0xffff, v9  }
0x79: {  	[tilespmem:s25+$0x1760 ss:$0x11] =	vst.msk $0xffff, v8  }
0x7a: {  	[tilespmem:s25+$0x1870 ss:$0x11] =	vst.msk $0xffff, v7  }
0x7b: {  	[tilespmem:s25+$0x1A90 ss:$0x11] =	vst.msk $0xffff, v5  }
0x7c: {  	s28 =	sor.u32 s31, s30;
	v31 =	vld.idx.msk [tilespmem:v0+s24+$0xC70 ss:$0x1], $0xffff;
	[tilespmem:s25+$0x1BA0 ss:$0x11] =	vst.msk $0xffff, v2  }
0x7d: {  	[tilespmem:s25+$0x1CB0 ss:$0x11] =	vst.msk $0xffff, v3;
	v43 =	vld.idx.msk [tilespmem:v0+s28+$0x410 ss:$0x1], $0xffff  }
0x7e: {  	v44 =	vld.idx.msk [tilespmem:v0+s28+$0x420 ss:$0x1], $0xffff;
	[tilespmem:s25+$0x1DC0 ss:$0x11] =	vst.msk $0xffff, v4  }
0x7f: {  	v45 =	vld.idx.msk [tilespmem:v0+s28+$0x430 ss:$0x1], $0xffff;
	[tilespmem:s25+$0x1ED0 ss:$0x11] =	vst.msk $0xffff, v6  }
0x80: {  	s26 =	sshra.s32 s26, $0x2;
	v46 =	vld.idx.msk [tilespmem:v0+s28+$0x440 ss:$0x1], $0xffff;
	[tilespmem:s25+$0x1FE0 ss:$0x11] =	vst.msk $0xffff, v10  }
0x81: {  	s23 =	sadd.s32 s26, s23;
	v47 =	vld.idx.msk [tilespmem:v0+s28+$0x450 ss:$0x1], $0xffff;
	[tilespmem:s25+$0x20F0 ss:$0x11] =	vst.msk $0xffff, v31  }
0x82: {  	v48 =	vld.idx.msk [tilespmem:v0+s28+$0x460 ss:$0x1], $0xffff;
	[tilespmem:s23+$0x990 ss:$0x11] =	vst.msk $0xffff, v43  }
0x83: {  	v49 =	vld.idx.msk [tilespmem:v0+s28+$0x470 ss:$0x1], $0xffff;
	[tilespmem:s23+$0xAA0 ss:$0x11] =	vst.msk $0xffff, v44  }
0x84: {  	v50 =	vld.idx.msk [tilespmem:v0+s28+$0x810 ss:$0x1], $0xffff;
	[tilespmem:s23+$0xBB0 ss:$0x11] =	vst.msk $0xffff, v45  }
0x85: {  	v51 =	vld.idx.msk [tilespmem:v0+s28+$0x820 ss:$0x1], $0xffff;
	[tilespmem:s23+$0xCC0 ss:$0x11] =	vst.msk $0xffff, v46  }
0x86: {  	v52 =	vld.idx.msk [tilespmem:v0+s28+$0x830 ss:$0x1], $0xffff;
	[tilespmem:s23+$0xDD0 ss:$0x11] =	vst.msk $0xffff, v47  }
0x87: {  	v53 =	vld.idx.msk [tilespmem:v0+s28+$0x840 ss:$0x1], $0xffff;
	[tilespmem:s23+$0xEE0 ss:$0x11] =	vst.msk $0xffff, v48  }
0x88: {  	v54 =	vld.idx.msk [tilespmem:v0+s28+$0x850 ss:$0x1], $0xffff;
	[tilespmem:s23+$0xFF0 ss:$0x11] =	vst.msk $0xffff, v49  }
0x89: {  	v55 =	vld.idx.msk [tilespmem:v0+s28+$0x860 ss:$0x1], $0xffff;
	[tilespmem:s23+$0x1210 ss:$0x11] =	vst.msk $0xffff, v50  }
0x8a: {  	v56 =	vld.idx.msk [tilespmem:v0+s28+$0x870 ss:$0x1], $0xffff;
	[tilespmem:s23+$0x1320 ss:$0x11] =	vst.msk $0xffff, v51  }
0x8b: {  	v57 =	vld.idx.msk [tilespmem:v0+s28+$0xC10 ss:$0x1], $0xffff;
	[tilespmem:s23+$0x1430 ss:$0x11] =	vst.msk $0xffff, v52  }
0x8c: {  	v58 =	vld.idx.msk [tilespmem:v0+s28+$0xC20 ss:$0x1], $0xffff;
	[tilespmem:s23+$0x1540 ss:$0x11] =	vst.msk $0xffff, v53  }
0x8d: {  	v59 =	vld.idx.msk [tilespmem:v0+s28+$0xC30 ss:$0x1], $0xffff;
	[tilespmem:s23+$0x1650 ss:$0x11] =	vst.msk $0xffff, v54  }
0x8e: {  	v60 =	vld.idx.msk [tilespmem:v0+s28+$0xC40 ss:$0x1], $0xffff;
	[tilespmem:s23+$0x1760 ss:$0x11] =	vst.msk $0xffff, v55  }
0x8f: {  	s29 =	sand.u32 $0x1200, s28;
	v61 =	vld.idx.msk [tilespmem:v0+s28+$0xC50 ss:$0x1], $0xffff;
	[tilespmem:s23+$0x1870 ss:$0x11] =	vst.msk $0xffff, v56  }
0x90: {  	s27 =	sand.u32 $0x180, s27;
	v62 =	vld.idx.msk [tilespmem:v0+s28+$0xC60 ss:$0x1], $0xffff;
	s29 =	sadd.s32 s29, s20;
	[tilespmem:s23+$0x1A90 ss:$0x11] =	vst.msk $0xffff, v57  }
0x91: {  	v63 =	vld.idx.msk [tilespmem:v0+s28+$0xC70 ss:$0x1], $0xffff;
	s31 =	sadd.s32 s27, s29;
	[tilespmem:s23+$0x1BA0 ss:$0x11] =	vst.msk $0xffff, v58  }
0x92: {  	v32 =	vld.idx.msk [tilespmem:v1+s31+$0xC00 ss:$0x1], $0xffff;
	[tilespmem:s23+$0x1CB0 ss:$0x11] =	vst.msk $0xffff, v59  }
0x93: {  	v33 =	vld.idx.msk [tilespmem:v1+s31+$0x0 ss:$0x1], $0xffff;
	[tilespmem:s23+$0x1DC0 ss:$0x11] =	vst.msk $0xffff, v60  }
0x94: {  	v34 =	vld.idx.msk [tilespmem:v1+s31+$0x10 ss:$0x1], $0xffff;
	[tilespmem:s23+$0x1ED0 ss:$0x11] =	vst.msk $0xffff, v61  }
0x95: {  	v35 =	vld.idx.msk [tilespmem:v1+s31+$0x20 ss:$0x1], $0xffff;
	[tilespmem:s23+$0x1FE0 ss:$0x11] =	vst.msk $0xffff, v62  }
0x96: {  	v36 =	vld.idx.msk [tilespmem:v1+s31+$0x30 ss:$0x1], $0xffff;
	[tilespmem:s23+$0x20F0 ss:$0x11] =	vst.msk $0xffff, v63  }
0x97: {  	v37 =	vld.idx.msk [tilespmem:v1+s31+$0x40 ss:$0x1], $0xffff;
	[tilespmem:s23+$0x1980 ss:$0x11] =	vst.msk $0xffff, v32  }
0x98: {  	v38 =	vld.idx.msk [tilespmem:v1+s31+$0x50 ss:$0x1], $0xffff;
	[tilespmem:s23+$0x0 ss:$0x11] =	vst.msk $0xffff, v33  }
0x99: {  	v39 =	vld.idx.msk [tilespmem:v1+s31+$0x60 ss:$0x1], $0xffff;
	[tilespmem:s23+$0x110 ss:$0x11] =	vst.msk $0xffff, v34  }
0x9a: {  	v40 =	vld.idx.msk [tilespmem:v1+s31+$0x70 ss:$0x1], $0xffff;
	[tilespmem:s23+$0x220 ss:$0x11] =	vst.msk $0xffff, v35  }
0x9b: {  	v41 =	vld.idx.msk [tilespmem:v1+s31+$0x400 ss:$0x1], $0xffff;
	[tilespmem:s23+$0x330 ss:$0x11] =	vst.msk $0xffff, v36  }
0x9c: {  	v42 =	vld.idx.msk [tilespmem:v1+s31+$0x800 ss:$0x1], $0xffff;
	[tilespmem:s23+$0x440 ss:$0x11] =	vst.msk $0xffff, v37  }
.Ltmp4:
0x9d: {  	[tilespmem:s23+$0x550 ss:$0x11] =	vst.msk $0xffff, v38;
	(pc) =	sbr.rel @p1 .LBB1_3-.Ltmp4, $4  }
0x9e: {  	[tilespmem:s23+$0x660 ss:$0x11] =	vst.msk $0xffff, v39  }
0x9f: {  	[tilespmem:s23+$0x770 ss:$0x11] =	vst.msk $0xffff, v40  }
0xa0: {  	[tilespmem:s23+$0x880 ss:$0x11] =	vst.msk $0xffff, v41  }
0xa1: {  	p2 =	por $0x0, $0x0;
	[tilespmem:s23+$0x1100 ss:$0x11] =	vst.msk $0xffff, v42;
	s23 =	simm.s32 $0x1  }
0xa2: {  	s17 =	sshll.u32 s17, $0x7;
	s20 =	sshll.u32 s15, $0x3  }
0xa3: {  	s21 =	sand.u32 $0xFFFFFC00, s17;
	s20 =	sand.u32 $0xFFFFFC00, s20  }
0xa4: {  	s17 =	sand.u32 $0x380, s17;
	s20 =	sadd.s32 s20, s21  }
0xa5: {  	s17 =	sor.u32 s17, s20  }
0xa6: {  	s17 =	sshrl.u32 s17, $0x7  }
0xa7: {  	s28 =	smulhi.u32 $0x1A36E2F, s17;
	_ =	sdelay $0x1  }
0xa8: {  	s20 =	sshrl.u32 s28, $0xB  }
0xa9: {  	s20 =	smul.u32 $0x4E200, s20;
	_ =	sdelay $0x1  }
0xaa: {  	s16 =	smul.u32 $0x4E2000, s16;
	s17 =	ssub.s32 s17, s20  }
0xab: {  	s29 =	sshrl.u32 s15, $0x3;
	s31 =	sand.u32 $0x7, s15;
	s17 =	sshll.u32 s17, $0x4  }
0xac: {  	s15 =	sshll.u32 s31, $0x12;
	s20 =	sand.u32 $0xF, s29;
	s30 =	sadd.s32 s16, s17  }
.Ltmp5:
0xad: {  	s16 =	sadd.s32 s16, s8;
	s21 =	sadd.s32 s7, s30;
	(pc) =	sbr.rel .LBB1_7-.Ltmp5, $4  }
0xae: {  	s15 =	sor.u32 $0x10, s15;
	s16 =	sadd.s32 s20, s16;
	s21 =	sadd.s32 s20, s21  }
0xaf: {  	[hbm4b:s21+s15] =	stream.strided.scatter [tilespmem:s19], [sflag:$0x2], $0x2000, s10, s15, $0x8;
	[tilespmem:$0x10800] =	vst v63  }
0xb0: {  	s18 =	sadd.s32 $0xA200, s18;
	s16 =	sadd.s32 s17, s16  }
0xb1: {  	[hbm4b:s16+s15] =	stream.strided.scatter [tilespmem:s18], [sflag:$0x2], $0x2000, s10, s15, $0x8;
	[tilespmem:$0x10800] =	vst v63  }
.LBB1_8:
0xb2: {  	_ =	sfence.sel $0x180000  }
0xb3: {  	s2 =	simm.s32 $0x1;
	[bflag:$0x0] =	sbarrier.arrive $0xFFFF  }
0xb4: {  	s31 =	simm.s32 $0x2;
	[sflag:s2] =	ssyncpa.u1 $0x1  }
0xb5: {  	[sflag:s31] =	ssyncpa.u1 $0x1  }
0xb6: {  	p0 =	sne.s32 s0, $0x0;
	_ =	strace $0x9000004D  }
0xb7: {  	s0 =	sadd.s32 @!p0 $0x100000, s1;
	[bflag:$0x2] =	sbarrier.arrive $0xFFFF  }
0xb8: {  	[sflag:s0] =	ssyncadd.tile.s32 @!p0 $0x1;
	_ =	shalt  }
.Lfunc_end1:
_tile_overlayer_lowered:
.L_overlay_start_2:
0xb9: {  	(tag) =	ssettag $0x2  }
0xba: {  	s0 =	rddreg [dreg:$0x0];
	s2 =	stileid.u32  }
0xbb: {  	s1 =	rddreg [dreg:$0x1];
	p0 =	sne.s32 s2, $0x0  }
0xbc: {  	s3 =	rddreg [dreg:$0x2];
	[bflag:$0x3] =	sbarrier.arrive $0xFFFF;
	s2 =	simm.s32 @!p0 $0x1C01  }
0xbd: {  	[timem:s3], [sflag:s2] =	dma.local @!p0 [hbm:s0], s1  }
0xbe: {  	s0 =	simm.s32 @!p0 $0x1  }
0xbf: {  	_ =	swait.ge @!p0 [sflag:s0], s1  }
0xc0: {  	s1 =	ssub.s32 @!p0 $0x0, s1;
	[sflag:s0] =	ssyncset.done @!p0 $0x0  }
0xc1: {  	[sflag:s0] =	ssyncadd.s32 @!p0 s1  }
0xc2: {  	[bflag:$0x3] =	sbarrier.arrive $0xFFFF  }
0xc3: {  	_ =	shalt  }

// kernel: sparse-core-data-format-call.cloned.1.call-start
scs
called_computation_lowered:
.L_overlay_start_0:
0x0: {  	s2 =	sld [smem:$0x3FD9]  }
0x1: {  	s3 =	sld [smem:$0x3FFE];
	_ =	sdelay $0x1  }
0x2: {  	s1 =	srdreg.scid  }
0x3: {  	s0 =	sand.u32 $0x1, s1  }
0x4: {  	s18 =	sshll.u32 s0, $0xA;
	s2 =	sadd.s32 s3, s2  }
0x5: {  	s2 =	sadd.s32 s2, s18  }
0x6: {  	[smem:$0x3FBD] =	sst s2  }
0x7: {  	_ = 	snop  }
0x8: {  	(tm) =	ssettm $0x1  }
0x9: {  	s19 =	sld [smem:$0x3FFB];
	_ =	sdelay $0x3  }
0xa: {  	_ =	strace s19  }
0xb: {  	s2 =	sld [smem:$0x3FFC];
	_ =	sdelay $0x3  }
0xc: {  	_ =	strace s2  }
0xd: {  	s2 =	sld [smem:$0x3FFD];
	_ =	sdelay $0x3  }
0xe: {  	_ =	strace s2  }
0xf: {  	_ =	strace $0x8FFFFFFF  }
0x10: {  	s20 =	sld [smem:$0x3FDB];
	_ =	sdelay $0x1  }
0x11: {  	s21 =	simm.s32 $_scs_section_size  }
0x12: {  	s4 =	simm.s32 $_size__tile_overlayer_lowered;
	s5 =	simm.s32 $_tile_overlayer_lowered  }
0x13: {  	s6 =	simm.s32 $0x1BFF;
	s22 =	sshll.u32 s5, $0x1;
	s3 =	sadd.s32 s21, s20  }
0x14: {  	s23 =	simm.s32 $0x0;
	s4 =	sshll.u32 s4, $0x1;
	s5 =	sadd.s32 s22, s3  }
0x15: {  	[timem:s23], [sflag:s6] =	dma.local [hbm:s5], s4  }
0x16: {  	_ =	swait.ge [sflag:s6], s4  }
0x17: {  	s4 =	ssub.s32 $0x0, s4;
	[sflag:s6] =	ssyncset.done $0x0  }
0x18: {  	[sflag:s6] =	ssyncadd.s32 s4;
	_ =	sdelay $0x1  }
0x19: {  	s24 =	simm.s32 $0x1B8B  }
0x1a: {  	_ =	swait.ge [sflag:s24], $0x1  }
0x1b: {  	[sflag:s24] =	ssyncset.done $0x0  }
0x1c: {  	[sflag:s24] =	ssyncadd.s32 $0xFFFFFFFF  }
0x1d: {  	s4 =	sld [smem:$0x0]  }
0x1e: {  	s5 =	sand.u32 $0xFFFFFFFE, s1  }
0x1f: {  	p0 =	sne.s32 s1, s5  }
0x20: {  	s5 =	sshll.u32 @p0 s5, $0xE  }
0x21: {  	s5 =	sadd.s32 @p0 $0x11B8D, s5;
	s6 =	sshll.u32 @p0 s4, $0x11  }
0x22: {  	s5 =	sor.u32 @p0 s6, s5  }
0x23: {  	[sflag:s5] =	ssyncadd.remote.s32 @p0 $0x1;
	_ =	sdelay $0x1  }
0x24: {  	s5 =	simm.s32 @p0 $0x1B8D  }
0x25: {  	_ =	swait.eq @p0 [sflag:s5], $0x1  }
0x26: {  	[sflag:s5] =	ssyncadd.s32 @p0 $0xFFFFFFFF  }
0x27: {  	s6 =	sshll.u32 @!p0 s1, $0xE  }
0x28: {  	s6 =	sor.u32 @!p0 $0x4000, s6;
	s5 =	simm.s32 @!p0 $0x1B8D  }
0x29: {  	s4 =	sshll.u32 @!p0 s4, $0x11;
	s6 =	sadd.s32 @!p0 $0x11B8D, s6;
	_ =	swait.eq @!p0 [sflag:s5], $0x1  }
0x2a: {  	s4 =	sor.u32 @!p0 s4, s6;
	[sflag:s5] =	ssyncadd.s32 @!p0 $0xFFFFFFFF  }
0x2b: {  	s26 =	simm.s32 $0x1B8E;
	s25 =	sld [smem:$0x3FFE];
	[sflag:s4] =	ssyncadd.remote.s32 @!p0 $0x1  }
0x2c: {  	s27 =	simm.s32 $execute0_lowered;
	[smem:$0x3FD2] =	sst s26  }
0x2d: {  	s5 =	sshll.u32 s27, $0x1;
	_ =	strace $0x8000004F;
	[dreg:$0x1] =	wrdreg $0xFFFFFFFF  }
0x2e: {  	s28 =	simm.s32 $_size_execute0_lowered;
	s3 =	sadd.s32 s3, s5;
	[dreg:$0x0] =	wrdreg $0x0  }
0x2f: {  	s5 =	sshll.u32 s28, $0x1;
	[dreg:$0x2] =	wrdreg s3  }
0x30: {  	[dreg:$0x3] =	wrdreg s5  }
0x31: {  	[dreg:$0x4] =	wrdreg $0xC0  }
0x32: {  	_ =	task [dreg:s23], $0x5FFFF  }
0x33: {  	[dreg:$0x1] =	wrdreg $0xFFFFFFFF  }
0x34: {  	[dreg:$0x0] =	wrdreg $0x60  }
0x35: {  	[dreg:$0x2] =	wrdreg s25  }
0x36: {  	[dreg:$0x3] =	wrdreg $0x9  }
0x37: {  	_ =	task.clear_ibuf [dreg:s23], $0x4FFFF;
	_ =	strace $0x9000004F  }
0x38: {  	s29 =	simm.s32 $0x9;
	_ =	strace $0x80000051  }
0x39: {  	_ =	swait.ge [sflag:s29], $0x1  }
0x3a: {  	[sflag:s29] =	ssyncadd.s32 $0xFFFFFFFF  }
0x3b: {  	_ =	strace $0x90000051  }
0x3c: {  	_ =	sfence  }
0x3d: {  	s30 =	sld [smem:$0x0];
	_ =	sdelay $0x2  }
0x3e: {  	s31 =	sshll.u32 s1, $0xD;
	s1 =	sshrl.u32 s1, $0x2  }
0x3f: {  	s4 =	sand.u32 $0x4000, s31;
	s1 =	sadd.s32 s1, s30  }
0x40: {  	s0 =	sor.u32 s4, s0;
	s1 =	sshll.u32 s1, $0x11  }
0x41: {  	s0 =	sor.u32 s1, s0  }
0x42: {  	s0 =	sadd.s32 $0x8F2B, s0  }
0x43: {  	[sflag:s0] =	ssyncadd.remote.s32 $0x1  }
0x44: {  	_ =	sfence.sel $0xFFFF  }
0x45: {  	[dreg:$0x0] =	wrdreg $0xFFFFFFFF;
	(pc) =	sbr.abs _section_cstart, $3  }
0x46: {  	[dreg:$0x1] =	wrdreg $0xFFFFFFFF  }
0x47: {  	_ =	task.clear_ibuf [dreg:s23], $0x2FFFF;
	_ =	strace $0x9FFFFFFF  }
0x48: {  	(tm) =	ssettm $0x7FFFFFFF  }
0x49: {  	_ =	shalt  }
tec
execute0_lowered:
.L_overlay_start_1:
0x0: {  	(tag) =	ssettag $0x1  }
0x1: {  	s0 =	stileid.u32;
	s1 =	srdreg.scid  }
0x2: {  	s8 =	rddreg [dreg:$0x0];
	s31 =	simm.s32 $0x2;
	s17 =	simm.s32 $0x0  }
0x3: {  	s10 =	simm.s32 $0x80;
	s15 =	simm.s32 $0x0;
	s16 =	simm.s32 $0x0  }
0x4: {  	s12 =	simm.s32 $0x0;
	s14 =	simm.s32 $0x0;
	s2 =	sshll.u32 s0, $0x1  }
0x5: {  	s3 =	sshll.u32 s0, $0x7;
	s1 =	sshll.u32 s1, $0xB;
	s2 =	sand.u32 $0x6, s2  }
0x6: {  	s3 =	sor.u32 s3, s1;
	s1 =	rddreg [dreg:$0x1];
	_ =	strace $0x80000050  }
0x7: {  	s3 =	sand.u32 $0xE00, s3;
	s4 =	ssub.s32 $0x8, s2;
	s13 =	smov.u32 s2  }
0x8: {  	s5 =	sand.u32 $0x6, s4;
	s6 =	ssub.s32 $0x4E200, s3;
	s9 =	sshrl.u32 s4, $0x3  }
0x9: {  	p0 =	sne.s32 s5, $0x0;
	s5 =	simm.s32 $0x1;
	s7 =	sand.u32 $0xE00, s6  }
0xa: {  	s5 =	simm.s32 @!p0 $0x0;
	p0 =	sne.s32 s7, $0x0;
	s7 =	simm.s32 $0x1  }
.Ltmp0:
0xb: {  	s6 =	sshrl.u32 s6, $0xC;
	s7 =	simm.s32 @!p0 $0x0;
	(pc) =	sbr.rel .LBB1_1-.Ltmp0, $4  }
0xc: {  	s4 =	simm.s32 $0x1;
	s5 =	sadd.s32 s5, s9;
	s6 =	sadd.s32 s7, s6  }
0xd: {  	s11 =	smov.u32 s3;
	[sflag:s4] =	ssyncpa.u1 $0x0;
	s5 =	smul.u32 s5, s6  }
0xe: {  	[sflag:s31] =	ssyncpa.u1 $0x0;
	p0 =	por $0x0, $0x0;
	s7 =	sadd.s32 $0xB697200, s8  }
0xf: {  	s6 =	sadd.s32 $0x18400, s8;
	s8 =	sadd.s32 $0xBB79200, s8;
	s9 =	sadd.s32 $0x1, s5  }
.LBB1_7:
0x10: {  	s18 =	sadd.s32 $0x1000, s11  }
0x11: {  	s15 =	sadd.s32 $0x10, s12;
	s19 =	smov.u32 s12;
	p2 =	sgt.s32 s18, $0x4E1FF  }
0x12: {  	s19 =	smov.u32 @p2 s15  }
0x13: {  	s21 =	smov.u32 s13;
	s15 =	sadd.s32 $0x8, s13;
	p3 =	sgt.s32 s19, $0xF  }
0x14: {  	s21 =	smov.u32 @p3 s15  }
0x15: {  	s18 =	smov.u32 @p2 s3;
	p2 =	sgt.s32 s21, $0x7  }
0x16: {  	p1 =	slt.u32 s14, $0x2;
	s21 =	smov.u32 @p2 s2;
	p2 =	sne.s32 s14, s9  }
.Ltmp1:
0x17: {  	s20 =	simm.s32 @!p1 $0x2;
	(pc) =	sbr.rel @!p2 .LBB1_8-.Ltmp1, $4  }
0x18: {  	s17 =	smov.u32 s11;
	s16 =	smov.u32 s13;
	_ =	swait.ge @!p1 [sflag:s20], $0x4000  }
0x19: {  	p0 =	por !p0, !p0;
	[sflag:s20] =	ssyncset.done @!p1 $0x0;
	s11 =	smov.u32 s18  }
0x1a: {  	s19 =	simm.s32 @p3 $0x0;
	s15 =	smov.u32 s12;
	[sflag:s20] =	ssyncadd.s32 @!p1 $0xFFFFC000  }
0x1b: {  	s12 =	smov.u32 s19;
	s14 =	sadd.s32 $0x1, s14;
	s13 =	smov.u32 s21  }
.LBB1_1:
0x1c: {  	p1 =	sge.u32 s14, s5  }
0x1d: {  	s18 =	sshrl.u32 @!p1 s12, $0x3  }
0x1e: {  	s19 =	sshll.u32 @!p1 s11, $0x3;
	s18 =	smul.u32 @!p1 $0x271000, s18  }
0x1f: {  	s20 =	sshll.u32 @!p1 s12, $0x7;
	s19 =	sand.u32 @!p1 $0xFFFFFC00, s19  }
0x20: {  	s18 =	sadd.s32 @!p1 s18, s19;
	s19 =	sand.u32 @!p1 $0x380, s20  }
0x21: {  	s20 =	sand.u32 @!p1 $0x7F, s11;
	s18 =	sor.u32 @!p1 s19, s18  }
0x22: {  	s19 =	sor.u32 @!p1 s20, s18  }
0x23: {  	s20 =	smulhi.u32 @!p1 $0xD1B71759, s19  }
0x24: {  	s18 =	smulhi.u32 @!p1 $0xD1B71759, s18  }
0x25: {  	s20 =	sshrl.u32 @!p1 s20, $0x12  }
0x26: {  	s31 =	sadd.s32 $0xFFFFFFFF, s14;
	s18 =	sshrl.u32 @!p1 s18, $0x12;
	s20 =	smul.u32 @!p1 $0x4E200, s20  }
0x27: {  	s21 =	sxor.u32 @!p1 $0xFFFFFFFF, s14;
	s22 =	smul.u32 @!p1 $0x9C400, s13;
	s18 =	sand.u32 @!p1 $0xF, s18  }
0x28: {  	s21 =	sshll.u32 @!p1 s21, $0xE;
	s18 =	smul.u32 @!p1 $0x9C40, s18;
	s19 =	ssub.s32 @!p1 s19, s20  }
0x29: {  	s20 =	sand.u32 @!p1 $0x4000, s21;
	s21 =	sadd.s32 @!p1 s6, s22;
	s22 =	sand.u32 @!p1 $0x7, s19  }
0x2a: {  	s19 =	sshrl.u32 @!p1 s19, $0x3;
	s18 =	sadd.s32 @!p1 s18, s21;
	s21 =	sshll.u32 @!p1 s22, $0x12  }
0x2b: {  	s18 =	sadd.s32 @!p1 s19, s18;
	s19 =	sor.u32 @!p1 $0x1000, s21;
	s21 =	simm.s32 @!p1 $0x271000  }
0x2c: {  	[tilespmem:s20], [sflag:$0x1] =	stream.strided.gather @!p1 [hbm4b:s18+s19], $0x4000, s21, s19, $0x38;
	[tilespmem:$0x10800] =	vst v63  }
0x2d: {  	p1 =	sge.u32 s31, s5  }
.Ltmp2:
0x2e: {  	_ = 	snop;
	(pc) =	sbr.rel @p1 .LBB1_7-.Ltmp2, $1  }
0x2f: {  	_ =	sdelay $0x3  }
0x30: {  	s18 =	simm.s32 $0x1;
	s20 =	sand.u32 $0x1, s14  }
0x31: {  	s18 =	simm.s32 @!p0 $0x0;
	s31 =	smul.u32 $0x11000, s20  }
0x32: {  	_ =	swait.ge [sflag:s4], $0x4000;
	s22 =	simm.s32 $0x0;
	s19 =	smul.u32 $0x11000, s18  }
0x33: {  	p2 =	por $0x1, $0x1;
	s23 =	simm.s32 $0x0;
	[sflag:s4] =	ssyncset.done $0x0  }
0x34: {  	s20 =	sshll.u32 s20, $0xE;
	s18 =	sshrl.u32 s31, $0x2;
	s21 =	sshrl.u32 s19, $0x2  }
0x35: {  	[sflag:s4] =	ssyncadd.s32 $0xFFFFC000;
	s19 =	sor.u32 $0x8000, s18;
	s21 =	sor.u32 $0x8000, s21  }
.LBB1_3:
0x36: {  	s24 =	sshll.u32 s23, $0xD  }
0x37: {  	s25 =	sadd.s32 s24, s20  }
0x38: {  	v0 =	vmov s25;
	_ =	sdelay $0x2  }
0x39: {  	s26 =	sand.u32 $0x380, s22;
	v1 =	vmov s24;
	s25 =	sand.u32 $0x1000, s22  }
0x3a: {  	s24 =	sor.u32 s26, s25  }
0x3b: {  	s25 =	sand.u32 $0x1200, s24;
	v2 =	vld.idx.msk [tilespmem:v0+s24+$0x410 ss:$0x1], $0xffff  }
0x3c: {  	s26 =	sand.u32 $0x180, s22;
	s25 =	sadd.s32 s25, s20;
	v3 =	vld.idx.msk [tilespmem:v0+s24+$0x420 ss:$0x1], $0xffff  }
0x3d: {  	s26 =	sadd.s32 s26, s25;
	v4 =	vld.idx.msk [tilespmem:v0+s24+$0x430 ss:$0x1], $0xffff  }
0x3e: {  	v5 =	vld.idx.msk [tilespmem:v1+s26+$0xC00 ss:$0x1], $0xffff  }
0x3f: {  	s25 =	smul.u32 $0x8800, s23;
	v6 =	vld.idx.msk [tilespmem:v1+s26+$0x0 ss:$0x1], $0xffff  }
0x40: {  	v7 =	vld.idx.msk [tilespmem:v1+s26+$0x10 ss:$0x1], $0xffff  }
0x41: {  	v8 =	vld.idx.msk [tilespmem:v1+s26+$0x20 ss:$0x1], $0xffff;
	s23 =	sshra.s32 s25, $0x2  }
0x42: {  	v9 =	vld.idx.msk [tilespmem:v1+s26+$0x30 ss:$0x1], $0xffff;
	s23 =	sadd.s32 s23, s21  }
0x43: {  	v10 =	vld.idx.msk [tilespmem:v1+s26+$0x40 ss:$0x1], $0xffff;
	s25 =	sadd.s32 $0x0, s23  }
0x44: {  	v11 =	vld.idx.msk [tilespmem:v1+s26+$0x50 ss:$0x1], $0xffff;
	[tilespmem:s25+$0x1980 ss:$0x11] =	vst.msk $0xffff, v5  }
0x45: {  	v12 =	vld.idx.msk [tilespmem:v0+s24+$0x810 ss:$0x1], $0xffff;
	[tilespmem:s25+$0x0 ss:$0x11] =	vst.msk $0xffff, v6  }
0x46: {  	v13 =	vld.idx.msk [tilespmem:v0+s24+$0x820 ss:$0x1], $0xffff;
	[tilespmem:s25+$0x110 ss:$0x11] =	vst.msk $0xffff, v7  }
0x47: {  	v14 =	vld.idx.msk [tilespmem:v0+s24+$0x830 ss:$0x1], $0xffff;
	[tilespmem:s25+$0x220 ss:$0x11] =	vst.msk $0xffff, v8  }
0x48: {  	v15 =	vld.idx.msk [tilespmem:v0+s24+$0x840 ss:$0x1], $0xffff;
	[tilespmem:s25+$0x330 ss:$0x11] =	vst.msk $0xffff, v9  }
0x49: {  	v5 =	vld.idx.msk [tilespmem:v1+s26+$0x60 ss:$0x1], $0xffff;
	[tilespmem:s25+$0x440 ss:$0x11] =	vst.msk $0xffff, v10  }
0x4a: {  	v6 =	vld.idx.msk [tilespmem:v1+s26+$0x70 ss:$0x1], $0xffff;
	[tilespmem:s25+$0x550 ss:$0x11] =	vst.msk $0xffff, v11  }
0x4b: {  	v7 =	vld.idx.msk [tilespmem:v1+s26+$0x400 ss:$0x1], $0xffff;
	[tilespmem:s25+$0x990 ss:$0x11] =	vst.msk $0xffff, v2  }
0x4c: {  	v8 =	vld.idx.msk [tilespmem:v1+s26+$0x800 ss:$0x1], $0xffff;
	[tilespmem:s25+$0xAA0 ss:$0x11] =	vst.msk $0xffff, v3  }
0x4d: {  	v10 =	vld.idx.msk [tilespmem:v0+s24+$0x440 ss:$0x1], $0xffff;
	[tilespmem:s25+$0xBB0 ss:$0x11] =	vst.msk $0xffff, v4  }
0x4e: {  	v11 =	vld.idx.msk [tilespmem:v0+s24+$0x450 ss:$0x1], $0xffff;
	[tilespmem:s25+$0x1210 ss:$0x11] =	vst.msk $0xffff, v12  }
0x4f: {  	v9 =	vld.idx.msk [tilespmem:v0+s24+$0x850 ss:$0x1], $0xffff;
	[tilespmem:s25+$0x1320 ss:$0x11] =	vst.msk $0xffff, v13  }
0x50: {  	v2 =	vld.idx.msk [tilespmem:v0+s24+$0xC20 ss:$0x1], $0xffff;
	[tilespmem:s25+$0x1430 ss:$0x11] =	vst.msk $0xffff, v14  }
0x51: {  	v3 =	vld.idx.msk [tilespmem:v0+s24+$0xC30 ss:$0x1], $0xffff;
	[tilespmem:s25+$0x1540 ss:$0x11] =	vst.msk $0xffff, v15  }
0x52: {  	v4 =	vld.idx.msk [tilespmem:v0+s24+$0xC40 ss:$0x1], $0xffff;
	[tilespmem:s25+$0x660 ss:$0x11] =	vst.msk $0xffff, v5  }
0x53: {  	v5 =	vld.idx.msk [tilespmem:v0+s24+$0x460 ss:$0x1], $0xffff;
	[tilespmem:s25+$0x770 ss:$0x11] =	vst.msk $0xffff, v6  }
0x54: {  	v6 =	vld.idx.msk [tilespmem:v0+s24+$0x470 ss:$0x1], $0xffff;
	[tilespmem:s25+$0x880 ss:$0x11] =	vst.msk $0xffff, v7  }
0x55: {  	[tilespmem:s25+$0x1100 ss:$0x11] =	vst.msk $0xffff, v8;
	v8 =	vld.idx.msk [tilespmem:v0+s24+$0x860 ss:$0x1], $0xffff  }
0x56: {  	[tilespmem:s25+$0xCC0 ss:$0x11] =	vst.msk $0xffff, v10;
	v7 =	vld.idx.msk [tilespmem:v0+s24+$0x870 ss:$0x1], $0xffff  }
0x57: {  	s27 =	simm.s32 $0x80;
	[tilespmem:s25+$0xDD0 ss:$0x11] =	vst.msk $0xffff, v11;
	v10 =	vld.idx.msk [tilespmem:v0+s24+$0xC60 ss:$0x1], $0xffff  }
0x58: {  	s28 =	simm.s32 $0x200;
	p1 =	por p2, p2;
	s29 =	simm.s32 $0x8;
	[tilespmem:s25+$0xEE0 ss:$0x11] =	vst.msk $0xffff, v5;
	v5 =	vld.idx.msk [tilespmem:v0+s24+$0xC10 ss:$0x1], $0xffff  }
0x59: {  	s30 =	sand.u32 $0x1000, s28;
	s31 =	sand.u32 $0x380, s27;
	s26 =	simm.s32 $0x4;
	[tilespmem:s25+$0xFF0 ss:$0x11] =	vst.msk $0xffff, v6;
	v6 =	vld.idx.msk [tilespmem:v0+s24+$0xC50 ss:$0x1], $0xffff  }
.LBB1_4:
0x5a: {  	p2 =	sne.s32 s29, $0x3C;
	[tilespmem:s25+$0x1650 ss:$0x11] =	vst.msk $0xffff, v9;
	v9 =	vld.idx.msk [tilespmem:v0+s24+$0xC70 ss:$0x1], $0xffff;
	s24 =	sor.u32 s31, s30  }
0x5b: {  	s30 =	sand.u32 $0x1200, s24;
	v11 =	vld.idx.msk [tilespmem:v0+s24+$0x410 ss:$0x1], $0xffff;
	[tilespmem:s25+$0x1760 ss:$0x11] =	vst.msk $0xffff, v8  }
0x5c: {  	s31 =	sand.u32 $0x180, s27;
	s30 =	sadd.s32 s30, s20;
	v8 =	vld.idx.msk [tilespmem:v0+s24+$0x420 ss:$0x1], $0xffff;
	[tilespmem:s25+$0x1870 ss:$0x11] =	vst.msk $0xffff, v7  }
0x5d: {  	s30 =	sadd.s32 s31, s30;
	v7 =	vld.idx.msk [tilespmem:v0+s24+$0x430 ss:$0x1], $0xffff;
	[tilespmem:s25+$0x1A90 ss:$0x11] =	vst.msk $0xffff, v5  }
0x5e: {  	v5 =	vld.idx.msk [tilespmem:v1+s30+$0xC00 ss:$0x1], $0xffff;
	[tilespmem:s25+$0x1BA0 ss:$0x11] =	vst.msk $0xffff, v2  }
0x5f: {  	v2 =	vld.idx.msk [tilespmem:v1+s30+$0x0 ss:$0x1], $0xffff;
	[tilespmem:s25+$0x1CB0 ss:$0x11] =	vst.msk $0xffff, v3  }
0x60: {  	v3 =	vld.idx.msk [tilespmem:v1+s30+$0x10 ss:$0x1], $0xffff;
	[tilespmem:s25+$0x1DC0 ss:$0x11] =	vst.msk $0xffff, v4  }
0x61: {  	v4 =	vld.idx.msk [tilespmem:v1+s30+$0x20 ss:$0x1], $0xffff;
	[tilespmem:s25+$0x1ED0 ss:$0x11] =	vst.msk $0xffff, v6  }
0x62: {  	s31 =	sshra.s32 s26, $0x2;
	s26 =	smov.u32 s29;
	v6 =	vld.idx.msk [tilespmem:v1+s30+$0x30 ss:$0x1], $0xffff;
	[tilespmem:s25+$0x1FE0 ss:$0x11] =	vst.msk $0xffff, v10  }
0x63: {  	v10 =	vld.idx.msk [tilespmem:v1+s30+$0x40 ss:$0x1], $0xffff;
	[tilespmem:s25+$0x20F0 ss:$0x11] =	vst.msk $0xffff, v9;
	s25 =	sadd.s32 s31, s23  }
0x64: {  	v9 =	vld.idx.msk [tilespmem:v1+s30+$0x50 ss:$0x1], $0xffff;
	[tilespmem:s25+$0x1980 ss:$0x11] =	vst.msk $0xffff, v5  }
0x65: {  	[tilespmem:s25+$0x0 ss:$0x11] =	vst.msk $0xffff, v2;
	v2 =	vld.idx.msk [tilespmem:v1+s30+$0x60 ss:$0x1], $0xffff  }
0x66: {  	[tilespmem:s25+$0x110 ss:$0x11] =	vst.msk $0xffff, v3;
	v3 =	vld.idx.msk [tilespmem:v1+s30+$0x70 ss:$0x1], $0xffff  }
0x67: {  	[tilespmem:s25+$0x220 ss:$0x11] =	vst.msk $0xffff, v4;
	v4 =	vld.idx.msk [tilespmem:v1+s30+$0x400 ss:$0x1], $0xffff  }
0x68: {  	[tilespmem:s25+$0x330 ss:$0x11] =	vst.msk $0xffff, v6;
	v5 =	vld.idx.msk [tilespmem:v1+s30+$0x800 ss:$0x1], $0xffff  }
0x69: {  	[tilespmem:s25+$0x440 ss:$0x11] =	vst.msk $0xffff, v10;
	v6 =	vld.idx.msk [tilespmem:v0+s24+$0x440 ss:$0x1], $0xffff  }
0x6a: {  	[tilespmem:s25+$0x550 ss:$0x11] =	vst.msk $0xffff, v9;
	v10 =	vld.idx.msk [tilespmem:v0+s24+$0x450 ss:$0x1], $0xffff  }
0x6b: {  	[tilespmem:s25+$0x660 ss:$0x11] =	vst.msk $0xffff, v2;
	v2 =	vld.idx.msk [tilespmem:v0+s24+$0x460 ss:$0x1], $0xffff  }
0x6c: {  	[tilespmem:s25+$0x770 ss:$0x11] =	vst.msk $0xffff, v3;
	v3 =	vld.idx.msk [tilespmem:v0+s24+$0x470 ss:$0x1], $0xffff  }
0x6d: {  	[tilespmem:s25+$0x880 ss:$0x11] =	vst.msk $0xffff, v4;
	v4 =	vld.idx.msk [tilespmem:v0+s24+$0x810 ss:$0x1], $0xffff  }
0x6e: {  	[tilespmem:s25+$0x1100 ss:$0x11] =	vst.msk $0xffff, v5;
	v12 =	vld.idx.msk [tilespmem:v0+s24+$0x820 ss:$0x1], $0xffff  }
0x6f: {  	[tilespmem:s25+$0x990 ss:$0x11] =	vst.msk $0xffff, v11;
	v11 =	vld.idx.msk [tilespmem:v0+s24+$0x830 ss:$0x1], $0xffff  }
0x70: {  	[tilespmem:s25+$0xAA0 ss:$0x11] =	vst.msk $0xffff, v8;
	v13 =	vld.idx.msk [tilespmem:v0+s24+$0x840 ss:$0x1], $0xffff  }
0x71: {  	[tilespmem:s25+$0xBB0 ss:$0x11] =	vst.msk $0xffff, v7;
	v9 =	vld.idx.msk [tilespmem:v0+s24+$0x850 ss:$0x1], $0xffff  }
0x72: {  	[tilespmem:s25+$0xCC0 ss:$0x11] =	vst.msk $0xffff, v6;
	v8 =	vld.idx.msk [tilespmem:v0+s24+$0x860 ss:$0x1], $0xffff  }
0x73: {  	[tilespmem:s25+$0xDD0 ss:$0x11] =	vst.msk $0xffff, v10;
	v7 =	vld.idx.msk [tilespmem:v0+s24+$0x870 ss:$0x1], $0xffff  }
0x74: {  	[tilespmem:s25+$0xEE0 ss:$0x11] =	vst.msk $0xffff, v2;
	v5 =	vld.idx.msk [tilespmem:v0+s24+$0xC10 ss:$0x1], $0xffff  }
.Ltmp3:
0x75: {  	[tilespmem:s25+$0xFF0 ss:$0x11] =	vst.msk $0xffff, v3;
	v2 =	vld.idx.msk [tilespmem:v0+s24+$0xC20 ss:$0x1], $0xffff;
	(pc) =	sbr.rel @p2 .LBB1_4-.Ltmp3, $4  }
0x76: {  	[tilespmem:s25+$0x1210 ss:$0x11] =	vst.msk $0xffff, v4;
	v3 =	vld.idx.msk [tilespmem:v0+s24+$0xC30 ss:$0x1], $0xffff  }
0x77: {  	[tilespmem:s25+$0x1320 ss:$0x11] =	vst.msk $0xffff, v12;
	v4 =	vld.idx.msk [tilespmem:v0+s24+$0xC40 ss:$0x1], $0xffff  }
0x78: {  	s27 =	sadd.s32 $0x80, s27;
	s28 =	sadd.s32 $0x200, s28;
	[tilespmem:s25+$0x1430 ss:$0x11] =	vst.msk $0xffff, v11;
	v6 =	vld.idx.msk [tilespmem:v0+s24+$0xC50 ss:$0x1], $0xffff  }
0x79: {  	s29 =	sadd.s32 $0x4, s29;
	s31 =	sand.u32 $0x380, s27;
	s30 =	sand.u32 $0x1000, s28;
	[tilespmem:s25+$0x1540 ss:$0x11] =	vst.msk $0xffff, v13;
	v10 =	vld.idx.msk [tilespmem:v0+s24+$0xC60 ss:$0x1], $0xffff  }
0x7a: {  	[tilespmem:s25+$0x1650 ss:$0x11] =	vst.msk $0xffff, v9  }
0x7b: {  	[tilespmem:s25+$0x1760 ss:$0x11] =	vst.msk $0xffff, v8  }
0x7c: {  	[tilespmem:s25+$0x1870 ss:$0x11] =	vst.msk $0xffff, v7  }
0x7d: {  	[tilespmem:s25+$0x1A90 ss:$0x11] =	vst.msk $0xffff, v5  }
0x7e: {  	s28 =	sor.u32 s31, s30;
	v31 =	vld.idx.msk [tilespmem:v0+s24+$0xC70 ss:$0x1], $0xffff;
	[tilespmem:s25+$0x1BA0 ss:$0x11] =	vst.msk $0xffff, v2  }
0x7f: {  	[tilespmem:s25+$0x1CB0 ss:$0x11] =	vst.msk $0xffff, v3;
	v43 =	vld.idx.msk [tilespmem:v0+s28+$0x410 ss:$0x1], $0xffff  }
0x80: {  	v44 =	vld.idx.msk [tilespmem:v0+s28+$0x420 ss:$0x1], $0xffff;
	[tilespmem:s25+$0x1DC0 ss:$0x11] =	vst.msk $0xffff, v4  }
0x81: {  	v45 =	vld.idx.msk [tilespmem:v0+s28+$0x430 ss:$0x1], $0xffff;
	[tilespmem:s25+$0x1ED0 ss:$0x11] =	vst.msk $0xffff, v6  }
0x82: {  	s26 =	sshra.s32 s26, $0x2;
	v46 =	vld.idx.msk [tilespmem:v0+s28+$0x440 ss:$0x1], $0xffff;
	[tilespmem:s25+$0x1FE0 ss:$0x11] =	vst.msk $0xffff, v10  }
0x83: {  	s23 =	sadd.s32 s26, s23;
	v47 =	vld.idx.msk [tilespmem:v0+s28+$0x450 ss:$0x1], $0xffff;
	[tilespmem:s25+$0x20F0 ss:$0x11] =	vst.msk $0xffff, v31  }
0x84: {  	v48 =	vld.idx.msk [tilespmem:v0+s28+$0x460 ss:$0x1], $0xffff;
	[tilespmem:s23+$0x990 ss:$0x11] =	vst.msk $0xffff, v43  }
0x85: {  	v49 =	vld.idx.msk [tilespmem:v0+s28+$0x470 ss:$0x1], $0xffff;
	[tilespmem:s23+$0xAA0 ss:$0x11] =	vst.msk $0xffff, v44  }
0x86: {  	v50 =	vld.idx.msk [tilespmem:v0+s28+$0x810 ss:$0x1], $0xffff;
	[tilespmem:s23+$0xBB0 ss:$0x11] =	vst.msk $0xffff, v45  }
0x87: {  	v51 =	vld.idx.msk [tilespmem:v0+s28+$0x820 ss:$0x1], $0xffff;
	[tilespmem:s23+$0xCC0 ss:$0x11] =	vst.msk $0xffff, v46  }
0x88: {  	v52 =	vld.idx.msk [tilespmem:v0+s28+$0x830 ss:$0x1], $0xffff;
	[tilespmem:s23+$0xDD0 ss:$0x11] =	vst.msk $0xffff, v47  }
0x89: {  	v53 =	vld.idx.msk [tilespmem:v0+s28+$0x840 ss:$0x1], $0xffff;
	[tilespmem:s23+$0xEE0 ss:$0x11] =	vst.msk $0xffff, v48  }
0x8a: {  	v54 =	vld.idx.msk [tilespmem:v0+s28+$0x850 ss:$0x1], $0xffff;
	[tilespmem:s23+$0xFF0 ss:$0x11] =	vst.msk $0xffff, v49  }
0x8b: {  	v55 =	vld.idx.msk [tilespmem:v0+s28+$0x860 ss:$0x1], $0xffff;
	[tilespmem:s23+$0x1210 ss:$0x11] =	vst.msk $0xffff, v50  }
0x8c: {  	v56 =	vld.idx.msk [tilespmem:v0+s28+$0x870 ss:$0x1], $0xffff;
	[tilespmem:s23+$0x1320 ss:$0x11] =	vst.msk $0xffff, v51  }
0x8d: {  	v57 =	vld.idx.msk [tilespmem:v0+s28+$0xC10 ss:$0x1], $0xffff;
	[tilespmem:s23+$0x1430 ss:$0x11] =	vst.msk $0xffff, v52  }
0x8e: {  	v58 =	vld.idx.msk [tilespmem:v0+s28+$0xC20 ss:$0x1], $0xffff;
	[tilespmem:s23+$0x1540 ss:$0x11] =	vst.msk $0xffff, v53  }
0x8f: {  	v59 =	vld.idx.msk [tilespmem:v0+s28+$0xC30 ss:$0x1], $0xffff;
	[tilespmem:s23+$0x1650 ss:$0x11] =	vst.msk $0xffff, v54  }
0x90: {  	v60 =	vld.idx.msk [tilespmem:v0+s28+$0xC40 ss:$0x1], $0xffff;
	[tilespmem:s23+$0x1760 ss:$0x11] =	vst.msk $0xffff, v55  }
0x91: {  	s29 =	sand.u32 $0x1200, s28;
	v61 =	vld.idx.msk [tilespmem:v0+s28+$0xC50 ss:$0x1], $0xffff;
	[tilespmem:s23+$0x1870 ss:$0x11] =	vst.msk $0xffff, v56  }
0x92: {  	s27 =	sand.u32 $0x180, s27;
	v62 =	vld.idx.msk [tilespmem:v0+s28+$0xC60 ss:$0x1], $0xffff;
	s29 =	sadd.s32 s29, s20;
	[tilespmem:s23+$0x1A90 ss:$0x11] =	vst.msk $0xffff, v57  }
0x93: {  	v63 =	vld.idx.msk [tilespmem:v0+s28+$0xC70 ss:$0x1], $0xffff;
	s31 =	sadd.s32 s27, s29;
	[tilespmem:s23+$0x1BA0 ss:$0x11] =	vst.msk $0xffff, v58  }
0x94: {  	v32 =	vld.idx.msk [tilespmem:v1+s31+$0xC00 ss:$0x1], $0xffff;
	[tilespmem:s23+$0x1CB0 ss:$0x11] =	vst.msk $0xffff, v59  }
0x95: {  	v33 =	vld.idx.msk [tilespmem:v1+s31+$0x0 ss:$0x1], $0xffff;
	[tilespmem:s23+$0x1DC0 ss:$0x11] =	vst.msk $0xffff, v60  }
0x96: {  	v34 =	vld.idx.msk [tilespmem:v1+s31+$0x10 ss:$0x1], $0xffff;
	[tilespmem:s23+$0x1ED0 ss:$0x11] =	vst.msk $0xffff, v61  }
0x97: {  	v35 =	vld.idx.msk [tilespmem:v1+s31+$0x20 ss:$0x1], $0xffff;
	[tilespmem:s23+$0x1FE0 ss:$0x11] =	vst.msk $0xffff, v62  }
0x98: {  	v36 =	vld.idx.msk [tilespmem:v1+s31+$0x30 ss:$0x1], $0xffff;
	[tilespmem:s23+$0x20F0 ss:$0x11] =	vst.msk $0xffff, v63  }
0x99: {  	v37 =	vld.idx.msk [tilespmem:v1+s31+$0x40 ss:$0x1], $0xffff;
	[tilespmem:s23+$0x1980 ss:$0x11] =	vst.msk $0xffff, v32  }
0x9a: {  	v38 =	vld.idx.msk [tilespmem:v1+s31+$0x50 ss:$0x1], $0xffff;
	[tilespmem:s23+$0x0 ss:$0x11] =	vst.msk $0xffff, v33  }
0x9b: {  	v39 =	vld.idx.msk [tilespmem:v1+s31+$0x60 ss:$0x1], $0xffff;
	[tilespmem:s23+$0x110 ss:$0x11] =	vst.msk $0xffff, v34  }
0x9c: {  	v40 =	vld.idx.msk [tilespmem:v1+s31+$0x70 ss:$0x1], $0xffff;
	[tilespmem:s23+$0x220 ss:$0x11] =	vst.msk $0xffff, v35  }
0x9d: {  	v41 =	vld.idx.msk [tilespmem:v1+s31+$0x400 ss:$0x1], $0xffff;
	[tilespmem:s23+$0x330 ss:$0x11] =	vst.msk $0xffff, v36  }
0x9e: {  	v42 =	vld.idx.msk [tilespmem:v1+s31+$0x800 ss:$0x1], $0xffff;
	[tilespmem:s23+$0x440 ss:$0x11] =	vst.msk $0xffff, v37  }
.Ltmp4:
0x9f: {  	[tilespmem:s23+$0x550 ss:$0x11] =	vst.msk $0xffff, v38;
	(pc) =	sbr.rel @p1 .LBB1_3-.Ltmp4, $4  }
0xa0: {  	[tilespmem:s23+$0x660 ss:$0x11] =	vst.msk $0xffff, v39  }
0xa1: {  	[tilespmem:s23+$0x770 ss:$0x11] =	vst.msk $0xffff, v40  }
0xa2: {  	[tilespmem:s23+$0x880 ss:$0x11] =	vst.msk $0xffff, v41  }
0xa3: {  	p2 =	por $0x0, $0x0;
	[tilespmem:s23+$0x1100 ss:$0x11] =	vst.msk $0xffff, v42;
	s23 =	simm.s32 $0x1  }
0xa4: {  	s17 =	sshll.u32 s17, $0x7;
	s20 =	sshll.u32 s15, $0x3  }
0xa5: {  	s21 =	sand.u32 $0xFFFFFC00, s17;
	s20 =	sand.u32 $0xFFFFFC00, s20  }
0xa6: {  	s17 =	sand.u32 $0x380, s17;
	s20 =	sadd.s32 s20, s21  }
0xa7: {  	s17 =	sor.u32 s17, s20  }
0xa8: {  	s17 =	sshrl.u32 s17, $0x7  }
0xa9: {  	s28 =	smulhi.u32 $0x1A36E2F, s17;
	_ =	sdelay $0x1  }
0xaa: {  	s20 =	sshrl.u32 s28, $0xB  }
0xab: {  	s20 =	smul.u32 $0x4E200, s20;
	_ =	sdelay $0x1  }
0xac: {  	s16 =	smul.u32 $0x4E2000, s16;
	s17 =	ssub.s32 s17, s20  }
0xad: {  	s29 =	sshrl.u32 s15, $0x3;
	s31 =	sand.u32 $0x7, s15;
	s17 =	sshll.u32 s17, $0x4  }
0xae: {  	s15 =	sshll.u32 s31, $0x12;
	s20 =	sand.u32 $0xF, s29;
	s30 =	sadd.s32 s16, s17  }
.Ltmp5:
0xaf: {  	s16 =	sadd.s32 s16, s8;
	s21 =	sadd.s32 s7, s30;
	(pc) =	sbr.rel .LBB1_7-.Ltmp5, $4  }
0xb0: {  	s15 =	sor.u32 $0x10, s15;
	s16 =	sadd.s32 s20, s16;
	s21 =	sadd.s32 s20, s21  }
0xb1: {  	[hbm4b:s21+s15] =	stream.strided.scatter [tilespmem:s19], [sflag:$0x2], $0x2000, s10, s15, $0x8;
	[tilespmem:$0x10800] =	vst v63  }
0xb2: {  	s18 =	sadd.s32 $0xA200, s18;
	s16 =	sadd.s32 s17, s16  }
0xb3: {  	[hbm4b:s16+s15] =	stream.strided.scatter [tilespmem:s18], [sflag:$0x2], $0x2000, s10, s15, $0x8;
	[tilespmem:$0x10800] =	vst v63  }
.LBB1_8:
0xb4: {  	_ =	sfence.sel $0x180000  }
0xb5: {  	s2 =	simm.s32 $0x1;
	[bflag:$0x0] =	sbarrier.arrive $0xFFFF  }
0xb6: {  	s31 =	simm.s32 $0x2;
	[sflag:s2] =	ssyncpa.u1 $0x1  }
0xb7: {  	[sflag:s31] =	ssyncpa.u1 $0x1  }
0xb8: {  	p0 =	sne.s32 s0, $0x0;
	_ =	strace $0x90000050  }
0xb9: {  	s0 =	sadd.s32 @!p0 $0x100000, s1;
	[bflag:$0x2] =	sbarrier.arrive $0xFFFF  }
0xba: {  	[sflag:s0] =	ssyncadd.tile.s32 @!p0 $0x1;
	_ =	shalt  }
.Lfunc_end1:
_tile_overlayer_lowered:
.L_overlay_start_2:
0xbb: {  	(tag) =	ssettag $0x2  }
0xbc: {  	s0 =	rddreg [dreg:$0x0];
	s2 =	stileid.u32  }
0xbd: {  	s1 =	rddreg [dreg:$0x1];
	p0 =	sne.s32 s2, $0x0  }
0xbe: {  	s3 =	rddreg [dreg:$0x2];
	[bflag:$0x3] =	sbarrier.arrive $0xFFFF;
	s2 =	simm.s32 @!p0 $0x1C01  }
0xbf: {  	[timem:s3], [sflag:s2] =	dma.local @!p0 [hbm:s0], s1  }
0xc0: {  	s0 =	simm.s32 @!p0 $0x1  }
0xc1: {  	_ =	swait.ge @!p0 [sflag:s0], s1  }
0xc2: {  	s1 =	ssub.s32 @!p0 $0x0, s1;
	[sflag:s0] =	ssyncset.done @!p0 $0x0  }
0xc3: {  	[sflag:s0] =	ssyncadd.s32 @!p0 s1  }
0xc4: {  	[bflag:$0x3] =	sbarrier.arrive $0xFFFF  }
0xc5: {  	_ =	shalt  }

</sc_bundles>
